<compile_context>
chip_gen: v7x
topology: tpu7x:2x2x1
jax: 0.10.2.dev20260603
libtpu: 0.0.44.dev20260713+nightly
codegen_flags: <defaults>
</compile_context>

<pallas_src>
import functools

import jax
import jax.numpy as jnp
from jax import lax
from jax.experimental import pallas as pl
from jax.experimental.pallas import tpu as pltpu
from jax.experimental.pallas import tpu_sc as plsc

TARGET = 5
TEST = 0.0
EPS = 1e-6

NUM_CORES = 2
NUM_SUBCORES = 16
LANES = 16
NW = NUM_CORES * NUM_SUBCORES

ROWS = 16384
COLS = 128
ROWS_PER_W = ROWS // NW
CHUNK = 64
NCHUNK = ROWS_PER_W // CHUNK


NSLOT = 6


def _body(c_hbm, d_hbm, u_hbm, z_hbm, out_hbm,
          c_v, d_v, z_v, u_v, ic_v, id_v, iz1_v, iz2_v, sem_in, sem_out):
    wid = lax.axis_index("s") * NUM_CORES + lax.axis_index("c")

    def issue_in(ch):
        s = ch % NSLOT
        base = wid * ROWS_PER_W + ch * CHUNK
        return [
            pltpu.async_copy(c_hbm.at[pl.ds(base, CHUNK)], c_v[s], sem_in[s]),
            pltpu.async_copy(d_hbm.at[pl.ds(base, CHUNK)], d_v[s], sem_in[s]),
        ]

    def issue_out(ch):
        s = ch % NSLOT
        return [
            pltpu.async_copy(c_v[s], out_hbm.at[ic_v[s]], sem_out[s]),
            pltpu.async_copy(d_v[s], out_hbm.at[id_v[s]], sem_out[s]),
            pltpu.async_copy(z_v, out_hbm.at[iz1_v[s]], sem_out[s]),
            pltpu.async_copy(z_v, out_hbm.at[iz2_v[s]], sem_out[s]),
        ]

    handles_in = [None] * NCHUNK
    handles_out = [None] * NCHUNK
    handles_in[0] = issue_in(0)
    pltpu.sync_copy(z_hbm, z_v)
    pltpu.sync_copy(u_hbm.at[pl.ds(wid * ROWS_PER_W, ROWS_PER_W)], u_v)
    for ch in range(NCHUNK):
        s = ch % NSLOT
        if ch + 1 < NCHUNK:
            if ch + 1 >= NSLOT:
                for h in handles_out[ch + 1 - NSLOT]:
                    h.wait()
            handles_in[ch + 1] = issue_in(ch + 1)
        for h in handles_in[ch]:
            h.wait()
        _compute_chunk(wid, ch, c_v[s], d_v[s], u_v,
                       ic_v[s], id_v[s], iz1_v[s], iz2_v[s])
        handles_out[ch] = issue_out(ch)
    for ch in range(max(0, NCHUNK - NSLOT), NCHUNK):
        for h in handles_out[ch]:
            h.wait()


def _compute_chunk(wid, ch, c_v, d_v, u_v, ic_v, id_v, iz1_v, iz2_v):
    base = wid * ROWS_PER_W + ch * CHUNK
    for g in range(CHUNK // LANES):
        if True:
            r0 = g * LANES
            rows = lax.iota(jnp.int32, LANES) + r0
            five = jnp.full((LANES,), TARGET, jnp.int32)
            tc = plsc.load_gather(c_v, [rows, five])
            td = plsc.load_gather(d_v, [rows, five])
            lo = tc - td
            hi = tc + td
            t = jnp.float32(TEST)
            denom = jnp.maximum(hi - lo, EPS)
            p = (t - lo) / denom
            p = jnp.where(hi <= t, 1.0, jnp.where(lo > t, 0.0, p))
            p = jnp.clip(p, 0.0, 1.0)
            left = u_v[pl.ds(ch * CHUNK + r0, LANES)] < p

            min_h = jnp.minimum(hi, t)
            max_l = jnp.maximum(lo, t)
            c5 = jnp.where(left, (lo + min_h) * 0.5, (max_l + hi) * 0.5)
            d5 = jnp.where(left, (min_h - lo) * 0.5, (hi - max_l) * 0.5)
            plsc.store_scatter(c_v, [rows, five], c5)
            plsc.store_scatter(d_v, [rows, five], d5)

            r_glob = rows + base
            vbase = ((r_glob >> 3) << 5) + (r_glob & 7)
            zero = jnp.int32(0)
            one = jnp.int32(1)
            two = jnp.int32(2)
            three = jnp.int32(3)
            ic_v[pl.ds(r0, LANES)] = vbase + (jnp.where(left, zero, two) << 3)
            id_v[pl.ds(r0, LANES)] = vbase + (jnp.where(left, one, three) << 3)
            iz1_v[pl.ds(r0, LANES)] = vbase + (jnp.where(left, two, zero) << 3)
            iz2_v[pl.ds(r0, LANES)] = vbase + (jnp.where(left, three, one) << 3)


@functools.partial(
    pl.kernel,
    out_type=jax.ShapeDtypeStruct((ROWS * 4, COLS), jnp.float32),
    mesh=plsc.VectorSubcoreMesh(core_axis_name="c", subcore_axis_name="s"),
    compiler_params=pltpu.CompilerParams(needs_layout_passes=False),
    scratch_types=[
        [pltpu.VMEM((CHUNK, COLS), jnp.float32)] * NSLOT,
        [pltpu.VMEM((CHUNK, COLS), jnp.float32)] * NSLOT,
        pltpu.VMEM((CHUNK, COLS), jnp.float32),
        pltpu.VMEM((ROWS_PER_W,), jnp.float32),
        [pltpu.VMEM((CHUNK,), jnp.int32)] * NSLOT,
        [pltpu.VMEM((CHUNK,), jnp.int32)] * NSLOT,
        [pltpu.VMEM((CHUNK,), jnp.int32)] * NSLOT,
        [pltpu.VMEM((CHUNK,), jnp.int32)] * NSLOT,
        [pltpu.SemaphoreType.DMA] * NSLOT,
        [pltpu.SemaphoreType.DMA] * NSLOT,
    ],
)
def _ifelse_sc(c_hbm, d_hbm, u_hbm, z_hbm, out_hbm,
               c_v, d_v, z_v, u_v, ic_v, id_v, iz1_v, iz2_v, sem_in, sem_out):
    _body(c_hbm, d_hbm, u_hbm, z_hbm, out_hbm,
          c_v, d_v, z_v, u_v, ic_v, id_v, iz1_v, iz2_v, sem_in, sem_out)


def kernel(c, delta):
    u = jax.random.uniform(
        jax.random.key(42), (ROWS, 1), dtype=jnp.float32).reshape(ROWS)
    z = jnp.zeros((CHUNK, COLS), jnp.float32)
    out = _ifelse_sc(c, delta, u, z)
    out = out.reshape(ROWS // 8, 4, 8, COLS)
    out = out.transpose(0, 2, 1, 3)
    return out.reshape(ROWS, COLS * 4)

# --- scband reference (transcript-rebuilt; emitter-appended) ---
"""Pipeline reference for scband-if-else-27908697489471 (READ-ONLY COPY).

The authoritative reference and input builder live on the scoring server;
editing this copy changes nothing except your own understanding.
"""

import jax, jax.numpy as jnp
import numpy as np

TARGET_IDX = 5
TEST = 0.0
EPS = 1e-6


def setup_inputs(seed: int = 0) -> dict:
    key = jax.random.key(seed)
    k1, k2 = jax.random.split(key)
    c = jax.random.normal(k1, (16384, 128), dtype=jnp.float32)
    delta = jax.random.uniform(k2, (16384, 128), dtype=jnp.float32)
    return {"c": c, "delta": delta}


def reference(c, delta):
    # target = x.select_from_index(1, target_idx): the box interval for one variable
    tc = c[:, TARGET_IDX:TARGET_IDX + 1]
    td = delta[:, TARGET_IDX:TARGET_IDX + 1]
    lo = tc - td          # target.getLeft()
    hi = tc + td          # target.getRight()
    t = jnp.float32(TEST)

    # extract_branch_probability (non-hybrid score_f branch)
    left_index = hi <= t
    right_index = lo > t
    denom = jnp.maximum(hi - lo, EPS)
    p_cross = (t - lo) / denom
    p_left = jnp.where(left_index, 1.0, jnp.where(right_index, 0.0, p_cross))
    p_left = jnp.clip(p_left, 0.0, 1.0)

    # sample_from_p: Bernoulli(p_left) with a fixed key for reproducibility
    u = jax.random.uniform(jax.random.key(42), p_left.shape, dtype=jnp.float32)
    left = u < p_left
    right = jnp.logical_not(left)

    # left-branch box refinement: intersect target interval with (-inf, test]
    new_left_c = (lo + jnp.minimum(hi, t)) / 2.0
    new_left_delta = (jnp.minimum(hi, t) - lo) / 2.0
    c_l = c.at[:, TARGET_IDX:TARGET_IDX + 1].set(new_left_c)
    d_l = delta.at[:, TARGET_IDX:TARGET_IDX + 1].set(new_left_delta)

    # right-branch box refinement: intersect target interval with (test, +inf)
    new_right_c = (jnp.maximum(lo, t) + hi) / 2.0
    new_right_delta = (hi - jnp.maximum(lo, t)) / 2.0
    c_r = c.at[:, TARGET_IDX:TARGET_IDX + 1].set(new_right_c)
    d_r = delta.at[:, TARGET_IDX:TARGET_IDX + 1].set(new_right_delta)

    # dense (masked) analogue of the row-filtered body/orelse states;
    # body and orelse submodules are identity here
    x_left_c = jnp.where(left, c_l, 0.0)
    x_left_d = jnp.where(left, d_l, 0.0)
    x_right_c = jnp.where(right, c_r, 0.0)
    x_right_d = jnp.where(right, d_r, 0.0)

    # concatenate_states analogue: pack both branch states into one tensor
    return jnp.concatenate([x_left_c, x_left_d, x_right_c, x_right_d], axis=1)

if __name__ == "__main__":
    import jax
    _d = setup_inputs()
    print(jax.jit(kernel)(*tuple(_d.values())))

</pallas_src>

<mosaic_0001>
#map = affine_map<(d0, d1) -> (0, 0)>
#map1 = affine_map<(d0, d1) -> (0)>
module attributes {stable_mosaic.version = 14 : i64} {
  func.func @_ifelse_sc(%arg0: i32, %arg1: i32, %arg2: memref<16384x128xf32, #tpu.memory_space<hbm>>, %arg3: memref<16384x128xf32, #tpu.memory_space<hbm>>, %arg4: memref<16384xf32, #tpu.memory_space<hbm>>, %arg5: memref<64x128xf32, #tpu.memory_space<hbm>>, %arg6: memref<65536x128xf32, #tpu.memory_space<hbm>>, %arg7: memref<64x128xf32, #tpu.memory_space<vmem>>, %arg8: memref<64x128xf32, #tpu.memory_space<vmem>>, %arg9: memref<64x128xf32, #tpu.memory_space<vmem>>, %arg10: memref<64x128xf32, #tpu.memory_space<vmem>>, %arg11: memref<64x128xf32, #tpu.memory_space<vmem>>, %arg12: memref<64x128xf32, #tpu.memory_space<vmem>>, %arg13: memref<64x128xf32, #tpu.memory_space<vmem>>, %arg14: memref<64x128xf32, #tpu.memory_space<vmem>>, %arg15: memref<64x128xf32, #tpu.memory_space<vmem>>, %arg16: memref<64x128xf32, #tpu.memory_space<vmem>>, %arg17: memref<64x128xf32, #tpu.memory_space<vmem>>, %arg18: memref<64x128xf32, #tpu.memory_space<vmem>>, %arg19: memref<64x128xf32, #tpu.memory_space<vmem>>, %arg20: memref<512xf32, #tpu.memory_space<vmem>>, %arg21: memref<64xi32, #tpu.memory_space<vmem>>, %arg22: memref<64xi32, #tpu.memory_space<vmem>>, %arg23: memref<64xi32, #tpu.memory_space<vmem>>, %arg24: memref<64xi32, #tpu.memory_space<vmem>>, %arg25: memref<64xi32, #tpu.memory_space<vmem>>, %arg26: memref<64xi32, #tpu.memory_space<vmem>>, %arg27: memref<64xi32, #tpu.memory_space<vmem>>, %arg28: memref<64xi32, #tpu.memory_space<vmem>>, %arg29: memref<64xi32, #tpu.memory_space<vmem>>, %arg30: memref<64xi32, #tpu.memory_space<vmem>>, %arg31: memref<64xi32, #tpu.memory_space<vmem>>, %arg32: memref<64xi32, #tpu.memory_space<vmem>>, %arg33: memref<64xi32, #tpu.memory_space<vmem>>, %arg34: memref<64xi32, #tpu.memory_space<vmem>>, %arg35: memref<64xi32, #tpu.memory_space<vmem>>, %arg36: memref<64xi32, #tpu.memory_space<vmem>>, %arg37: memref<64xi32, #tpu.memory_space<vmem>>, %arg38: memref<64xi32, #tpu.memory_space<vmem>>, %arg39: memref<64xi32, #tpu.memory_space<vmem>>, %arg40: memref<64xi32, #tpu.memory_space<vmem>>, %arg41: memref<64xi32, #tpu.memory_space<vmem>>, %arg42: memref<64xi32, #tpu.memory_space<vmem>>, %arg43: memref<64xi32, #tpu.memory_space<vmem>>, %arg44: memref<64xi32, #tpu.memory_space<vmem>>, %arg45: memref<!tpu.dma_semaphore, #tpu.memory_space<semaphore_mem>>, %arg46: memref<!tpu.dma_semaphore, #tpu.memory_space<semaphore_mem>>, %arg47: memref<!tpu.dma_semaphore, #tpu.memory_space<semaphore_mem>>, %arg48: memref<!tpu.dma_semaphore, #tpu.memory_space<semaphore_mem>>, %arg49: memref<!tpu.dma_semaphore, #tpu.memory_space<semaphore_mem>>, %arg50: memref<!tpu.dma_semaphore, #tpu.memory_space<semaphore_mem>>, %arg51: memref<!tpu.dma_semaphore, #tpu.memory_space<semaphore_mem>>, %arg52: memref<!tpu.dma_semaphore, #tpu.memory_space<semaphore_mem>>, %arg53: memref<!tpu.dma_semaphore, #tpu.memory_space<semaphore_mem>>, %arg54: memref<!tpu.dma_semaphore, #tpu.memory_space<semaphore_mem>>, %arg55: memref<!tpu.dma_semaphore, #tpu.memory_space<semaphore_mem>>, %arg56: memref<!tpu.dma_semaphore, #tpu.memory_space<semaphore_mem>>) attributes {dimension_semantics = [#tpu.dimension_semantics<core_parallel>, #tpu.dimension_semantics<subcore_parallel>], iteration_bounds = array<i64: 2, 16>, scalar_prefetch = 0 : i64, scratch_operands = 50 : i64, tpu.core_type = #tpu.core_type<sc_vector_subcore>, window_params = [{transform_indices = #map}, {transform_indices = #map}, {transform_indices = #map1}, {transform_indices = #map}, {transform_indices = #map}]} {
    %mul3A = arith.constant 2 : i32
    %mul3A_0 = arith.muli %arg1, %mul3A : i32
    %add3A = arith.addi %mul3A_0, %arg0 : i32
    %mul3A_1 = arith.constant 512 : i32
    %mul3A_2 = arith.muli %add3A, %mul3A_1 : i32
    %add3A_3 = arith.constant 0 : i32
    %add3A_4 = arith.addi %mul3A_2, %add3A_3 : i32
    %dma_start3A = arith.constant 0 : i32
    %dma_start3A_5 = tpu.memref_slice %arg2[%add3A_4, %dma_start3A] : memref<16384x128xf32, #tpu.memory_space<hbm>> -> memref<64x128xf32, #tpu.memory_space<hbm>>
    %dma_start3A_6 = arith.constant 0 : i32
    %dma_start3A_7 = tpu.memref_slice %arg2[%add3A_4, %dma_start3A_6] : memref<16384x128xf32, #tpu.memory_space<hbm>> -> memref<64x128xf32, #tpu.memory_space<hbm>>
    tpu.enqueue_dma source(%dma_start3A_7 : memref<64x128xf32, #tpu.memory_space<hbm>>) target(%arg7 : memref<64x128xf32, #tpu.memory_space<vmem>>) target_semaphore(%arg45 : memref<!tpu.dma_semaphore, #tpu.memory_space<semaphore_mem>>)
    %dma_start3A_8 = arith.constant 0 : i32
    %dma_start3A_9 = tpu.memref_slice %arg3[%add3A_4, %dma_start3A_8] : memref<16384x128xf32, #tpu.memory_space<hbm>> -> memref<64x128xf32, #tpu.memory_space<hbm>>
    %dma_start3A_10 = arith.constant 0 : i32
    %dma_start3A_11 = tpu.memref_slice %arg3[%add3A_4, %dma_start3A_10] : memref<16384x128xf32, #tpu.memory_space<hbm>> -> memref<64x128xf32, #tpu.memory_space<hbm>>
    tpu.enqueue_dma source(%dma_start3A_11 : memref<64x128xf32, #tpu.memory_space<hbm>>) target(%arg13 : memref<64x128xf32, #tpu.memory_space<vmem>>) target_semaphore(%arg45 : memref<!tpu.dma_semaphore, #tpu.memory_space<semaphore_mem>>)
    "tpu.region"() ({
      %run_scoped3A = tpu.sem_alloc : memref<!tpu.dma_semaphore, #tpu.memory_space<semaphore_mem>>
      tpu.enqueue_dma source(%arg5 : memref<64x128xf32, #tpu.memory_space<hbm>>) target(%arg19 : memref<64x128xf32, #tpu.memory_space<vmem>>) target_semaphore(%run_scoped3A : memref<!tpu.dma_semaphore, #tpu.memory_space<semaphore_mem>>)
      tpu.wait_dma2 semaphore(%run_scoped3A : memref<!tpu.dma_semaphore, #tpu.memory_space<semaphore_mem>>) src(%arg5 : memref<64x128xf32, #tpu.memory_space<hbm>>) dst(%arg19 : memref<64x128xf32, #tpu.memory_space<vmem>>)
      tpu.yield
    }) : () -> ()
    %mul3A_12 = arith.constant 512 : i32
    %mul3A_13 = arith.muli %add3A, %mul3A_12 : i32
    "tpu.region"() ({
      %run_scoped3A = tpu.sem_alloc : memref<!tpu.dma_semaphore, #tpu.memory_space<semaphore_mem>>
      %dma_start3A_4176 = tpu.memref_slice %arg4[%mul3A_13] : memref<16384xf32, #tpu.memory_space<hbm>> -> memref<512xf32, #tpu.memory_space<hbm>>
      %dma_start3A_4177 = tpu.memref_slice %arg4[%mul3A_13] : memref<16384xf32, #tpu.memory_space<hbm>> -> memref<512xf32, #tpu.memory_space<hbm>>
      tpu.enqueue_dma source(%dma_start3A_4177 : memref<512xf32, #tpu.memory_space<hbm>>) target(%arg20 : memref<512xf32, #tpu.memory_space<vmem>>) target_semaphore(%run_scoped3A : memref<!tpu.dma_semaphore, #tpu.memory_space<semaphore_mem>>)
      %dma_wait3A_4178 = tpu.memref_slice %arg4[%mul3A_13] : memref<16384xf32, #tpu.memory_space<hbm>> -> memref<512xf32, #tpu.memory_space<hbm>>
      %dma_wait3A_4179 = tpu.memref_slice %arg4[%mul3A_13] : memref<16384xf32, #tpu.memory_space<hbm>> -> memref<512xf32, #tpu.memory_space<hbm>>
      tpu.wait_dma2 semaphore(%run_scoped3A : memref<!tpu.dma_semaphore, #tpu.memory_space<semaphore_mem>>) src(%dma_wait3A_4179 : memref<512xf32, #tpu.memory_space<hbm>>) dst(%arg20 : memref<512xf32, #tpu.memory_space<vmem>>)
      tpu.yield
    }) : () -> ()
    %mul3A_14 = arith.constant 512 : i32
    %mul3A_15 = arith.muli %add3A, %mul3A_14 : i32
    %add3A_16 = arith.constant 64 : i32
    %add3A_17 = arith.addi %mul3A_15, %add3A_16 : i32
    %dma_start3A_18 = arith.constant 0 : i32
    %dma_start3A_19 = tpu.memref_slice %arg2[%add3A_17, %dma_start3A_18] : memref<16384x128xf32, #tpu.memory_space<hbm>> -> memref<64x128xf32, #tpu.memory_space<hbm>>
    %dma_start3A_20 = arith.constant 0 : i32
    %dma_start3A_21 = tpu.memref_slice %arg2[%add3A_17, %dma_start3A_20] : memref<16384x128xf32, #tpu.memory_space<hbm>> -> memref<64x128xf32, #tpu.memory_space<hbm>>
    tpu.enqueue_dma source(%dma_start3A_21 : memref<64x128xf32, #tpu.memory_space<hbm>>) target(%arg8 : memref<64x128xf32, #tpu.memory_space<vmem>>) target_semaphore(%arg46 : memref<!tpu.dma_semaphore, #tpu.memory_space<semaphore_mem>>)
    %dma_start3A_22 = arith.constant 0 : i32
    %dma_start3A_23 = tpu.memref_slice %arg3[%add3A_17, %dma_start3A_22] : memref<16384x128xf32, #tpu.memory_space<hbm>> -> memref<64x128xf32, #tpu.memory_space<hbm>>
    %dma_start3A_24 = arith.constant 0 : i32
    %dma_start3A_25 = tpu.memref_slice %arg3[%add3A_17, %dma_start3A_24] : memref<16384x128xf32, #tpu.memory_space<hbm>> -> memref<64x128xf32, #tpu.memory_space<hbm>>
    tpu.enqueue_dma source(%dma_start3A_25 : memref<64x128xf32, #tpu.memory_space<hbm>>) target(%arg14 : memref<64x128xf32, #tpu.memory_space<vmem>>) target_semaphore(%arg46 : memref<!tpu.dma_semaphore, #tpu.memory_space<semaphore_mem>>)
    %dma_wait3A = arith.constant 0 : i32
    %dma_wait3A_26 = tpu.memref_slice %arg2[%add3A_4, %dma_wait3A] : memref<16384x128xf32, #tpu.memory_space<hbm>> -> memref<64x128xf32, #tpu.memory_space<hbm>>
    %dma_wait3A_27 = arith.constant 0 : i32
    %dma_wait3A_28 = tpu.memref_slice %arg2[%add3A_4, %dma_wait3A_27] : memref<16384x128xf32, #tpu.memory_space<hbm>> -> memref<64x128xf32, #tpu.memory_space<hbm>>
    tpu.wait_dma2 semaphore(%arg45 : memref<!tpu.dma_semaphore, #tpu.memory_space<semaphore_mem>>) src(%dma_wait3A_28 : memref<64x128xf32, #tpu.memory_space<hbm>>) dst(%arg7 : memref<64x128xf32, #tpu.memory_space<vmem>>)
    %dma_wait3A_29 = arith.constant 0 : i32
    %dma_wait3A_30 = tpu.memref_slice %arg3[%add3A_4, %dma_wait3A_29] : memref<16384x128xf32, #tpu.memory_space<hbm>> -> memref<64x128xf32, #tpu.memory_space<hbm>>
    %dma_wait3A_31 = arith.constant 0 : i32
    %dma_wait3A_32 = tpu.memref_slice %arg3[%add3A_4, %dma_wait3A_31] : memref<16384x128xf32, #tpu.memory_space<hbm>> -> memref<64x128xf32, #tpu.memory_space<hbm>>
    tpu.wait_dma2 semaphore(%arg45 : memref<!tpu.dma_semaphore, #tpu.memory_space<semaphore_mem>>) src(%dma_wait3A_32 : memref<64x128xf32, #tpu.memory_space<hbm>>) dst(%arg13 : memref<64x128xf32, #tpu.memory_space<vmem>>)
    %mul3A_33 = arith.constant 512 : i32
    %mul3A_34 = arith.muli %add3A, %mul3A_33 : i32
    %add3A_35 = arith.constant 0 : i32
    %add3A_36 = arith.addi %mul3A_34, %add3A_35 : i32
    %iota3A = tpu.iota {dimensions = array<i32: 0>} : vector<16xi32>
    %add3A_37 = arith.constant 0 : i32
    %add3A_38 = vector.broadcast %add3A_37 : i32 to vector<16xi32>
    %add3A_39 = arith.addi %iota3A, %add3A_38 : vector<16xi32>
    %broadcast_in_dim3A = arith.constant 5 : i32
    %broadcast_in_dim3A_40 = vector.broadcast %broadcast_in_dim3A : i32 to vector<16xi32>
    %gather3A = tpu.vector_load_idx %arg7[%add3A_39, %broadcast_in_dim3A_40] : memref<64x128xf32, #tpu.memory_space<vmem>>[vector<16xi32>, vector<16xi32>], vector<16xf32>,
    %gather3A_41 = tpu.vector_load_idx %arg13[%add3A_39, %broadcast_in_dim3A_40] : memref<64x128xf32, #tpu.memory_space<vmem>>[vector<16xi32>, vector<16xi32>], vector<16xf32>,
    %sub3A = arith.subf %gather3A, %gather3A_41 : vector<16xf32>
    %add3A_42 = arith.addf %gather3A, %gather3A_41 : vector<16xf32>
    %sub3A_43 = arith.subf %add3A_42, %sub3A : vector<16xf32>
    %max3A = arith.constant 9.99999997E-7 : f32
    %max3A_44 = vector.broadcast %max3A : f32 to vector<16xf32>
    %max3A_45 = arith.maximumf %sub3A_43, %max3A_44 : vector<16xf32>
    %sub3A_46 = arith.constant 0.000000e+00 : f32
    %sub3A_47 = vector.broadcast %sub3A_46 : f32 to vector<16xf32>
    %sub3A_48 = arith.subf %sub3A_47, %sub3A : vector<16xf32>
    %div3A = arith.divf %sub3A_48, %max3A_45 : vector<16xf32>
    %le3A = arith.constant 0.000000e+00 : f32
    %le3A_49 = vector.broadcast %le3A : f32 to vector<16xf32>
    %le3A_50 = arith.cmpf ole, %add3A_42, %le3A_49 : vector<16xf32>
    %gt3A = arith.constant 0.000000e+00 : f32
    %gt3A_51 = vector.broadcast %gt3A : f32 to vector<16xf32>
    %gt3A_52 = arith.cmpf ogt, %sub3A, %gt3A_51 : vector<16xf32>
    %jit3A = arith.constant 0.000000e+00 : f32
    %broadcast_in_dim3A_53 = vector.broadcast %jit3A : f32 to vector<16xf32>
    %select_n3A = arith.select %gt3A_52, %broadcast_in_dim3A_53, %div3A : vector<16xi1>, vector<16xf32>
    %jit3A_54 = arith.constant 1.000000e+00 : f32
    %broadcast_in_dim3A_55 = vector.broadcast %jit3A_54 : f32 to vector<16xf32>
    %select_n3A_56 = arith.select %le3A_50, %broadcast_in_dim3A_55, %select_n3A : vector<16xi1>, vector<16xf32>
    %jit3A_57 = arith.constant 0.000000e+00 : f32
    %jit3A_58 = arith.constant 1.000000e+00 : f32
    %max3A_59 = vector.broadcast %jit3A_57 : f32 to vector<16xf32>
    %max3A_60 = arith.maximumf %max3A_59, %select_n3A_56 : vector<16xf32>
    %min3A = vector.broadcast %jit3A_58 : f32 to vector<16xf32>
    %min3A_61 = arith.minimumf %min3A, %max3A_60 : vector<16xf32>
    %get3A = arith.constant 0 : index
    %get3A_62 = tpu.vector_load %arg20[%get3A] {strides = array<i32>} : memref<512xf32, #tpu.memory_space<vmem>>, vector<16xf32>,
    %lt3A = arith.cmpf olt, %get3A_62, %min3A_61 : vector<16xf32>
    %min3A_63 = arith.constant 0.000000e+00 : f32
    %min3A_64 = vector.broadcast %min3A_63 : f32 to vector<16xf32>
    %min3A_65 = arith.minimumf %add3A_42, %min3A_64 : vector<16xf32>
    %max3A_66 = arith.constant 0.000000e+00 : f32
    %max3A_67 = vector.broadcast %max3A_66 : f32 to vector<16xf32>
    %max3A_68 = arith.maximumf %sub3A, %max3A_67 : vector<16xf32>
    %add3A_69 = arith.addf %sub3A, %min3A_65 : vector<16xf32>
    %mul3A_70 = arith.constant 5.000000e-01 : f32
    %mul3A_71 = vector.broadcast %mul3A_70 : f32 to vector<16xf32>
    %mul3A_72 = arith.mulf %add3A_69, %mul3A_71 : vector<16xf32>
    %add3A_73 = arith.addf %max3A_68, %add3A_42 : vector<16xf32>
    %mul3A_74 = arith.constant 5.000000e-01 : f32
    %mul3A_75 = vector.broadcast %mul3A_74 : f32 to vector<16xf32>
    %mul3A_76 = arith.mulf %add3A_73, %mul3A_75 : vector<16xf32>
    %select_n3A_77 = arith.select %lt3A, %mul3A_72, %mul3A_76 : vector<16xi1>, vector<16xf32>
    %sub3A_78 = arith.subf %min3A_65, %sub3A : vector<16xf32>
    %mul3A_79 = arith.constant 5.000000e-01 : f32
    %mul3A_80 = vector.broadcast %mul3A_79 : f32 to vector<16xf32>
    %mul3A_81 = arith.mulf %sub3A_78, %mul3A_80 : vector<16xf32>
    %sub3A_82 = arith.subf %add3A_42, %max3A_68 : vector<16xf32>
    %mul3A_83 = arith.constant 5.000000e-01 : f32
    %mul3A_84 = vector.broadcast %mul3A_83 : f32 to vector<16xf32>
    %mul3A_85 = arith.mulf %sub3A_82, %mul3A_84 : vector<16xf32>
    %select_n3A_86 = arith.select %lt3A, %mul3A_81, %mul3A_85 : vector<16xi1>, vector<16xf32>
    tpu.vector_store_idx %arg7[%add3A_39, %broadcast_in_dim3A_40], %select_n3A_77 : memref<64x128xf32, #tpu.memory_space<vmem>>[vector<16xi32>, vector<16xi32>], vector<16xf32>,
    tpu.vector_store_idx %arg13[%add3A_39, %broadcast_in_dim3A_40], %select_n3A_86 : memref<64x128xf32, #tpu.memory_space<vmem>>[vector<16xi32>, vector<16xi32>], vector<16xf32>,
    %add3A_87 = vector.broadcast %add3A_36 : i32 to vector<16xi32>
    %add3A_88 = arith.addi %add3A_39, %add3A_87 : vector<16xi32>
    %shift_right_arithmetic3A = arith.constant 3 : i32
    %shift_right_arithmetic3A_89 = vector.broadcast %shift_right_arithmetic3A : i32 to vector<16xi32>
    %shift_right_arithmetic3A_90 = arith.shrsi %add3A_88, %shift_right_arithmetic3A_89 : vector<16xi32>
    %shift_left3A = arith.constant 5 : i32
    %shift_left3A_91 = vector.broadcast %shift_left3A : i32 to vector<16xi32>
    %shift_left3A_92 = arith.shli %shift_right_arithmetic3A_90, %shift_left3A_91 : vector<16xi32>
    %and3A = arith.constant 7 : i32
    %and3A_93 = vector.broadcast %and3A : i32 to vector<16xi32>
    %and3A_94 = arith.andi %add3A_88, %and3A_93 : vector<16xi32>
    %add3A_95 = arith.addi %shift_left3A_92, %and3A_94 : vector<16xi32>
    %jit3A_96 = arith.constant 0 : i32
    %jit3A_97 = arith.constant 2 : i32
    %broadcast_in_dim3A_98 = vector.broadcast %jit3A_96 : i32 to vector<16xi32>
    %broadcast_in_dim3A_99 = vector.broadcast %jit3A_97 : i32 to vector<16xi32>
    %select_n3A_100 = arith.select %lt3A, %broadcast_in_dim3A_98, %broadcast_in_dim3A_99 : vector<16xi1>, vector<16xi32>
    %shift_left3A_101 = arith.constant 3 : i32
    %shift_left3A_102 = vector.broadcast %shift_left3A_101 : i32 to vector<16xi32>
    %shift_left3A_103 = arith.shli %select_n3A_100, %shift_left3A_102 : vector<16xi32>
    %add3A_104 = arith.addi %add3A_95, %shift_left3A_103 : vector<16xi32>
    %swap3A = arith.constant 0 : index
    %swap3A_105 = tpu.vector_load %arg21[%swap3A] {strides = array<i32>} : memref<64xi32, #tpu.memory_space<vmem>>, vector<16xi32>,
    tpu.vector_store %arg21[%swap3A], %add3A_104 {strides = array<i32>} : memref<64xi32, #tpu.memory_space<vmem>>, vector<16xi32>,
    %jit3A_106 = arith.constant 1 : i32
    %jit3A_107 = arith.constant 3 : i32
    %broadcast_in_dim3A_108 = vector.broadcast %jit3A_106 : i32 to vector<16xi32>
    %broadcast_in_dim3A_109 = vector.broadcast %jit3A_107 : i32 to vector<16xi32>
    %select_n3A_110 = arith.select %lt3A, %broadcast_in_dim3A_108, %broadcast_in_dim3A_109 : vector<16xi1>, vector<16xi32>
    %shift_left3A_111 = arith.constant 3 : i32
    %shift_left3A_112 = vector.broadcast %shift_left3A_111 : i32 to vector<16xi32>
    %shift_left3A_113 = arith.shli %select_n3A_110, %shift_left3A_112 : vector<16xi32>
    %add3A_114 = arith.addi %add3A_95, %shift_left3A_113 : vector<16xi32>
    %swap3A_115 = arith.constant 0 : index
    %swap3A_116 = tpu.vector_load %arg27[%swap3A_115] {strides = array<i32>} : memref<64xi32, #tpu.memory_space<vmem>>, vector<16xi32>,
    tpu.vector_store %arg27[%swap3A_115], %add3A_114 {strides = array<i32>} : memref<64xi32, #tpu.memory_space<vmem>>, vector<16xi32>,
    %jit3A_117 = arith.constant 2 : i32
    %jit3A_118 = arith.constant 0 : i32
    %broadcast_in_dim3A_119 = vector.broadcast %jit3A_117 : i32 to vector<16xi32>
    %broadcast_in_dim3A_120 = vector.broadcast %jit3A_118 : i32 to vector<16xi32>
    %select_n3A_121 = arith.select %lt3A, %broadcast_in_dim3A_119, %broadcast_in_dim3A_120 : vector<16xi1>, vector<16xi32>
    %shift_left3A_122 = arith.constant 3 : i32
    %shift_left3A_123 = vector.broadcast %shift_left3A_122 : i32 to vector<16xi32>
    %shift_left3A_124 = arith.shli %select_n3A_121, %shift_left3A_123 : vector<16xi32>
    %add3A_125 = arith.addi %add3A_95, %shift_left3A_124 : vector<16xi32>
    %swap3A_126 = arith.constant 0 : index
    %swap3A_127 = tpu.vector_load %arg33[%swap3A_126] {strides = array<i32>} : memref<64xi32, #tpu.memory_space<vmem>>, vector<16xi32>,
    tpu.vector_store %arg33[%swap3A_126], %add3A_125 {strides = array<i32>} : memref<64xi32, #tpu.memory_space<vmem>>, vector<16xi32>,
    %jit3A_128 = arith.constant 3 : i32
    %jit3A_129 = arith.constant 1 : i32
    %broadcast_in_dim3A_130 = vector.broadcast %jit3A_128 : i32 to vector<16xi32>
    %broadcast_in_dim3A_131 = vector.broadcast %jit3A_129 : i32 to vector<16xi32>
    %select_n3A_132 = arith.select %lt3A, %broadcast_in_dim3A_130, %broadcast_in_dim3A_131 : vector<16xi1>, vector<16xi32>
    %shift_left3A_133 = arith.constant 3 : i32
    %shift_left3A_134 = vector.broadcast %shift_left3A_133 : i32 to vector<16xi32>
    %shift_left3A_135 = arith.shli %select_n3A_132, %shift_left3A_134 : vector<16xi32>
    %add3A_136 = arith.addi %add3A_95, %shift_left3A_135 : vector<16xi32>
    %swap3A_137 = arith.constant 0 : index
    %swap3A_138 = tpu.vector_load %arg39[%swap3A_137] {strides = array<i32>} : memref<64xi32, #tpu.memory_space<vmem>>, vector<16xi32>,
    tpu.vector_store %arg39[%swap3A_137], %add3A_136 {strides = array<i32>} : memref<64xi32, #tpu.memory_space<vmem>>, vector<16xi32>,
    %iota3A_139 = tpu.iota {dimensions = array<i32: 0>} : vector<16xi32>
    %add3A_140 = arith.constant 16 : i32
    %add3A_141 = vector.broadcast %add3A_140 : i32 to vector<16xi32>
    %add3A_142 = arith.addi %iota3A_139, %add3A_141 : vector<16xi32>
    %broadcast_in_dim3A_143 = arith.constant 5 : i32
    %broadcast_in_dim3A_144 = vector.broadcast %broadcast_in_dim3A_143 : i32 to vector<16xi32>
    %gather3A_145 = tpu.vector_load_idx %arg7[%add3A_142, %broadcast_in_dim3A_144] : memref<64x128xf32, #tpu.memory_space<vmem>>[vector<16xi32>, vector<16xi32>], vector<16xf32>,
    %gather3A_146 = tpu.vector_load_idx %arg13[%add3A_142, %broadcast_in_dim3A_144] : memref<64x128xf32, #tpu.memory_space<vmem>>[vector<16xi32>, vector<16xi32>], vector<16xf32>,
    %sub3A_147 = arith.subf %gather3A_145, %gather3A_146 : vector<16xf32>
    %add3A_148 = arith.addf %gather3A_145, %gather3A_146 : vector<16xf32>
    %sub3A_149 = arith.subf %add3A_148, %sub3A_147 : vector<16xf32>
    %max3A_150 = arith.constant 9.99999997E-7 : f32
    %max3A_151 = vector.broadcast %max3A_150 : f32 to vector<16xf32>
    %max3A_152 = arith.maximumf %sub3A_149, %max3A_151 : vector<16xf32>
    %sub3A_153 = arith.constant 0.000000e+00 : f32
    %sub3A_154 = vector.broadcast %sub3A_153 : f32 to vector<16xf32>
    %sub3A_155 = arith.subf %sub3A_154, %sub3A_147 : vector<16xf32>
    %div3A_156 = arith.divf %sub3A_155, %max3A_152 : vector<16xf32>
    %le3A_157 = arith.constant 0.000000e+00 : f32
    %le3A_158 = vector.broadcast %le3A_157 : f32 to vector<16xf32>
    %le3A_159 = arith.cmpf ole, %add3A_148, %le3A_158 : vector<16xf32>
    %gt3A_160 = arith.constant 0.000000e+00 : f32
    %gt3A_161 = vector.broadcast %gt3A_160 : f32 to vector<16xf32>
    %gt3A_162 = arith.cmpf ogt, %sub3A_147, %gt3A_161 : vector<16xf32>
    %jit3A_163 = arith.constant 0.000000e+00 : f32
    %broadcast_in_dim3A_164 = vector.broadcast %jit3A_163 : f32 to vector<16xf32>
    %select_n3A_165 = arith.select %gt3A_162, %broadcast_in_dim3A_164, %div3A_156 : vector<16xi1>, vector<16xf32>
    %jit3A_166 = arith.constant 1.000000e+00 : f32
    %broadcast_in_dim3A_167 = vector.broadcast %jit3A_166 : f32 to vector<16xf32>
    %select_n3A_168 = arith.select %le3A_159, %broadcast_in_dim3A_167, %select_n3A_165 : vector<16xi1>, vector<16xf32>
    %jit3A_169 = arith.constant 0.000000e+00 : f32
    %jit3A_170 = arith.constant 1.000000e+00 : f32
    %max3A_171 = vector.broadcast %jit3A_169 : f32 to vector<16xf32>
    %max3A_172 = arith.maximumf %max3A_171, %select_n3A_168 : vector<16xf32>
    %min3A_173 = vector.broadcast %jit3A_170 : f32 to vector<16xf32>
    %min3A_174 = arith.minimumf %min3A_173, %max3A_172 : vector<16xf32>
    %get3A_175 = arith.constant 16 : index
    %get3A_176 = tpu.vector_load %arg20[%get3A_175] {strides = array<i32>} : memref<512xf32, #tpu.memory_space<vmem>>, vector<16xf32>,
    %lt3A_177 = arith.cmpf olt, %get3A_176, %min3A_174 : vector<16xf32>
    %min3A_178 = arith.constant 0.000000e+00 : f32
    %min3A_179 = vector.broadcast %min3A_178 : f32 to vector<16xf32>
    %min3A_180 = arith.minimumf %add3A_148, %min3A_179 : vector<16xf32>
    %max3A_181 = arith.constant 0.000000e+00 : f32
    %max3A_182 = vector.broadcast %max3A_181 : f32 to vector<16xf32>
    %max3A_183 = arith.maximumf %sub3A_147, %max3A_182 : vector<16xf32>
    %add3A_184 = arith.addf %sub3A_147, %min3A_180 : vector<16xf32>
    %mul3A_185 = arith.constant 5.000000e-01 : f32
    %mul3A_186 = vector.broadcast %mul3A_185 : f32 to vector<16xf32>
    %mul3A_187 = arith.mulf %add3A_184, %mul3A_186 : vector<16xf32>
    %add3A_188 = arith.addf %max3A_183, %add3A_148 : vector<16xf32>
    %mul3A_189 = arith.constant 5.000000e-01 : f32
    %mul3A_190 = vector.broadcast %mul3A_189 : f32 to vector<16xf32>
    %mul3A_191 = arith.mulf %add3A_188, %mul3A_190 : vector<16xf32>
    %select_n3A_192 = arith.select %lt3A_177, %mul3A_187, %mul3A_191 : vector<16xi1>, vector<16xf32>
    %sub3A_193 = arith.subf %min3A_180, %sub3A_147 : vector<16xf32>
    %mul3A_194 = arith.constant 5.000000e-01 : f32
    %mul3A_195 = vector.broadcast %mul3A_194 : f32 to vector<16xf32>
    %mul3A_196 = arith.mulf %sub3A_193, %mul3A_195 : vector<16xf32>
    %sub3A_197 = arith.subf %add3A_148, %max3A_183 : vector<16xf32>
    %mul3A_198 = arith.constant 5.000000e-01 : f32
    %mul3A_199 = vector.broadcast %mul3A_198 : f32 to vector<16xf32>
    %mul3A_200 = arith.mulf %sub3A_197, %mul3A_199 : vector<16xf32>
    %select_n3A_201 = arith.select %lt3A_177, %mul3A_196, %mul3A_200 : vector<16xi1>, vector<16xf32>
    tpu.vector_store_idx %arg7[%add3A_142, %broadcast_in_dim3A_144], %select_n3A_192 : memref<64x128xf32, #tpu.memory_space<vmem>>[vector<16xi32>, vector<16xi32>], vector<16xf32>,
    tpu.vector_store_idx %arg13[%add3A_142, %broadcast_in_dim3A_144], %select_n3A_201 : memref<64x128xf32, #tpu.memory_space<vmem>>[vector<16xi32>, vector<16xi32>], vector<16xf32>,
    %add3A_202 = vector.broadcast %add3A_36 : i32 to vector<16xi32>
    %add3A_203 = arith.addi %add3A_142, %add3A_202 : vector<16xi32>
    %shift_right_arithmetic3A_204 = arith.constant 3 : i32
    %shift_right_arithmetic3A_205 = vector.broadcast %shift_right_arithmetic3A_204 : i32 to vector<16xi32>
    %shift_right_arithmetic3A_206 = arith.shrsi %add3A_203, %shift_right_arithmetic3A_205 : vector<16xi32>
    %shift_left3A_207 = arith.constant 5 : i32
    %shift_left3A_208 = vector.broadcast %shift_left3A_207 : i32 to vector<16xi32>
    %shift_left3A_209 = arith.shli %shift_right_arithmetic3A_206, %shift_left3A_208 : vector<16xi32>
    %and3A_210 = arith.constant 7 : i32
    %and3A_211 = vector.broadcast %and3A_210 : i32 to vector<16xi32>
    %and3A_212 = arith.andi %add3A_203, %and3A_211 : vector<16xi32>
    %add3A_213 = arith.addi %shift_left3A_209, %and3A_212 : vector<16xi32>
    %jit3A_214 = arith.constant 0 : i32
    %jit3A_215 = arith.constant 2 : i32
    %broadcast_in_dim3A_216 = vector.broadcast %jit3A_214 : i32 to vector<16xi32>
    %broadcast_in_dim3A_217 = vector.broadcast %jit3A_215 : i32 to vector<16xi32>
    %select_n3A_218 = arith.select %lt3A_177, %broadcast_in_dim3A_216, %broadcast_in_dim3A_217 : vector<16xi1>, vector<16xi32>
    %shift_left3A_219 = arith.constant 3 : i32
    %shift_left3A_220 = vector.broadcast %shift_left3A_219 : i32 to vector<16xi32>
    %shift_left3A_221 = arith.shli %select_n3A_218, %shift_left3A_220 : vector<16xi32>
    %add3A_222 = arith.addi %add3A_213, %shift_left3A_221 : vector<16xi32>
    %swap3A_223 = arith.constant 16 : index
    %swap3A_224 = tpu.vector_load %arg21[%swap3A_223] {strides = array<i32>} : memref<64xi32, #tpu.memory_space<vmem>>, vector<16xi32>,
    tpu.vector_store %arg21[%swap3A_223], %add3A_222 {strides = array<i32>} : memref<64xi32, #tpu.memory_space<vmem>>, vector<16xi32>,
    %jit3A_225 = arith.constant 1 : i32
    %jit3A_226 = arith.constant 3 : i32
    %broadcast_in_dim3A_227 = vector.broadcast %jit3A_225 : i32 to vector<16xi32>
    %broadcast_in_dim3A_228 = vector.broadcast %jit3A_226 : i32 to vector<16xi32>
    %select_n3A_229 = arith.select %lt3A_177, %broadcast_in_dim3A_227, %broadcast_in_dim3A_228 : vector<16xi1>, vector<16xi32>
    %shift_left3A_230 = arith.constant 3 : i32
    %shift_left3A_231 = vector.broadcast %shift_left3A_230 : i32 to vector<16xi32>
    %shift_left3A_232 = arith.shli %select_n3A_229, %shift_left3A_231 : vector<16xi32>
    %add3A_233 = arith.addi %add3A_213, %shift_left3A_232 : vector<16xi32>
    %swap3A_234 = arith.constant 16 : index
    %swap3A_235 = tpu.vector_load %arg27[%swap3A_234] {strides = array<i32>} : memref<64xi32, #tpu.memory_space<vmem>>, vector<16xi32>,
    tpu.vector_store %arg27[%swap3A_234], %add3A_233 {strides = array<i32>} : memref<64xi32, #tpu.memory_space<vmem>>, vector<16xi32>,
    %jit3A_236 = arith.constant 2 : i32
    %jit3A_237 = arith.constant 0 : i32
    %broadcast_in_dim3A_238 = vector.broadcast %jit3A_236 : i32 to vector<16xi32>
    %broadcast_in_dim3A_239 = vector.broadcast %jit3A_237 : i32 to vector<16xi32>
    %select_n3A_240 = arith.select %lt3A_177, %broadcast_in_dim3A_238, %broadcast_in_dim3A_239 : vector<16xi1>, vector<16xi32>
    %shift_left3A_241 = arith.constant 3 : i32
    %shift_left3A_242 = vector.broadcast %shift_left3A_241 : i32 to vector<16xi32>
    %shift_left3A_243 = arith.shli %select_n3A_240, %shift_left3A_242 : vector<16xi32>
    %add3A_244 = arith.addi %add3A_213, %shift_left3A_243 : vector<16xi32>
    %swap3A_245 = arith.constant 16 : index
    %swap3A_246 = tpu.vector_load %arg33[%swap3A_245] {strides = array<i32>} : memref<64xi32, #tpu.memory_space<vmem>>, vector<16xi32>,
    tpu.vector_store %arg33[%swap3A_245], %add3A_244 {strides = array<i32>} : memref<64xi32, #tpu.memory_space<vmem>>, vector<16xi32>,
    %jit3A_247 = arith.constant 3 : i32
    %jit3A_248 = arith.constant 1 : i32
    %broadcast_in_dim3A_249 = vector.broadcast %jit3A_247 : i32 to vector<16xi32>
    %broadcast_in_dim3A_250 = vector.broadcast %jit3A_248 : i32 to vector<16xi32>
    %select_n3A_251 = arith.select %lt3A_177, %broadcast_in_dim3A_249, %broadcast_in_dim3A_250 : vector<16xi1>, vector<16xi32>
    %shift_left3A_252 = arith.constant 3 : i32
    %shift_left3A_253 = vector.broadcast %shift_left3A_252 : i32 to vector<16xi32>
    %shift_left3A_254 = arith.shli %select_n3A_251, %shift_left3A_253 : vector<16xi32>
    %add3A_255 = arith.addi %add3A_213, %shift_left3A_254 : vector<16xi32>
    %swap3A_256 = arith.constant 16 : index
    %swap3A_257 = tpu.vector_load %arg39[%swap3A_256] {strides = array<i32>} : memref<64xi32, #tpu.memory_space<vmem>>, vector<16xi32>,
    tpu.vector_store %arg39[%swap3A_256], %add3A_255 {strides = array<i32>} : memref<64xi32, #tpu.memory_space<vmem>>, vector<16xi32>,
    %iota3A_258 = tpu.iota {dimensions = array<i32: 0>} : vector<16xi32>
    %add3A_259 = arith.constant 32 : i32
    %add3A_260 = vector.broadcast %add3A_259 : i32 to vector<16xi32>
    %add3A_261 = arith.addi %iota3A_258, %add3A_260 : vector<16xi32>
    %broadcast_in_dim3A_262 = arith.constant 5 : i32
    %broadcast_in_dim3A_263 = vector.broadcast %broadcast_in_dim3A_262 : i32 to vector<16xi32>
    %gather3A_264 = tpu.vector_load_idx %arg7[%add3A_261, %broadcast_in_dim3A_263] : memref<64x128xf32, #tpu.memory_space<vmem>>[vector<16xi32>, vector<16xi32>], vector<16xf32>,
    %gather3A_265 = tpu.vector_load_idx %arg13[%add3A_261, %broadcast_in_dim3A_263] : memref<64x128xf32, #tpu.memory_space<vmem>>[vector<16xi32>, vector<16xi32>], vector<16xf32>,
    %sub3A_266 = arith.subf %gather3A_264, %gather3A_265 : vector<16xf32>
    %add3A_267 = arith.addf %gather3A_264, %gather3A_265 : vector<16xf32>
    %sub3A_268 = arith.subf %add3A_267, %sub3A_266 : vector<16xf32>
    %max3A_269 = arith.constant 9.99999997E-7 : f32
    %max3A_270 = vector.broadcast %max3A_269 : f32 to vector<16xf32>
    %max3A_271 = arith.maximumf %sub3A_268, %max3A_270 : vector<16xf32>
    %sub3A_272 = arith.constant 0.000000e+00 : f32
    %sub3A_273 = vector.broadcast %sub3A_272 : f32 to vector<16xf32>
    %sub3A_274 = arith.subf %sub3A_273, %sub3A_266 : vector<16xf32>
    %div3A_275 = arith.divf %sub3A_274, %max3A_271 : vector<16xf32>
    %le3A_276 = arith.constant 0.000000e+00 : f32
    %le3A_277 = vector.broadcast %le3A_276 : f32 to vector<16xf32>
    %le3A_278 = arith.cmpf ole, %add3A_267, %le3A_277 : vector<16xf32>
    %gt3A_279 = arith.constant 0.000000e+00 : f32
    %gt3A_280 = vector.broadcast %gt3A_279 : f32 to vector<16xf32>
    %gt3A_281 = arith.cmpf ogt, %sub3A_266, %gt3A_280 : vector<16xf32>
    %jit3A_282 = arith.constant 0.000000e+00 : f32
    %broadcast_in_dim3A_283 = vector.broadcast %jit3A_282 : f32 to vector<16xf32>
    %select_n3A_284 = arith.select %gt3A_281, %broadcast_in_dim3A_283, %div3A_275 : vector<16xi1>, vector<16xf32>
    %jit3A_285 = arith.constant 1.000000e+00 : f32
    %broadcast_in_dim3A_286 = vector.broadcast %jit3A_285 : f32 to vector<16xf32>
    %select_n3A_287 = arith.select %le3A_278, %broadcast_in_dim3A_286, %select_n3A_284 : vector<16xi1>, vector<16xf32>
    %jit3A_288 = arith.constant 0.000000e+00 : f32
    %jit3A_289 = arith.constant 1.000000e+00 : f32
    %max3A_290 = vector.broadcast %jit3A_288 : f32 to vector<16xf32>
    %max3A_291 = arith.maximumf %max3A_290, %select_n3A_287 : vector<16xf32>
    %min3A_292 = vector.broadcast %jit3A_289 : f32 to vector<16xf32>
    %min3A_293 = arith.minimumf %min3A_292, %max3A_291 : vector<16xf32>
    %get3A_294 = arith.constant 32 : index
    %get3A_295 = tpu.vector_load %arg20[%get3A_294] {strides = array<i32>} : memref<512xf32, #tpu.memory_space<vmem>>, vector<16xf32>,
    %lt3A_296 = arith.cmpf olt, %get3A_295, %min3A_293 : vector<16xf32>
    %min3A_297 = arith.constant 0.000000e+00 : f32
    %min3A_298 = vector.broadcast %min3A_297 : f32 to vector<16xf32>
    %min3A_299 = arith.minimumf %add3A_267, %min3A_298 : vector<16xf32>
    %max3A_300 = arith.constant 0.000000e+00 : f32
    %max3A_301 = vector.broadcast %max3A_300 : f32 to vector<16xf32>
    %max3A_302 = arith.maximumf %sub3A_266, %max3A_301 : vector<16xf32>
    %add3A_303 = arith.addf %sub3A_266, %min3A_299 : vector<16xf32>
    %mul3A_304 = arith.constant 5.000000e-01 : f32
    %mul3A_305 = vector.broadcast %mul3A_304 : f32 to vector<16xf32>
    %mul3A_306 = arith.mulf %add3A_303, %mul3A_305 : vector<16xf32>
    %add3A_307 = arith.addf %max3A_302, %add3A_267 : vector<16xf32>
    %mul3A_308 = arith.constant 5.000000e-01 : f32
    %mul3A_309 = vector.broadcast %mul3A_308 : f32 to vector<16xf32>
    %mul3A_310 = arith.mulf %add3A_307, %mul3A_309 : vector<16xf32>
    %select_n3A_311 = arith.select %lt3A_296, %mul3A_306, %mul3A_310 : vector<16xi1>, vector<16xf32>
    %sub3A_312 = arith.subf %min3A_299, %sub3A_266 : vector<16xf32>
    %mul3A_313 = arith.constant 5.000000e-01 : f32
    %mul3A_314 = vector.broadcast %mul3A_313 : f32 to vector<16xf32>
    %mul3A_315 = arith.mulf %sub3A_312, %mul3A_314 : vector<16xf32>
    %sub3A_316 = arith.subf %add3A_267, %max3A_302 : vector<16xf32>
    %mul3A_317 = arith.constant 5.000000e-01 : f32
    %mul3A_318 = vector.broadcast %mul3A_317 : f32 to vector<16xf32>
    %mul3A_319 = arith.mulf %sub3A_316, %mul3A_318 : vector<16xf32>
    %select_n3A_320 = arith.select %lt3A_296, %mul3A_315, %mul3A_319 : vector<16xi1>, vector<16xf32>
    tpu.vector_store_idx %arg7[%add3A_261, %broadcast_in_dim3A_263], %select_n3A_311 : memref<64x128xf32, #tpu.memory_space<vmem>>[vector<16xi32>, vector<16xi32>], vector<16xf32>,
    tpu.vector_store_idx %arg13[%add3A_261, %broadcast_in_dim3A_263], %select_n3A_320 : memref<64x128xf32, #tpu.memory_space<vmem>>[vector<16xi32>, vector<16xi32>], vector<16xf32>,
    %add3A_321 = vector.broadcast %add3A_36 : i32 to vector<16xi32>
    %add3A_322 = arith.addi %add3A_261, %add3A_321 : vector<16xi32>
    %shift_right_arithmetic3A_323 = arith.constant 3 : i32
    %shift_right_arithmetic3A_324 = vector.broadcast %shift_right_arithmetic3A_323 : i32 to vector<16xi32>
    %shift_right_arithmetic3A_325 = arith.shrsi %add3A_322, %shift_right_arithmetic3A_324 : vector<16xi32>
    %shift_left3A_326 = arith.constant 5 : i32
    %shift_left3A_327 = vector.broadcast %shift_left3A_326 : i32 to vector<16xi32>
    %shift_left3A_328 = arith.shli %shift_right_arithmetic3A_325, %shift_left3A_327 : vector<16xi32>
    %and3A_329 = arith.constant 7 : i32
    %and3A_330 = vector.broadcast %and3A_329 : i32 to vector<16xi32>
    %and3A_331 = arith.andi %add3A_322, %and3A_330 : vector<16xi32>
    %add3A_332 = arith.addi %shift_left3A_328, %and3A_331 : vector<16xi32>
    %jit3A_333 = arith.constant 0 : i32
    %jit3A_334 = arith.constant 2 : i32
    %broadcast_in_dim3A_335 = vector.broadcast %jit3A_333 : i32 to vector<16xi32>
    %broadcast_in_dim3A_336 = vector.broadcast %jit3A_334 : i32 to vector<16xi32>
    %select_n3A_337 = arith.select %lt3A_296, %broadcast_in_dim3A_335, %broadcast_in_dim3A_336 : vector<16xi1>, vector<16xi32>
    %shift_left3A_338 = arith.constant 3 : i32
    %shift_left3A_339 = vector.broadcast %shift_left3A_338 : i32 to vector<16xi32>
    %shift_left3A_340 = arith.shli %select_n3A_337, %shift_left3A_339 : vector<16xi32>
    %add3A_341 = arith.addi %add3A_332, %shift_left3A_340 : vector<16xi32>
    %swap3A_342 = arith.constant 32 : index
    %swap3A_343 = tpu.vector_load %arg21[%swap3A_342] {strides = array<i32>} : memref<64xi32, #tpu.memory_space<vmem>>, vector<16xi32>,
    tpu.vector_store %arg21[%swap3A_342], %add3A_341 {strides = array<i32>} : memref<64xi32, #tpu.memory_space<vmem>>, vector<16xi32>,
    %jit3A_344 = arith.constant 1 : i32
    %jit3A_345 = arith.constant 3 : i32
    %broadcast_in_dim3A_346 = vector.broadcast %jit3A_344 : i32 to vector<16xi32>
    %broadcast_in_dim3A_347 = vector.broadcast %jit3A_345 : i32 to vector<16xi32>
    %select_n3A_348 = arith.select %lt3A_296, %broadcast_in_dim3A_346, %broadcast_in_dim3A_347 : vector<16xi1>, vector<16xi32>
    %shift_left3A_349 = arith.constant 3 : i32
    %shift_left3A_350 = vector.broadcast %shift_left3A_349 : i32 to vector<16xi32>
    %shift_left3A_351 = arith.shli %select_n3A_348, %shift_left3A_350 : vector<16xi32>
    %add3A_352 = arith.addi %add3A_332, %shift_left3A_351 : vector<16xi32>
    %swap3A_353 = arith.constant 32 : index
    %swap3A_354 = tpu.vector_load %arg27[%swap3A_353] {strides = array<i32>} : memref<64xi32, #tpu.memory_space<vmem>>, vector<16xi32>,
    tpu.vector_store %arg27[%swap3A_353], %add3A_352 {strides = array<i32>} : memref<64xi32, #tpu.memory_space<vmem>>, vector<16xi32>,
    %jit3A_355 = arith.constant 2 : i32
    %jit3A_356 = arith.constant 0 : i32
    %broadcast_in_dim3A_357 = vector.broadcast %jit3A_355 : i32 to vector<16xi32>
    %broadcast_in_dim3A_358 = vector.broadcast %jit3A_356 : i32 to vector<16xi32>
    %select_n3A_359 = arith.select %lt3A_296, %broadcast_in_dim3A_357, %broadcast_in_dim3A_358 : vector<16xi1>, vector<16xi32>
    %shift_left3A_360 = arith.constant 3 : i32
    %shift_left3A_361 = vector.broadcast %shift_left3A_360 : i32 to vector<16xi32>
    %shift_left3A_362 = arith.shli %select_n3A_359, %shift_left3A_361 : vector<16xi32>
    %add3A_363 = arith.addi %add3A_332, %shift_left3A_362 : vector<16xi32>
    %swap3A_364 = arith.constant 32 : index
    %swap3A_365 = tpu.vector_load %arg33[%swap3A_364] {strides = array<i32>} : memref<64xi32, #tpu.memory_space<vmem>>, vector<16xi32>,
    tpu.vector_store %arg33[%swap3A_364], %add3A_363 {strides = array<i32>} : memref<64xi32, #tpu.memory_space<vmem>>, vector<16xi32>,
    %jit3A_366 = arith.constant 3 : i32
    %jit3A_367 = arith.constant 1 : i32
    %broadcast_in_dim3A_368 = vector.broadcast %jit3A_366 : i32 to vector<16xi32>
    %broadcast_in_dim3A_369 = vector.broadcast %jit3A_367 : i32 to vector<16xi32>
    %select_n3A_370 = arith.select %lt3A_296, %broadcast_in_dim3A_368, %broadcast_in_dim3A_369 : vector<16xi1>, vector<16xi32>
    %shift_left3A_371 = arith.constant 3 : i32
    %shift_left3A_372 = vector.broadcast %shift_left3A_371 : i32 to vector<16xi32>
    %shift_left3A_373 = arith.shli %select_n3A_370, %shift_left3A_372 : vector<16xi32>
    %add3A_374 = arith.addi %add3A_332, %shift_left3A_373 : vector<16xi32>
    %swap3A_375 = arith.constant 32 : index
    %swap3A_376 = tpu.vector_load %arg39[%swap3A_375] {strides = array<i32>} : memref<64xi32, #tpu.memory_space<vmem>>, vector<16xi32>,
    tpu.vector_store %arg39[%swap3A_375], %add3A_374 {strides = array<i32>} : memref<64xi32, #tpu.memory_space<vmem>>, vector<16xi32>,
    %iota3A_377 = tpu.iota {dimensions = array<i32: 0>} : vector<16xi32>
    %add3A_378 = arith.constant 48 : i32
    %add3A_379 = vector.broadcast %add3A_378 : i32 to vector<16xi32>
    %add3A_380 = arith.addi %iota3A_377, %add3A_379 : vector<16xi32>
    %broadcast_in_dim3A_381 = arith.constant 5 : i32
    %broadcast_in_dim3A_382 = vector.broadcast %broadcast_in_dim3A_381 : i32 to vector<16xi32>
    %gather3A_383 = tpu.vector_load_idx %arg7[%add3A_380, %broadcast_in_dim3A_382] : memref<64x128xf32, #tpu.memory_space<vmem>>[vector<16xi32>, vector<16xi32>], vector<16xf32>,
    %gather3A_384 = tpu.vector_load_idx %arg13[%add3A_380, %broadcast_in_dim3A_382] : memref<64x128xf32, #tpu.memory_space<vmem>>[vector<16xi32>, vector<16xi32>], vector<16xf32>,
    %sub3A_385 = arith.subf %gather3A_383, %gather3A_384 : vector<16xf32>
    %add3A_386 = arith.addf %gather3A_383, %gather3A_384 : vector<16xf32>
    %sub3A_387 = arith.subf %add3A_386, %sub3A_385 : vector<16xf32>
    %max3A_388 = arith.constant 9.99999997E-7 : f32
    %max3A_389 = vector.broadcast %max3A_388 : f32 to vector<16xf32>
    %max3A_390 = arith.maximumf %sub3A_387, %max3A_389 : vector<16xf32>
    %sub3A_391 = arith.constant 0.000000e+00 : f32
    %sub3A_392 = vector.broadcast %sub3A_391 : f32 to vector<16xf32>
    %sub3A_393 = arith.subf %sub3A_392, %sub3A_385 : vector<16xf32>
    %div3A_394 = arith.divf %sub3A_393, %max3A_390 : vector<16xf32>
    %le3A_395 = arith.constant 0.000000e+00 : f32
    %le3A_396 = vector.broadcast %le3A_395 : f32 to vector<16xf32>
    %le3A_397 = arith.cmpf ole, %add3A_386, %le3A_396 : vector<16xf32>
    %gt3A_398 = arith.constant 0.000000e+00 : f32
    %gt3A_399 = vector.broadcast %gt3A_398 : f32 to vector<16xf32>
    %gt3A_400 = arith.cmpf ogt, %sub3A_385, %gt3A_399 : vector<16xf32>
    %jit3A_401 = arith.constant 0.000000e+00 : f32
    %broadcast_in_dim3A_402 = vector.broadcast %jit3A_401 : f32 to vector<16xf32>
    %select_n3A_403 = arith.select %gt3A_400, %broadcast_in_dim3A_402, %div3A_394 : vector<16xi1>, vector<16xf32>
    %jit3A_404 = arith.constant 1.000000e+00 : f32
    %broadcast_in_dim3A_405 = vector.broadcast %jit3A_404 : f32 to vector<16xf32>
    %select_n3A_406 = arith.select %le3A_397, %broadcast_in_dim3A_405, %select_n3A_403 : vector<16xi1>, vector<16xf32>
    %jit3A_407 = arith.constant 0.000000e+00 : f32
    %jit3A_408 = arith.constant 1.000000e+00 : f32
    %max3A_409 = vector.broadcast %jit3A_407 : f32 to vector<16xf32>
    %max3A_410 = arith.maximumf %max3A_409, %select_n3A_406 : vector<16xf32>
    %min3A_411 = vector.broadcast %jit3A_408 : f32 to vector<16xf32>
    %min3A_412 = arith.minimumf %min3A_411, %max3A_410 : vector<16xf32>
    %get3A_413 = arith.constant 48 : index
    %get3A_414 = tpu.vector_load %arg20[%get3A_413] {strides = array<i32>} : memref<512xf32, #tpu.memory_space<vmem>>, vector<16xf32>,
    %lt3A_415 = arith.cmpf olt, %get3A_414, %min3A_412 : vector<16xf32>
    %min3A_416 = arith.constant 0.000000e+00 : f32
    %min3A_417 = vector.broadcast %min3A_416 : f32 to vector<16xf32>
    %min3A_418 = arith.minimumf %add3A_386, %min3A_417 : vector<16xf32>
    %max3A_419 = arith.constant 0.000000e+00 : f32
    %max3A_420 = vector.broadcast %max3A_419 : f32 to vector<16xf32>
    %max3A_421 = arith.maximumf %sub3A_385, %max3A_420 : vector<16xf32>
    %add3A_422 = arith.addf %sub3A_385, %min3A_418 : vector<16xf32>
    %mul3A_423 = arith.constant 5.000000e-01 : f32
    %mul3A_424 = vector.broadcast %mul3A_423 : f32 to vector<16xf32>
    %mul3A_425 = arith.mulf %add3A_422, %mul3A_424 : vector<16xf32>
    %add3A_426 = arith.addf %max3A_421, %add3A_386 : vector<16xf32>
    %mul3A_427 = arith.constant 5.000000e-01 : f32
    %mul3A_428 = vector.broadcast %mul3A_427 : f32 to vector<16xf32>
    %mul3A_429 = arith.mulf %add3A_426, %mul3A_428 : vector<16xf32>
    %select_n3A_430 = arith.select %lt3A_415, %mul3A_425, %mul3A_429 : vector<16xi1>, vector<16xf32>
    %sub3A_431 = arith.subf %min3A_418, %sub3A_385 : vector<16xf32>
    %mul3A_432 = arith.constant 5.000000e-01 : f32
    %mul3A_433 = vector.broadcast %mul3A_432 : f32 to vector<16xf32>
    %mul3A_434 = arith.mulf %sub3A_431, %mul3A_433 : vector<16xf32>
    %sub3A_435 = arith.subf %add3A_386, %max3A_421 : vector<16xf32>
    %mul3A_436 = arith.constant 5.000000e-01 : f32
    %mul3A_437 = vector.broadcast %mul3A_436 : f32 to vector<16xf32>
    %mul3A_438 = arith.mulf %sub3A_435, %mul3A_437 : vector<16xf32>
    %select_n3A_439 = arith.select %lt3A_415, %mul3A_434, %mul3A_438 : vector<16xi1>, vector<16xf32>
    tpu.vector_store_idx %arg7[%add3A_380, %broadcast_in_dim3A_382], %select_n3A_430 : memref<64x128xf32, #tpu.memory_space<vmem>>[vector<16xi32>, vector<16xi32>], vector<16xf32>,
    tpu.vector_store_idx %arg13[%add3A_380, %broadcast_in_dim3A_382], %select_n3A_439 : memref<64x128xf32, #tpu.memory_space<vmem>>[vector<16xi32>, vector<16xi32>], vector<16xf32>,
    %add3A_440 = vector.broadcast %add3A_36 : i32 to vector<16xi32>
    %add3A_441 = arith.addi %add3A_380, %add3A_440 : vector<16xi32>
    %shift_right_arithmetic3A_442 = arith.constant 3 : i32
    %shift_right_arithmetic3A_443 = vector.broadcast %shift_right_arithmetic3A_442 : i32 to vector<16xi32>
    %shift_right_arithmetic3A_444 = arith.shrsi %add3A_441, %shift_right_arithmetic3A_443 : vector<16xi32>
    %shift_left3A_445 = arith.constant 5 : i32
    %shift_left3A_446 = vector.broadcast %shift_left3A_445 : i32 to vector<16xi32>
    %shift_left3A_447 = arith.shli %shift_right_arithmetic3A_444, %shift_left3A_446 : vector<16xi32>
    %and3A_448 = arith.constant 7 : i32
    %and3A_449 = vector.broadcast %and3A_448 : i32 to vector<16xi32>
    %and3A_450 = arith.andi %add3A_441, %and3A_449 : vector<16xi32>
    %add3A_451 = arith.addi %shift_left3A_447, %and3A_450 : vector<16xi32>
    %jit3A_452 = arith.constant 0 : i32
    %jit3A_453 = arith.constant 2 : i32
    %broadcast_in_dim3A_454 = vector.broadcast %jit3A_452 : i32 to vector<16xi32>
    %broadcast_in_dim3A_455 = vector.broadcast %jit3A_453 : i32 to vector<16xi32>
    %select_n3A_456 = arith.select %lt3A_415, %broadcast_in_dim3A_454, %broadcast_in_dim3A_455 : vector<16xi1>, vector<16xi32>
    %shift_left3A_457 = arith.constant 3 : i32
    %shift_left3A_458 = vector.broadcast %shift_left3A_457 : i32 to vector<16xi32>
    %shift_left3A_459 = arith.shli %select_n3A_456, %shift_left3A_458 : vector<16xi32>
    %add3A_460 = arith.addi %add3A_451, %shift_left3A_459 : vector<16xi32>
    %swap3A_461 = arith.constant 48 : index
    %swap3A_462 = tpu.vector_load %arg21[%swap3A_461] {strides = array<i32>} : memref<64xi32, #tpu.memory_space<vmem>>, vector<16xi32>,
    tpu.vector_store %arg21[%swap3A_461], %add3A_460 {strides = array<i32>} : memref<64xi32, #tpu.memory_space<vmem>>, vector<16xi32>,
    %jit3A_463 = arith.constant 1 : i32
    %jit3A_464 = arith.constant 3 : i32
    %broadcast_in_dim3A_465 = vector.broadcast %jit3A_463 : i32 to vector<16xi32>
    %broadcast_in_dim3A_466 = vector.broadcast %jit3A_464 : i32 to vector<16xi32>
    %select_n3A_467 = arith.select %lt3A_415, %broadcast_in_dim3A_465, %broadcast_in_dim3A_466 : vector<16xi1>, vector<16xi32>
    %shift_left3A_468 = arith.constant 3 : i32
    %shift_left3A_469 = vector.broadcast %shift_left3A_468 : i32 to vector<16xi32>
    %shift_left3A_470 = arith.shli %select_n3A_467, %shift_left3A_469 : vector<16xi32>
    %add3A_471 = arith.addi %add3A_451, %shift_left3A_470 : vector<16xi32>
    %swap3A_472 = arith.constant 48 : index
    %swap3A_473 = tpu.vector_load %arg27[%swap3A_472] {strides = array<i32>} : memref<64xi32, #tpu.memory_space<vmem>>, vector<16xi32>,
    tpu.vector_store %arg27[%swap3A_472], %add3A_471 {strides = array<i32>} : memref<64xi32, #tpu.memory_space<vmem>>, vector<16xi32>,
    %jit3A_474 = arith.constant 2 : i32
    %jit3A_475 = arith.constant 0 : i32
    %broadcast_in_dim3A_476 = vector.broadcast %jit3A_474 : i32 to vector<16xi32>
    %broadcast_in_dim3A_477 = vector.broadcast %jit3A_475 : i32 to vector<16xi32>
    %select_n3A_478 = arith.select %lt3A_415, %broadcast_in_dim3A_476, %broadcast_in_dim3A_477 : vector<16xi1>, vector<16xi32>
    %shift_left3A_479 = arith.constant 3 : i32
    %shift_left3A_480 = vector.broadcast %shift_left3A_479 : i32 to vector<16xi32>
    %shift_left3A_481 = arith.shli %select_n3A_478, %shift_left3A_480 : vector<16xi32>
    %add3A_482 = arith.addi %add3A_451, %shift_left3A_481 : vector<16xi32>
    %swap3A_483 = arith.constant 48 : index
    %swap3A_484 = tpu.vector_load %arg33[%swap3A_483] {strides = array<i32>} : memref<64xi32, #tpu.memory_space<vmem>>, vector<16xi32>,
    tpu.vector_store %arg33[%swap3A_483], %add3A_482 {strides = array<i32>} : memref<64xi32, #tpu.memory_space<vmem>>, vector<16xi32>,
    %jit3A_485 = arith.constant 3 : i32
    %jit3A_486 = arith.constant 1 : i32
    %broadcast_in_dim3A_487 = vector.broadcast %jit3A_485 : i32 to vector<16xi32>
    %broadcast_in_dim3A_488 = vector.broadcast %jit3A_486 : i32 to vector<16xi32>
    %select_n3A_489 = arith.select %lt3A_415, %broadcast_in_dim3A_487, %broadcast_in_dim3A_488 : vector<16xi1>, vector<16xi32>
    %shift_left3A_490 = arith.constant 3 : i32
    %shift_left3A_491 = vector.broadcast %shift_left3A_490 : i32 to vector<16xi32>
    %shift_left3A_492 = arith.shli %select_n3A_489, %shift_left3A_491 : vector<16xi32>
    %add3A_493 = arith.addi %add3A_451, %shift_left3A_492 : vector<16xi32>
    %swap3A_494 = arith.constant 48 : index
    %swap3A_495 = tpu.vector_load %arg39[%swap3A_494] {strides = array<i32>} : memref<64xi32, #tpu.memory_space<vmem>>, vector<16xi32>,
    tpu.vector_store %arg39[%swap3A_494], %add3A_493 {strides = array<i32>} : memref<64xi32, #tpu.memory_space<vmem>>, vector<16xi32>,
    %dma_start3A_496 = arith.constant 0 : i32
    %dma_start3A_497 = arith.constant 0 : i32
    %dma_start3A_498 = tpu.memref_slice %arg6[%dma_start3A_496, %dma_start3A_497] : memref<65536x128xf32, #tpu.memory_space<hbm>> -> memref<65536x128xf32, #tpu.memory_space<hbm>>
    tpu.enqueue_indirect_dma source(%arg7 : memref<64x128xf32, #tpu.memory_space<vmem>>) target(%dma_start3A_498 : memref<65536x128xf32, #tpu.memory_space<hbm>>) offsets(%arg21 : memref<64xi32, #tpu.memory_space<vmem>>) semaphore(%arg51 : memref<!tpu.dma_semaphore, #tpu.memory_space<semaphore_mem>>)
    %dma_start3A_499 = arith.constant 0 : i32
    %dma_start3A_500 = arith.constant 0 : i32
    %dma_start3A_501 = tpu.memref_slice %arg6[%dma_start3A_499, %dma_start3A_500] : memref<65536x128xf32, #tpu.memory_space<hbm>> -> memref<65536x128xf32, #tpu.memory_space<hbm>>
    tpu.enqueue_indirect_dma source(%arg13 : memref<64x128xf32, #tpu.memory_space<vmem>>) target(%dma_start3A_501 : memref<65536x128xf32, #tpu.memory_space<hbm>>) offsets(%arg27 : memref<64xi32, #tpu.memory_space<vmem>>) semaphore(%arg51 : memref<!tpu.dma_semaphore, #tpu.memory_space<semaphore_mem>>)
    %dma_start3A_502 = arith.constant 0 : i32
    %dma_start3A_503 = arith.constant 0 : i32
    %dma_start3A_504 = tpu.memref_slice %arg6[%dma_start3A_502, %dma_start3A_503] : memref<65536x128xf32, #tpu.memory_space<hbm>> -> memref<65536x128xf32, #tpu.memory_space<hbm>>
    tpu.enqueue_indirect_dma source(%arg19 : memref<64x128xf32, #tpu.memory_space<vmem>>) target(%dma_start3A_504 : memref<65536x128xf32, #tpu.memory_space<hbm>>) offsets(%arg33 : memref<64xi32, #tpu.memory_space<vmem>>) semaphore(%arg51 : memref<!tpu.dma_semaphore, #tpu.memory_space<semaphore_mem>>)
    %dma_start3A_505 = arith.constant 0 : i32
    %dma_start3A_506 = arith.constant 0 : i32
    %dma_start3A_507 = tpu.memref_slice %arg6[%dma_start3A_505, %dma_start3A_506] : memref<65536x128xf32, #tpu.memory_space<hbm>> -> memref<65536x128xf32, #tpu.memory_space<hbm>>
    tpu.enqueue_indirect_dma source(%arg19 : memref<64x128xf32, #tpu.memory_space<vmem>>) target(%dma_start3A_507 : memref<65536x128xf32, #tpu.memory_space<hbm>>) offsets(%arg39 : memref<64xi32, #tpu.memory_space<vmem>>) semaphore(%arg51 : memref<!tpu.dma_semaphore, #tpu.memory_space<semaphore_mem>>)
    %mul3A_508 = arith.constant 512 : i32
    %mul3A_509 = arith.muli %add3A, %mul3A_508 : i32
    %add3A_510 = arith.constant 128 : i32
    %add3A_511 = arith.addi %mul3A_509, %add3A_510 : i32
    %dma_start3A_512 = arith.constant 0 : i32
    %dma_start3A_513 = tpu.memref_slice %arg2[%add3A_511, %dma_start3A_512] : memref<16384x128xf32, #tpu.memory_space<hbm>> -> memref<64x128xf32, #tpu.memory_space<hbm>>
    %dma_start3A_514 = arith.constant 0 : i32
    %dma_start3A_515 = tpu.memref_slice %arg2[%add3A_511, %dma_start3A_514] : memref<16384x128xf32, #tpu.memory_space<hbm>> -> memref<64x128xf32, #tpu.memory_space<hbm>>
    tpu.enqueue_dma source(%dma_start3A_515 : memref<64x128xf32, #tpu.memory_space<hbm>>) target(%arg9 : memref<64x128xf32, #tpu.memory_space<vmem>>) target_semaphore(%arg47 : memref<!tpu.dma_semaphore, #tpu.memory_space<semaphore_mem>>)
    %dma_start3A_516 = arith.constant 0 : i32
    %dma_start3A_517 = tpu.memref_slice %arg3[%add3A_511, %dma_start3A_516] : memref<16384x128xf32, #tpu.memory_space<hbm>> -> memref<64x128xf32, #tpu.memory_space<hbm>>
    %dma_start3A_518 = arith.constant 0 : i32
    %dma_start3A_519 = tpu.memref_slice %arg3[%add3A_511, %dma_start3A_518] : memref<16384x128xf32, #tpu.memory_space<hbm>> -> memref<64x128xf32, #tpu.memory_space<hbm>>
    tpu.enqueue_dma source(%dma_start3A_519 : memref<64x128xf32, #tpu.memory_space<hbm>>) target(%arg15 : memref<64x128xf32, #tpu.memory_space<vmem>>) target_semaphore(%arg47 : memref<!tpu.dma_semaphore, #tpu.memory_space<semaphore_mem>>)
    %dma_wait3A_520 = arith.constant 0 : i32
    %dma_wait3A_521 = tpu.memref_slice %arg2[%add3A_17, %dma_wait3A_520] : memref<16384x128xf32, #tpu.memory_space<hbm>> -> memref<64x128xf32, #tpu.memory_space<hbm>>
    %dma_wait3A_522 = arith.constant 0 : i32
    %dma_wait3A_523 = tpu.memref_slice %arg2[%add3A_17, %dma_wait3A_522] : memref<16384x128xf32, #tpu.memory_space<hbm>> -> memref<64x128xf32, #tpu.memory_space<hbm>>
    tpu.wait_dma2 semaphore(%arg46 : memref<!tpu.dma_semaphore, #tpu.memory_space<semaphore_mem>>) src(%dma_wait3A_523 : memref<64x128xf32, #tpu.memory_space<hbm>>) dst(%arg8 : memref<64x128xf32, #tpu.memory_space<vmem>>)
    %dma_wait3A_524 = arith.constant 0 : i32
    %dma_wait3A_525 = tpu.memref_slice %arg3[%add3A_17, %dma_wait3A_524] : memref<16384x128xf32, #tpu.memory_space<hbm>> -> memref<64x128xf32, #tpu.memory_space<hbm>>
    %dma_wait3A_526 = arith.constant 0 : i32
    %dma_wait3A_527 = tpu.memref_slice %arg3[%add3A_17, %dma_wait3A_526] : memref<16384x128xf32, #tpu.memory_space<hbm>> -> memref<64x128xf32, #tpu.memory_space<hbm>>
    tpu.wait_dma2 semaphore(%arg46 : memref<!tpu.dma_semaphore, #tpu.memory_space<semaphore_mem>>) src(%dma_wait3A_527 : memref<64x128xf32, #tpu.memory_space<hbm>>) dst(%arg14 : memref<64x128xf32, #tpu.memory_space<vmem>>)
    %mul3A_528 = arith.constant 512 : i32
    %mul3A_529 = arith.muli %add3A, %mul3A_528 : i32
    %add3A_530 = arith.constant 64 : i32
    %add3A_531 = arith.addi %mul3A_529, %add3A_530 : i32
    %iota3A_532 = tpu.iota {dimensions = array<i32: 0>} : vector<16xi32>
    %add3A_533 = arith.constant 0 : i32
    %add3A_534 = vector.broadcast %add3A_533 : i32 to vector<16xi32>
    %add3A_535 = arith.addi %iota3A_532, %add3A_534 : vector<16xi32>
    %broadcast_in_dim3A_536 = arith.constant 5 : i32
    %broadcast_in_dim3A_537 = vector.broadcast %broadcast_in_dim3A_536 : i32 to vector<16xi32>
    %gather3A_538 = tpu.vector_load_idx %arg8[%add3A_535, %broadcast_in_dim3A_537] : memref<64x128xf32, #tpu.memory_space<vmem>>[vector<16xi32>, vector<16xi32>], vector<16xf32>,
    %gather3A_539 = tpu.vector_load_idx %arg14[%add3A_535, %broadcast_in_dim3A_537] : memref<64x128xf32, #tpu.memory_space<vmem>>[vector<16xi32>, vector<16xi32>], vector<16xf32>,
    %sub3A_540 = arith.subf %gather3A_538, %gather3A_539 : vector<16xf32>
    %add3A_541 = arith.addf %gather3A_538, %gather3A_539 : vector<16xf32>
    %sub3A_542 = arith.subf %add3A_541, %sub3A_540 : vector<16xf32>
    %max3A_543 = arith.constant 9.99999997E-7 : f32
    %max3A_544 = vector.broadcast %max3A_543 : f32 to vector<16xf32>
    %max3A_545 = arith.maximumf %sub3A_542, %max3A_544 : vector<16xf32>
    %sub3A_546 = arith.constant 0.000000e+00 : f32
    %sub3A_547 = vector.broadcast %sub3A_546 : f32 to vector<16xf32>
    %sub3A_548 = arith.subf %sub3A_547, %sub3A_540 : vector<16xf32>
    %div3A_549 = arith.divf %sub3A_548, %max3A_545 : vector<16xf32>
    %le3A_550 = arith.constant 0.000000e+00 : f32
    %le3A_551 = vector.broadcast %le3A_550 : f32 to vector<16xf32>
    %le3A_552 = arith.cmpf ole, %add3A_541, %le3A_551 : vector<16xf32>
    %gt3A_553 = arith.constant 0.000000e+00 : f32
    %gt3A_554 = vector.broadcast %gt3A_553 : f32 to vector<16xf32>
    %gt3A_555 = arith.cmpf ogt, %sub3A_540, %gt3A_554 : vector<16xf32>
    %jit3A_556 = arith.constant 0.000000e+00 : f32
    %broadcast_in_dim3A_557 = vector.broadcast %jit3A_556 : f32 to vector<16xf32>
    %select_n3A_558 = arith.select %gt3A_555, %broadcast_in_dim3A_557, %div3A_549 : vector<16xi1>, vector<16xf32>
    %jit3A_559 = arith.constant 1.000000e+00 : f32
    %broadcast_in_dim3A_560 = vector.broadcast %jit3A_559 : f32 to vector<16xf32>
    %select_n3A_561 = arith.select %le3A_552, %broadcast_in_dim3A_560, %select_n3A_558 : vector<16xi1>, vector<16xf32>
    %jit3A_562 = arith.constant 0.000000e+00 : f32
    %jit3A_563 = arith.constant 1.000000e+00 : f32
    %max3A_564 = vector.broadcast %jit3A_562 : f32 to vector<16xf32>
    %max3A_565 = arith.maximumf %max3A_564, %select_n3A_561 : vector<16xf32>
    %min3A_566 = vector.broadcast %jit3A_563 : f32 to vector<16xf32>
    %min3A_567 = arith.minimumf %min3A_566, %max3A_565 : vector<16xf32>
    %get3A_568 = arith.constant 64 : index
    %get3A_569 = tpu.vector_load %arg20[%get3A_568] {strides = array<i32>} : memref<512xf32, #tpu.memory_space<vmem>>, vector<16xf32>,
    %lt3A_570 = arith.cmpf olt, %get3A_569, %min3A_567 : vector<16xf32>
    %min3A_571 = arith.constant 0.000000e+00 : f32
    %min3A_572 = vector.broadcast %min3A_571 : f32 to vector<16xf32>
    %min3A_573 = arith.minimumf %add3A_541, %min3A_572 : vector<16xf32>
    %max3A_574 = arith.constant 0.000000e+00 : f32
    %max3A_575 = vector.broadcast %max3A_574 : f32 to vector<16xf32>
    %max3A_576 = arith.maximumf %sub3A_540, %max3A_575 : vector<16xf32>
    %add3A_577 = arith.addf %sub3A_540, %min3A_573 : vector<16xf32>
    %mul3A_578 = arith.constant 5.000000e-01 : f32
    %mul3A_579 = vector.broadcast %mul3A_578 : f32 to vector<16xf32>
    %mul3A_580 = arith.mulf %add3A_577, %mul3A_579 : vector<16xf32>
    %add3A_581 = arith.addf %max3A_576, %add3A_541 : vector<16xf32>
    %mul3A_582 = arith.constant 5.000000e-01 : f32
    %mul3A_583 = vector.broadcast %mul3A_582 : f32 to vector<16xf32>
    %mul3A_584 = arith.mulf %add3A_581, %mul3A_583 : vector<16xf32>
    %select_n3A_585 = arith.select %lt3A_570, %mul3A_580, %mul3A_584 : vector<16xi1>, vector<16xf32>
    %sub3A_586 = arith.subf %min3A_573, %sub3A_540 : vector<16xf32>
    %mul3A_587 = arith.constant 5.000000e-01 : f32
    %mul3A_588 = vector.broadcast %mul3A_587 : f32 to vector<16xf32>
    %mul3A_589 = arith.mulf %sub3A_586, %mul3A_588 : vector<16xf32>
    %sub3A_590 = arith.subf %add3A_541, %max3A_576 : vector<16xf32>
    %mul3A_591 = arith.constant 5.000000e-01 : f32
    %mul3A_592 = vector.broadcast %mul3A_591 : f32 to vector<16xf32>
    %mul3A_593 = arith.mulf %sub3A_590, %mul3A_592 : vector<16xf32>
    %select_n3A_594 = arith.select %lt3A_570, %mul3A_589, %mul3A_593 : vector<16xi1>, vector<16xf32>
    tpu.vector_store_idx %arg8[%add3A_535, %broadcast_in_dim3A_537], %select_n3A_585 : memref<64x128xf32, #tpu.memory_space<vmem>>[vector<16xi32>, vector<16xi32>], vector<16xf32>,
    tpu.vector_store_idx %arg14[%add3A_535, %broadcast_in_dim3A_537], %select_n3A_594 : memref<64x128xf32, #tpu.memory_space<vmem>>[vector<16xi32>, vector<16xi32>], vector<16xf32>,
    %add3A_595 = vector.broadcast %add3A_531 : i32 to vector<16xi32>
    %add3A_596 = arith.addi %add3A_535, %add3A_595 : vector<16xi32>
    %shift_right_arithmetic3A_597 = arith.constant 3 : i32
    %shift_right_arithmetic3A_598 = vector.broadcast %shift_right_arithmetic3A_597 : i32 to vector<16xi32>
    %shift_right_arithmetic3A_599 = arith.shrsi %add3A_596, %shift_right_arithmetic3A_598 : vector<16xi32>
    %shift_left3A_600 = arith.constant 5 : i32
    %shift_left3A_601 = vector.broadcast %shift_left3A_600 : i32 to vector<16xi32>
    %shift_left3A_602 = arith.shli %shift_right_arithmetic3A_599, %shift_left3A_601 : vector<16xi32>
    %and3A_603 = arith.constant 7 : i32
    %and3A_604 = vector.broadcast %and3A_603 : i32 to vector<16xi32>
    %and3A_605 = arith.andi %add3A_596, %and3A_604 : vector<16xi32>
    %add3A_606 = arith.addi %shift_left3A_602, %and3A_605 : vector<16xi32>
    %jit3A_607 = arith.constant 0 : i32
    %jit3A_608 = arith.constant 2 : i32
    %broadcast_in_dim3A_609 = vector.broadcast %jit3A_607 : i32 to vector<16xi32>
    %broadcast_in_dim3A_610 = vector.broadcast %jit3A_608 : i32 to vector<16xi32>
    %select_n3A_611 = arith.select %lt3A_570, %broadcast_in_dim3A_609, %broadcast_in_dim3A_610 : vector<16xi1>, vector<16xi32>
    %shift_left3A_612 = arith.constant 3 : i32
    %shift_left3A_613 = vector.broadcast %shift_left3A_612 : i32 to vector<16xi32>
    %shift_left3A_614 = arith.shli %select_n3A_611, %shift_left3A_613 : vector<16xi32>
    %add3A_615 = arith.addi %add3A_606, %shift_left3A_614 : vector<16xi32>
    %swap3A_616 = arith.constant 0 : index
    %swap3A_617 = tpu.vector_load %arg22[%swap3A_616] {strides = array<i32>} : memref<64xi32, #tpu.memory_space<vmem>>, vector<16xi32>,
    tpu.vector_store %arg22[%swap3A_616], %add3A_615 {strides = array<i32>} : memref<64xi32, #tpu.memory_space<vmem>>, vector<16xi32>,
    %jit3A_618 = arith.constant 1 : i32
    %jit3A_619 = arith.constant 3 : i32
    %broadcast_in_dim3A_620 = vector.broadcast %jit3A_618 : i32 to vector<16xi32>
    %broadcast_in_dim3A_621 = vector.broadcast %jit3A_619 : i32 to vector<16xi32>
    %select_n3A_622 = arith.select %lt3A_570, %broadcast_in_dim3A_620, %broadcast_in_dim3A_621 : vector<16xi1>, vector<16xi32>
    %shift_left3A_623 = arith.constant 3 : i32
    %shift_left3A_624 = vector.broadcast %shift_left3A_623 : i32 to vector<16xi32>
    %shift_left3A_625 = arith.shli %select_n3A_622, %shift_left3A_624 : vector<16xi32>
    %add3A_626 = arith.addi %add3A_606, %shift_left3A_625 : vector<16xi32>
    %swap3A_627 = arith.constant 0 : index
    %swap3A_628 = tpu.vector_load %arg28[%swap3A_627] {strides = array<i32>} : memref<64xi32, #tpu.memory_space<vmem>>, vector<16xi32>,
    tpu.vector_store %arg28[%swap3A_627], %add3A_626 {strides = array<i32>} : memref<64xi32, #tpu.memory_space<vmem>>, vector<16xi32>,
    %jit3A_629 = arith.constant 2 : i32
    %jit3A_630 = arith.constant 0 : i32
    %broadcast_in_dim3A_631 = vector.broadcast %jit3A_629 : i32 to vector<16xi32>
    %broadcast_in_dim3A_632 = vector.broadcast %jit3A_630 : i32 to vector<16xi32>
    %select_n3A_633 = arith.select %lt3A_570, %broadcast_in_dim3A_631, %broadcast_in_dim3A_632 : vector<16xi1>, vector<16xi32>
    %shift_left3A_634 = arith.constant 3 : i32
    %shift_left3A_635 = vector.broadcast %shift_left3A_634 : i32 to vector<16xi32>
    %shift_left3A_636 = arith.shli %select_n3A_633, %shift_left3A_635 : vector<16xi32>
    %add3A_637 = arith.addi %add3A_606, %shift_left3A_636 : vector<16xi32>
    %swap3A_638 = arith.constant 0 : index
    %swap3A_639 = tpu.vector_load %arg34[%swap3A_638] {strides = array<i32>} : memref<64xi32, #tpu.memory_space<vmem>>, vector<16xi32>,
    tpu.vector_store %arg34[%swap3A_638], %add3A_637 {strides = array<i32>} : memref<64xi32, #tpu.memory_space<vmem>>, vector<16xi32>,
    %jit3A_640 = arith.constant 3 : i32
    %jit3A_641 = arith.constant 1 : i32
    %broadcast_in_dim3A_642 = vector.broadcast %jit3A_640 : i32 to vector<16xi32>
    %broadcast_in_dim3A_643 = vector.broadcast %jit3A_641 : i32 to vector<16xi32>
    %select_n3A_644 = arith.select %lt3A_570, %broadcast_in_dim3A_642, %broadcast_in_dim3A_643 : vector<16xi1>, vector<16xi32>
    %shift_left3A_645 = arith.constant 3 : i32
    %shift_left3A_646 = vector.broadcast %shift_left3A_645 : i32 to vector<16xi32>
    %shift_left3A_647 = arith.shli %select_n3A_644, %shift_left3A_646 : vector<16xi32>
    %add3A_648 = arith.addi %add3A_606, %shift_left3A_647 : vector<16xi32>
    %swap3A_649 = arith.constant 0 : index
    %swap3A_650 = tpu.vector_load %arg40[%swap3A_649] {strides = array<i32>} : memref<64xi32, #tpu.memory_space<vmem>>, vector<16xi32>,
    tpu.vector_store %arg40[%swap3A_649], %add3A_648 {strides = array<i32>} : memref<64xi32, #tpu.memory_space<vmem>>, vector<16xi32>,
    %iota3A_651 = tpu.iota {dimensions = array<i32: 0>} : vector<16xi32>
    %add3A_652 = arith.constant 16 : i32
    %add3A_653 = vector.broadcast %add3A_652 : i32 to vector<16xi32>
    %add3A_654 = arith.addi %iota3A_651, %add3A_653 : vector<16xi32>
    %broadcast_in_dim3A_655 = arith.constant 5 : i32
    %broadcast_in_dim3A_656 = vector.broadcast %broadcast_in_dim3A_655 : i32 to vector<16xi32>
    %gather3A_657 = tpu.vector_load_idx %arg8[%add3A_654, %broadcast_in_dim3A_656] : memref<64x128xf32, #tpu.memory_space<vmem>>[vector<16xi32>, vector<16xi32>], vector<16xf32>,
    %gather3A_658 = tpu.vector_load_idx %arg14[%add3A_654, %broadcast_in_dim3A_656] : memref<64x128xf32, #tpu.memory_space<vmem>>[vector<16xi32>, vector<16xi32>], vector<16xf32>,
    %sub3A_659 = arith.subf %gather3A_657, %gather3A_658 : vector<16xf32>
    %add3A_660 = arith.addf %gather3A_657, %gather3A_658 : vector<16xf32>
    %sub3A_661 = arith.subf %add3A_660, %sub3A_659 : vector<16xf32>
    %max3A_662 = arith.constant 9.99999997E-7 : f32
    %max3A_663 = vector.broadcast %max3A_662 : f32 to vector<16xf32>
    %max3A_664 = arith.maximumf %sub3A_661, %max3A_663 : vector<16xf32>
    %sub3A_665 = arith.constant 0.000000e+00 : f32
    %sub3A_666 = vector.broadcast %sub3A_665 : f32 to vector<16xf32>
    %sub3A_667 = arith.subf %sub3A_666, %sub3A_659 : vector<16xf32>
    %div3A_668 = arith.divf %sub3A_667, %max3A_664 : vector<16xf32>
    %le3A_669 = arith.constant 0.000000e+00 : f32
    %le3A_670 = vector.broadcast %le3A_669 : f32 to vector<16xf32>
    %le3A_671 = arith.cmpf ole, %add3A_660, %le3A_670 : vector<16xf32>
    %gt3A_672 = arith.constant 0.000000e+00 : f32
    %gt3A_673 = vector.broadcast %gt3A_672 : f32 to vector<16xf32>
    %gt3A_674 = arith.cmpf ogt, %sub3A_659, %gt3A_673 : vector<16xf32>
    %jit3A_675 = arith.constant 0.000000e+00 : f32
    %broadcast_in_dim3A_676 = vector.broadcast %jit3A_675 : f32 to vector<16xf32>
    %select_n3A_677 = arith.select %gt3A_674, %broadcast_in_dim3A_676, %div3A_668 : vector<16xi1>, vector<16xf32>
    %jit3A_678 = arith.constant 1.000000e+00 : f32
    %broadcast_in_dim3A_679 = vector.broadcast %jit3A_678 : f32 to vector<16xf32>
    %select_n3A_680 = arith.select %le3A_671, %broadcast_in_dim3A_679, %select_n3A_677 : vector<16xi1>, vector<16xf32>
    %jit3A_681 = arith.constant 0.000000e+00 : f32
    %jit3A_682 = arith.constant 1.000000e+00 : f32
    %max3A_683 = vector.broadcast %jit3A_681 : f32 to vector<16xf32>
    %max3A_684 = arith.maximumf %max3A_683, %select_n3A_680 : vector<16xf32>
    %min3A_685 = vector.broadcast %jit3A_682 : f32 to vector<16xf32>
    %min3A_686 = arith.minimumf %min3A_685, %max3A_684 : vector<16xf32>
    %get3A_687 = arith.constant 80 : index
    %get3A_688 = tpu.vector_load %arg20[%get3A_687] {strides = array<i32>} : memref<512xf32, #tpu.memory_space<vmem>>, vector<16xf32>,
    %lt3A_689 = arith.cmpf olt, %get3A_688, %min3A_686 : vector<16xf32>
    %min3A_690 = arith.constant 0.000000e+00 : f32
    %min3A_691 = vector.broadcast %min3A_690 : f32 to vector<16xf32>
    %min3A_692 = arith.minimumf %add3A_660, %min3A_691 : vector<16xf32>
    %max3A_693 = arith.constant 0.000000e+00 : f32
    %max3A_694 = vector.broadcast %max3A_693 : f32 to vector<16xf32>
    %max3A_695 = arith.maximumf %sub3A_659, %max3A_694 : vector<16xf32>
    %add3A_696 = arith.addf %sub3A_659, %min3A_692 : vector<16xf32>
    %mul3A_697 = arith.constant 5.000000e-01 : f32
    %mul3A_698 = vector.broadcast %mul3A_697 : f32 to vector<16xf32>
    %mul3A_699 = arith.mulf %add3A_696, %mul3A_698 : vector<16xf32>
    %add3A_700 = arith.addf %max3A_695, %add3A_660 : vector<16xf32>
    %mul3A_701 = arith.constant 5.000000e-01 : f32
    %mul3A_702 = vector.broadcast %mul3A_701 : f32 to vector<16xf32>
    %mul3A_703 = arith.mulf %add3A_700, %mul3A_702 : vector<16xf32>
    %select_n3A_704 = arith.select %lt3A_689, %mul3A_699, %mul3A_703 : vector<16xi1>, vector<16xf32>
    %sub3A_705 = arith.subf %min3A_692, %sub3A_659 : vector<16xf32>
    %mul3A_706 = arith.constant 5.000000e-01 : f32
    %mul3A_707 = vector.broadcast %mul3A_706 : f32 to vector<16xf32>
    %mul3A_708 = arith.mulf %sub3A_705, %mul3A_707 : vector<16xf32>
    %sub3A_709 = arith.subf %add3A_660, %max3A_695 : vector<16xf32>
    %mul3A_710 = arith.constant 5.000000e-01 : f32
    %mul3A_711 = vector.broadcast %mul3A_710 : f32 to vector<16xf32>
    %mul3A_712 = arith.mulf %sub3A_709, %mul3A_711 : vector<16xf32>
    %select_n3A_713 = arith.select %lt3A_689, %mul3A_708, %mul3A_712 : vector<16xi1>, vector<16xf32>
    tpu.vector_store_idx %arg8[%add3A_654, %broadcast_in_dim3A_656], %select_n3A_704 : memref<64x128xf32, #tpu.memory_space<vmem>>[vector<16xi32>, vector<16xi32>], vector<16xf32>,
    tpu.vector_store_idx %arg14[%add3A_654, %broadcast_in_dim3A_656], %select_n3A_713 : memref<64x128xf32, #tpu.memory_space<vmem>>[vector<16xi32>, vector<16xi32>], vector<16xf32>,
    %add3A_714 = vector.broadcast %add3A_531 : i32 to vector<16xi32>
    %add3A_715 = arith.addi %add3A_654, %add3A_714 : vector<16xi32>
    %shift_right_arithmetic3A_716 = arith.constant 3 : i32
    %shift_right_arithmetic3A_717 = vector.broadcast %shift_right_arithmetic3A_716 : i32 to vector<16xi32>
    %shift_right_arithmetic3A_718 = arith.shrsi %add3A_715, %shift_right_arithmetic3A_717 : vector<16xi32>
    %shift_left3A_719 = arith.constant 5 : i32
    %shift_left3A_720 = vector.broadcast %shift_left3A_719 : i32 to vector<16xi32>
    %shift_left3A_721 = arith.shli %shift_right_arithmetic3A_718, %shift_left3A_720 : vector<16xi32>
    %and3A_722 = arith.constant 7 : i32
    %and3A_723 = vector.broadcast %and3A_722 : i32 to vector<16xi32>
    %and3A_724 = arith.andi %add3A_715, %and3A_723 : vector<16xi32>
    %add3A_725 = arith.addi %shift_left3A_721, %and3A_724 : vector<16xi32>
    %jit3A_726 = arith.constant 0 : i32
    %jit3A_727 = arith.constant 2 : i32
    %broadcast_in_dim3A_728 = vector.broadcast %jit3A_726 : i32 to vector<16xi32>
    %broadcast_in_dim3A_729 = vector.broadcast %jit3A_727 : i32 to vector<16xi32>
    %select_n3A_730 = arith.select %lt3A_689, %broadcast_in_dim3A_728, %broadcast_in_dim3A_729 : vector<16xi1>, vector<16xi32>
    %shift_left3A_731 = arith.constant 3 : i32
    %shift_left3A_732 = vector.broadcast %shift_left3A_731 : i32 to vector<16xi32>
    %shift_left3A_733 = arith.shli %select_n3A_730, %shift_left3A_732 : vector<16xi32>
    %add3A_734 = arith.addi %add3A_725, %shift_left3A_733 : vector<16xi32>
    %swap3A_735 = arith.constant 16 : index
    %swap3A_736 = tpu.vector_load %arg22[%swap3A_735] {strides = array<i32>} : memref<64xi32, #tpu.memory_space<vmem>>, vector<16xi32>,
    tpu.vector_store %arg22[%swap3A_735], %add3A_734 {strides = array<i32>} : memref<64xi32, #tpu.memory_space<vmem>>, vector<16xi32>,
    %jit3A_737 = arith.constant 1 : i32
    %jit3A_738 = arith.constant 3 : i32
    %broadcast_in_dim3A_739 = vector.broadcast %jit3A_737 : i32 to vector<16xi32>
    %broadcast_in_dim3A_740 = vector.broadcast %jit3A_738 : i32 to vector<16xi32>
    %select_n3A_741 = arith.select %lt3A_689, %broadcast_in_dim3A_739, %broadcast_in_dim3A_740 : vector<16xi1>, vector<16xi32>
    %shift_left3A_742 = arith.constant 3 : i32
    %shift_left3A_743 = vector.broadcast %shift_left3A_742 : i32 to vector<16xi32>
    %shift_left3A_744 = arith.shli %select_n3A_741, %shift_left3A_743 : vector<16xi32>
    %add3A_745 = arith.addi %add3A_725, %shift_left3A_744 : vector<16xi32>
    %swap3A_746 = arith.constant 16 : index
    %swap3A_747 = tpu.vector_load %arg28[%swap3A_746] {strides = array<i32>} : memref<64xi32, #tpu.memory_space<vmem>>, vector<16xi32>,
    tpu.vector_store %arg28[%swap3A_746], %add3A_745 {strides = array<i32>} : memref<64xi32, #tpu.memory_space<vmem>>, vector<16xi32>,
    %jit3A_748 = arith.constant 2 : i32
    %jit3A_749 = arith.constant 0 : i32
    %broadcast_in_dim3A_750 = vector.broadcast %jit3A_748 : i32 to vector<16xi32>
    %broadcast_in_dim3A_751 = vector.broadcast %jit3A_749 : i32 to vector<16xi32>
    %select_n3A_752 = arith.select %lt3A_689, %broadcast_in_dim3A_750, %broadcast_in_dim3A_751 : vector<16xi1>, vector<16xi32>
    %shift_left3A_753 = arith.constant 3 : i32
    %shift_left3A_754 = vector.broadcast %shift_left3A_753 : i32 to vector<16xi32>
    %shift_left3A_755 = arith.shli %select_n3A_752, %shift_left3A_754 : vector<16xi32>
    %add3A_756 = arith.addi %add3A_725, %shift_left3A_755 : vector<16xi32>
    %swap3A_757 = arith.constant 16 : index
    %swap3A_758 = tpu.vector_load %arg34[%swap3A_757] {strides = array<i32>} : memref<64xi32, #tpu.memory_space<vmem>>, vector<16xi32>,
    tpu.vector_store %arg34[%swap3A_757], %add3A_756 {strides = array<i32>} : memref<64xi32, #tpu.memory_space<vmem>>, vector<16xi32>,
    %jit3A_759 = arith.constant 3 : i32
    %jit3A_760 = arith.constant 1 : i32
    %broadcast_in_dim3A_761 = vector.broadcast %jit3A_759 : i32 to vector<16xi32>
    %broadcast_in_dim3A_762 = vector.broadcast %jit3A_760 : i32 to vector<16xi32>
    %select_n3A_763 = arith.select %lt3A_689, %broadcast_in_dim3A_761, %broadcast_in_dim3A_762 : vector<16xi1>, vector<16xi32>
    %shift_left3A_764 = arith.constant 3 : i32
    %shift_left3A_765 = vector.broadcast %shift_left3A_764 : i32 to vector<16xi32>
    %shift_left3A_766 = arith.shli %select_n3A_763, %shift_left3A_765 : vector<16xi32>
    %add3A_767 = arith.addi %add3A_725, %shift_left3A_766 : vector<16xi32>
    %swap3A_768 = arith.constant 16 : index
    %swap3A_769 = tpu.vector_load %arg40[%swap3A_768] {strides = array<i32>} : memref<64xi32, #tpu.memory_space<vmem>>, vector<16xi32>,
    tpu.vector_store %arg40[%swap3A_768], %add3A_767 {strides = array<i32>} : memref<64xi32, #tpu.memory_space<vmem>>, vector<16xi32>,
    %iota3A_770 = tpu.iota {dimensions = array<i32: 0>} : vector<16xi32>
    %add3A_771 = arith.constant 32 : i32
    %add3A_772 = vector.broadcast %add3A_771 : i32 to vector<16xi32>
    %add3A_773 = arith.addi %iota3A_770, %add3A_772 : vector<16xi32>
    %broadcast_in_dim3A_774 = arith.constant 5 : i32
    %broadcast_in_dim3A_775 = vector.broadcast %broadcast_in_dim3A_774 : i32 to vector<16xi32>
    %gather3A_776 = tpu.vector_load_idx %arg8[%add3A_773, %broadcast_in_dim3A_775] : memref<64x128xf32, #tpu.memory_space<vmem>>[vector<16xi32>, vector<16xi32>], vector<16xf32>,
    %gather3A_777 = tpu.vector_load_idx %arg14[%add3A_773, %broadcast_in_dim3A_775] : memref<64x128xf32, #tpu.memory_space<vmem>>[vector<16xi32>, vector<16xi32>], vector<16xf32>,
    %sub3A_778 = arith.subf %gather3A_776, %gather3A_777 : vector<16xf32>
    %add3A_779 = arith.addf %gather3A_776, %gather3A_777 : vector<16xf32>
    %sub3A_780 = arith.subf %add3A_779, %sub3A_778 : vector<16xf32>
    %max3A_781 = arith.constant 9.99999997E-7 : f32
    %max3A_782 = vector.broadcast %max3A_781 : f32 to vector<16xf32>
    %max3A_783 = arith.maximumf %sub3A_780, %max3A_782 : vector<16xf32>
    %sub3A_784 = arith.constant 0.000000e+00 : f32
    %sub3A_785 = vector.broadcast %sub3A_784 : f32 to vector<16xf32>
    %sub3A_786 = arith.subf %sub3A_785, %sub3A_778 : vector<16xf32>
    %div3A_787 = arith.divf %sub3A_786, %max3A_783 : vector<16xf32>
    %le3A_788 = arith.constant 0.000000e+00 : f32
    %le3A_789 = vector.broadcast %le3A_788 : f32 to vector<16xf32>
    %le3A_790 = arith.cmpf ole, %add3A_779, %le3A_789 : vector<16xf32>
    %gt3A_791 = arith.constant 0.000000e+00 : f32
    %gt3A_792 = vector.broadcast %gt3A_791 : f32 to vector<16xf32>
    %gt3A_793 = arith.cmpf ogt, %sub3A_778, %gt3A_792 : vector<16xf32>
    %jit3A_794 = arith.constant 0.000000e+00 : f32
    %broadcast_in_dim3A_795 = vector.broadcast %jit3A_794 : f32 to vector<16xf32>
    %select_n3A_796 = arith.select %gt3A_793, %broadcast_in_dim3A_795, %div3A_787 : vector<16xi1>, vector<16xf32>
    %jit3A_797 = arith.constant 1.000000e+00 : f32
    %broadcast_in_dim3A_798 = vector.broadcast %jit3A_797 : f32 to vector<16xf32>
    %select_n3A_799 = arith.select %le3A_790, %broadcast_in_dim3A_798, %select_n3A_796 : vector<16xi1>, vector<16xf32>
    %jit3A_800 = arith.constant 0.000000e+00 : f32
    %jit3A_801 = arith.constant 1.000000e+00 : f32
    %max3A_802 = vector.broadcast %jit3A_800 : f32 to vector<16xf32>
    %max3A_803 = arith.maximumf %max3A_802, %select_n3A_799 : vector<16xf32>
    %min3A_804 = vector.broadcast %jit3A_801 : f32 to vector<16xf32>
    %min3A_805 = arith.minimumf %min3A_804, %max3A_803 : vector<16xf32>
    %get3A_806 = arith.constant 96 : index
    %get3A_807 = tpu.vector_load %arg20[%get3A_806] {strides = array<i32>} : memref<512xf32, #tpu.memory_space<vmem>>, vector<16xf32>,
    %lt3A_808 = arith.cmpf olt, %get3A_807, %min3A_805 : vector<16xf32>
    %min3A_809 = arith.constant 0.000000e+00 : f32
    %min3A_810 = vector.broadcast %min3A_809 : f32 to vector<16xf32>
    %min3A_811 = arith.minimumf %add3A_779, %min3A_810 : vector<16xf32>
    %max3A_812 = arith.constant 0.000000e+00 : f32
    %max3A_813 = vector.broadcast %max3A_812 : f32 to vector<16xf32>
    %max3A_814 = arith.maximumf %sub3A_778, %max3A_813 : vector<16xf32>
    %add3A_815 = arith.addf %sub3A_778, %min3A_811 : vector<16xf32>
    %mul3A_816 = arith.constant 5.000000e-01 : f32
    %mul3A_817 = vector.broadcast %mul3A_816 : f32 to vector<16xf32>
    %mul3A_818 = arith.mulf %add3A_815, %mul3A_817 : vector<16xf32>
    %add3A_819 = arith.addf %max3A_814, %add3A_779 : vector<16xf32>
    %mul3A_820 = arith.constant 5.000000e-01 : f32
    %mul3A_821 = vector.broadcast %mul3A_820 : f32 to vector<16xf32>
    %mul3A_822 = arith.mulf %add3A_819, %mul3A_821 : vector<16xf32>
    %select_n3A_823 = arith.select %lt3A_808, %mul3A_818, %mul3A_822 : vector<16xi1>, vector<16xf32>
    %sub3A_824 = arith.subf %min3A_811, %sub3A_778 : vector<16xf32>
    %mul3A_825 = arith.constant 5.000000e-01 : f32
    %mul3A_826 = vector.broadcast %mul3A_825 : f32 to vector<16xf32>
    %mul3A_827 = arith.mulf %sub3A_824, %mul3A_826 : vector<16xf32>
    %sub3A_828 = arith.subf %add3A_779, %max3A_814 : vector<16xf32>
    %mul3A_829 = arith.constant 5.000000e-01 : f32
    %mul3A_830 = vector.broadcast %mul3A_829 : f32 to vector<16xf32>
    %mul3A_831 = arith.mulf %sub3A_828, %mul3A_830 : vector<16xf32>
    %select_n3A_832 = arith.select %lt3A_808, %mul3A_827, %mul3A_831 : vector<16xi1>, vector<16xf32>
    tpu.vector_store_idx %arg8[%add3A_773, %broadcast_in_dim3A_775], %select_n3A_823 : memref<64x128xf32, #tpu.memory_space<vmem>>[vector<16xi32>, vector<16xi32>], vector<16xf32>,
    tpu.vector_store_idx %arg14[%add3A_773, %broadcast_in_dim3A_775], %select_n3A_832 : memref<64x128xf32, #tpu.memory_space<vmem>>[vector<16xi32>, vector<16xi32>], vector<16xf32>,
    %add3A_833 = vector.broadcast %add3A_531 : i32 to vector<16xi32>
    %add3A_834 = arith.addi %add3A_773, %add3A_833 : vector<16xi32>
    %shift_right_arithmetic3A_835 = arith.constant 3 : i32
    %shift_right_arithmetic3A_836 = vector.broadcast %shift_right_arithmetic3A_835 : i32 to vector<16xi32>
    %shift_right_arithmetic3A_837 = arith.shrsi %add3A_834, %shift_right_arithmetic3A_836 : vector<16xi32>
    %shift_left3A_838 = arith.constant 5 : i32
    %shift_left3A_839 = vector.broadcast %shift_left3A_838 : i32 to vector<16xi32>
    %shift_left3A_840 = arith.shli %shift_right_arithmetic3A_837, %shift_left3A_839 : vector<16xi32>
    %and3A_841 = arith.constant 7 : i32
    %and3A_842 = vector.broadcast %and3A_841 : i32 to vector<16xi32>
    %and3A_843 = arith.andi %add3A_834, %and3A_842 : vector<16xi32>
    %add3A_844 = arith.addi %shift_left3A_840, %and3A_843 : vector<16xi32>
    %jit3A_845 = arith.constant 0 : i32
    %jit3A_846 = arith.constant 2 : i32
    %broadcast_in_dim3A_847 = vector.broadcast %jit3A_845 : i32 to vector<16xi32>
    %broadcast_in_dim3A_848 = vector.broadcast %jit3A_846 : i32 to vector<16xi32>
    %select_n3A_849 = arith.select %lt3A_808, %broadcast_in_dim3A_847, %broadcast_in_dim3A_848 : vector<16xi1>, vector<16xi32>
    %shift_left3A_850 = arith.constant 3 : i32
    %shift_left3A_851 = vector.broadcast %shift_left3A_850 : i32 to vector<16xi32>
    %shift_left3A_852 = arith.shli %select_n3A_849, %shift_left3A_851 : vector<16xi32>
    %add3A_853 = arith.addi %add3A_844, %shift_left3A_852 : vector<16xi32>
    %swap3A_854 = arith.constant 32 : index
    %swap3A_855 = tpu.vector_load %arg22[%swap3A_854] {strides = array<i32>} : memref<64xi32, #tpu.memory_space<vmem>>, vector<16xi32>,
    tpu.vector_store %arg22[%swap3A_854], %add3A_853 {strides = array<i32>} : memref<64xi32, #tpu.memory_space<vmem>>, vector<16xi32>,
    %jit3A_856 = arith.constant 1 : i32
    %jit3A_857 = arith.constant 3 : i32
    %broadcast_in_dim3A_858 = vector.broadcast %jit3A_856 : i32 to vector<16xi32>
    %broadcast_in_dim3A_859 = vector.broadcast %jit3A_857 : i32 to vector<16xi32>
    %select_n3A_860 = arith.select %lt3A_808, %broadcast_in_dim3A_858, %broadcast_in_dim3A_859 : vector<16xi1>, vector<16xi32>
    %shift_left3A_861 = arith.constant 3 : i32
    %shift_left3A_862 = vector.broadcast %shift_left3A_861 : i32 to vector<16xi32>
    %shift_left3A_863 = arith.shli %select_n3A_860, %shift_left3A_862 : vector<16xi32>
    %add3A_864 = arith.addi %add3A_844, %shift_left3A_863 : vector<16xi32>
    %swap3A_865 = arith.constant 32 : index
    %swap3A_866 = tpu.vector_load %arg28[%swap3A_865] {strides = array<i32>} : memref<64xi32, #tpu.memory_space<vmem>>, vector<16xi32>,
    tpu.vector_store %arg28[%swap3A_865], %add3A_864 {strides = array<i32>} : memref<64xi32, #tpu.memory_space<vmem>>, vector<16xi32>,
    %jit3A_867 = arith.constant 2 : i32
    %jit3A_868 = arith.constant 0 : i32
    %broadcast_in_dim3A_869 = vector.broadcast %jit3A_867 : i32 to vector<16xi32>
    %broadcast_in_dim3A_870 = vector.broadcast %jit3A_868 : i32 to vector<16xi32>
    %select_n3A_871 = arith.select %lt3A_808, %broadcast_in_dim3A_869, %broadcast_in_dim3A_870 : vector<16xi1>, vector<16xi32>
    %shift_left3A_872 = arith.constant 3 : i32
    %shift_left3A_873 = vector.broadcast %shift_left3A_872 : i32 to vector<16xi32>
    %shift_left3A_874 = arith.shli %select_n3A_871, %shift_left3A_873 : vector<16xi32>
    %add3A_875 = arith.addi %add3A_844, %shift_left3A_874 : vector<16xi32>
    %swap3A_876 = arith.constant 32 : index
    %swap3A_877 = tpu.vector_load %arg34[%swap3A_876] {strides = array<i32>} : memref<64xi32, #tpu.memory_space<vmem>>, vector<16xi32>,
    tpu.vector_store %arg34[%swap3A_876], %add3A_875 {strides = array<i32>} : memref<64xi32, #tpu.memory_space<vmem>>, vector<16xi32>,
    %jit3A_878 = arith.constant 3 : i32
    %jit3A_879 = arith.constant 1 : i32
    %broadcast_in_dim3A_880 = vector.broadcast %jit3A_878 : i32 to vector<16xi32>
    %broadcast_in_dim3A_881 = vector.broadcast %jit3A_879 : i32 to vector<16xi32>
    %select_n3A_882 = arith.select %lt3A_808, %broadcast_in_dim3A_880, %broadcast_in_dim3A_881 : vector<16xi1>, vector<16xi32>
    %shift_left3A_883 = arith.constant 3 : i32
    %shift_left3A_884 = vector.broadcast %shift_left3A_883 : i32 to vector<16xi32>
    %shift_left3A_885 = arith.shli %select_n3A_882, %shift_left3A_884 : vector<16xi32>
    %add3A_886 = arith.addi %add3A_844, %shift_left3A_885 : vector<16xi32>
    %swap3A_887 = arith.constant 32 : index
    %swap3A_888 = tpu.vector_load %arg40[%swap3A_887] {strides = array<i32>} : memref<64xi32, #tpu.memory_space<vmem>>, vector<16xi32>,
    tpu.vector_store %arg40[%swap3A_887], %add3A_886 {strides = array<i32>} : memref<64xi32, #tpu.memory_space<vmem>>, vector<16xi32>,
    %iota3A_889 = tpu.iota {dimensions = array<i32: 0>} : vector<16xi32>
    %add3A_890 = arith.constant 48 : i32
    %add3A_891 = vector.broadcast %add3A_890 : i32 to vector<16xi32>
    %add3A_892 = arith.addi %iota3A_889, %add3A_891 : vector<16xi32>
    %broadcast_in_dim3A_893 = arith.constant 5 : i32
    %broadcast_in_dim3A_894 = vector.broadcast %broadcast_in_dim3A_893 : i32 to vector<16xi32>
    %gather3A_895 = tpu.vector_load_idx %arg8[%add3A_892, %broadcast_in_dim3A_894] : memref<64x128xf32, #tpu.memory_space<vmem>>[vector<16xi32>, vector<16xi32>], vector<16xf32>,
    %gather3A_896 = tpu.vector_load_idx %arg14[%add3A_892, %broadcast_in_dim3A_894] : memref<64x128xf32, #tpu.memory_space<vmem>>[vector<16xi32>, vector<16xi32>], vector<16xf32>,
    %sub3A_897 = arith.subf %gather3A_895, %gather3A_896 : vector<16xf32>
    %add3A_898 = arith.addf %gather3A_895, %gather3A_896 : vector<16xf32>
    %sub3A_899 = arith.subf %add3A_898, %sub3A_897 : vector<16xf32>
    %max3A_900 = arith.constant 9.99999997E-7 : f32
    %max3A_901 = vector.broadcast %max3A_900 : f32 to vector<16xf32>
    %max3A_902 = arith.maximumf %sub3A_899, %max3A_901 : vector<16xf32>
    %sub3A_903 = arith.constant 0.000000e+00 : f32
    %sub3A_904 = vector.broadcast %sub3A_903 : f32 to vector<16xf32>
    %sub3A_905 = arith.subf %sub3A_904, %sub3A_897 : vector<16xf32>
    %div3A_906 = arith.divf %sub3A_905, %max3A_902 : vector<16xf32>
    %le3A_907 = arith.constant 0.000000e+00 : f32
    %le3A_908 = vector.broadcast %le3A_907 : f32 to vector<16xf32>
    %le3A_909 = arith.cmpf ole, %add3A_898, %le3A_908 : vector<16xf32>
    %gt3A_910 = arith.constant 0.000000e+00 : f32
    %gt3A_911 = vector.broadcast %gt3A_910 : f32 to vector<16xf32>
    %gt3A_912 = arith.cmpf ogt, %sub3A_897, %gt3A_911 : vector<16xf32>
    %jit3A_913 = arith.constant 0.000000e+00 : f32
    %broadcast_in_dim3A_914 = vector.broadcast %jit3A_913 : f32 to vector<16xf32>
    %select_n3A_915 = arith.select %gt3A_912, %broadcast_in_dim3A_914, %div3A_906 : vector<16xi1>, vector<16xf32>
    %jit3A_916 = arith.constant 1.000000e+00 : f32
    %broadcast_in_dim3A_917 = vector.broadcast %jit3A_916 : f32 to vector<16xf32>
    %select_n3A_918 = arith.select %le3A_909, %broadcast_in_dim3A_917, %select_n3A_915 : vector<16xi1>, vector<16xf32>
    %jit3A_919 = arith.constant 0.000000e+00 : f32
    %jit3A_920 = arith.constant 1.000000e+00 : f32
    %max3A_921 = vector.broadcast %jit3A_919 : f32 to vector<16xf32>
    %max3A_922 = arith.maximumf %max3A_921, %select_n3A_918 : vector<16xf32>
    %min3A_923 = vector.broadcast %jit3A_920 : f32 to vector<16xf32>
    %min3A_924 = arith.minimumf %min3A_923, %max3A_922 : vector<16xf32>
    %get3A_925 = arith.constant 112 : index
    %get3A_926 = tpu.vector_load %arg20[%get3A_925] {strides = array<i32>} : memref<512xf32, #tpu.memory_space<vmem>>, vector<16xf32>,
    %lt3A_927 = arith.cmpf olt, %get3A_926, %min3A_924 : vector<16xf32>
    %min3A_928 = arith.constant 0.000000e+00 : f32
    %min3A_929 = vector.broadcast %min3A_928 : f32 to vector<16xf32>
    %min3A_930 = arith.minimumf %add3A_898, %min3A_929 : vector<16xf32>
    %max3A_931 = arith.constant 0.000000e+00 : f32
    %max3A_932 = vector.broadcast %max3A_931 : f32 to vector<16xf32>
    %max3A_933 = arith.maximumf %sub3A_897, %max3A_932 : vector<16xf32>
    %add3A_934 = arith.addf %sub3A_897, %min3A_930 : vector<16xf32>
    %mul3A_935 = arith.constant 5.000000e-01 : f32
    %mul3A_936 = vector.broadcast %mul3A_935 : f32 to vector<16xf32>
    %mul3A_937 = arith.mulf %add3A_934, %mul3A_936 : vector<16xf32>
    %add3A_938 = arith.addf %max3A_933, %add3A_898 : vector<16xf32>
    %mul3A_939 = arith.constant 5.000000e-01 : f32
    %mul3A_940 = vector.broadcast %mul3A_939 : f32 to vector<16xf32>
    %mul3A_941 = arith.mulf %add3A_938, %mul3A_940 : vector<16xf32>
    %select_n3A_942 = arith.select %lt3A_927, %mul3A_937, %mul3A_941 : vector<16xi1>, vector<16xf32>
    %sub3A_943 = arith.subf %min3A_930, %sub3A_897 : vector<16xf32>
    %mul3A_944 = arith.constant 5.000000e-01 : f32
    %mul3A_945 = vector.broadcast %mul3A_944 : f32 to vector<16xf32>
    %mul3A_946 = arith.mulf %sub3A_943, %mul3A_945 : vector<16xf32>
    %sub3A_947 = arith.subf %add3A_898, %max3A_933 : vector<16xf32>
    %mul3A_948 = arith.constant 5.000000e-01 : f32
    %mul3A_949 = vector.broadcast %mul3A_948 : f32 to vector<16xf32>
    %mul3A_950 = arith.mulf %sub3A_947, %mul3A_949 : vector<16xf32>
    %select_n3A_951 = arith.select %lt3A_927, %mul3A_946, %mul3A_950 : vector<16xi1>, vector<16xf32>
    tpu.vector_store_idx %arg8[%add3A_892, %broadcast_in_dim3A_894], %select_n3A_942 : memref<64x128xf32, #tpu.memory_space<vmem>>[vector<16xi32>, vector<16xi32>], vector<16xf32>,
    tpu.vector_store_idx %arg14[%add3A_892, %broadcast_in_dim3A_894], %select_n3A_951 : memref<64x128xf32, #tpu.memory_space<vmem>>[vector<16xi32>, vector<16xi32>], vector<16xf32>,
    %add3A_952 = vector.broadcast %add3A_531 : i32 to vector<16xi32>
    %add3A_953 = arith.addi %add3A_892, %add3A_952 : vector<16xi32>
    %shift_right_arithmetic3A_954 = arith.constant 3 : i32
    %shift_right_arithmetic3A_955 = vector.broadcast %shift_right_arithmetic3A_954 : i32 to vector<16xi32>
    %shift_right_arithmetic3A_956 = arith.shrsi %add3A_953, %shift_right_arithmetic3A_955 : vector<16xi32>
    %shift_left3A_957 = arith.constant 5 : i32
    %shift_left3A_958 = vector.broadcast %shift_left3A_957 : i32 to vector<16xi32>
    %shift_left3A_959 = arith.shli %shift_right_arithmetic3A_956, %shift_left3A_958 : vector<16xi32>
    %and3A_960 = arith.constant 7 : i32
    %and3A_961 = vector.broadcast %and3A_960 : i32 to vector<16xi32>
    %and3A_962 = arith.andi %add3A_953, %and3A_961 : vector<16xi32>
    %add3A_963 = arith.addi %shift_left3A_959, %and3A_962 : vector<16xi32>
    %jit3A_964 = arith.constant 0 : i32
    %jit3A_965 = arith.constant 2 : i32
    %broadcast_in_dim3A_966 = vector.broadcast %jit3A_964 : i32 to vector<16xi32>
    %broadcast_in_dim3A_967 = vector.broadcast %jit3A_965 : i32 to vector<16xi32>
    %select_n3A_968 = arith.select %lt3A_927, %broadcast_in_dim3A_966, %broadcast_in_dim3A_967 : vector<16xi1>, vector<16xi32>
    %shift_left3A_969 = arith.constant 3 : i32
    %shift_left3A_970 = vector.broadcast %shift_left3A_969 : i32 to vector<16xi32>
    %shift_left3A_971 = arith.shli %select_n3A_968, %shift_left3A_970 : vector<16xi32>
    %add3A_972 = arith.addi %add3A_963, %shift_left3A_971 : vector<16xi32>
    %swap3A_973 = arith.constant 48 : index
    %swap3A_974 = tpu.vector_load %arg22[%swap3A_973] {strides = array<i32>} : memref<64xi32, #tpu.memory_space<vmem>>, vector<16xi32>,
    tpu.vector_store %arg22[%swap3A_973], %add3A_972 {strides = array<i32>} : memref<64xi32, #tpu.memory_space<vmem>>, vector<16xi32>,
    %jit3A_975 = arith.constant 1 : i32
    %jit3A_976 = arith.constant 3 : i32
    %broadcast_in_dim3A_977 = vector.broadcast %jit3A_975 : i32 to vector<16xi32>
    %broadcast_in_dim3A_978 = vector.broadcast %jit3A_976 : i32 to vector<16xi32>
    %select_n3A_979 = arith.select %lt3A_927, %broadcast_in_dim3A_977, %broadcast_in_dim3A_978 : vector<16xi1>, vector<16xi32>
    %shift_left3A_980 = arith.constant 3 : i32
    %shift_left3A_981 = vector.broadcast %shift_left3A_980 : i32 to vector<16xi32>
    %shift_left3A_982 = arith.shli %select_n3A_979, %shift_left3A_981 : vector<16xi32>
    %add3A_983 = arith.addi %add3A_963, %shift_left3A_982 : vector<16xi32>
    %swap3A_984 = arith.constant 48 : index
    %swap3A_985 = tpu.vector_load %arg28[%swap3A_984] {strides = array<i32>} : memref<64xi32, #tpu.memory_space<vmem>>, vector<16xi32>,
    tpu.vector_store %arg28[%swap3A_984], %add3A_983 {strides = array<i32>} : memref<64xi32, #tpu.memory_space<vmem>>, vector<16xi32>,
    %jit3A_986 = arith.constant 2 : i32
    %jit3A_987 = arith.constant 0 : i32
    %broadcast_in_dim3A_988 = vector.broadcast %jit3A_986 : i32 to vector<16xi32>
    %broadcast_in_dim3A_989 = vector.broadcast %jit3A_987 : i32 to vector<16xi32>
    %select_n3A_990 = arith.select %lt3A_927, %broadcast_in_dim3A_988, %broadcast_in_dim3A_989 : vector<16xi1>, vector<16xi32>
    %shift_left3A_991 = arith.constant 3 : i32
    %shift_left3A_992 = vector.broadcast %shift_left3A_991 : i32 to vector<16xi32>
    %shift_left3A_993 = arith.shli %select_n3A_990, %shift_left3A_992 : vector<16xi32>
    %add3A_994 = arith.addi %add3A_963, %shift_left3A_993 : vector<16xi32>
    %swap3A_995 = arith.constant 48 : index
    %swap3A_996 = tpu.vector_load %arg34[%swap3A_995] {strides = array<i32>} : memref<64xi32, #tpu.memory_space<vmem>>, vector<16xi32>,
    tpu.vector_store %arg34[%swap3A_995], %add3A_994 {strides = array<i32>} : memref<64xi32, #tpu.memory_space<vmem>>, vector<16xi32>,
    %jit3A_997 = arith.constant 3 : i32
    %jit3A_998 = arith.constant 1 : i32
    %broadcast_in_dim3A_999 = vector.broadcast %jit3A_997 : i32 to vector<16xi32>
    %broadcast_in_dim3A_1000 = vector.broadcast %jit3A_998 : i32 to vector<16xi32>
    %select_n3A_1001 = arith.select %lt3A_927, %broadcast_in_dim3A_999, %broadcast_in_dim3A_1000 : vector<16xi1>, vector<16xi32>
    %shift_left3A_1002 = arith.constant 3 : i32
    %shift_left3A_1003 = vector.broadcast %shift_left3A_1002 : i32 to vector<16xi32>
    %shift_left3A_1004 = arith.shli %select_n3A_1001, %shift_left3A_1003 : vector<16xi32>
    %add3A_1005 = arith.addi %add3A_963, %shift_left3A_1004 : vector<16xi32>
    %swap3A_1006 = arith.constant 48 : index
    %swap3A_1007 = tpu.vector_load %arg40[%swap3A_1006] {strides = array<i32>} : memref<64xi32, #tpu.memory_space<vmem>>, vector<16xi32>,
    tpu.vector_store %arg40[%swap3A_1006], %add3A_1005 {strides = array<i32>} : memref<64xi32, #tpu.memory_space<vmem>>, vector<16xi32>,
    %dma_start3A_1008 = arith.constant 0 : i32
    %dma_start3A_1009 = arith.constant 0 : i32
    %dma_start3A_1010 = tpu.memref_slice %arg6[%dma_start3A_1008, %dma_start3A_1009] : memref<65536x128xf32, #tpu.memory_space<hbm>> -> memref<65536x128xf32, #tpu.memory_space<hbm>>
    tpu.enqueue_indirect_dma source(%arg8 : memref<64x128xf32, #tpu.memory_space<vmem>>) target(%dma_start3A_1010 : memref<65536x128xf32, #tpu.memory_space<hbm>>) offsets(%arg22 : memref<64xi32, #tpu.memory_space<vmem>>) semaphore(%arg52 : memref<!tpu.dma_semaphore, #tpu.memory_space<semaphore_mem>>)
    %dma_start3A_1011 = arith.constant 0 : i32
    %dma_start3A_1012 = arith.constant 0 : i32
    %dma_start3A_1013 = tpu.memref_slice %arg6[%dma_start3A_1011, %dma_start3A_1012] : memref<65536x128xf32, #tpu.memory_space<hbm>> -> memref<65536x128xf32, #tpu.memory_space<hbm>>
    tpu.enqueue_indirect_dma source(%arg14 : memref<64x128xf32, #tpu.memory_space<vmem>>) target(%dma_start3A_1013 : memref<65536x128xf32, #tpu.memory_space<hbm>>) offsets(%arg28 : memref<64xi32, #tpu.memory_space<vmem>>) semaphore(%arg52 : memref<!tpu.dma_semaphore, #tpu.memory_space<semaphore_mem>>)
    %dma_start3A_1014 = arith.constant 0 : i32
    %dma_start3A_1015 = arith.constant 0 : i32
    %dma_start3A_1016 = tpu.memref_slice %arg6[%dma_start3A_1014, %dma_start3A_1015] : memref<65536x128xf32, #tpu.memory_space<hbm>> -> memref<65536x128xf32, #tpu.memory_space<hbm>>
    tpu.enqueue_indirect_dma source(%arg19 : memref<64x128xf32, #tpu.memory_space<vmem>>) target(%dma_start3A_1016 : memref<65536x128xf32, #tpu.memory_space<hbm>>) offsets(%arg34 : memref<64xi32, #tpu.memory_space<vmem>>) semaphore(%arg52 : memref<!tpu.dma_semaphore, #tpu.memory_space<semaphore_mem>>)
    %dma_start3A_1017 = arith.constant 0 : i32
    %dma_start3A_1018 = arith.constant 0 : i32
    %dma_start3A_1019 = tpu.memref_slice %arg6[%dma_start3A_1017, %dma_start3A_1018] : memref<65536x128xf32, #tpu.memory_space<hbm>> -> memref<65536x128xf32, #tpu.memory_space<hbm>>
    tpu.enqueue_indirect_dma source(%arg19 : memref<64x128xf32, #tpu.memory_space<vmem>>) target(%dma_start3A_1019 : memref<65536x128xf32, #tpu.memory_space<hbm>>) offsets(%arg40 : memref<64xi32, #tpu.memory_space<vmem>>) semaphore(%arg52 : memref<!tpu.dma_semaphore, #tpu.memory_space<semaphore_mem>>)
    %mul3A_1020 = arith.constant 512 : i32
    %mul3A_1021 = arith.muli %add3A, %mul3A_1020 : i32
    %add3A_1022 = arith.constant 192 : i32
    %add3A_1023 = arith.addi %mul3A_1021, %add3A_1022 : i32
    %dma_start3A_1024 = arith.constant 0 : i32
    %dma_start3A_1025 = tpu.memref_slice %arg2[%add3A_1023, %dma_start3A_1024] : memref<16384x128xf32, #tpu.memory_space<hbm>> -> memref<64x128xf32, #tpu.memory_space<hbm>>
    %dma_start3A_1026 = arith.constant 0 : i32
    %dma_start3A_1027 = tpu.memref_slice %arg2[%add3A_1023, %dma_start3A_1026] : memref<16384x128xf32, #tpu.memory_space<hbm>> -> memref<64x128xf32, #tpu.memory_space<hbm>>
    tpu.enqueue_dma source(%dma_start3A_1027 : memref<64x128xf32, #tpu.memory_space<hbm>>) target(%arg10 : memref<64x128xf32, #tpu.memory_space<vmem>>) target_semaphore(%arg48 : memref<!tpu.dma_semaphore, #tpu.memory_space<semaphore_mem>>)
    %dma_start3A_1028 = arith.constant 0 : i32
    %dma_start3A_1029 = tpu.memref_slice %arg3[%add3A_1023, %dma_start3A_1028] : memref<16384x128xf32, #tpu.memory_space<hbm>> -> memref<64x128xf32, #tpu.memory_space<hbm>>
    %dma_start3A_1030 = arith.constant 0 : i32
    %dma_start3A_1031 = tpu.memref_slice %arg3[%add3A_1023, %dma_start3A_1030] : memref<16384x128xf32, #tpu.memory_space<hbm>> -> memref<64x128xf32, #tpu.memory_space<hbm>>
    tpu.enqueue_dma source(%dma_start3A_1031 : memref<64x128xf32, #tpu.memory_space<hbm>>) target(%arg16 : memref<64x128xf32, #tpu.memory_space<vmem>>) target_semaphore(%arg48 : memref<!tpu.dma_semaphore, #tpu.memory_space<semaphore_mem>>)
    %dma_wait3A_1032 = arith.constant 0 : i32
    %dma_wait3A_1033 = tpu.memref_slice %arg2[%add3A_511, %dma_wait3A_1032] : memref<16384x128xf32, #tpu.memory_space<hbm>> -> memref<64x128xf32, #tpu.memory_space<hbm>>
    %dma_wait3A_1034 = arith.constant 0 : i32
    %dma_wait3A_1035 = tpu.memref_slice %arg2[%add3A_511, %dma_wait3A_1034] : memref<16384x128xf32, #tpu.memory_space<hbm>> -> memref<64x128xf32, #tpu.memory_space<hbm>>
    tpu.wait_dma2 semaphore(%arg47 : memref<!tpu.dma_semaphore, #tpu.memory_space<semaphore_mem>>) src(%dma_wait3A_1035 : memref<64x128xf32, #tpu.memory_space<hbm>>) dst(%arg9 : memref<64x128xf32, #tpu.memory_space<vmem>>)
    %dma_wait3A_1036 = arith.constant 0 : i32
    %dma_wait3A_1037 = tpu.memref_slice %arg3[%add3A_511, %dma_wait3A_1036] : memref<16384x128xf32, #tpu.memory_space<hbm>> -> memref<64x128xf32, #tpu.memory_space<hbm>>
    %dma_wait3A_1038 = arith.constant 0 : i32
    %dma_wait3A_1039 = tpu.memref_slice %arg3[%add3A_511, %dma_wait3A_1038] : memref<16384x128xf32, #tpu.memory_space<hbm>> -> memref<64x128xf32, #tpu.memory_space<hbm>>
    tpu.wait_dma2 semaphore(%arg47 : memref<!tpu.dma_semaphore, #tpu.memory_space<semaphore_mem>>) src(%dma_wait3A_1039 : memref<64x128xf32, #tpu.memory_space<hbm>>) dst(%arg15 : memref<64x128xf32, #tpu.memory_space<vmem>>)
    %mul3A_1040 = arith.constant 512 : i32
    %mul3A_1041 = arith.muli %add3A, %mul3A_1040 : i32
    %add3A_1042 = arith.constant 128 : i32
    %add3A_1043 = arith.addi %mul3A_1041, %add3A_1042 : i32
    %iota3A_1044 = tpu.iota {dimensions = array<i32: 0>} : vector<16xi32>
    %add3A_1045 = arith.constant 0 : i32
    %add3A_1046 = vector.broadcast %add3A_1045 : i32 to vector<16xi32>
    %add3A_1047 = arith.addi %iota3A_1044, %add3A_1046 : vector<16xi32>
    %broadcast_in_dim3A_1048 = arith.constant 5 : i32
    %broadcast_in_dim3A_1049 = vector.broadcast %broadcast_in_dim3A_1048 : i32 to vector<16xi32>
    %gather3A_1050 = tpu.vector_load_idx %arg9[%add3A_1047, %broadcast_in_dim3A_1049] : memref<64x128xf32, #tpu.memory_space<vmem>>[vector<16xi32>, vector<16xi32>], vector<16xf32>,
    %gather3A_1051 = tpu.vector_load_idx %arg15[%add3A_1047, %broadcast_in_dim3A_1049] : memref<64x128xf32, #tpu.memory_space<vmem>>[vector<16xi32>, vector<16xi32>], vector<16xf32>,
    %sub3A_1052 = arith.subf %gather3A_1050, %gather3A_1051 : vector<16xf32>
    %add3A_1053 = arith.addf %gather3A_1050, %gather3A_1051 : vector<16xf32>
    %sub3A_1054 = arith.subf %add3A_1053, %sub3A_1052 : vector<16xf32>
    %max3A_1055 = arith.constant 9.99999997E-7 : f32
    %max3A_1056 = vector.broadcast %max3A_1055 : f32 to vector<16xf32>
    %max3A_1057 = arith.maximumf %sub3A_1054, %max3A_1056 : vector<16xf32>
    %sub3A_1058 = arith.constant 0.000000e+00 : f32
    %sub3A_1059 = vector.broadcast %sub3A_1058 : f32 to vector<16xf32>
    %sub3A_1060 = arith.subf %sub3A_1059, %sub3A_1052 : vector<16xf32>
    %div3A_1061 = arith.divf %sub3A_1060, %max3A_1057 : vector<16xf32>
    %le3A_1062 = arith.constant 0.000000e+00 : f32
    %le3A_1063 = vector.broadcast %le3A_1062 : f32 to vector<16xf32>
    %le3A_1064 = arith.cmpf ole, %add3A_1053, %le3A_1063 : vector<16xf32>
    %gt3A_1065 = arith.constant 0.000000e+00 : f32
    %gt3A_1066 = vector.broadcast %gt3A_1065 : f32 to vector<16xf32>
    %gt3A_1067 = arith.cmpf ogt, %sub3A_1052, %gt3A_1066 : vector<16xf32>
    %jit3A_1068 = arith.constant 0.000000e+00 : f32
    %broadcast_in_dim3A_1069 = vector.broadcast %jit3A_1068 : f32 to vector<16xf32>
    %select_n3A_1070 = arith.select %gt3A_1067, %broadcast_in_dim3A_1069, %div3A_1061 : vector<16xi1>, vector<16xf32>
    %jit3A_1071 = arith.constant 1.000000e+00 : f32
    %broadcast_in_dim3A_1072 = vector.broadcast %jit3A_1071 : f32 to vector<16xf32>
    %select_n3A_1073 = arith.select %le3A_1064, %broadcast_in_dim3A_1072, %select_n3A_1070 : vector<16xi1>, vector<16xf32>
    %jit3A_1074 = arith.constant 0.000000e+00 : f32
    %jit3A_1075 = arith.constant 1.000000e+00 : f32
    %max3A_1076 = vector.broadcast %jit3A_1074 : f32 to vector<16xf32>
    %max3A_1077 = arith.maximumf %max3A_1076, %select_n3A_1073 : vector<16xf32>
    %min3A_1078 = vector.broadcast %jit3A_1075 : f32 to vector<16xf32>
    %min3A_1079 = arith.minimumf %min3A_1078, %max3A_1077 : vector<16xf32>
    %get3A_1080 = arith.constant 128 : index
    %get3A_1081 = tpu.vector_load %arg20[%get3A_1080] {strides = array<i32>} : memref<512xf32, #tpu.memory_space<vmem>>, vector<16xf32>,
    %lt3A_1082 = arith.cmpf olt, %get3A_1081, %min3A_1079 : vector<16xf32>
    %min3A_1083 = arith.constant 0.000000e+00 : f32
    %min3A_1084 = vector.broadcast %min3A_1083 : f32 to vector<16xf32>
    %min3A_1085 = arith.minimumf %add3A_1053, %min3A_1084 : vector<16xf32>
    %max3A_1086 = arith.constant 0.000000e+00 : f32
    %max3A_1087 = vector.broadcast %max3A_1086 : f32 to vector<16xf32>
    %max3A_1088 = arith.maximumf %sub3A_1052, %max3A_1087 : vector<16xf32>
    %add3A_1089 = arith.addf %sub3A_1052, %min3A_1085 : vector<16xf32>
    %mul3A_1090 = arith.constant 5.000000e-01 : f32
    %mul3A_1091 = vector.broadcast %mul3A_1090 : f32 to vector<16xf32>
    %mul3A_1092 = arith.mulf %add3A_1089, %mul3A_1091 : vector<16xf32>
    %add3A_1093 = arith.addf %max3A_1088, %add3A_1053 : vector<16xf32>
    %mul3A_1094 = arith.constant 5.000000e-01 : f32
    %mul3A_1095 = vector.broadcast %mul3A_1094 : f32 to vector<16xf32>
    %mul3A_1096 = arith.mulf %add3A_1093, %mul3A_1095 : vector<16xf32>
    %select_n3A_1097 = arith.select %lt3A_1082, %mul3A_1092, %mul3A_1096 : vector<16xi1>, vector<16xf32>
    %sub3A_1098 = arith.subf %min3A_1085, %sub3A_1052 : vector<16xf32>
    %mul3A_1099 = arith.constant 5.000000e-01 : f32
    %mul3A_1100 = vector.broadcast %mul3A_1099 : f32 to vector<16xf32>
    %mul3A_1101 = arith.mulf %sub3A_1098, %mul3A_1100 : vector<16xf32>
    %sub3A_1102 = arith.subf %add3A_1053, %max3A_1088 : vector<16xf32>
    %mul3A_1103 = arith.constant 5.000000e-01 : f32
    %mul3A_1104 = vector.broadcast %mul3A_1103 : f32 to vector<16xf32>
    %mul3A_1105 = arith.mulf %sub3A_1102, %mul3A_1104 : vector<16xf32>
    %select_n3A_1106 = arith.select %lt3A_1082, %mul3A_1101, %mul3A_1105 : vector<16xi1>, vector<16xf32>
    tpu.vector_store_idx %arg9[%add3A_1047, %broadcast_in_dim3A_1049], %select_n3A_1097 : memref<64x128xf32, #tpu.memory_space<vmem>>[vector<16xi32>, vector<16xi32>], vector<16xf32>,
    tpu.vector_store_idx %arg15[%add3A_1047, %broadcast_in_dim3A_1049], %select_n3A_1106 : memref<64x128xf32, #tpu.memory_space<vmem>>[vector<16xi32>, vector<16xi32>], vector<16xf32>,
    %add3A_1107 = vector.broadcast %add3A_1043 : i32 to vector<16xi32>
    %add3A_1108 = arith.addi %add3A_1047, %add3A_1107 : vector<16xi32>
    %shift_right_arithmetic3A_1109 = arith.constant 3 : i32
    %shift_right_arithmetic3A_1110 = vector.broadcast %shift_right_arithmetic3A_1109 : i32 to vector<16xi32>
    %shift_right_arithmetic3A_1111 = arith.shrsi %add3A_1108, %shift_right_arithmetic3A_1110 : vector<16xi32>
    %shift_left3A_1112 = arith.constant 5 : i32
    %shift_left3A_1113 = vector.broadcast %shift_left3A_1112 : i32 to vector<16xi32>
    %shift_left3A_1114 = arith.shli %shift_right_arithmetic3A_1111, %shift_left3A_1113 : vector<16xi32>
    %and3A_1115 = arith.constant 7 : i32
    %and3A_1116 = vector.broadcast %and3A_1115 : i32 to vector<16xi32>
    %and3A_1117 = arith.andi %add3A_1108, %and3A_1116 : vector<16xi32>
    %add3A_1118 = arith.addi %shift_left3A_1114, %and3A_1117 : vector<16xi32>
    %jit3A_1119 = arith.constant 0 : i32
    %jit3A_1120 = arith.constant 2 : i32
    %broadcast_in_dim3A_1121 = vector.broadcast %jit3A_1119 : i32 to vector<16xi32>
    %broadcast_in_dim3A_1122 = vector.broadcast %jit3A_1120 : i32 to vector<16xi32>
    %select_n3A_1123 = arith.select %lt3A_1082, %broadcast_in_dim3A_1121, %broadcast_in_dim3A_1122 : vector<16xi1>, vector<16xi32>
    %shift_left3A_1124 = arith.constant 3 : i32
    %shift_left3A_1125 = vector.broadcast %shift_left3A_1124 : i32 to vector<16xi32>
    %shift_left3A_1126 = arith.shli %select_n3A_1123, %shift_left3A_1125 : vector<16xi32>
    %add3A_1127 = arith.addi %add3A_1118, %shift_left3A_1126 : vector<16xi32>
    %swap3A_1128 = arith.constant 0 : index
    %swap3A_1129 = tpu.vector_load %arg23[%swap3A_1128] {strides = array<i32>} : memref<64xi32, #tpu.memory_space<vmem>>, vector<16xi32>,
    tpu.vector_store %arg23[%swap3A_1128], %add3A_1127 {strides = array<i32>} : memref<64xi32, #tpu.memory_space<vmem>>, vector<16xi32>,
    %jit3A_1130 = arith.constant 1 : i32
    %jit3A_1131 = arith.constant 3 : i32
    %broadcast_in_dim3A_1132 = vector.broadcast %jit3A_1130 : i32 to vector<16xi32>
    %broadcast_in_dim3A_1133 = vector.broadcast %jit3A_1131 : i32 to vector<16xi32>
    %select_n3A_1134 = arith.select %lt3A_1082, %broadcast_in_dim3A_1132, %broadcast_in_dim3A_1133 : vector<16xi1>, vector<16xi32>
    %shift_left3A_1135 = arith.constant 3 : i32
    %shift_left3A_1136 = vector.broadcast %shift_left3A_1135 : i32 to vector<16xi32>
    %shift_left3A_1137 = arith.shli %select_n3A_1134, %shift_left3A_1136 : vector<16xi32>
    %add3A_1138 = arith.addi %add3A_1118, %shift_left3A_1137 : vector<16xi32>
    %swap3A_1139 = arith.constant 0 : index
    %swap3A_1140 = tpu.vector_load %arg29[%swap3A_1139] {strides = array<i32>} : memref<64xi32, #tpu.memory_space<vmem>>, vector<16xi32>,
    tpu.vector_store %arg29[%swap3A_1139], %add3A_1138 {strides = array<i32>} : memref<64xi32, #tpu.memory_space<vmem>>, vector<16xi32>,
    %jit3A_1141 = arith.constant 2 : i32
    %jit3A_1142 = arith.constant 0 : i32
    %broadcast_in_dim3A_1143 = vector.broadcast %jit3A_1141 : i32 to vector<16xi32>
    %broadcast_in_dim3A_1144 = vector.broadcast %jit3A_1142 : i32 to vector<16xi32>
    %select_n3A_1145 = arith.select %lt3A_1082, %broadcast_in_dim3A_1143, %broadcast_in_dim3A_1144 : vector<16xi1>, vector<16xi32>
    %shift_left3A_1146 = arith.constant 3 : i32
    %shift_left3A_1147 = vector.broadcast %shift_left3A_1146 : i32 to vector<16xi32>
    %shift_left3A_1148 = arith.shli %select_n3A_1145, %shift_left3A_1147 : vector<16xi32>
    %add3A_1149 = arith.addi %add3A_1118, %shift_left3A_1148 : vector<16xi32>
    %swap3A_1150 = arith.constant 0 : index
    %swap3A_1151 = tpu.vector_load %arg35[%swap3A_1150] {strides = array<i32>} : memref<64xi32, #tpu.memory_space<vmem>>, vector<16xi32>,
    tpu.vector_store %arg35[%swap3A_1150], %add3A_1149 {strides = array<i32>} : memref<64xi32, #tpu.memory_space<vmem>>, vector<16xi32>,
    %jit3A_1152 = arith.constant 3 : i32
    %jit3A_1153 = arith.constant 1 : i32
    %broadcast_in_dim3A_1154 = vector.broadcast %jit3A_1152 : i32 to vector<16xi32>
    %broadcast_in_dim3A_1155 = vector.broadcast %jit3A_1153 : i32 to vector<16xi32>
    %select_n3A_1156 = arith.select %lt3A_1082, %broadcast_in_dim3A_1154, %broadcast_in_dim3A_1155 : vector<16xi1>, vector<16xi32>
    %shift_left3A_1157 = arith.constant 3 : i32
    %shift_left3A_1158 = vector.broadcast %shift_left3A_1157 : i32 to vector<16xi32>
    %shift_left3A_1159 = arith.shli %select_n3A_1156, %shift_left3A_1158 : vector<16xi32>
    %add3A_1160 = arith.addi %add3A_1118, %shift_left3A_1159 : vector<16xi32>
    %swap3A_1161 = arith.constant 0 : index
    %swap3A_1162 = tpu.vector_load %arg41[%swap3A_1161] {strides = array<i32>} : memref<64xi32, #tpu.memory_space<vmem>>, vector<16xi32>,
    tpu.vector_store %arg41[%swap3A_1161], %add3A_1160 {strides = array<i32>} : memref<64xi32, #tpu.memory_space<vmem>>, vector<16xi32>,
    %iota3A_1163 = tpu.iota {dimensions = array<i32: 0>} : vector<16xi32>
    %add3A_1164 = arith.constant 16 : i32
    %add3A_1165 = vector.broadcast %add3A_1164 : i32 to vector<16xi32>
    %add3A_1166 = arith.addi %iota3A_1163, %add3A_1165 : vector<16xi32>
    %broadcast_in_dim3A_1167 = arith.constant 5 : i32
    %broadcast_in_dim3A_1168 = vector.broadcast %broadcast_in_dim3A_1167 : i32 to vector<16xi32>
    %gather3A_1169 = tpu.vector_load_idx %arg9[%add3A_1166, %broadcast_in_dim3A_1168] : memref<64x128xf32, #tpu.memory_space<vmem>>[vector<16xi32>, vector<16xi32>], vector<16xf32>,
    %gather3A_1170 = tpu.vector_load_idx %arg15[%add3A_1166, %broadcast_in_dim3A_1168] : memref<64x128xf32, #tpu.memory_space<vmem>>[vector<16xi32>, vector<16xi32>], vector<16xf32>,
    %sub3A_1171 = arith.subf %gather3A_1169, %gather3A_1170 : vector<16xf32>
    %add3A_1172 = arith.addf %gather3A_1169, %gather3A_1170 : vector<16xf32>
    %sub3A_1173 = arith.subf %add3A_1172, %sub3A_1171 : vector<16xf32>
    %max3A_1174 = arith.constant 9.99999997E-7 : f32
    %max3A_1175 = vector.broadcast %max3A_1174 : f32 to vector<16xf32>
    %max3A_1176 = arith.maximumf %sub3A_1173, %max3A_1175 : vector<16xf32>
    %sub3A_1177 = arith.constant 0.000000e+00 : f32
    %sub3A_1178 = vector.broadcast %sub3A_1177 : f32 to vector<16xf32>
    %sub3A_1179 = arith.subf %sub3A_1178, %sub3A_1171 : vector<16xf32>
    %div3A_1180 = arith.divf %sub3A_1179, %max3A_1176 : vector<16xf32>
    %le3A_1181 = arith.constant 0.000000e+00 : f32
    %le3A_1182 = vector.broadcast %le3A_1181 : f32 to vector<16xf32>
    %le3A_1183 = arith.cmpf ole, %add3A_1172, %le3A_1182 : vector<16xf32>
    %gt3A_1184 = arith.constant 0.000000e+00 : f32
    %gt3A_1185 = vector.broadcast %gt3A_1184 : f32 to vector<16xf32>
    %gt3A_1186 = arith.cmpf ogt, %sub3A_1171, %gt3A_1185 : vector<16xf32>
    %jit3A_1187 = arith.constant 0.000000e+00 : f32
    %broadcast_in_dim3A_1188 = vector.broadcast %jit3A_1187 : f32 to vector<16xf32>
    %select_n3A_1189 = arith.select %gt3A_1186, %broadcast_in_dim3A_1188, %div3A_1180 : vector<16xi1>, vector<16xf32>
    %jit3A_1190 = arith.constant 1.000000e+00 : f32
    %broadcast_in_dim3A_1191 = vector.broadcast %jit3A_1190 : f32 to vector<16xf32>
    %select_n3A_1192 = arith.select %le3A_1183, %broadcast_in_dim3A_1191, %select_n3A_1189 : vector<16xi1>, vector<16xf32>
    %jit3A_1193 = arith.constant 0.000000e+00 : f32
    %jit3A_1194 = arith.constant 1.000000e+00 : f32
    %max3A_1195 = vector.broadcast %jit3A_1193 : f32 to vector<16xf32>
    %max3A_1196 = arith.maximumf %max3A_1195, %select_n3A_1192 : vector<16xf32>
    %min3A_1197 = vector.broadcast %jit3A_1194 : f32 to vector<16xf32>
    %min3A_1198 = arith.minimumf %min3A_1197, %max3A_1196 : vector<16xf32>
    %get3A_1199 = arith.constant 144 : index
    %get3A_1200 = tpu.vector_load %arg20[%get3A_1199] {strides = array<i32>} : memref<512xf32, #tpu.memory_space<vmem>>, vector<16xf32>,
    %lt3A_1201 = arith.cmpf olt, %get3A_1200, %min3A_1198 : vector<16xf32>
    %min3A_1202 = arith.constant 0.000000e+00 : f32
    %min3A_1203 = vector.broadcast %min3A_1202 : f32 to vector<16xf32>
    %min3A_1204 = arith.minimumf %add3A_1172, %min3A_1203 : vector<16xf32>
    %max3A_1205 = arith.constant 0.000000e+00 : f32
    %max3A_1206 = vector.broadcast %max3A_1205 : f32 to vector<16xf32>
    %max3A_1207 = arith.maximumf %sub3A_1171, %max3A_1206 : vector<16xf32>
    %add3A_1208 = arith.addf %sub3A_1171, %min3A_1204 : vector<16xf32>
    %mul3A_1209 = arith.constant 5.000000e-01 : f32
    %mul3A_1210 = vector.broadcast %mul3A_1209 : f32 to vector<16xf32>
    %mul3A_1211 = arith.mulf %add3A_1208, %mul3A_1210 : vector<16xf32>
    %add3A_1212 = arith.addf %max3A_1207, %add3A_1172 : vector<16xf32>
    %mul3A_1213 = arith.constant 5.000000e-01 : f32
    %mul3A_1214 = vector.broadcast %mul3A_1213 : f32 to vector<16xf32>
    %mul3A_1215 = arith.mulf %add3A_1212, %mul3A_1214 : vector<16xf32>
    %select_n3A_1216 = arith.select %lt3A_1201, %mul3A_1211, %mul3A_1215 : vector<16xi1>, vector<16xf32>
    %sub3A_1217 = arith.subf %min3A_1204, %sub3A_1171 : vector<16xf32>
    %mul3A_1218 = arith.constant 5.000000e-01 : f32
    %mul3A_1219 = vector.broadcast %mul3A_1218 : f32 to vector<16xf32>
    %mul3A_1220 = arith.mulf %sub3A_1217, %mul3A_1219 : vector<16xf32>
    %sub3A_1221 = arith.subf %add3A_1172, %max3A_1207 : vector<16xf32>
    %mul3A_1222 = arith.constant 5.000000e-01 : f32
    %mul3A_1223 = vector.broadcast %mul3A_1222 : f32 to vector<16xf32>
    %mul3A_1224 = arith.mulf %sub3A_1221, %mul3A_1223 : vector<16xf32>
    %select_n3A_1225 = arith.select %lt3A_1201, %mul3A_1220, %mul3A_1224 : vector<16xi1>, vector<16xf32>
    tpu.vector_store_idx %arg9[%add3A_1166, %broadcast_in_dim3A_1168], %select_n3A_1216 : memref<64x128xf32, #tpu.memory_space<vmem>>[vector<16xi32>, vector<16xi32>], vector<16xf32>,
    tpu.vector_store_idx %arg15[%add3A_1166, %broadcast_in_dim3A_1168], %select_n3A_1225 : memref<64x128xf32, #tpu.memory_space<vmem>>[vector<16xi32>, vector<16xi32>], vector<16xf32>,
    %add3A_1226 = vector.broadcast %add3A_1043 : i32 to vector<16xi32>
    %add3A_1227 = arith.addi %add3A_1166, %add3A_1226 : vector<16xi32>
    %shift_right_arithmetic3A_1228 = arith.constant 3 : i32
    %shift_right_arithmetic3A_1229 = vector.broadcast %shift_right_arithmetic3A_1228 : i32 to vector<16xi32>
    %shift_right_arithmetic3A_1230 = arith.shrsi %add3A_1227, %shift_right_arithmetic3A_1229 : vector<16xi32>
    %shift_left3A_1231 = arith.constant 5 : i32
    %shift_left3A_1232 = vector.broadcast %shift_left3A_1231 : i32 to vector<16xi32>
    %shift_left3A_1233 = arith.shli %shift_right_arithmetic3A_1230, %shift_left3A_1232 : vector<16xi32>
    %and3A_1234 = arith.constant 7 : i32
    %and3A_1235 = vector.broadcast %and3A_1234 : i32 to vector<16xi32>
    %and3A_1236 = arith.andi %add3A_1227, %and3A_1235 : vector<16xi32>
    %add3A_1237 = arith.addi %shift_left3A_1233, %and3A_1236 : vector<16xi32>
    %jit3A_1238 = arith.constant 0 : i32
    %jit3A_1239 = arith.constant 2 : i32
    %broadcast_in_dim3A_1240 = vector.broadcast %jit3A_1238 : i32 to vector<16xi32>
    %broadcast_in_dim3A_1241 = vector.broadcast %jit3A_1239 : i32 to vector<16xi32>
    %select_n3A_1242 = arith.select %lt3A_1201, %broadcast_in_dim3A_1240, %broadcast_in_dim3A_1241 : vector<16xi1>, vector<16xi32>
    %shift_left3A_1243 = arith.constant 3 : i32
    %shift_left3A_1244 = vector.broadcast %shift_left3A_1243 : i32 to vector<16xi32>
    %shift_left3A_1245 = arith.shli %select_n3A_1242, %shift_left3A_1244 : vector<16xi32>
    %add3A_1246 = arith.addi %add3A_1237, %shift_left3A_1245 : vector<16xi32>
    %swap3A_1247 = arith.constant 16 : index
    %swap3A_1248 = tpu.vector_load %arg23[%swap3A_1247] {strides = array<i32>} : memref<64xi32, #tpu.memory_space<vmem>>, vector<16xi32>,
    tpu.vector_store %arg23[%swap3A_1247], %add3A_1246 {strides = array<i32>} : memref<64xi32, #tpu.memory_space<vmem>>, vector<16xi32>,
    %jit3A_1249 = arith.constant 1 : i32
    %jit3A_1250 = arith.constant 3 : i32
    %broadcast_in_dim3A_1251 = vector.broadcast %jit3A_1249 : i32 to vector<16xi32>
    %broadcast_in_dim3A_1252 = vector.broadcast %jit3A_1250 : i32 to vector<16xi32>
    %select_n3A_1253 = arith.select %lt3A_1201, %broadcast_in_dim3A_1251, %broadcast_in_dim3A_1252 : vector<16xi1>, vector<16xi32>
    %shift_left3A_1254 = arith.constant 3 : i32
    %shift_left3A_1255 = vector.broadcast %shift_left3A_1254 : i32 to vector<16xi32>
    %shift_left3A_1256 = arith.shli %select_n3A_1253, %shift_left3A_1255 : vector<16xi32>
    %add3A_1257 = arith.addi %add3A_1237, %shift_left3A_1256 : vector<16xi32>
    %swap3A_1258 = arith.constant 16 : index
    %swap3A_1259 = tpu.vector_load %arg29[%swap3A_1258] {strides = array<i32>} : memref<64xi32, #tpu.memory_space<vmem>>, vector<16xi32>,
    tpu.vector_store %arg29[%swap3A_1258], %add3A_1257 {strides = array<i32>} : memref<64xi32, #tpu.memory_space<vmem>>, vector<16xi32>,
    %jit3A_1260 = arith.constant 2 : i32
    %jit3A_1261 = arith.constant 0 : i32
    %broadcast_in_dim3A_1262 = vector.broadcast %jit3A_1260 : i32 to vector<16xi32>
    %broadcast_in_dim3A_1263 = vector.broadcast %jit3A_1261 : i32 to vector<16xi32>
    %select_n3A_1264 = arith.select %lt3A_1201, %broadcast_in_dim3A_1262, %broadcast_in_dim3A_1263 : vector<16xi1>, vector<16xi32>
    %shift_left3A_1265 = arith.constant 3 : i32
    %shift_left3A_1266 = vector.broadcast %shift_left3A_1265 : i32 to vector<16xi32>
    %shift_left3A_1267 = arith.shli %select_n3A_1264, %shift_left3A_1266 : vector<16xi32>
    %add3A_1268 = arith.addi %add3A_1237, %shift_left3A_1267 : vector<16xi32>
    %swap3A_1269 = arith.constant 16 : index
    %swap3A_1270 = tpu.vector_load %arg35[%swap3A_1269] {strides = array<i32>} : memref<64xi32, #tpu.memory_space<vmem>>, vector<16xi32>,
    tpu.vector_store %arg35[%swap3A_1269], %add3A_1268 {strides = array<i32>} : memref<64xi32, #tpu.memory_space<vmem>>, vector<16xi32>,
    %jit3A_1271 = arith.constant 3 : i32
    %jit3A_1272 = arith.constant 1 : i32
    %broadcast_in_dim3A_1273 = vector.broadcast %jit3A_1271 : i32 to vector<16xi32>
    %broadcast_in_dim3A_1274 = vector.broadcast %jit3A_1272 : i32 to vector<16xi32>
    %select_n3A_1275 = arith.select %lt3A_1201, %broadcast_in_dim3A_1273, %broadcast_in_dim3A_1274 : vector<16xi1>, vector<16xi32>
    %shift_left3A_1276 = arith.constant 3 : i32
    %shift_left3A_1277 = vector.broadcast %shift_left3A_1276 : i32 to vector<16xi32>
    %shift_left3A_1278 = arith.shli %select_n3A_1275, %shift_left3A_1277 : vector<16xi32>
    %add3A_1279 = arith.addi %add3A_1237, %shift_left3A_1278 : vector<16xi32>
    %swap3A_1280 = arith.constant 16 : index
    %swap3A_1281 = tpu.vector_load %arg41[%swap3A_1280] {strides = array<i32>} : memref<64xi32, #tpu.memory_space<vmem>>, vector<16xi32>,
    tpu.vector_store %arg41[%swap3A_1280], %add3A_1279 {strides = array<i32>} : memref<64xi32, #tpu.memory_space<vmem>>, vector<16xi32>,
    %iota3A_1282 = tpu.iota {dimensions = array<i32: 0>} : vector<16xi32>
    %add3A_1283 = arith.constant 32 : i32
    %add3A_1284 = vector.broadcast %add3A_1283 : i32 to vector<16xi32>
    %add3A_1285 = arith.addi %iota3A_1282, %add3A_1284 : vector<16xi32>
    %broadcast_in_dim3A_1286 = arith.constant 5 : i32
    %broadcast_in_dim3A_1287 = vector.broadcast %broadcast_in_dim3A_1286 : i32 to vector<16xi32>
    %gather3A_1288 = tpu.vector_load_idx %arg9[%add3A_1285, %broadcast_in_dim3A_1287] : memref<64x128xf32, #tpu.memory_space<vmem>>[vector<16xi32>, vector<16xi32>], vector<16xf32>,
    %gather3A_1289 = tpu.vector_load_idx %arg15[%add3A_1285, %broadcast_in_dim3A_1287] : memref<64x128xf32, #tpu.memory_space<vmem>>[vector<16xi32>, vector<16xi32>], vector<16xf32>,
    %sub3A_1290 = arith.subf %gather3A_1288, %gather3A_1289 : vector<16xf32>
    %add3A_1291 = arith.addf %gather3A_1288, %gather3A_1289 : vector<16xf32>
    %sub3A_1292 = arith.subf %add3A_1291, %sub3A_1290 : vector<16xf32>
    %max3A_1293 = arith.constant 9.99999997E-7 : f32
    %max3A_1294 = vector.broadcast %max3A_1293 : f32 to vector<16xf32>
    %max3A_1295 = arith.maximumf %sub3A_1292, %max3A_1294 : vector<16xf32>
    %sub3A_1296 = arith.constant 0.000000e+00 : f32
    %sub3A_1297 = vector.broadcast %sub3A_1296 : f32 to vector<16xf32>
    %sub3A_1298 = arith.subf %sub3A_1297, %sub3A_1290 : vector<16xf32>
    %div3A_1299 = arith.divf %sub3A_1298, %max3A_1295 : vector<16xf32>
    %le3A_1300 = arith.constant 0.000000e+00 : f32
    %le3A_1301 = vector.broadcast %le3A_1300 : f32 to vector<16xf32>
    %le3A_1302 = arith.cmpf ole, %add3A_1291, %le3A_1301 : vector<16xf32>
    %gt3A_1303 = arith.constant 0.000000e+00 : f32
    %gt3A_1304 = vector.broadcast %gt3A_1303 : f32 to vector<16xf32>
    %gt3A_1305 = arith.cmpf ogt, %sub3A_1290, %gt3A_1304 : vector<16xf32>
    %jit3A_1306 = arith.constant 0.000000e+00 : f32
    %broadcast_in_dim3A_1307 = vector.broadcast %jit3A_1306 : f32 to vector<16xf32>
    %select_n3A_1308 = arith.select %gt3A_1305, %broadcast_in_dim3A_1307, %div3A_1299 : vector<16xi1>, vector<16xf32>
    %jit3A_1309 = arith.constant 1.000000e+00 : f32
    %broadcast_in_dim3A_1310 = vector.broadcast %jit3A_1309 : f32 to vector<16xf32>
    %select_n3A_1311 = arith.select %le3A_1302, %broadcast_in_dim3A_1310, %select_n3A_1308 : vector<16xi1>, vector<16xf32>
    %jit3A_1312 = arith.constant 0.000000e+00 : f32
    %jit3A_1313 = arith.constant 1.000000e+00 : f32
    %max3A_1314 = vector.broadcast %jit3A_1312 : f32 to vector<16xf32>
    %max3A_1315 = arith.maximumf %max3A_1314, %select_n3A_1311 : vector<16xf32>
    %min3A_1316 = vector.broadcast %jit3A_1313 : f32 to vector<16xf32>
    %min3A_1317 = arith.minimumf %min3A_1316, %max3A_1315 : vector<16xf32>
    %get3A_1318 = arith.constant 160 : index
    %get3A_1319 = tpu.vector_load %arg20[%get3A_1318] {strides = array<i32>} : memref<512xf32, #tpu.memory_space<vmem>>, vector<16xf32>,
    %lt3A_1320 = arith.cmpf olt, %get3A_1319, %min3A_1317 : vector<16xf32>
    %min3A_1321 = arith.constant 0.000000e+00 : f32
    %min3A_1322 = vector.broadcast %min3A_1321 : f32 to vector<16xf32>
    %min3A_1323 = arith.minimumf %add3A_1291, %min3A_1322 : vector<16xf32>
    %max3A_1324 = arith.constant 0.000000e+00 : f32
    %max3A_1325 = vector.broadcast %max3A_1324 : f32 to vector<16xf32>
    %max3A_1326 = arith.maximumf %sub3A_1290, %max3A_1325 : vector<16xf32>
    %add3A_1327 = arith.addf %sub3A_1290, %min3A_1323 : vector<16xf32>
    %mul3A_1328 = arith.constant 5.000000e-01 : f32
    %mul3A_1329 = vector.broadcast %mul3A_1328 : f32 to vector<16xf32>
    %mul3A_1330 = arith.mulf %add3A_1327, %mul3A_1329 : vector<16xf32>
    %add3A_1331 = arith.addf %max3A_1326, %add3A_1291 : vector<16xf32>
    %mul3A_1332 = arith.constant 5.000000e-01 : f32
    %mul3A_1333 = vector.broadcast %mul3A_1332 : f32 to vector<16xf32>
    %mul3A_1334 = arith.mulf %add3A_1331, %mul3A_1333 : vector<16xf32>
    %select_n3A_1335 = arith.select %lt3A_1320, %mul3A_1330, %mul3A_1334 : vector<16xi1>, vector<16xf32>
    %sub3A_1336 = arith.subf %min3A_1323, %sub3A_1290 : vector<16xf32>
    %mul3A_1337 = arith.constant 5.000000e-01 : f32
    %mul3A_1338 = vector.broadcast %mul3A_1337 : f32 to vector<16xf32>
    %mul3A_1339 = arith.mulf %sub3A_1336, %mul3A_1338 : vector<16xf32>
    %sub3A_1340 = arith.subf %add3A_1291, %max3A_1326 : vector<16xf32>
    %mul3A_1341 = arith.constant 5.000000e-01 : f32
    %mul3A_1342 = vector.broadcast %mul3A_1341 : f32 to vector<16xf32>
    %mul3A_1343 = arith.mulf %sub3A_1340, %mul3A_1342 : vector<16xf32>
    %select_n3A_1344 = arith.select %lt3A_1320, %mul3A_1339, %mul3A_1343 : vector<16xi1>, vector<16xf32>
    tpu.vector_store_idx %arg9[%add3A_1285, %broadcast_in_dim3A_1287], %select_n3A_1335 : memref<64x128xf32, #tpu.memory_space<vmem>>[vector<16xi32>, vector<16xi32>], vector<16xf32>,
    tpu.vector_store_idx %arg15[%add3A_1285, %broadcast_in_dim3A_1287], %select_n3A_1344 : memref<64x128xf32, #tpu.memory_space<vmem>>[vector<16xi32>, vector<16xi32>], vector<16xf32>,
    %add3A_1345 = vector.broadcast %add3A_1043 : i32 to vector<16xi32>
    %add3A_1346 = arith.addi %add3A_1285, %add3A_1345 : vector<16xi32>
    %shift_right_arithmetic3A_1347 = arith.constant 3 : i32
    %shift_right_arithmetic3A_1348 = vector.broadcast %shift_right_arithmetic3A_1347 : i32 to vector<16xi32>
    %shift_right_arithmetic3A_1349 = arith.shrsi %add3A_1346, %shift_right_arithmetic3A_1348 : vector<16xi32>
    %shift_left3A_1350 = arith.constant 5 : i32
    %shift_left3A_1351 = vector.broadcast %shift_left3A_1350 : i32 to vector<16xi32>
    %shift_left3A_1352 = arith.shli %shift_right_arithmetic3A_1349, %shift_left3A_1351 : vector<16xi32>
    %and3A_1353 = arith.constant 7 : i32
    %and3A_1354 = vector.broadcast %and3A_1353 : i32 to vector<16xi32>
    %and3A_1355 = arith.andi %add3A_1346, %and3A_1354 : vector<16xi32>
    %add3A_1356 = arith.addi %shift_left3A_1352, %and3A_1355 : vector<16xi32>
    %jit3A_1357 = arith.constant 0 : i32
    %jit3A_1358 = arith.constant 2 : i32
    %broadcast_in_dim3A_1359 = vector.broadcast %jit3A_1357 : i32 to vector<16xi32>
    %broadcast_in_dim3A_1360 = vector.broadcast %jit3A_1358 : i32 to vector<16xi32>
    %select_n3A_1361 = arith.select %lt3A_1320, %broadcast_in_dim3A_1359, %broadcast_in_dim3A_1360 : vector<16xi1>, vector<16xi32>
    %shift_left3A_1362 = arith.constant 3 : i32
    %shift_left3A_1363 = vector.broadcast %shift_left3A_1362 : i32 to vector<16xi32>
    %shift_left3A_1364 = arith.shli %select_n3A_1361, %shift_left3A_1363 : vector<16xi32>
    %add3A_1365 = arith.addi %add3A_1356, %shift_left3A_1364 : vector<16xi32>
    %swap3A_1366 = arith.constant 32 : index
    %swap3A_1367 = tpu.vector_load %arg23[%swap3A_1366] {strides = array<i32>} : memref<64xi32, #tpu.memory_space<vmem>>, vector<16xi32>,
    tpu.vector_store %arg23[%swap3A_1366], %add3A_1365 {strides = array<i32>} : memref<64xi32, #tpu.memory_space<vmem>>, vector<16xi32>,
    %jit3A_1368 = arith.constant 1 : i32
    %jit3A_1369 = arith.constant 3 : i32
    %broadcast_in_dim3A_1370 = vector.broadcast %jit3A_1368 : i32 to vector<16xi32>
    %broadcast_in_dim3A_1371 = vector.broadcast %jit3A_1369 : i32 to vector<16xi32>
    %select_n3A_1372 = arith.select %lt3A_1320, %broadcast_in_dim3A_1370, %broadcast_in_dim3A_1371 : vector<16xi1>, vector<16xi32>
    %shift_left3A_1373 = arith.constant 3 : i32
    %shift_left3A_1374 = vector.broadcast %shift_left3A_1373 : i32 to vector<16xi32>
    %shift_left3A_1375 = arith.shli %select_n3A_1372, %shift_left3A_1374 : vector<16xi32>
    %add3A_1376 = arith.addi %add3A_1356, %shift_left3A_1375 : vector<16xi32>
    %swap3A_1377 = arith.constant 32 : index
    %swap3A_1378 = tpu.vector_load %arg29[%swap3A_1377] {strides = array<i32>} : memref<64xi32, #tpu.memory_space<vmem>>, vector<16xi32>,
    tpu.vector_store %arg29[%swap3A_1377], %add3A_1376 {strides = array<i32>} : memref<64xi32, #tpu.memory_space<vmem>>, vector<16xi32>,
    %jit3A_1379 = arith.constant 2 : i32
    %jit3A_1380 = arith.constant 0 : i32
    %broadcast_in_dim3A_1381 = vector.broadcast %jit3A_1379 : i32 to vector<16xi32>
    %broadcast_in_dim3A_1382 = vector.broadcast %jit3A_1380 : i32 to vector<16xi32>
    %select_n3A_1383 = arith.select %lt3A_1320, %broadcast_in_dim3A_1381, %broadcast_in_dim3A_1382 : vector<16xi1>, vector<16xi32>
    %shift_left3A_1384 = arith.constant 3 : i32
    %shift_left3A_1385 = vector.broadcast %shift_left3A_1384 : i32 to vector<16xi32>
    %shift_left3A_1386 = arith.shli %select_n3A_1383, %shift_left3A_1385 : vector<16xi32>
    %add3A_1387 = arith.addi %add3A_1356, %shift_left3A_1386 : vector<16xi32>
    %swap3A_1388 = arith.constant 32 : index
    %swap3A_1389 = tpu.vector_load %arg35[%swap3A_1388] {strides = array<i32>} : memref<64xi32, #tpu.memory_space<vmem>>, vector<16xi32>,
    tpu.vector_store %arg35[%swap3A_1388], %add3A_1387 {strides = array<i32>} : memref<64xi32, #tpu.memory_space<vmem>>, vector<16xi32>,
    %jit3A_1390 = arith.constant 3 : i32
    %jit3A_1391 = arith.constant 1 : i32
    %broadcast_in_dim3A_1392 = vector.broadcast %jit3A_1390 : i32 to vector<16xi32>
    %broadcast_in_dim3A_1393 = vector.broadcast %jit3A_1391 : i32 to vector<16xi32>
    %select_n3A_1394 = arith.select %lt3A_1320, %broadcast_in_dim3A_1392, %broadcast_in_dim3A_1393 : vector<16xi1>, vector<16xi32>
    %shift_left3A_1395 = arith.constant 3 : i32
    %shift_left3A_1396 = vector.broadcast %shift_left3A_1395 : i32 to vector<16xi32>
    %shift_left3A_1397 = arith.shli %select_n3A_1394, %shift_left3A_1396 : vector<16xi32>
    %add3A_1398 = arith.addi %add3A_1356, %shift_left3A_1397 : vector<16xi32>
    %swap3A_1399 = arith.constant 32 : index
    %swap3A_1400 = tpu.vector_load %arg41[%swap3A_1399] {strides = array<i32>} : memref<64xi32, #tpu.memory_space<vmem>>, vector<16xi32>,
    tpu.vector_store %arg41[%swap3A_1399], %add3A_1398 {strides = array<i32>} : memref<64xi32, #tpu.memory_space<vmem>>, vector<16xi32>,
    %iota3A_1401 = tpu.iota {dimensions = array<i32: 0>} : vector<16xi32>
    %add3A_1402 = arith.constant 48 : i32
    %add3A_1403 = vector.broadcast %add3A_1402 : i32 to vector<16xi32>
    %add3A_1404 = arith.addi %iota3A_1401, %add3A_1403 : vector<16xi32>
    %broadcast_in_dim3A_1405 = arith.constant 5 : i32
    %broadcast_in_dim3A_1406 = vector.broadcast %broadcast_in_dim3A_1405 : i32 to vector<16xi32>
    %gather3A_1407 = tpu.vector_load_idx %arg9[%add3A_1404, %broadcast_in_dim3A_1406] : memref<64x128xf32, #tpu.memory_space<vmem>>[vector<16xi32>, vector<16xi32>], vector<16xf32>,
    %gather3A_1408 = tpu.vector_load_idx %arg15[%add3A_1404, %broadcast_in_dim3A_1406] : memref<64x128xf32, #tpu.memory_space<vmem>>[vector<16xi32>, vector<16xi32>], vector<16xf32>,
    %sub3A_1409 = arith.subf %gather3A_1407, %gather3A_1408 : vector<16xf32>
    %add3A_1410 = arith.addf %gather3A_1407, %gather3A_1408 : vector<16xf32>
    %sub3A_1411 = arith.subf %add3A_1410, %sub3A_1409 : vector<16xf32>
    %max3A_1412 = arith.constant 9.99999997E-7 : f32
    %max3A_1413 = vector.broadcast %max3A_1412 : f32 to vector<16xf32>
    %max3A_1414 = arith.maximumf %sub3A_1411, %max3A_1413 : vector<16xf32>
    %sub3A_1415 = arith.constant 0.000000e+00 : f32
    %sub3A_1416 = vector.broadcast %sub3A_1415 : f32 to vector<16xf32>
    %sub3A_1417 = arith.subf %sub3A_1416, %sub3A_1409 : vector<16xf32>
    %div3A_1418 = arith.divf %sub3A_1417, %max3A_1414 : vector<16xf32>
    %le3A_1419 = arith.constant 0.000000e+00 : f32
    %le3A_1420 = vector.broadcast %le3A_1419 : f32 to vector<16xf32>
    %le3A_1421 = arith.cmpf ole, %add3A_1410, %le3A_1420 : vector<16xf32>
    %gt3A_1422 = arith.constant 0.000000e+00 : f32
    %gt3A_1423 = vector.broadcast %gt3A_1422 : f32 to vector<16xf32>
    %gt3A_1424 = arith.cmpf ogt, %sub3A_1409, %gt3A_1423 : vector<16xf32>
    %jit3A_1425 = arith.constant 0.000000e+00 : f32
    %broadcast_in_dim3A_1426 = vector.broadcast %jit3A_1425 : f32 to vector<16xf32>
    %select_n3A_1427 = arith.select %gt3A_1424, %broadcast_in_dim3A_1426, %div3A_1418 : vector<16xi1>, vector<16xf32>
    %jit3A_1428 = arith.constant 1.000000e+00 : f32
    %broadcast_in_dim3A_1429 = vector.broadcast %jit3A_1428 : f32 to vector<16xf32>
    %select_n3A_1430 = arith.select %le3A_1421, %broadcast_in_dim3A_1429, %select_n3A_1427 : vector<16xi1>, vector<16xf32>
    %jit3A_1431 = arith.constant 0.000000e+00 : f32
    %jit3A_1432 = arith.constant 1.000000e+00 : f32
    %max3A_1433 = vector.broadcast %jit3A_1431 : f32 to vector<16xf32>
    %max3A_1434 = arith.maximumf %max3A_1433, %select_n3A_1430 : vector<16xf32>
    %min3A_1435 = vector.broadcast %jit3A_1432 : f32 to vector<16xf32>
    %min3A_1436 = arith.minimumf %min3A_1435, %max3A_1434 : vector<16xf32>
    %get3A_1437 = arith.constant 176 : index
    %get3A_1438 = tpu.vector_load %arg20[%get3A_1437] {strides = array<i32>} : memref<512xf32, #tpu.memory_space<vmem>>, vector<16xf32>,
    %lt3A_1439 = arith.cmpf olt, %get3A_1438, %min3A_1436 : vector<16xf32>
    %min3A_1440 = arith.constant 0.000000e+00 : f32
    %min3A_1441 = vector.broadcast %min3A_1440 : f32 to vector<16xf32>
    %min3A_1442 = arith.minimumf %add3A_1410, %min3A_1441 : vector<16xf32>
    %max3A_1443 = arith.constant 0.000000e+00 : f32
    %max3A_1444 = vector.broadcast %max3A_1443 : f32 to vector<16xf32>
    %max3A_1445 = arith.maximumf %sub3A_1409, %max3A_1444 : vector<16xf32>
    %add3A_1446 = arith.addf %sub3A_1409, %min3A_1442 : vector<16xf32>
    %mul3A_1447 = arith.constant 5.000000e-01 : f32
    %mul3A_1448 = vector.broadcast %mul3A_1447 : f32 to vector<16xf32>
    %mul3A_1449 = arith.mulf %add3A_1446, %mul3A_1448 : vector<16xf32>
    %add3A_1450 = arith.addf %max3A_1445, %add3A_1410 : vector<16xf32>
    %mul3A_1451 = arith.constant 5.000000e-01 : f32
    %mul3A_1452 = vector.broadcast %mul3A_1451 : f32 to vector<16xf32>
    %mul3A_1453 = arith.mulf %add3A_1450, %mul3A_1452 : vector<16xf32>
    %select_n3A_1454 = arith.select %lt3A_1439, %mul3A_1449, %mul3A_1453 : vector<16xi1>, vector<16xf32>
    %sub3A_1455 = arith.subf %min3A_1442, %sub3A_1409 : vector<16xf32>
    %mul3A_1456 = arith.constant 5.000000e-01 : f32
    %mul3A_1457 = vector.broadcast %mul3A_1456 : f32 to vector<16xf32>
    %mul3A_1458 = arith.mulf %sub3A_1455, %mul3A_1457 : vector<16xf32>
    %sub3A_1459 = arith.subf %add3A_1410, %max3A_1445 : vector<16xf32>
    %mul3A_1460 = arith.constant 5.000000e-01 : f32
    %mul3A_1461 = vector.broadcast %mul3A_1460 : f32 to vector<16xf32>
    %mul3A_1462 = arith.mulf %sub3A_1459, %mul3A_1461 : vector<16xf32>
    %select_n3A_1463 = arith.select %lt3A_1439, %mul3A_1458, %mul3A_1462 : vector<16xi1>, vector<16xf32>
    tpu.vector_store_idx %arg9[%add3A_1404, %broadcast_in_dim3A_1406], %select_n3A_1454 : memref<64x128xf32, #tpu.memory_space<vmem>>[vector<16xi32>, vector<16xi32>], vector<16xf32>,
    tpu.vector_store_idx %arg15[%add3A_1404, %broadcast_in_dim3A_1406], %select_n3A_1463 : memref<64x128xf32, #tpu.memory_space<vmem>>[vector<16xi32>, vector<16xi32>], vector<16xf32>,
    %add3A_1464 = vector.broadcast %add3A_1043 : i32 to vector<16xi32>
    %add3A_1465 = arith.addi %add3A_1404, %add3A_1464 : vector<16xi32>
    %shift_right_arithmetic3A_1466 = arith.constant 3 : i32
    %shift_right_arithmetic3A_1467 = vector.broadcast %shift_right_arithmetic3A_1466 : i32 to vector<16xi32>
    %shift_right_arithmetic3A_1468 = arith.shrsi %add3A_1465, %shift_right_arithmetic3A_1467 : vector<16xi32>
    %shift_left3A_1469 = arith.constant 5 : i32
    %shift_left3A_1470 = vector.broadcast %shift_left3A_1469 : i32 to vector<16xi32>
    %shift_left3A_1471 = arith.shli %shift_right_arithmetic3A_1468, %shift_left3A_1470 : vector<16xi32>
    %and3A_1472 = arith.constant 7 : i32
    %and3A_1473 = vector.broadcast %and3A_1472 : i32 to vector<16xi32>
    %and3A_1474 = arith.andi %add3A_1465, %and3A_1473 : vector<16xi32>
    %add3A_1475 = arith.addi %shift_left3A_1471, %and3A_1474 : vector<16xi32>
    %jit3A_1476 = arith.constant 0 : i32
    %jit3A_1477 = arith.constant 2 : i32
    %broadcast_in_dim3A_1478 = vector.broadcast %jit3A_1476 : i32 to vector<16xi32>
    %broadcast_in_dim3A_1479 = vector.broadcast %jit3A_1477 : i32 to vector<16xi32>
    %select_n3A_1480 = arith.select %lt3A_1439, %broadcast_in_dim3A_1478, %broadcast_in_dim3A_1479 : vector<16xi1>, vector<16xi32>
    %shift_left3A_1481 = arith.constant 3 : i32
    %shift_left3A_1482 = vector.broadcast %shift_left3A_1481 : i32 to vector<16xi32>
    %shift_left3A_1483 = arith.shli %select_n3A_1480, %shift_left3A_1482 : vector<16xi32>
    %add3A_1484 = arith.addi %add3A_1475, %shift_left3A_1483 : vector<16xi32>
    %swap3A_1485 = arith.constant 48 : index
    %swap3A_1486 = tpu.vector_load %arg23[%swap3A_1485] {strides = array<i32>} : memref<64xi32, #tpu.memory_space<vmem>>, vector<16xi32>,
    tpu.vector_store %arg23[%swap3A_1485], %add3A_1484 {strides = array<i32>} : memref<64xi32, #tpu.memory_space<vmem>>, vector<16xi32>,
    %jit3A_1487 = arith.constant 1 : i32
    %jit3A_1488 = arith.constant 3 : i32
    %broadcast_in_dim3A_1489 = vector.broadcast %jit3A_1487 : i32 to vector<16xi32>
    %broadcast_in_dim3A_1490 = vector.broadcast %jit3A_1488 : i32 to vector<16xi32>
    %select_n3A_1491 = arith.select %lt3A_1439, %broadcast_in_dim3A_1489, %broadcast_in_dim3A_1490 : vector<16xi1>, vector<16xi32>
    %shift_left3A_1492 = arith.constant 3 : i32
    %shift_left3A_1493 = vector.broadcast %shift_left3A_1492 : i32 to vector<16xi32>
    %shift_left3A_1494 = arith.shli %select_n3A_1491, %shift_left3A_1493 : vector<16xi32>
    %add3A_1495 = arith.addi %add3A_1475, %shift_left3A_1494 : vector<16xi32>
    %swap3A_1496 = arith.constant 48 : index
    %swap3A_1497 = tpu.vector_load %arg29[%swap3A_1496] {strides = array<i32>} : memref<64xi32, #tpu.memory_space<vmem>>, vector<16xi32>,
    tpu.vector_store %arg29[%swap3A_1496], %add3A_1495 {strides = array<i32>} : memref<64xi32, #tpu.memory_space<vmem>>, vector<16xi32>,
    %jit3A_1498 = arith.constant 2 : i32
    %jit3A_1499 = arith.constant 0 : i32
    %broadcast_in_dim3A_1500 = vector.broadcast %jit3A_1498 : i32 to vector<16xi32>
    %broadcast_in_dim3A_1501 = vector.broadcast %jit3A_1499 : i32 to vector<16xi32>
    %select_n3A_1502 = arith.select %lt3A_1439, %broadcast_in_dim3A_1500, %broadcast_in_dim3A_1501 : vector<16xi1>, vector<16xi32>
    %shift_left3A_1503 = arith.constant 3 : i32
    %shift_left3A_1504 = vector.broadcast %shift_left3A_1503 : i32 to vector<16xi32>
    %shift_left3A_1505 = arith.shli %select_n3A_1502, %shift_left3A_1504 : vector<16xi32>
    %add3A_1506 = arith.addi %add3A_1475, %shift_left3A_1505 : vector<16xi32>
    %swap3A_1507 = arith.constant 48 : index
    %swap3A_1508 = tpu.vector_load %arg35[%swap3A_1507] {strides = array<i32>} : memref<64xi32, #tpu.memory_space<vmem>>, vector<16xi32>,
    tpu.vector_store %arg35[%swap3A_1507], %add3A_1506 {strides = array<i32>} : memref<64xi32, #tpu.memory_space<vmem>>, vector<16xi32>,
    %jit3A_1509 = arith.constant 3 : i32
    %jit3A_1510 = arith.constant 1 : i32
    %broadcast_in_dim3A_1511 = vector.broadcast %jit3A_1509 : i32 to vector<16xi32>
    %broadcast_in_dim3A_1512 = vector.broadcast %jit3A_1510 : i32 to vector<16xi32>
    %select_n3A_1513 = arith.select %lt3A_1439, %broadcast_in_dim3A_1511, %broadcast_in_dim3A_1512 : vector<16xi1>, vector<16xi32>
    %shift_left3A_1514 = arith.constant 3 : i32
    %shift_left3A_1515 = vector.broadcast %shift_left3A_1514 : i32 to vector<16xi32>
    %shift_left3A_1516 = arith.shli %select_n3A_1513, %shift_left3A_1515 : vector<16xi32>
    %add3A_1517 = arith.addi %add3A_1475, %shift_left3A_1516 : vector<16xi32>
    %swap3A_1518 = arith.constant 48 : index
    %swap3A_1519 = tpu.vector_load %arg41[%swap3A_1518] {strides = array<i32>} : memref<64xi32, #tpu.memory_space<vmem>>, vector<16xi32>,
    tpu.vector_store %arg41[%swap3A_1518], %add3A_1517 {strides = array<i32>} : memref<64xi32, #tpu.memory_space<vmem>>, vector<16xi32>,
    %dma_start3A_1520 = arith.constant 0 : i32
    %dma_start3A_1521 = arith.constant 0 : i32
    %dma_start3A_1522 = tpu.memref_slice %arg6[%dma_start3A_1520, %dma_start3A_1521] : memref<65536x128xf32, #tpu.memory_space<hbm>> -> memref<65536x128xf32, #tpu.memory_space<hbm>>
    tpu.enqueue_indirect_dma source(%arg9 : memref<64x128xf32, #tpu.memory_space<vmem>>) target(%dma_start3A_1522 : memref<65536x128xf32, #tpu.memory_space<hbm>>) offsets(%arg23 : memref<64xi32, #tpu.memory_space<vmem>>) semaphore(%arg53 : memref<!tpu.dma_semaphore, #tpu.memory_space<semaphore_mem>>)
    %dma_start3A_1523 = arith.constant 0 : i32
    %dma_start3A_1524 = arith.constant 0 : i32
    %dma_start3A_1525 = tpu.memref_slice %arg6[%dma_start3A_1523, %dma_start3A_1524] : memref<65536x128xf32, #tpu.memory_space<hbm>> -> memref<65536x128xf32, #tpu.memory_space<hbm>>
    tpu.enqueue_indirect_dma source(%arg15 : memref<64x128xf32, #tpu.memory_space<vmem>>) target(%dma_start3A_1525 : memref<65536x128xf32, #tpu.memory_space<hbm>>) offsets(%arg29 : memref<64xi32, #tpu.memory_space<vmem>>) semaphore(%arg53 : memref<!tpu.dma_semaphore, #tpu.memory_space<semaphore_mem>>)
    %dma_start3A_1526 = arith.constant 0 : i32
    %dma_start3A_1527 = arith.constant 0 : i32
    %dma_start3A_1528 = tpu.memref_slice %arg6[%dma_start3A_1526, %dma_start3A_1527] : memref<65536x128xf32, #tpu.memory_space<hbm>> -> memref<65536x128xf32, #tpu.memory_space<hbm>>
    tpu.enqueue_indirect_dma source(%arg19 : memref<64x128xf32, #tpu.memory_space<vmem>>) target(%dma_start3A_1528 : memref<65536x128xf32, #tpu.memory_space<hbm>>) offsets(%arg35 : memref<64xi32, #tpu.memory_space<vmem>>) semaphore(%arg53 : memref<!tpu.dma_semaphore, #tpu.memory_space<semaphore_mem>>)
    %dma_start3A_1529 = arith.constant 0 : i32
    %dma_start3A_1530 = arith.constant 0 : i32
    %dma_start3A_1531 = tpu.memref_slice %arg6[%dma_start3A_1529, %dma_start3A_1530] : memref<65536x128xf32, #tpu.memory_space<hbm>> -> memref<65536x128xf32, #tpu.memory_space<hbm>>
    tpu.enqueue_indirect_dma source(%arg19 : memref<64x128xf32, #tpu.memory_space<vmem>>) target(%dma_start3A_1531 : memref<65536x128xf32, #tpu.memory_space<hbm>>) offsets(%arg41 : memref<64xi32, #tpu.memory_space<vmem>>) semaphore(%arg53 : memref<!tpu.dma_semaphore, #tpu.memory_space<semaphore_mem>>)
    %mul3A_1532 = arith.constant 512 : i32
    %mul3A_1533 = arith.muli %add3A, %mul3A_1532 : i32
    %add3A_1534 = arith.constant 256 : i32
    %add3A_1535 = arith.addi %mul3A_1533, %add3A_1534 : i32
    %dma_start3A_1536 = arith.constant 0 : i32
    %dma_start3A_1537 = tpu.memref_slice %arg2[%add3A_1535, %dma_start3A_1536] : memref<16384x128xf32, #tpu.memory_space<hbm>> -> memref<64x128xf32, #tpu.memory_space<hbm>>
    %dma_start3A_1538 = arith.constant 0 : i32
    %dma_start3A_1539 = tpu.memref_slice %arg2[%add3A_1535, %dma_start3A_1538] : memref<16384x128xf32, #tpu.memory_space<hbm>> -> memref<64x128xf32, #tpu.memory_space<hbm>>
    tpu.enqueue_dma source(%dma_start3A_1539 : memref<64x128xf32, #tpu.memory_space<hbm>>) target(%arg11 : memref<64x128xf32, #tpu.memory_space<vmem>>) target_semaphore(%arg49 : memref<!tpu.dma_semaphore, #tpu.memory_space<semaphore_mem>>)
    %dma_start3A_1540 = arith.constant 0 : i32
    %dma_start3A_1541 = tpu.memref_slice %arg3[%add3A_1535, %dma_start3A_1540] : memref<16384x128xf32, #tpu.memory_space<hbm>> -> memref<64x128xf32, #tpu.memory_space<hbm>>
    %dma_start3A_1542 = arith.constant 0 : i32
    %dma_start3A_1543 = tpu.memref_slice %arg3[%add3A_1535, %dma_start3A_1542] : memref<16384x128xf32, #tpu.memory_space<hbm>> -> memref<64x128xf32, #tpu.memory_space<hbm>>
    tpu.enqueue_dma source(%dma_start3A_1543 : memref<64x128xf32, #tpu.memory_space<hbm>>) target(%arg17 : memref<64x128xf32, #tpu.memory_space<vmem>>) target_semaphore(%arg49 : memref<!tpu.dma_semaphore, #tpu.memory_space<semaphore_mem>>)
    %dma_wait3A_1544 = arith.constant 0 : i32
    %dma_wait3A_1545 = tpu.memref_slice %arg2[%add3A_1023, %dma_wait3A_1544] : memref<16384x128xf32, #tpu.memory_space<hbm>> -> memref<64x128xf32, #tpu.memory_space<hbm>>
    %dma_wait3A_1546 = arith.constant 0 : i32
    %dma_wait3A_1547 = tpu.memref_slice %arg2[%add3A_1023, %dma_wait3A_1546] : memref<16384x128xf32, #tpu.memory_space<hbm>> -> memref<64x128xf32, #tpu.memory_space<hbm>>
    tpu.wait_dma2 semaphore(%arg48 : memref<!tpu.dma_semaphore, #tpu.memory_space<semaphore_mem>>) src(%dma_wait3A_1547 : memref<64x128xf32, #tpu.memory_space<hbm>>) dst(%arg10 : memref<64x128xf32, #tpu.memory_space<vmem>>)
    %dma_wait3A_1548 = arith.constant 0 : i32
    %dma_wait3A_1549 = tpu.memref_slice %arg3[%add3A_1023, %dma_wait3A_1548] : memref<16384x128xf32, #tpu.memory_space<hbm>> -> memref<64x128xf32, #tpu.memory_space<hbm>>
    %dma_wait3A_1550 = arith.constant 0 : i32
    %dma_wait3A_1551 = tpu.memref_slice %arg3[%add3A_1023, %dma_wait3A_1550] : memref<16384x128xf32, #tpu.memory_space<hbm>> -> memref<64x128xf32, #tpu.memory_space<hbm>>
    tpu.wait_dma2 semaphore(%arg48 : memref<!tpu.dma_semaphore, #tpu.memory_space<semaphore_mem>>) src(%dma_wait3A_1551 : memref<64x128xf32, #tpu.memory_space<hbm>>) dst(%arg16 : memref<64x128xf32, #tpu.memory_space<vmem>>)
    %mul3A_1552 = arith.constant 512 : i32
    %mul3A_1553 = arith.muli %add3A, %mul3A_1552 : i32
    %add3A_1554 = arith.constant 192 : i32
    %add3A_1555 = arith.addi %mul3A_1553, %add3A_1554 : i32
    %iota3A_1556 = tpu.iota {dimensions = array<i32: 0>} : vector<16xi32>
    %add3A_1557 = arith.constant 0 : i32
    %add3A_1558 = vector.broadcast %add3A_1557 : i32 to vector<16xi32>
    %add3A_1559 = arith.addi %iota3A_1556, %add3A_1558 : vector<16xi32>
    %broadcast_in_dim3A_1560 = arith.constant 5 : i32
    %broadcast_in_dim3A_1561 = vector.broadcast %broadcast_in_dim3A_1560 : i32 to vector<16xi32>
    %gather3A_1562 = tpu.vector_load_idx %arg10[%add3A_1559, %broadcast_in_dim3A_1561] : memref<64x128xf32, #tpu.memory_space<vmem>>[vector<16xi32>, vector<16xi32>], vector<16xf32>,
    %gather3A_1563 = tpu.vector_load_idx %arg16[%add3A_1559, %broadcast_in_dim3A_1561] : memref<64x128xf32, #tpu.memory_space<vmem>>[vector<16xi32>, vector<16xi32>], vector<16xf32>,
    %sub3A_1564 = arith.subf %gather3A_1562, %gather3A_1563 : vector<16xf32>
    %add3A_1565 = arith.addf %gather3A_1562, %gather3A_1563 : vector<16xf32>
    %sub3A_1566 = arith.subf %add3A_1565, %sub3A_1564 : vector<16xf32>
    %max3A_1567 = arith.constant 9.99999997E-7 : f32
    %max3A_1568 = vector.broadcast %max3A_1567 : f32 to vector<16xf32>
    %max3A_1569 = arith.maximumf %sub3A_1566, %max3A_1568 : vector<16xf32>
    %sub3A_1570 = arith.constant 0.000000e+00 : f32
    %sub3A_1571 = vector.broadcast %sub3A_1570 : f32 to vector<16xf32>
    %sub3A_1572 = arith.subf %sub3A_1571, %sub3A_1564 : vector<16xf32>
    %div3A_1573 = arith.divf %sub3A_1572, %max3A_1569 : vector<16xf32>
    %le3A_1574 = arith.constant 0.000000e+00 : f32
    %le3A_1575 = vector.broadcast %le3A_1574 : f32 to vector<16xf32>
    %le3A_1576 = arith.cmpf ole, %add3A_1565, %le3A_1575 : vector<16xf32>
    %gt3A_1577 = arith.constant 0.000000e+00 : f32
    %gt3A_1578 = vector.broadcast %gt3A_1577 : f32 to vector<16xf32>
    %gt3A_1579 = arith.cmpf ogt, %sub3A_1564, %gt3A_1578 : vector<16xf32>
    %jit3A_1580 = arith.constant 0.000000e+00 : f32
    %broadcast_in_dim3A_1581 = vector.broadcast %jit3A_1580 : f32 to vector<16xf32>
    %select_n3A_1582 = arith.select %gt3A_1579, %broadcast_in_dim3A_1581, %div3A_1573 : vector<16xi1>, vector<16xf32>
    %jit3A_1583 = arith.constant 1.000000e+00 : f32
    %broadcast_in_dim3A_1584 = vector.broadcast %jit3A_1583 : f32 to vector<16xf32>
    %select_n3A_1585 = arith.select %le3A_1576, %broadcast_in_dim3A_1584, %select_n3A_1582 : vector<16xi1>, vector<16xf32>
    %jit3A_1586 = arith.constant 0.000000e+00 : f32
    %jit3A_1587 = arith.constant 1.000000e+00 : f32
    %max3A_1588 = vector.broadcast %jit3A_1586 : f32 to vector<16xf32>
    %max3A_1589 = arith.maximumf %max3A_1588, %select_n3A_1585 : vector<16xf32>
    %min3A_1590 = vector.broadcast %jit3A_1587 : f32 to vector<16xf32>
    %min3A_1591 = arith.minimumf %min3A_1590, %max3A_1589 : vector<16xf32>
    %get3A_1592 = arith.constant 192 : index
    %get3A_1593 = tpu.vector_load %arg20[%get3A_1592] {strides = array<i32>} : memref<512xf32, #tpu.memory_space<vmem>>, vector<16xf32>,
    %lt3A_1594 = arith.cmpf olt, %get3A_1593, %min3A_1591 : vector<16xf32>
    %min3A_1595 = arith.constant 0.000000e+00 : f32
    %min3A_1596 = vector.broadcast %min3A_1595 : f32 to vector<16xf32>
    %min3A_1597 = arith.minimumf %add3A_1565, %min3A_1596 : vector<16xf32>
    %max3A_1598 = arith.constant 0.000000e+00 : f32
    %max3A_1599 = vector.broadcast %max3A_1598 : f32 to vector<16xf32>
    %max3A_1600 = arith.maximumf %sub3A_1564, %max3A_1599 : vector<16xf32>
    %add3A_1601 = arith.addf %sub3A_1564, %min3A_1597 : vector<16xf32>
    %mul3A_1602 = arith.constant 5.000000e-01 : f32
    %mul3A_1603 = vector.broadcast %mul3A_1602 : f32 to vector<16xf32>
    %mul3A_1604 = arith.mulf %add3A_1601, %mul3A_1603 : vector<16xf32>
    %add3A_1605 = arith.addf %max3A_1600, %add3A_1565 : vector<16xf32>
    %mul3A_1606 = arith.constant 5.000000e-01 : f32
    %mul3A_1607 = vector.broadcast %mul3A_1606 : f32 to vector<16xf32>
    %mul3A_1608 = arith.mulf %add3A_1605, %mul3A_1607 : vector<16xf32>
    %select_n3A_1609 = arith.select %lt3A_1594, %mul3A_1604, %mul3A_1608 : vector<16xi1>, vector<16xf32>
    %sub3A_1610 = arith.subf %min3A_1597, %sub3A_1564 : vector<16xf32>
    %mul3A_1611 = arith.constant 5.000000e-01 : f32
    %mul3A_1612 = vector.broadcast %mul3A_1611 : f32 to vector<16xf32>
    %mul3A_1613 = arith.mulf %sub3A_1610, %mul3A_1612 : vector<16xf32>
    %sub3A_1614 = arith.subf %add3A_1565, %max3A_1600 : vector<16xf32>
    %mul3A_1615 = arith.constant 5.000000e-01 : f32
    %mul3A_1616 = vector.broadcast %mul3A_1615 : f32 to vector<16xf32>
    %mul3A_1617 = arith.mulf %sub3A_1614, %mul3A_1616 : vector<16xf32>
    %select_n3A_1618 = arith.select %lt3A_1594, %mul3A_1613, %mul3A_1617 : vector<16xi1>, vector<16xf32>
    tpu.vector_store_idx %arg10[%add3A_1559, %broadcast_in_dim3A_1561], %select_n3A_1609 : memref<64x128xf32, #tpu.memory_space<vmem>>[vector<16xi32>, vector<16xi32>], vector<16xf32>,
    tpu.vector_store_idx %arg16[%add3A_1559, %broadcast_in_dim3A_1561], %select_n3A_1618 : memref<64x128xf32, #tpu.memory_space<vmem>>[vector<16xi32>, vector<16xi32>], vector<16xf32>,
    %add3A_1619 = vector.broadcast %add3A_1555 : i32 to vector<16xi32>
    %add3A_1620 = arith.addi %add3A_1559, %add3A_1619 : vector<16xi32>
    %shift_right_arithmetic3A_1621 = arith.constant 3 : i32
    %shift_right_arithmetic3A_1622 = vector.broadcast %shift_right_arithmetic3A_1621 : i32 to vector<16xi32>
    %shift_right_arithmetic3A_1623 = arith.shrsi %add3A_1620, %shift_right_arithmetic3A_1622 : vector<16xi32>
    %shift_left3A_1624 = arith.constant 5 : i32
    %shift_left3A_1625 = vector.broadcast %shift_left3A_1624 : i32 to vector<16xi32>
    %shift_left3A_1626 = arith.shli %shift_right_arithmetic3A_1623, %shift_left3A_1625 : vector<16xi32>
    %and3A_1627 = arith.constant 7 : i32
    %and3A_1628 = vector.broadcast %and3A_1627 : i32 to vector<16xi32>
    %and3A_1629 = arith.andi %add3A_1620, %and3A_1628 : vector<16xi32>
    %add3A_1630 = arith.addi %shift_left3A_1626, %and3A_1629 : vector<16xi32>
    %jit3A_1631 = arith.constant 0 : i32
    %jit3A_1632 = arith.constant 2 : i32
    %broadcast_in_dim3A_1633 = vector.broadcast %jit3A_1631 : i32 to vector<16xi32>
    %broadcast_in_dim3A_1634 = vector.broadcast %jit3A_1632 : i32 to vector<16xi32>
    %select_n3A_1635 = arith.select %lt3A_1594, %broadcast_in_dim3A_1633, %broadcast_in_dim3A_1634 : vector<16xi1>, vector<16xi32>
    %shift_left3A_1636 = arith.constant 3 : i32
    %shift_left3A_1637 = vector.broadcast %shift_left3A_1636 : i32 to vector<16xi32>
    %shift_left3A_1638 = arith.shli %select_n3A_1635, %shift_left3A_1637 : vector<16xi32>
    %add3A_1639 = arith.addi %add3A_1630, %shift_left3A_1638 : vector<16xi32>
    %swap3A_1640 = arith.constant 0 : index
    %swap3A_1641 = tpu.vector_load %arg24[%swap3A_1640] {strides = array<i32>} : memref<64xi32, #tpu.memory_space<vmem>>, vector<16xi32>,
    tpu.vector_store %arg24[%swap3A_1640], %add3A_1639 {strides = array<i32>} : memref<64xi32, #tpu.memory_space<vmem>>, vector<16xi32>,
    %jit3A_1642 = arith.constant 1 : i32
    %jit3A_1643 = arith.constant 3 : i32
    %broadcast_in_dim3A_1644 = vector.broadcast %jit3A_1642 : i32 to vector<16xi32>
    %broadcast_in_dim3A_1645 = vector.broadcast %jit3A_1643 : i32 to vector<16xi32>
    %select_n3A_1646 = arith.select %lt3A_1594, %broadcast_in_dim3A_1644, %broadcast_in_dim3A_1645 : vector<16xi1>, vector<16xi32>
    %shift_left3A_1647 = arith.constant 3 : i32
    %shift_left3A_1648 = vector.broadcast %shift_left3A_1647 : i32 to vector<16xi32>
    %shift_left3A_1649 = arith.shli %select_n3A_1646, %shift_left3A_1648 : vector<16xi32>
    %add3A_1650 = arith.addi %add3A_1630, %shift_left3A_1649 : vector<16xi32>
    %swap3A_1651 = arith.constant 0 : index
    %swap3A_1652 = tpu.vector_load %arg30[%swap3A_1651] {strides = array<i32>} : memref<64xi32, #tpu.memory_space<vmem>>, vector<16xi32>,
    tpu.vector_store %arg30[%swap3A_1651], %add3A_1650 {strides = array<i32>} : memref<64xi32, #tpu.memory_space<vmem>>, vector<16xi32>,
    %jit3A_1653 = arith.constant 2 : i32
    %jit3A_1654 = arith.constant 0 : i32
    %broadcast_in_dim3A_1655 = vector.broadcast %jit3A_1653 : i32 to vector<16xi32>
    %broadcast_in_dim3A_1656 = vector.broadcast %jit3A_1654 : i32 to vector<16xi32>
    %select_n3A_1657 = arith.select %lt3A_1594, %broadcast_in_dim3A_1655, %broadcast_in_dim3A_1656 : vector<16xi1>, vector<16xi32>
    %shift_left3A_1658 = arith.constant 3 : i32
    %shift_left3A_1659 = vector.broadcast %shift_left3A_1658 : i32 to vector<16xi32>
    %shift_left3A_1660 = arith.shli %select_n3A_1657, %shift_left3A_1659 : vector<16xi32>
    %add3A_1661 = arith.addi %add3A_1630, %shift_left3A_1660 : vector<16xi32>
    %swap3A_1662 = arith.constant 0 : index
    %swap3A_1663 = tpu.vector_load %arg36[%swap3A_1662] {strides = array<i32>} : memref<64xi32, #tpu.memory_space<vmem>>, vector<16xi32>,
    tpu.vector_store %arg36[%swap3A_1662], %add3A_1661 {strides = array<i32>} : memref<64xi32, #tpu.memory_space<vmem>>, vector<16xi32>,
    %jit3A_1664 = arith.constant 3 : i32
    %jit3A_1665 = arith.constant 1 : i32
    %broadcast_in_dim3A_1666 = vector.broadcast %jit3A_1664 : i32 to vector<16xi32>
    %broadcast_in_dim3A_1667 = vector.broadcast %jit3A_1665 : i32 to vector<16xi32>
    %select_n3A_1668 = arith.select %lt3A_1594, %broadcast_in_dim3A_1666, %broadcast_in_dim3A_1667 : vector<16xi1>, vector<16xi32>
    %shift_left3A_1669 = arith.constant 3 : i32
    %shift_left3A_1670 = vector.broadcast %shift_left3A_1669 : i32 to vector<16xi32>
    %shift_left3A_1671 = arith.shli %select_n3A_1668, %shift_left3A_1670 : vector<16xi32>
    %add3A_1672 = arith.addi %add3A_1630, %shift_left3A_1671 : vector<16xi32>
    %swap3A_1673 = arith.constant 0 : index
    %swap3A_1674 = tpu.vector_load %arg42[%swap3A_1673] {strides = array<i32>} : memref<64xi32, #tpu.memory_space<vmem>>, vector<16xi32>,
    tpu.vector_store %arg42[%swap3A_1673], %add3A_1672 {strides = array<i32>} : memref<64xi32, #tpu.memory_space<vmem>>, vector<16xi32>,
    %iota3A_1675 = tpu.iota {dimensions = array<i32: 0>} : vector<16xi32>
    %add3A_1676 = arith.constant 16 : i32
    %add3A_1677 = vector.broadcast %add3A_1676 : i32 to vector<16xi32>
    %add3A_1678 = arith.addi %iota3A_1675, %add3A_1677 : vector<16xi32>
    %broadcast_in_dim3A_1679 = arith.constant 5 : i32
    %broadcast_in_dim3A_1680 = vector.broadcast %broadcast_in_dim3A_1679 : i32 to vector<16xi32>
    %gather3A_1681 = tpu.vector_load_idx %arg10[%add3A_1678, %broadcast_in_dim3A_1680] : memref<64x128xf32, #tpu.memory_space<vmem>>[vector<16xi32>, vector<16xi32>], vector<16xf32>,
    %gather3A_1682 = tpu.vector_load_idx %arg16[%add3A_1678, %broadcast_in_dim3A_1680] : memref<64x128xf32, #tpu.memory_space<vmem>>[vector<16xi32>, vector<16xi32>], vector<16xf32>,
    %sub3A_1683 = arith.subf %gather3A_1681, %gather3A_1682 : vector<16xf32>
    %add3A_1684 = arith.addf %gather3A_1681, %gather3A_1682 : vector<16xf32>
    %sub3A_1685 = arith.subf %add3A_1684, %sub3A_1683 : vector<16xf32>
    %max3A_1686 = arith.constant 9.99999997E-7 : f32
    %max3A_1687 = vector.broadcast %max3A_1686 : f32 to vector<16xf32>
    %max3A_1688 = arith.maximumf %sub3A_1685, %max3A_1687 : vector<16xf32>
    %sub3A_1689 = arith.constant 0.000000e+00 : f32
    %sub3A_1690 = vector.broadcast %sub3A_1689 : f32 to vector<16xf32>
    %sub3A_1691 = arith.subf %sub3A_1690, %sub3A_1683 : vector<16xf32>
    %div3A_1692 = arith.divf %sub3A_1691, %max3A_1688 : vector<16xf32>
    %le3A_1693 = arith.constant 0.000000e+00 : f32
    %le3A_1694 = vector.broadcast %le3A_1693 : f32 to vector<16xf32>
    %le3A_1695 = arith.cmpf ole, %add3A_1684, %le3A_1694 : vector<16xf32>
    %gt3A_1696 = arith.constant 0.000000e+00 : f32
    %gt3A_1697 = vector.broadcast %gt3A_1696 : f32 to vector<16xf32>
    %gt3A_1698 = arith.cmpf ogt, %sub3A_1683, %gt3A_1697 : vector<16xf32>
    %jit3A_1699 = arith.constant 0.000000e+00 : f32
    %broadcast_in_dim3A_1700 = vector.broadcast %jit3A_1699 : f32 to vector<16xf32>
    %select_n3A_1701 = arith.select %gt3A_1698, %broadcast_in_dim3A_1700, %div3A_1692 : vector<16xi1>, vector<16xf32>
    %jit3A_1702 = arith.constant 1.000000e+00 : f32
    %broadcast_in_dim3A_1703 = vector.broadcast %jit3A_1702 : f32 to vector<16xf32>
    %select_n3A_1704 = arith.select %le3A_1695, %broadcast_in_dim3A_1703, %select_n3A_1701 : vector<16xi1>, vector<16xf32>
    %jit3A_1705 = arith.constant 0.000000e+00 : f32
    %jit3A_1706 = arith.constant 1.000000e+00 : f32
    %max3A_1707 = vector.broadcast %jit3A_1705 : f32 to vector<16xf32>
    %max3A_1708 = arith.maximumf %max3A_1707, %select_n3A_1704 : vector<16xf32>
    %min3A_1709 = vector.broadcast %jit3A_1706 : f32 to vector<16xf32>
    %min3A_1710 = arith.minimumf %min3A_1709, %max3A_1708 : vector<16xf32>
    %get3A_1711 = arith.constant 208 : index
    %get3A_1712 = tpu.vector_load %arg20[%get3A_1711] {strides = array<i32>} : memref<512xf32, #tpu.memory_space<vmem>>, vector<16xf32>,
    %lt3A_1713 = arith.cmpf olt, %get3A_1712, %min3A_1710 : vector<16xf32>
    %min3A_1714 = arith.constant 0.000000e+00 : f32
    %min3A_1715 = vector.broadcast %min3A_1714 : f32 to vector<16xf32>
    %min3A_1716 = arith.minimumf %add3A_1684, %min3A_1715 : vector<16xf32>
    %max3A_1717 = arith.constant 0.000000e+00 : f32
    %max3A_1718 = vector.broadcast %max3A_1717 : f32 to vector<16xf32>
    %max3A_1719 = arith.maximumf %sub3A_1683, %max3A_1718 : vector<16xf32>
    %add3A_1720 = arith.addf %sub3A_1683, %min3A_1716 : vector<16xf32>
    %mul3A_1721 = arith.constant 5.000000e-01 : f32
    %mul3A_1722 = vector.broadcast %mul3A_1721 : f32 to vector<16xf32>
    %mul3A_1723 = arith.mulf %add3A_1720, %mul3A_1722 : vector<16xf32>
    %add3A_1724 = arith.addf %max3A_1719, %add3A_1684 : vector<16xf32>
    %mul3A_1725 = arith.constant 5.000000e-01 : f32
    %mul3A_1726 = vector.broadcast %mul3A_1725 : f32 to vector<16xf32>
    %mul3A_1727 = arith.mulf %add3A_1724, %mul3A_1726 : vector<16xf32>
    %select_n3A_1728 = arith.select %lt3A_1713, %mul3A_1723, %mul3A_1727 : vector<16xi1>, vector<16xf32>
    %sub3A_1729 = arith.subf %min3A_1716, %sub3A_1683 : vector<16xf32>
    %mul3A_1730 = arith.constant 5.000000e-01 : f32
    %mul3A_1731 = vector.broadcast %mul3A_1730 : f32 to vector<16xf32>
    %mul3A_1732 = arith.mulf %sub3A_1729, %mul3A_1731 : vector<16xf32>
    %sub3A_1733 = arith.subf %add3A_1684, %max3A_1719 : vector<16xf32>
    %mul3A_1734 = arith.constant 5.000000e-01 : f32
    %mul3A_1735 = vector.broadcast %mul3A_1734 : f32 to vector<16xf32>
    %mul3A_1736 = arith.mulf %sub3A_1733, %mul3A_1735 : vector<16xf32>
    %select_n3A_1737 = arith.select %lt3A_1713, %mul3A_1732, %mul3A_1736 : vector<16xi1>, vector<16xf32>
    tpu.vector_store_idx %arg10[%add3A_1678, %broadcast_in_dim3A_1680], %select_n3A_1728 : memref<64x128xf32, #tpu.memory_space<vmem>>[vector<16xi32>, vector<16xi32>], vector<16xf32>,
    tpu.vector_store_idx %arg16[%add3A_1678, %broadcast_in_dim3A_1680], %select_n3A_1737 : memref<64x128xf32, #tpu.memory_space<vmem>>[vector<16xi32>, vector<16xi32>], vector<16xf32>,
    %add3A_1738 = vector.broadcast %add3A_1555 : i32 to vector<16xi32>
    %add3A_1739 = arith.addi %add3A_1678, %add3A_1738 : vector<16xi32>
    %shift_right_arithmetic3A_1740 = arith.constant 3 : i32
    %shift_right_arithmetic3A_1741 = vector.broadcast %shift_right_arithmetic3A_1740 : i32 to vector<16xi32>
    %shift_right_arithmetic3A_1742 = arith.shrsi %add3A_1739, %shift_right_arithmetic3A_1741 : vector<16xi32>
    %shift_left3A_1743 = arith.constant 5 : i32
    %shift_left3A_1744 = vector.broadcast %shift_left3A_1743 : i32 to vector<16xi32>
    %shift_left3A_1745 = arith.shli %shift_right_arithmetic3A_1742, %shift_left3A_1744 : vector<16xi32>
    %and3A_1746 = arith.constant 7 : i32
    %and3A_1747 = vector.broadcast %and3A_1746 : i32 to vector<16xi32>
    %and3A_1748 = arith.andi %add3A_1739, %and3A_1747 : vector<16xi32>
    %add3A_1749 = arith.addi %shift_left3A_1745, %and3A_1748 : vector<16xi32>
    %jit3A_1750 = arith.constant 0 : i32
    %jit3A_1751 = arith.constant 2 : i32
    %broadcast_in_dim3A_1752 = vector.broadcast %jit3A_1750 : i32 to vector<16xi32>
    %broadcast_in_dim3A_1753 = vector.broadcast %jit3A_1751 : i32 to vector<16xi32>
    %select_n3A_1754 = arith.select %lt3A_1713, %broadcast_in_dim3A_1752, %broadcast_in_dim3A_1753 : vector<16xi1>, vector<16xi32>
    %shift_left3A_1755 = arith.constant 3 : i32
    %shift_left3A_1756 = vector.broadcast %shift_left3A_1755 : i32 to vector<16xi32>
    %shift_left3A_1757 = arith.shli %select_n3A_1754, %shift_left3A_1756 : vector<16xi32>
    %add3A_1758 = arith.addi %add3A_1749, %shift_left3A_1757 : vector<16xi32>
    %swap3A_1759 = arith.constant 16 : index
    %swap3A_1760 = tpu.vector_load %arg24[%swap3A_1759] {strides = array<i32>} : memref<64xi32, #tpu.memory_space<vmem>>, vector<16xi32>,
    tpu.vector_store %arg24[%swap3A_1759], %add3A_1758 {strides = array<i32>} : memref<64xi32, #tpu.memory_space<vmem>>, vector<16xi32>,
    %jit3A_1761 = arith.constant 1 : i32
    %jit3A_1762 = arith.constant 3 : i32
    %broadcast_in_dim3A_1763 = vector.broadcast %jit3A_1761 : i32 to vector<16xi32>
    %broadcast_in_dim3A_1764 = vector.broadcast %jit3A_1762 : i32 to vector<16xi32>
    %select_n3A_1765 = arith.select %lt3A_1713, %broadcast_in_dim3A_1763, %broadcast_in_dim3A_1764 : vector<16xi1>, vector<16xi32>
    %shift_left3A_1766 = arith.constant 3 : i32
    %shift_left3A_1767 = vector.broadcast %shift_left3A_1766 : i32 to vector<16xi32>
    %shift_left3A_1768 = arith.shli %select_n3A_1765, %shift_left3A_1767 : vector<16xi32>
    %add3A_1769 = arith.addi %add3A_1749, %shift_left3A_1768 : vector<16xi32>
    %swap3A_1770 = arith.constant 16 : index
    %swap3A_1771 = tpu.vector_load %arg30[%swap3A_1770] {strides = array<i32>} : memref<64xi32, #tpu.memory_space<vmem>>, vector<16xi32>,
    tpu.vector_store %arg30[%swap3A_1770], %add3A_1769 {strides = array<i32>} : memref<64xi32, #tpu.memory_space<vmem>>, vector<16xi32>,
    %jit3A_1772 = arith.constant 2 : i32
    %jit3A_1773 = arith.constant 0 : i32
    %broadcast_in_dim3A_1774 = vector.broadcast %jit3A_1772 : i32 to vector<16xi32>
    %broadcast_in_dim3A_1775 = vector.broadcast %jit3A_1773 : i32 to vector<16xi32>
    %select_n3A_1776 = arith.select %lt3A_1713, %broadcast_in_dim3A_1774, %broadcast_in_dim3A_1775 : vector<16xi1>, vector<16xi32>
    %shift_left3A_1777 = arith.constant 3 : i32
    %shift_left3A_1778 = vector.broadcast %shift_left3A_1777 : i32 to vector<16xi32>
    %shift_left3A_1779 = arith.shli %select_n3A_1776, %shift_left3A_1778 : vector<16xi32>
    %add3A_1780 = arith.addi %add3A_1749, %shift_left3A_1779 : vector<16xi32>
    %swap3A_1781 = arith.constant 16 : index
    %swap3A_1782 = tpu.vector_load %arg36[%swap3A_1781] {strides = array<i32>} : memref<64xi32, #tpu.memory_space<vmem>>, vector<16xi32>,
    tpu.vector_store %arg36[%swap3A_1781], %add3A_1780 {strides = array<i32>} : memref<64xi32, #tpu.memory_space<vmem>>, vector<16xi32>,
    %jit3A_1783 = arith.constant 3 : i32
    %jit3A_1784 = arith.constant 1 : i32
    %broadcast_in_dim3A_1785 = vector.broadcast %jit3A_1783 : i32 to vector<16xi32>
    %broadcast_in_dim3A_1786 = vector.broadcast %jit3A_1784 : i32 to vector<16xi32>
    %select_n3A_1787 = arith.select %lt3A_1713, %broadcast_in_dim3A_1785, %broadcast_in_dim3A_1786 : vector<16xi1>, vector<16xi32>
    %shift_left3A_1788 = arith.constant 3 : i32
    %shift_left3A_1789 = vector.broadcast %shift_left3A_1788 : i32 to vector<16xi32>
    %shift_left3A_1790 = arith.shli %select_n3A_1787, %shift_left3A_1789 : vector<16xi32>
    %add3A_1791 = arith.addi %add3A_1749, %shift_left3A_1790 : vector<16xi32>
    %swap3A_1792 = arith.constant 16 : index
    %swap3A_1793 = tpu.vector_load %arg42[%swap3A_1792] {strides = array<i32>} : memref<64xi32, #tpu.memory_space<vmem>>, vector<16xi32>,
    tpu.vector_store %arg42[%swap3A_1792], %add3A_1791 {strides = array<i32>} : memref<64xi32, #tpu.memory_space<vmem>>, vector<16xi32>,
    %iota3A_1794 = tpu.iota {dimensions = array<i32: 0>} : vector<16xi32>
    %add3A_1795 = arith.constant 32 : i32
    %add3A_1796 = vector.broadcast %add3A_1795 : i32 to vector<16xi32>
    %add3A_1797 = arith.addi %iota3A_1794, %add3A_1796 : vector<16xi32>
    %broadcast_in_dim3A_1798 = arith.constant 5 : i32
    %broadcast_in_dim3A_1799 = vector.broadcast %broadcast_in_dim3A_1798 : i32 to vector<16xi32>
    %gather3A_1800 = tpu.vector_load_idx %arg10[%add3A_1797, %broadcast_in_dim3A_1799] : memref<64x128xf32, #tpu.memory_space<vmem>>[vector<16xi32>, vector<16xi32>], vector<16xf32>,
    %gather3A_1801 = tpu.vector_load_idx %arg16[%add3A_1797, %broadcast_in_dim3A_1799] : memref<64x128xf32, #tpu.memory_space<vmem>>[vector<16xi32>, vector<16xi32>], vector<16xf32>,
    %sub3A_1802 = arith.subf %gather3A_1800, %gather3A_1801 : vector<16xf32>
    %add3A_1803 = arith.addf %gather3A_1800, %gather3A_1801 : vector<16xf32>
    %sub3A_1804 = arith.subf %add3A_1803, %sub3A_1802 : vector<16xf32>
    %max3A_1805 = arith.constant 9.99999997E-7 : f32
    %max3A_1806 = vector.broadcast %max3A_1805 : f32 to vector<16xf32>
    %max3A_1807 = arith.maximumf %sub3A_1804, %max3A_1806 : vector<16xf32>
    %sub3A_1808 = arith.constant 0.000000e+00 : f32
    %sub3A_1809 = vector.broadcast %sub3A_1808 : f32 to vector<16xf32>
    %sub3A_1810 = arith.subf %sub3A_1809, %sub3A_1802 : vector<16xf32>
    %div3A_1811 = arith.divf %sub3A_1810, %max3A_1807 : vector<16xf32>
    %le3A_1812 = arith.constant 0.000000e+00 : f32
    %le3A_1813 = vector.broadcast %le3A_1812 : f32 to vector<16xf32>
    %le3A_1814 = arith.cmpf ole, %add3A_1803, %le3A_1813 : vector<16xf32>
    %gt3A_1815 = arith.constant 0.000000e+00 : f32
    %gt3A_1816 = vector.broadcast %gt3A_1815 : f32 to vector<16xf32>
    %gt3A_1817 = arith.cmpf ogt, %sub3A_1802, %gt3A_1816 : vector<16xf32>
    %jit3A_1818 = arith.constant 0.000000e+00 : f32
    %broadcast_in_dim3A_1819 = vector.broadcast %jit3A_1818 : f32 to vector<16xf32>
    %select_n3A_1820 = arith.select %gt3A_1817, %broadcast_in_dim3A_1819, %div3A_1811 : vector<16xi1>, vector<16xf32>
    %jit3A_1821 = arith.constant 1.000000e+00 : f32
    %broadcast_in_dim3A_1822 = vector.broadcast %jit3A_1821 : f32 to vector<16xf32>
    %select_n3A_1823 = arith.select %le3A_1814, %broadcast_in_dim3A_1822, %select_n3A_1820 : vector<16xi1>, vector<16xf32>
    %jit3A_1824 = arith.constant 0.000000e+00 : f32
    %jit3A_1825 = arith.constant 1.000000e+00 : f32
    %max3A_1826 = vector.broadcast %jit3A_1824 : f32 to vector<16xf32>
    %max3A_1827 = arith.maximumf %max3A_1826, %select_n3A_1823 : vector<16xf32>
    %min3A_1828 = vector.broadcast %jit3A_1825 : f32 to vector<16xf32>
    %min3A_1829 = arith.minimumf %min3A_1828, %max3A_1827 : vector<16xf32>
    %get3A_1830 = arith.constant 224 : index
    %get3A_1831 = tpu.vector_load %arg20[%get3A_1830] {strides = array<i32>} : memref<512xf32, #tpu.memory_space<vmem>>, vector<16xf32>,
    %lt3A_1832 = arith.cmpf olt, %get3A_1831, %min3A_1829 : vector<16xf32>
    %min3A_1833 = arith.constant 0.000000e+00 : f32
    %min3A_1834 = vector.broadcast %min3A_1833 : f32 to vector<16xf32>
    %min3A_1835 = arith.minimumf %add3A_1803, %min3A_1834 : vector<16xf32>
    %max3A_1836 = arith.constant 0.000000e+00 : f32
    %max3A_1837 = vector.broadcast %max3A_1836 : f32 to vector<16xf32>
    %max3A_1838 = arith.maximumf %sub3A_1802, %max3A_1837 : vector<16xf32>
    %add3A_1839 = arith.addf %sub3A_1802, %min3A_1835 : vector<16xf32>
    %mul3A_1840 = arith.constant 5.000000e-01 : f32
    %mul3A_1841 = vector.broadcast %mul3A_1840 : f32 to vector<16xf32>
    %mul3A_1842 = arith.mulf %add3A_1839, %mul3A_1841 : vector<16xf32>
    %add3A_1843 = arith.addf %max3A_1838, %add3A_1803 : vector<16xf32>
    %mul3A_1844 = arith.constant 5.000000e-01 : f32
    %mul3A_1845 = vector.broadcast %mul3A_1844 : f32 to vector<16xf32>
    %mul3A_1846 = arith.mulf %add3A_1843, %mul3A_1845 : vector<16xf32>
    %select_n3A_1847 = arith.select %lt3A_1832, %mul3A_1842, %mul3A_1846 : vector<16xi1>, vector<16xf32>
    %sub3A_1848 = arith.subf %min3A_1835, %sub3A_1802 : vector<16xf32>
    %mul3A_1849 = arith.constant 5.000000e-01 : f32
    %mul3A_1850 = vector.broadcast %mul3A_1849 : f32 to vector<16xf32>
    %mul3A_1851 = arith.mulf %sub3A_1848, %mul3A_1850 : vector<16xf32>
    %sub3A_1852 = arith.subf %add3A_1803, %max3A_1838 : vector<16xf32>
    %mul3A_1853 = arith.constant 5.000000e-01 : f32
    %mul3A_1854 = vector.broadcast %mul3A_1853 : f32 to vector<16xf32>
    %mul3A_1855 = arith.mulf %sub3A_1852, %mul3A_1854 : vector<16xf32>
    %select_n3A_1856 = arith.select %lt3A_1832, %mul3A_1851, %mul3A_1855 : vector<16xi1>, vector<16xf32>
    tpu.vector_store_idx %arg10[%add3A_1797, %broadcast_in_dim3A_1799], %select_n3A_1847 : memref<64x128xf32, #tpu.memory_space<vmem>>[vector<16xi32>, vector<16xi32>], vector<16xf32>,
    tpu.vector_store_idx %arg16[%add3A_1797, %broadcast_in_dim3A_1799], %select_n3A_1856 : memref<64x128xf32, #tpu.memory_space<vmem>>[vector<16xi32>, vector<16xi32>], vector<16xf32>,
    %add3A_1857 = vector.broadcast %add3A_1555 : i32 to vector<16xi32>
    %add3A_1858 = arith.addi %add3A_1797, %add3A_1857 : vector<16xi32>
    %shift_right_arithmetic3A_1859 = arith.constant 3 : i32
    %shift_right_arithmetic3A_1860 = vector.broadcast %shift_right_arithmetic3A_1859 : i32 to vector<16xi32>
    %shift_right_arithmetic3A_1861 = arith.shrsi %add3A_1858, %shift_right_arithmetic3A_1860 : vector<16xi32>
    %shift_left3A_1862 = arith.constant 5 : i32
    %shift_left3A_1863 = vector.broadcast %shift_left3A_1862 : i32 to vector<16xi32>
    %shift_left3A_1864 = arith.shli %shift_right_arithmetic3A_1861, %shift_left3A_1863 : vector<16xi32>
    %and3A_1865 = arith.constant 7 : i32
    %and3A_1866 = vector.broadcast %and3A_1865 : i32 to vector<16xi32>
    %and3A_1867 = arith.andi %add3A_1858, %and3A_1866 : vector<16xi32>
    %add3A_1868 = arith.addi %shift_left3A_1864, %and3A_1867 : vector<16xi32>
    %jit3A_1869 = arith.constant 0 : i32
    %jit3A_1870 = arith.constant 2 : i32
    %broadcast_in_dim3A_1871 = vector.broadcast %jit3A_1869 : i32 to vector<16xi32>
    %broadcast_in_dim3A_1872 = vector.broadcast %jit3A_1870 : i32 to vector<16xi32>
    %select_n3A_1873 = arith.select %lt3A_1832, %broadcast_in_dim3A_1871, %broadcast_in_dim3A_1872 : vector<16xi1>, vector<16xi32>
    %shift_left3A_1874 = arith.constant 3 : i32
    %shift_left3A_1875 = vector.broadcast %shift_left3A_1874 : i32 to vector<16xi32>
    %shift_left3A_1876 = arith.shli %select_n3A_1873, %shift_left3A_1875 : vector<16xi32>
    %add3A_1877 = arith.addi %add3A_1868, %shift_left3A_1876 : vector<16xi32>
    %swap3A_1878 = arith.constant 32 : index
    %swap3A_1879 = tpu.vector_load %arg24[%swap3A_1878] {strides = array<i32>} : memref<64xi32, #tpu.memory_space<vmem>>, vector<16xi32>,
    tpu.vector_store %arg24[%swap3A_1878], %add3A_1877 {strides = array<i32>} : memref<64xi32, #tpu.memory_space<vmem>>, vector<16xi32>,
    %jit3A_1880 = arith.constant 1 : i32
    %jit3A_1881 = arith.constant 3 : i32
    %broadcast_in_dim3A_1882 = vector.broadcast %jit3A_1880 : i32 to vector<16xi32>
    %broadcast_in_dim3A_1883 = vector.broadcast %jit3A_1881 : i32 to vector<16xi32>
    %select_n3A_1884 = arith.select %lt3A_1832, %broadcast_in_dim3A_1882, %broadcast_in_dim3A_1883 : vector<16xi1>, vector<16xi32>
    %shift_left3A_1885 = arith.constant 3 : i32
    %shift_left3A_1886 = vector.broadcast %shift_left3A_1885 : i32 to vector<16xi32>
    %shift_left3A_1887 = arith.shli %select_n3A_1884, %shift_left3A_1886 : vector<16xi32>
    %add3A_1888 = arith.addi %add3A_1868, %shift_left3A_1887 : vector<16xi32>
    %swap3A_1889 = arith.constant 32 : index
    %swap3A_1890 = tpu.vector_load %arg30[%swap3A_1889] {strides = array<i32>} : memref<64xi32, #tpu.memory_space<vmem>>, vector<16xi32>,
    tpu.vector_store %arg30[%swap3A_1889], %add3A_1888 {strides = array<i32>} : memref<64xi32, #tpu.memory_space<vmem>>, vector<16xi32>,
    %jit3A_1891 = arith.constant 2 : i32
    %jit3A_1892 = arith.constant 0 : i32
    %broadcast_in_dim3A_1893 = vector.broadcast %jit3A_1891 : i32 to vector<16xi32>
    %broadcast_in_dim3A_1894 = vector.broadcast %jit3A_1892 : i32 to vector<16xi32>
    %select_n3A_1895 = arith.select %lt3A_1832, %broadcast_in_dim3A_1893, %broadcast_in_dim3A_1894 : vector<16xi1>, vector<16xi32>
    %shift_left3A_1896 = arith.constant 3 : i32
    %shift_left3A_1897 = vector.broadcast %shift_left3A_1896 : i32 to vector<16xi32>
    %shift_left3A_1898 = arith.shli %select_n3A_1895, %shift_left3A_1897 : vector<16xi32>
    %add3A_1899 = arith.addi %add3A_1868, %shift_left3A_1898 : vector<16xi32>
    %swap3A_1900 = arith.constant 32 : index
    %swap3A_1901 = tpu.vector_load %arg36[%swap3A_1900] {strides = array<i32>} : memref<64xi32, #tpu.memory_space<vmem>>, vector<16xi32>,
    tpu.vector_store %arg36[%swap3A_1900], %add3A_1899 {strides = array<i32>} : memref<64xi32, #tpu.memory_space<vmem>>, vector<16xi32>,
    %jit3A_1902 = arith.constant 3 : i32
    %jit3A_1903 = arith.constant 1 : i32
    %broadcast_in_dim3A_1904 = vector.broadcast %jit3A_1902 : i32 to vector<16xi32>
    %broadcast_in_dim3A_1905 = vector.broadcast %jit3A_1903 : i32 to vector<16xi32>
    %select_n3A_1906 = arith.select %lt3A_1832, %broadcast_in_dim3A_1904, %broadcast_in_dim3A_1905 : vector<16xi1>, vector<16xi32>
    %shift_left3A_1907 = arith.constant 3 : i32
    %shift_left3A_1908 = vector.broadcast %shift_left3A_1907 : i32 to vector<16xi32>
    %shift_left3A_1909 = arith.shli %select_n3A_1906, %shift_left3A_1908 : vector<16xi32>
    %add3A_1910 = arith.addi %add3A_1868, %shift_left3A_1909 : vector<16xi32>
    %swap3A_1911 = arith.constant 32 : index
    %swap3A_1912 = tpu.vector_load %arg42[%swap3A_1911] {strides = array<i32>} : memref<64xi32, #tpu.memory_space<vmem>>, vector<16xi32>,
    tpu.vector_store %arg42[%swap3A_1911], %add3A_1910 {strides = array<i32>} : memref<64xi32, #tpu.memory_space<vmem>>, vector<16xi32>,
    %iota3A_1913 = tpu.iota {dimensions = array<i32: 0>} : vector<16xi32>
    %add3A_1914 = arith.constant 48 : i32
    %add3A_1915 = vector.broadcast %add3A_1914 : i32 to vector<16xi32>
    %add3A_1916 = arith.addi %iota3A_1913, %add3A_1915 : vector<16xi32>
    %broadcast_in_dim3A_1917 = arith.constant 5 : i32
    %broadcast_in_dim3A_1918 = vector.broadcast %broadcast_in_dim3A_1917 : i32 to vector<16xi32>
    %gather3A_1919 = tpu.vector_load_idx %arg10[%add3A_1916, %broadcast_in_dim3A_1918] : memref<64x128xf32, #tpu.memory_space<vmem>>[vector<16xi32>, vector<16xi32>], vector<16xf32>,
    %gather3A_1920 = tpu.vector_load_idx %arg16[%add3A_1916, %broadcast_in_dim3A_1918] : memref<64x128xf32, #tpu.memory_space<vmem>>[vector<16xi32>, vector<16xi32>], vector<16xf32>,
    %sub3A_1921 = arith.subf %gather3A_1919, %gather3A_1920 : vector<16xf32>
    %add3A_1922 = arith.addf %gather3A_1919, %gather3A_1920 : vector<16xf32>
    %sub3A_1923 = arith.subf %add3A_1922, %sub3A_1921 : vector<16xf32>
    %max3A_1924 = arith.constant 9.99999997E-7 : f32
    %max3A_1925 = vector.broadcast %max3A_1924 : f32 to vector<16xf32>
    %max3A_1926 = arith.maximumf %sub3A_1923, %max3A_1925 : vector<16xf32>
    %sub3A_1927 = arith.constant 0.000000e+00 : f32
    %sub3A_1928 = vector.broadcast %sub3A_1927 : f32 to vector<16xf32>
    %sub3A_1929 = arith.subf %sub3A_1928, %sub3A_1921 : vector<16xf32>
    %div3A_1930 = arith.divf %sub3A_1929, %max3A_1926 : vector<16xf32>
    %le3A_1931 = arith.constant 0.000000e+00 : f32
    %le3A_1932 = vector.broadcast %le3A_1931 : f32 to vector<16xf32>
    %le3A_1933 = arith.cmpf ole, %add3A_1922, %le3A_1932 : vector<16xf32>
    %gt3A_1934 = arith.constant 0.000000e+00 : f32
    %gt3A_1935 = vector.broadcast %gt3A_1934 : f32 to vector<16xf32>
    %gt3A_1936 = arith.cmpf ogt, %sub3A_1921, %gt3A_1935 : vector<16xf32>
    %jit3A_1937 = arith.constant 0.000000e+00 : f32
    %broadcast_in_dim3A_1938 = vector.broadcast %jit3A_1937 : f32 to vector<16xf32>
    %select_n3A_1939 = arith.select %gt3A_1936, %broadcast_in_dim3A_1938, %div3A_1930 : vector<16xi1>, vector<16xf32>
    %jit3A_1940 = arith.constant 1.000000e+00 : f32
    %broadcast_in_dim3A_1941 = vector.broadcast %jit3A_1940 : f32 to vector<16xf32>
    %select_n3A_1942 = arith.select %le3A_1933, %broadcast_in_dim3A_1941, %select_n3A_1939 : vector<16xi1>, vector<16xf32>
    %jit3A_1943 = arith.constant 0.000000e+00 : f32
    %jit3A_1944 = arith.constant 1.000000e+00 : f32
    %max3A_1945 = vector.broadcast %jit3A_1943 : f32 to vector<16xf32>
    %max3A_1946 = arith.maximumf %max3A_1945, %select_n3A_1942 : vector<16xf32>
    %min3A_1947 = vector.broadcast %jit3A_1944 : f32 to vector<16xf32>
    %min3A_1948 = arith.minimumf %min3A_1947, %max3A_1946 : vector<16xf32>
    %get3A_1949 = arith.constant 240 : index
    %get3A_1950 = tpu.vector_load %arg20[%get3A_1949] {strides = array<i32>} : memref<512xf32, #tpu.memory_space<vmem>>, vector<16xf32>,
    %lt3A_1951 = arith.cmpf olt, %get3A_1950, %min3A_1948 : vector<16xf32>
    %min3A_1952 = arith.constant 0.000000e+00 : f32
    %min3A_1953 = vector.broadcast %min3A_1952 : f32 to vector<16xf32>
    %min3A_1954 = arith.minimumf %add3A_1922, %min3A_1953 : vector<16xf32>
    %max3A_1955 = arith.constant 0.000000e+00 : f32
    %max3A_1956 = vector.broadcast %max3A_1955 : f32 to vector<16xf32>
    %max3A_1957 = arith.maximumf %sub3A_1921, %max3A_1956 : vector<16xf32>
    %add3A_1958 = arith.addf %sub3A_1921, %min3A_1954 : vector<16xf32>
    %mul3A_1959 = arith.constant 5.000000e-01 : f32
    %mul3A_1960 = vector.broadcast %mul3A_1959 : f32 to vector<16xf32>
    %mul3A_1961 = arith.mulf %add3A_1958, %mul3A_1960 : vector<16xf32>
    %add3A_1962 = arith.addf %max3A_1957, %add3A_1922 : vector<16xf32>
    %mul3A_1963 = arith.constant 5.000000e-01 : f32
    %mul3A_1964 = vector.broadcast %mul3A_1963 : f32 to vector<16xf32>
    %mul3A_1965 = arith.mulf %add3A_1962, %mul3A_1964 : vector<16xf32>
    %select_n3A_1966 = arith.select %lt3A_1951, %mul3A_1961, %mul3A_1965 : vector<16xi1>, vector<16xf32>
    %sub3A_1967 = arith.subf %min3A_1954, %sub3A_1921 : vector<16xf32>
    %mul3A_1968 = arith.constant 5.000000e-01 : f32
    %mul3A_1969 = vector.broadcast %mul3A_1968 : f32 to vector<16xf32>
    %mul3A_1970 = arith.mulf %sub3A_1967, %mul3A_1969 : vector<16xf32>
    %sub3A_1971 = arith.subf %add3A_1922, %max3A_1957 : vector<16xf32>
    %mul3A_1972 = arith.constant 5.000000e-01 : f32
    %mul3A_1973 = vector.broadcast %mul3A_1972 : f32 to vector<16xf32>
    %mul3A_1974 = arith.mulf %sub3A_1971, %mul3A_1973 : vector<16xf32>
    %select_n3A_1975 = arith.select %lt3A_1951, %mul3A_1970, %mul3A_1974 : vector<16xi1>, vector<16xf32>
    tpu.vector_store_idx %arg10[%add3A_1916, %broadcast_in_dim3A_1918], %select_n3A_1966 : memref<64x128xf32, #tpu.memory_space<vmem>>[vector<16xi32>, vector<16xi32>], vector<16xf32>,
    tpu.vector_store_idx %arg16[%add3A_1916, %broadcast_in_dim3A_1918], %select_n3A_1975 : memref<64x128xf32, #tpu.memory_space<vmem>>[vector<16xi32>, vector<16xi32>], vector<16xf32>,
    %add3A_1976 = vector.broadcast %add3A_1555 : i32 to vector<16xi32>
    %add3A_1977 = arith.addi %add3A_1916, %add3A_1976 : vector<16xi32>
    %shift_right_arithmetic3A_1978 = arith.constant 3 : i32
    %shift_right_arithmetic3A_1979 = vector.broadcast %shift_right_arithmetic3A_1978 : i32 to vector<16xi32>
    %shift_right_arithmetic3A_1980 = arith.shrsi %add3A_1977, %shift_right_arithmetic3A_1979 : vector<16xi32>
    %shift_left3A_1981 = arith.constant 5 : i32
    %shift_left3A_1982 = vector.broadcast %shift_left3A_1981 : i32 to vector<16xi32>
    %shift_left3A_1983 = arith.shli %shift_right_arithmetic3A_1980, %shift_left3A_1982 : vector<16xi32>
    %and3A_1984 = arith.constant 7 : i32
    %and3A_1985 = vector.broadcast %and3A_1984 : i32 to vector<16xi32>
    %and3A_1986 = arith.andi %add3A_1977, %and3A_1985 : vector<16xi32>
    %add3A_1987 = arith.addi %shift_left3A_1983, %and3A_1986 : vector<16xi32>
    %jit3A_1988 = arith.constant 0 : i32
    %jit3A_1989 = arith.constant 2 : i32
    %broadcast_in_dim3A_1990 = vector.broadcast %jit3A_1988 : i32 to vector<16xi32>
    %broadcast_in_dim3A_1991 = vector.broadcast %jit3A_1989 : i32 to vector<16xi32>
    %select_n3A_1992 = arith.select %lt3A_1951, %broadcast_in_dim3A_1990, %broadcast_in_dim3A_1991 : vector<16xi1>, vector<16xi32>
    %shift_left3A_1993 = arith.constant 3 : i32
    %shift_left3A_1994 = vector.broadcast %shift_left3A_1993 : i32 to vector<16xi32>
    %shift_left3A_1995 = arith.shli %select_n3A_1992, %shift_left3A_1994 : vector<16xi32>
    %add3A_1996 = arith.addi %add3A_1987, %shift_left3A_1995 : vector<16xi32>
    %swap3A_1997 = arith.constant 48 : index
    %swap3A_1998 = tpu.vector_load %arg24[%swap3A_1997] {strides = array<i32>} : memref<64xi32, #tpu.memory_space<vmem>>, vector<16xi32>,
    tpu.vector_store %arg24[%swap3A_1997], %add3A_1996 {strides = array<i32>} : memref<64xi32, #tpu.memory_space<vmem>>, vector<16xi32>,
    %jit3A_1999 = arith.constant 1 : i32
    %jit3A_2000 = arith.constant 3 : i32
    %broadcast_in_dim3A_2001 = vector.broadcast %jit3A_1999 : i32 to vector<16xi32>
    %broadcast_in_dim3A_2002 = vector.broadcast %jit3A_2000 : i32 to vector<16xi32>
    %select_n3A_2003 = arith.select %lt3A_1951, %broadcast_in_dim3A_2001, %broadcast_in_dim3A_2002 : vector<16xi1>, vector<16xi32>
    %shift_left3A_2004 = arith.constant 3 : i32
    %shift_left3A_2005 = vector.broadcast %shift_left3A_2004 : i32 to vector<16xi32>
    %shift_left3A_2006 = arith.shli %select_n3A_2003, %shift_left3A_2005 : vector<16xi32>
    %add3A_2007 = arith.addi %add3A_1987, %shift_left3A_2006 : vector<16xi32>
    %swap3A_2008 = arith.constant 48 : index
    %swap3A_2009 = tpu.vector_load %arg30[%swap3A_2008] {strides = array<i32>} : memref<64xi32, #tpu.memory_space<vmem>>, vector<16xi32>,
    tpu.vector_store %arg30[%swap3A_2008], %add3A_2007 {strides = array<i32>} : memref<64xi32, #tpu.memory_space<vmem>>, vector<16xi32>,
    %jit3A_2010 = arith.constant 2 : i32
    %jit3A_2011 = arith.constant 0 : i32
    %broadcast_in_dim3A_2012 = vector.broadcast %jit3A_2010 : i32 to vector<16xi32>
    %broadcast_in_dim3A_2013 = vector.broadcast %jit3A_2011 : i32 to vector<16xi32>
    %select_n3A_2014 = arith.select %lt3A_1951, %broadcast_in_dim3A_2012, %broadcast_in_dim3A_2013 : vector<16xi1>, vector<16xi32>
    %shift_left3A_2015 = arith.constant 3 : i32
    %shift_left3A_2016 = vector.broadcast %shift_left3A_2015 : i32 to vector<16xi32>
    %shift_left3A_2017 = arith.shli %select_n3A_2014, %shift_left3A_2016 : vector<16xi32>
    %add3A_2018 = arith.addi %add3A_1987, %shift_left3A_2017 : vector<16xi32>
    %swap3A_2019 = arith.constant 48 : index
    %swap3A_2020 = tpu.vector_load %arg36[%swap3A_2019] {strides = array<i32>} : memref<64xi32, #tpu.memory_space<vmem>>, vector<16xi32>,
    tpu.vector_store %arg36[%swap3A_2019], %add3A_2018 {strides = array<i32>} : memref<64xi32, #tpu.memory_space<vmem>>, vector<16xi32>,
    %jit3A_2021 = arith.constant 3 : i32
    %jit3A_2022 = arith.constant 1 : i32
    %broadcast_in_dim3A_2023 = vector.broadcast %jit3A_2021 : i32 to vector<16xi32>
    %broadcast_in_dim3A_2024 = vector.broadcast %jit3A_2022 : i32 to vector<16xi32>
    %select_n3A_2025 = arith.select %lt3A_1951, %broadcast_in_dim3A_2023, %broadcast_in_dim3A_2024 : vector<16xi1>, vector<16xi32>
    %shift_left3A_2026 = arith.constant 3 : i32
    %shift_left3A_2027 = vector.broadcast %shift_left3A_2026 : i32 to vector<16xi32>
    %shift_left3A_2028 = arith.shli %select_n3A_2025, %shift_left3A_2027 : vector<16xi32>
    %add3A_2029 = arith.addi %add3A_1987, %shift_left3A_2028 : vector<16xi32>
    %swap3A_2030 = arith.constant 48 : index
    %swap3A_2031 = tpu.vector_load %arg42[%swap3A_2030] {strides = array<i32>} : memref<64xi32, #tpu.memory_space<vmem>>, vector<16xi32>,
    tpu.vector_store %arg42[%swap3A_2030], %add3A_2029 {strides = array<i32>} : memref<64xi32, #tpu.memory_space<vmem>>, vector<16xi32>,
    %dma_start3A_2032 = arith.constant 0 : i32
    %dma_start3A_2033 = arith.constant 0 : i32
    %dma_start3A_2034 = tpu.memref_slice %arg6[%dma_start3A_2032, %dma_start3A_2033] : memref<65536x128xf32, #tpu.memory_space<hbm>> -> memref<65536x128xf32, #tpu.memory_space<hbm>>
    tpu.enqueue_indirect_dma source(%arg10 : memref<64x128xf32, #tpu.memory_space<vmem>>) target(%dma_start3A_2034 : memref<65536x128xf32, #tpu.memory_space<hbm>>) offsets(%arg24 : memref<64xi32, #tpu.memory_space<vmem>>) semaphore(%arg54 : memref<!tpu.dma_semaphore, #tpu.memory_space<semaphore_mem>>)
    %dma_start3A_2035 = arith.constant 0 : i32
    %dma_start3A_2036 = arith.constant 0 : i32
    %dma_start3A_2037 = tpu.memref_slice %arg6[%dma_start3A_2035, %dma_start3A_2036] : memref<65536x128xf32, #tpu.memory_space<hbm>> -> memref<65536x128xf32, #tpu.memory_space<hbm>>
    tpu.enqueue_indirect_dma source(%arg16 : memref<64x128xf32, #tpu.memory_space<vmem>>) target(%dma_start3A_2037 : memref<65536x128xf32, #tpu.memory_space<hbm>>) offsets(%arg30 : memref<64xi32, #tpu.memory_space<vmem>>) semaphore(%arg54 : memref<!tpu.dma_semaphore, #tpu.memory_space<semaphore_mem>>)
    %dma_start3A_2038 = arith.constant 0 : i32
    %dma_start3A_2039 = arith.constant 0 : i32
    %dma_start3A_2040 = tpu.memref_slice %arg6[%dma_start3A_2038, %dma_start3A_2039] : memref<65536x128xf32, #tpu.memory_space<hbm>> -> memref<65536x128xf32, #tpu.memory_space<hbm>>
    tpu.enqueue_indirect_dma source(%arg19 : memref<64x128xf32, #tpu.memory_space<vmem>>) target(%dma_start3A_2040 : memref<65536x128xf32, #tpu.memory_space<hbm>>) offsets(%arg36 : memref<64xi32, #tpu.memory_space<vmem>>) semaphore(%arg54 : memref<!tpu.dma_semaphore, #tpu.memory_space<semaphore_mem>>)
    %dma_start3A_2041 = arith.constant 0 : i32
    %dma_start3A_2042 = arith.constant 0 : i32
    %dma_start3A_2043 = tpu.memref_slice %arg6[%dma_start3A_2041, %dma_start3A_2042] : memref<65536x128xf32, #tpu.memory_space<hbm>> -> memref<65536x128xf32, #tpu.memory_space<hbm>>
    tpu.enqueue_indirect_dma source(%arg19 : memref<64x128xf32, #tpu.memory_space<vmem>>) target(%dma_start3A_2043 : memref<65536x128xf32, #tpu.memory_space<hbm>>) offsets(%arg42 : memref<64xi32, #tpu.memory_space<vmem>>) semaphore(%arg54 : memref<!tpu.dma_semaphore, #tpu.memory_space<semaphore_mem>>)
    %mul3A_2044 = arith.constant 512 : i32
    %mul3A_2045 = arith.muli %add3A, %mul3A_2044 : i32
    %add3A_2046 = arith.constant 320 : i32
    %add3A_2047 = arith.addi %mul3A_2045, %add3A_2046 : i32
    %dma_start3A_2048 = arith.constant 0 : i32
    %dma_start3A_2049 = tpu.memref_slice %arg2[%add3A_2047, %dma_start3A_2048] : memref<16384x128xf32, #tpu.memory_space<hbm>> -> memref<64x128xf32, #tpu.memory_space<hbm>>
    %dma_start3A_2050 = arith.constant 0 : i32
    %dma_start3A_2051 = tpu.memref_slice %arg2[%add3A_2047, %dma_start3A_2050] : memref<16384x128xf32, #tpu.memory_space<hbm>> -> memref<64x128xf32, #tpu.memory_space<hbm>>
    tpu.enqueue_dma source(%dma_start3A_2051 : memref<64x128xf32, #tpu.memory_space<hbm>>) target(%arg12 : memref<64x128xf32, #tpu.memory_space<vmem>>) target_semaphore(%arg50 : memref<!tpu.dma_semaphore, #tpu.memory_space<semaphore_mem>>)
    %dma_start3A_2052 = arith.constant 0 : i32
    %dma_start3A_2053 = tpu.memref_slice %arg3[%add3A_2047, %dma_start3A_2052] : memref<16384x128xf32, #tpu.memory_space<hbm>> -> memref<64x128xf32, #tpu.memory_space<hbm>>
    %dma_start3A_2054 = arith.constant 0 : i32
    %dma_start3A_2055 = tpu.memref_slice %arg3[%add3A_2047, %dma_start3A_2054] : memref<16384x128xf32, #tpu.memory_space<hbm>> -> memref<64x128xf32, #tpu.memory_space<hbm>>
    tpu.enqueue_dma source(%dma_start3A_2055 : memref<64x128xf32, #tpu.memory_space<hbm>>) target(%arg18 : memref<64x128xf32, #tpu.memory_space<vmem>>) target_semaphore(%arg50 : memref<!tpu.dma_semaphore, #tpu.memory_space<semaphore_mem>>)
    %dma_wait3A_2056 = arith.constant 0 : i32
    %dma_wait3A_2057 = tpu.memref_slice %arg2[%add3A_1535, %dma_wait3A_2056] : memref<16384x128xf32, #tpu.memory_space<hbm>> -> memref<64x128xf32, #tpu.memory_space<hbm>>
    %dma_wait3A_2058 = arith.constant 0 : i32
    %dma_wait3A_2059 = tpu.memref_slice %arg2[%add3A_1535, %dma_wait3A_2058] : memref<16384x128xf32, #tpu.memory_space<hbm>> -> memref<64x128xf32, #tpu.memory_space<hbm>>
    tpu.wait_dma2 semaphore(%arg49 : memref<!tpu.dma_semaphore, #tpu.memory_space<semaphore_mem>>) src(%dma_wait3A_2059 : memref<64x128xf32, #tpu.memory_space<hbm>>) dst(%arg11 : memref<64x128xf32, #tpu.memory_space<vmem>>)
    %dma_wait3A_2060 = arith.constant 0 : i32
    %dma_wait3A_2061 = tpu.memref_slice %arg3[%add3A_1535, %dma_wait3A_2060] : memref<16384x128xf32, #tpu.memory_space<hbm>> -> memref<64x128xf32, #tpu.memory_space<hbm>>
    %dma_wait3A_2062 = arith.constant 0 : i32
    %dma_wait3A_2063 = tpu.memref_slice %arg3[%add3A_1535, %dma_wait3A_2062] : memref<16384x128xf32, #tpu.memory_space<hbm>> -> memref<64x128xf32, #tpu.memory_space<hbm>>
    tpu.wait_dma2 semaphore(%arg49 : memref<!tpu.dma_semaphore, #tpu.memory_space<semaphore_mem>>) src(%dma_wait3A_2063 : memref<64x128xf32, #tpu.memory_space<hbm>>) dst(%arg17 : memref<64x128xf32, #tpu.memory_space<vmem>>)
    %mul3A_2064 = arith.constant 512 : i32
    %mul3A_2065 = arith.muli %add3A, %mul3A_2064 : i32
    %add3A_2066 = arith.constant 256 : i32
    %add3A_2067 = arith.addi %mul3A_2065, %add3A_2066 : i32
    %iota3A_2068 = tpu.iota {dimensions = array<i32: 0>} : vector<16xi32>
    %add3A_2069 = arith.constant 0 : i32
    %add3A_2070 = vector.broadcast %add3A_2069 : i32 to vector<16xi32>
    %add3A_2071 = arith.addi %iota3A_2068, %add3A_2070 : vector<16xi32>
    %broadcast_in_dim3A_2072 = arith.constant 5 : i32
    %broadcast_in_dim3A_2073 = vector.broadcast %broadcast_in_dim3A_2072 : i32 to vector<16xi32>
    %gather3A_2074 = tpu.vector_load_idx %arg11[%add3A_2071, %broadcast_in_dim3A_2073] : memref<64x128xf32, #tpu.memory_space<vmem>>[vector<16xi32>, vector<16xi32>], vector<16xf32>,
    %gather3A_2075 = tpu.vector_load_idx %arg17[%add3A_2071, %broadcast_in_dim3A_2073] : memref<64x128xf32, #tpu.memory_space<vmem>>[vector<16xi32>, vector<16xi32>], vector<16xf32>,
    %sub3A_2076 = arith.subf %gather3A_2074, %gather3A_2075 : vector<16xf32>
    %add3A_2077 = arith.addf %gather3A_2074, %gather3A_2075 : vector<16xf32>
    %sub3A_2078 = arith.subf %add3A_2077, %sub3A_2076 : vector<16xf32>
    %max3A_2079 = arith.constant 9.99999997E-7 : f32
    %max3A_2080 = vector.broadcast %max3A_2079 : f32 to vector<16xf32>
    %max3A_2081 = arith.maximumf %sub3A_2078, %max3A_2080 : vector<16xf32>
    %sub3A_2082 = arith.constant 0.000000e+00 : f32
    %sub3A_2083 = vector.broadcast %sub3A_2082 : f32 to vector<16xf32>
    %sub3A_2084 = arith.subf %sub3A_2083, %sub3A_2076 : vector<16xf32>
    %div3A_2085 = arith.divf %sub3A_2084, %max3A_2081 : vector<16xf32>
    %le3A_2086 = arith.constant 0.000000e+00 : f32
    %le3A_2087 = vector.broadcast %le3A_2086 : f32 to vector<16xf32>
    %le3A_2088 = arith.cmpf ole, %add3A_2077, %le3A_2087 : vector<16xf32>
    %gt3A_2089 = arith.constant 0.000000e+00 : f32
    %gt3A_2090 = vector.broadcast %gt3A_2089 : f32 to vector<16xf32>
    %gt3A_2091 = arith.cmpf ogt, %sub3A_2076, %gt3A_2090 : vector<16xf32>
    %jit3A_2092 = arith.constant 0.000000e+00 : f32
    %broadcast_in_dim3A_2093 = vector.broadcast %jit3A_2092 : f32 to vector<16xf32>
    %select_n3A_2094 = arith.select %gt3A_2091, %broadcast_in_dim3A_2093, %div3A_2085 : vector<16xi1>, vector<16xf32>
    %jit3A_2095 = arith.constant 1.000000e+00 : f32
    %broadcast_in_dim3A_2096 = vector.broadcast %jit3A_2095 : f32 to vector<16xf32>
    %select_n3A_2097 = arith.select %le3A_2088, %broadcast_in_dim3A_2096, %select_n3A_2094 : vector<16xi1>, vector<16xf32>
    %jit3A_2098 = arith.constant 0.000000e+00 : f32
    %jit3A_2099 = arith.constant 1.000000e+00 : f32
    %max3A_2100 = vector.broadcast %jit3A_2098 : f32 to vector<16xf32>
    %max3A_2101 = arith.maximumf %max3A_2100, %select_n3A_2097 : vector<16xf32>
    %min3A_2102 = vector.broadcast %jit3A_2099 : f32 to vector<16xf32>
    %min3A_2103 = arith.minimumf %min3A_2102, %max3A_2101 : vector<16xf32>
    %get3A_2104 = arith.constant 256 : index
    %get3A_2105 = tpu.vector_load %arg20[%get3A_2104] {strides = array<i32>} : memref<512xf32, #tpu.memory_space<vmem>>, vector<16xf32>,
    %lt3A_2106 = arith.cmpf olt, %get3A_2105, %min3A_2103 : vector<16xf32>
    %min3A_2107 = arith.constant 0.000000e+00 : f32
    %min3A_2108 = vector.broadcast %min3A_2107 : f32 to vector<16xf32>
    %min3A_2109 = arith.minimumf %add3A_2077, %min3A_2108 : vector<16xf32>
    %max3A_2110 = arith.constant 0.000000e+00 : f32
    %max3A_2111 = vector.broadcast %max3A_2110 : f32 to vector<16xf32>
    %max3A_2112 = arith.maximumf %sub3A_2076, %max3A_2111 : vector<16xf32>
    %add3A_2113 = arith.addf %sub3A_2076, %min3A_2109 : vector<16xf32>
    %mul3A_2114 = arith.constant 5.000000e-01 : f32
    %mul3A_2115 = vector.broadcast %mul3A_2114 : f32 to vector<16xf32>
    %mul3A_2116 = arith.mulf %add3A_2113, %mul3A_2115 : vector<16xf32>
    %add3A_2117 = arith.addf %max3A_2112, %add3A_2077 : vector<16xf32>
    %mul3A_2118 = arith.constant 5.000000e-01 : f32
    %mul3A_2119 = vector.broadcast %mul3A_2118 : f32 to vector<16xf32>
    %mul3A_2120 = arith.mulf %add3A_2117, %mul3A_2119 : vector<16xf32>
    %select_n3A_2121 = arith.select %lt3A_2106, %mul3A_2116, %mul3A_2120 : vector<16xi1>, vector<16xf32>
    %sub3A_2122 = arith.subf %min3A_2109, %sub3A_2076 : vector<16xf32>
    %mul3A_2123 = arith.constant 5.000000e-01 : f32
    %mul3A_2124 = vector.broadcast %mul3A_2123 : f32 to vector<16xf32>
    %mul3A_2125 = arith.mulf %sub3A_2122, %mul3A_2124 : vector<16xf32>
    %sub3A_2126 = arith.subf %add3A_2077, %max3A_2112 : vector<16xf32>
    %mul3A_2127 = arith.constant 5.000000e-01 : f32
    %mul3A_2128 = vector.broadcast %mul3A_2127 : f32 to vector<16xf32>
    %mul3A_2129 = arith.mulf %sub3A_2126, %mul3A_2128 : vector<16xf32>
    %select_n3A_2130 = arith.select %lt3A_2106, %mul3A_2125, %mul3A_2129 : vector<16xi1>, vector<16xf32>
    tpu.vector_store_idx %arg11[%add3A_2071, %broadcast_in_dim3A_2073], %select_n3A_2121 : memref<64x128xf32, #tpu.memory_space<vmem>>[vector<16xi32>, vector<16xi32>], vector<16xf32>,
    tpu.vector_store_idx %arg17[%add3A_2071, %broadcast_in_dim3A_2073], %select_n3A_2130 : memref<64x128xf32, #tpu.memory_space<vmem>>[vector<16xi32>, vector<16xi32>], vector<16xf32>,
    %add3A_2131 = vector.broadcast %add3A_2067 : i32 to vector<16xi32>
    %add3A_2132 = arith.addi %add3A_2071, %add3A_2131 : vector<16xi32>
    %shift_right_arithmetic3A_2133 = arith.constant 3 : i32
    %shift_right_arithmetic3A_2134 = vector.broadcast %shift_right_arithmetic3A_2133 : i32 to vector<16xi32>
    %shift_right_arithmetic3A_2135 = arith.shrsi %add3A_2132, %shift_right_arithmetic3A_2134 : vector<16xi32>
    %shift_left3A_2136 = arith.constant 5 : i32
    %shift_left3A_2137 = vector.broadcast %shift_left3A_2136 : i32 to vector<16xi32>
    %shift_left3A_2138 = arith.shli %shift_right_arithmetic3A_2135, %shift_left3A_2137 : vector<16xi32>
    %and3A_2139 = arith.constant 7 : i32
    %and3A_2140 = vector.broadcast %and3A_2139 : i32 to vector<16xi32>
    %and3A_2141 = arith.andi %add3A_2132, %and3A_2140 : vector<16xi32>
    %add3A_2142 = arith.addi %shift_left3A_2138, %and3A_2141 : vector<16xi32>
    %jit3A_2143 = arith.constant 0 : i32
    %jit3A_2144 = arith.constant 2 : i32
    %broadcast_in_dim3A_2145 = vector.broadcast %jit3A_2143 : i32 to vector<16xi32>
    %broadcast_in_dim3A_2146 = vector.broadcast %jit3A_2144 : i32 to vector<16xi32>
    %select_n3A_2147 = arith.select %lt3A_2106, %broadcast_in_dim3A_2145, %broadcast_in_dim3A_2146 : vector<16xi1>, vector<16xi32>
    %shift_left3A_2148 = arith.constant 3 : i32
    %shift_left3A_2149 = vector.broadcast %shift_left3A_2148 : i32 to vector<16xi32>
    %shift_left3A_2150 = arith.shli %select_n3A_2147, %shift_left3A_2149 : vector<16xi32>
    %add3A_2151 = arith.addi %add3A_2142, %shift_left3A_2150 : vector<16xi32>
    %swap3A_2152 = arith.constant 0 : index
    %swap3A_2153 = tpu.vector_load %arg25[%swap3A_2152] {strides = array<i32>} : memref<64xi32, #tpu.memory_space<vmem>>, vector<16xi32>,
    tpu.vector_store %arg25[%swap3A_2152], %add3A_2151 {strides = array<i32>} : memref<64xi32, #tpu.memory_space<vmem>>, vector<16xi32>,
    %jit3A_2154 = arith.constant 1 : i32
    %jit3A_2155 = arith.constant 3 : i32
    %broadcast_in_dim3A_2156 = vector.broadcast %jit3A_2154 : i32 to vector<16xi32>
    %broadcast_in_dim3A_2157 = vector.broadcast %jit3A_2155 : i32 to vector<16xi32>
    %select_n3A_2158 = arith.select %lt3A_2106, %broadcast_in_dim3A_2156, %broadcast_in_dim3A_2157 : vector<16xi1>, vector<16xi32>
    %shift_left3A_2159 = arith.constant 3 : i32
    %shift_left3A_2160 = vector.broadcast %shift_left3A_2159 : i32 to vector<16xi32>
    %shift_left3A_2161 = arith.shli %select_n3A_2158, %shift_left3A_2160 : vector<16xi32>
    %add3A_2162 = arith.addi %add3A_2142, %shift_left3A_2161 : vector<16xi32>
    %swap3A_2163 = arith.constant 0 : index
    %swap3A_2164 = tpu.vector_load %arg31[%swap3A_2163] {strides = array<i32>} : memref<64xi32, #tpu.memory_space<vmem>>, vector<16xi32>,
    tpu.vector_store %arg31[%swap3A_2163], %add3A_2162 {strides = array<i32>} : memref<64xi32, #tpu.memory_space<vmem>>, vector<16xi32>,
    %jit3A_2165 = arith.constant 2 : i32
    %jit3A_2166 = arith.constant 0 : i32
    %broadcast_in_dim3A_2167 = vector.broadcast %jit3A_2165 : i32 to vector<16xi32>
    %broadcast_in_dim3A_2168 = vector.broadcast %jit3A_2166 : i32 to vector<16xi32>
    %select_n3A_2169 = arith.select %lt3A_2106, %broadcast_in_dim3A_2167, %broadcast_in_dim3A_2168 : vector<16xi1>, vector<16xi32>
    %shift_left3A_2170 = arith.constant 3 : i32
    %shift_left3A_2171 = vector.broadcast %shift_left3A_2170 : i32 to vector<16xi32>
    %shift_left3A_2172 = arith.shli %select_n3A_2169, %shift_left3A_2171 : vector<16xi32>
    %add3A_2173 = arith.addi %add3A_2142, %shift_left3A_2172 : vector<16xi32>
    %swap3A_2174 = arith.constant 0 : index
    %swap3A_2175 = tpu.vector_load %arg37[%swap3A_2174] {strides = array<i32>} : memref<64xi32, #tpu.memory_space<vmem>>, vector<16xi32>,
    tpu.vector_store %arg37[%swap3A_2174], %add3A_2173 {strides = array<i32>} : memref<64xi32, #tpu.memory_space<vmem>>, vector<16xi32>,
    %jit3A_2176 = arith.constant 3 : i32
    %jit3A_2177 = arith.constant 1 : i32
    %broadcast_in_dim3A_2178 = vector.broadcast %jit3A_2176 : i32 to vector<16xi32>
    %broadcast_in_dim3A_2179 = vector.broadcast %jit3A_2177 : i32 to vector<16xi32>
    %select_n3A_2180 = arith.select %lt3A_2106, %broadcast_in_dim3A_2178, %broadcast_in_dim3A_2179 : vector<16xi1>, vector<16xi32>
    %shift_left3A_2181 = arith.constant 3 : i32
    %shift_left3A_2182 = vector.broadcast %shift_left3A_2181 : i32 to vector<16xi32>
    %shift_left3A_2183 = arith.shli %select_n3A_2180, %shift_left3A_2182 : vector<16xi32>
    %add3A_2184 = arith.addi %add3A_2142, %shift_left3A_2183 : vector<16xi32>
    %swap3A_2185 = arith.constant 0 : index
    %swap3A_2186 = tpu.vector_load %arg43[%swap3A_2185] {strides = array<i32>} : memref<64xi32, #tpu.memory_space<vmem>>, vector<16xi32>,
    tpu.vector_store %arg43[%swap3A_2185], %add3A_2184 {strides = array<i32>} : memref<64xi32, #tpu.memory_space<vmem>>, vector<16xi32>,
    %iota3A_2187 = tpu.iota {dimensions = array<i32: 0>} : vector<16xi32>
    %add3A_2188 = arith.constant 16 : i32
    %add3A_2189 = vector.broadcast %add3A_2188 : i32 to vector<16xi32>
    %add3A_2190 = arith.addi %iota3A_2187, %add3A_2189 : vector<16xi32>
    %broadcast_in_dim3A_2191 = arith.constant 5 : i32
    %broadcast_in_dim3A_2192 = vector.broadcast %broadcast_in_dim3A_2191 : i32 to vector<16xi32>
    %gather3A_2193 = tpu.vector_load_idx %arg11[%add3A_2190, %broadcast_in_dim3A_2192] : memref<64x128xf32, #tpu.memory_space<vmem>>[vector<16xi32>, vector<16xi32>], vector<16xf32>,
    %gather3A_2194 = tpu.vector_load_idx %arg17[%add3A_2190, %broadcast_in_dim3A_2192] : memref<64x128xf32, #tpu.memory_space<vmem>>[vector<16xi32>, vector<16xi32>], vector<16xf32>,
    %sub3A_2195 = arith.subf %gather3A_2193, %gather3A_2194 : vector<16xf32>
    %add3A_2196 = arith.addf %gather3A_2193, %gather3A_2194 : vector<16xf32>
    %sub3A_2197 = arith.subf %add3A_2196, %sub3A_2195 : vector<16xf32>
    %max3A_2198 = arith.constant 9.99999997E-7 : f32
    %max3A_2199 = vector.broadcast %max3A_2198 : f32 to vector<16xf32>
    %max3A_2200 = arith.maximumf %sub3A_2197, %max3A_2199 : vector<16xf32>
    %sub3A_2201 = arith.constant 0.000000e+00 : f32
    %sub3A_2202 = vector.broadcast %sub3A_2201 : f32 to vector<16xf32>
    %sub3A_2203 = arith.subf %sub3A_2202, %sub3A_2195 : vector<16xf32>
    %div3A_2204 = arith.divf %sub3A_2203, %max3A_2200 : vector<16xf32>
    %le3A_2205 = arith.constant 0.000000e+00 : f32
    %le3A_2206 = vector.broadcast %le3A_2205 : f32 to vector<16xf32>
    %le3A_2207 = arith.cmpf ole, %add3A_2196, %le3A_2206 : vector<16xf32>
    %gt3A_2208 = arith.constant 0.000000e+00 : f32
    %gt3A_2209 = vector.broadcast %gt3A_2208 : f32 to vector<16xf32>
    %gt3A_2210 = arith.cmpf ogt, %sub3A_2195, %gt3A_2209 : vector<16xf32>
    %jit3A_2211 = arith.constant 0.000000e+00 : f32
    %broadcast_in_dim3A_2212 = vector.broadcast %jit3A_2211 : f32 to vector<16xf32>
    %select_n3A_2213 = arith.select %gt3A_2210, %broadcast_in_dim3A_2212, %div3A_2204 : vector<16xi1>, vector<16xf32>
    %jit3A_2214 = arith.constant 1.000000e+00 : f32
    %broadcast_in_dim3A_2215 = vector.broadcast %jit3A_2214 : f32 to vector<16xf32>
    %select_n3A_2216 = arith.select %le3A_2207, %broadcast_in_dim3A_2215, %select_n3A_2213 : vector<16xi1>, vector<16xf32>
    %jit3A_2217 = arith.constant 0.000000e+00 : f32
    %jit3A_2218 = arith.constant 1.000000e+00 : f32
    %max3A_2219 = vector.broadcast %jit3A_2217 : f32 to vector<16xf32>
    %max3A_2220 = arith.maximumf %max3A_2219, %select_n3A_2216 : vector<16xf32>
    %min3A_2221 = vector.broadcast %jit3A_2218 : f32 to vector<16xf32>
    %min3A_2222 = arith.minimumf %min3A_2221, %max3A_2220 : vector<16xf32>
    %get3A_2223 = arith.constant 272 : index
    %get3A_2224 = tpu.vector_load %arg20[%get3A_2223] {strides = array<i32>} : memref<512xf32, #tpu.memory_space<vmem>>, vector<16xf32>,
    %lt3A_2225 = arith.cmpf olt, %get3A_2224, %min3A_2222 : vector<16xf32>
    %min3A_2226 = arith.constant 0.000000e+00 : f32
    %min3A_2227 = vector.broadcast %min3A_2226 : f32 to vector<16xf32>
    %min3A_2228 = arith.minimumf %add3A_2196, %min3A_2227 : vector<16xf32>
    %max3A_2229 = arith.constant 0.000000e+00 : f32
    %max3A_2230 = vector.broadcast %max3A_2229 : f32 to vector<16xf32>
    %max3A_2231 = arith.maximumf %sub3A_2195, %max3A_2230 : vector<16xf32>
    %add3A_2232 = arith.addf %sub3A_2195, %min3A_2228 : vector<16xf32>
    %mul3A_2233 = arith.constant 5.000000e-01 : f32
    %mul3A_2234 = vector.broadcast %mul3A_2233 : f32 to vector<16xf32>
    %mul3A_2235 = arith.mulf %add3A_2232, %mul3A_2234 : vector<16xf32>
    %add3A_2236 = arith.addf %max3A_2231, %add3A_2196 : vector<16xf32>
    %mul3A_2237 = arith.constant 5.000000e-01 : f32
    %mul3A_2238 = vector.broadcast %mul3A_2237 : f32 to vector<16xf32>
    %mul3A_2239 = arith.mulf %add3A_2236, %mul3A_2238 : vector<16xf32>
    %select_n3A_2240 = arith.select %lt3A_2225, %mul3A_2235, %mul3A_2239 : vector<16xi1>, vector<16xf32>
    %sub3A_2241 = arith.subf %min3A_2228, %sub3A_2195 : vector<16xf32>
    %mul3A_2242 = arith.constant 5.000000e-01 : f32
    %mul3A_2243 = vector.broadcast %mul3A_2242 : f32 to vector<16xf32>
    %mul3A_2244 = arith.mulf %sub3A_2241, %mul3A_2243 : vector<16xf32>
    %sub3A_2245 = arith.subf %add3A_2196, %max3A_2231 : vector<16xf32>
    %mul3A_2246 = arith.constant 5.000000e-01 : f32
    %mul3A_2247 = vector.broadcast %mul3A_2246 : f32 to vector<16xf32>
    %mul3A_2248 = arith.mulf %sub3A_2245, %mul3A_2247 : vector<16xf32>
    %select_n3A_2249 = arith.select %lt3A_2225, %mul3A_2244, %mul3A_2248 : vector<16xi1>, vector<16xf32>
    tpu.vector_store_idx %arg11[%add3A_2190, %broadcast_in_dim3A_2192], %select_n3A_2240 : memref<64x128xf32, #tpu.memory_space<vmem>>[vector<16xi32>, vector<16xi32>], vector<16xf32>,
    tpu.vector_store_idx %arg17[%add3A_2190, %broadcast_in_dim3A_2192], %select_n3A_2249 : memref<64x128xf32, #tpu.memory_space<vmem>>[vector<16xi32>, vector<16xi32>], vector<16xf32>,
    %add3A_2250 = vector.broadcast %add3A_2067 : i32 to vector<16xi32>
    %add3A_2251 = arith.addi %add3A_2190, %add3A_2250 : vector<16xi32>
    %shift_right_arithmetic3A_2252 = arith.constant 3 : i32
    %shift_right_arithmetic3A_2253 = vector.broadcast %shift_right_arithmetic3A_2252 : i32 to vector<16xi32>
    %shift_right_arithmetic3A_2254 = arith.shrsi %add3A_2251, %shift_right_arithmetic3A_2253 : vector<16xi32>
    %shift_left3A_2255 = arith.constant 5 : i32
    %shift_left3A_2256 = vector.broadcast %shift_left3A_2255 : i32 to vector<16xi32>
    %shift_left3A_2257 = arith.shli %shift_right_arithmetic3A_2254, %shift_left3A_2256 : vector<16xi32>
    %and3A_2258 = arith.constant 7 : i32
    %and3A_2259 = vector.broadcast %and3A_2258 : i32 to vector<16xi32>
    %and3A_2260 = arith.andi %add3A_2251, %and3A_2259 : vector<16xi32>
    %add3A_2261 = arith.addi %shift_left3A_2257, %and3A_2260 : vector<16xi32>
    %jit3A_2262 = arith.constant 0 : i32
    %jit3A_2263 = arith.constant 2 : i32
    %broadcast_in_dim3A_2264 = vector.broadcast %jit3A_2262 : i32 to vector<16xi32>
    %broadcast_in_dim3A_2265 = vector.broadcast %jit3A_2263 : i32 to vector<16xi32>
    %select_n3A_2266 = arith.select %lt3A_2225, %broadcast_in_dim3A_2264, %broadcast_in_dim3A_2265 : vector<16xi1>, vector<16xi32>
    %shift_left3A_2267 = arith.constant 3 : i32
    %shift_left3A_2268 = vector.broadcast %shift_left3A_2267 : i32 to vector<16xi32>
    %shift_left3A_2269 = arith.shli %select_n3A_2266, %shift_left3A_2268 : vector<16xi32>
    %add3A_2270 = arith.addi %add3A_2261, %shift_left3A_2269 : vector<16xi32>
    %swap3A_2271 = arith.constant 16 : index
    %swap3A_2272 = tpu.vector_load %arg25[%swap3A_2271] {strides = array<i32>} : memref<64xi32, #tpu.memory_space<vmem>>, vector<16xi32>,
    tpu.vector_store %arg25[%swap3A_2271], %add3A_2270 {strides = array<i32>} : memref<64xi32, #tpu.memory_space<vmem>>, vector<16xi32>,
    %jit3A_2273 = arith.constant 1 : i32
    %jit3A_2274 = arith.constant 3 : i32
    %broadcast_in_dim3A_2275 = vector.broadcast %jit3A_2273 : i32 to vector<16xi32>
    %broadcast_in_dim3A_2276 = vector.broadcast %jit3A_2274 : i32 to vector<16xi32>
    %select_n3A_2277 = arith.select %lt3A_2225, %broadcast_in_dim3A_2275, %broadcast_in_dim3A_2276 : vector<16xi1>, vector<16xi32>
    %shift_left3A_2278 = arith.constant 3 : i32
    %shift_left3A_2279 = vector.broadcast %shift_left3A_2278 : i32 to vector<16xi32>
    %shift_left3A_2280 = arith.shli %select_n3A_2277, %shift_left3A_2279 : vector<16xi32>
    %add3A_2281 = arith.addi %add3A_2261, %shift_left3A_2280 : vector<16xi32>
    %swap3A_2282 = arith.constant 16 : index
    %swap3A_2283 = tpu.vector_load %arg31[%swap3A_2282] {strides = array<i32>} : memref<64xi32, #tpu.memory_space<vmem>>, vector<16xi32>,
    tpu.vector_store %arg31[%swap3A_2282], %add3A_2281 {strides = array<i32>} : memref<64xi32, #tpu.memory_space<vmem>>, vector<16xi32>,
    %jit3A_2284 = arith.constant 2 : i32
    %jit3A_2285 = arith.constant 0 : i32
    %broadcast_in_dim3A_2286 = vector.broadcast %jit3A_2284 : i32 to vector<16xi32>
    %broadcast_in_dim3A_2287 = vector.broadcast %jit3A_2285 : i32 to vector<16xi32>
    %select_n3A_2288 = arith.select %lt3A_2225, %broadcast_in_dim3A_2286, %broadcast_in_dim3A_2287 : vector<16xi1>, vector<16xi32>
    %shift_left3A_2289 = arith.constant 3 : i32
    %shift_left3A_2290 = vector.broadcast %shift_left3A_2289 : i32 to vector<16xi32>
    %shift_left3A_2291 = arith.shli %select_n3A_2288, %shift_left3A_2290 : vector<16xi32>
    %add3A_2292 = arith.addi %add3A_2261, %shift_left3A_2291 : vector<16xi32>
    %swap3A_2293 = arith.constant 16 : index
    %swap3A_2294 = tpu.vector_load %arg37[%swap3A_2293] {strides = array<i32>} : memref<64xi32, #tpu.memory_space<vmem>>, vector<16xi32>,
    tpu.vector_store %arg37[%swap3A_2293], %add3A_2292 {strides = array<i32>} : memref<64xi32, #tpu.memory_space<vmem>>, vector<16xi32>,
    %jit3A_2295 = arith.constant 3 : i32
    %jit3A_2296 = arith.constant 1 : i32
    %broadcast_in_dim3A_2297 = vector.broadcast %jit3A_2295 : i32 to vector<16xi32>
    %broadcast_in_dim3A_2298 = vector.broadcast %jit3A_2296 : i32 to vector<16xi32>
    %select_n3A_2299 = arith.select %lt3A_2225, %broadcast_in_dim3A_2297, %broadcast_in_dim3A_2298 : vector<16xi1>, vector<16xi32>
    %shift_left3A_2300 = arith.constant 3 : i32
    %shift_left3A_2301 = vector.broadcast %shift_left3A_2300 : i32 to vector<16xi32>
    %shift_left3A_2302 = arith.shli %select_n3A_2299, %shift_left3A_2301 : vector<16xi32>
    %add3A_2303 = arith.addi %add3A_2261, %shift_left3A_2302 : vector<16xi32>
    %swap3A_2304 = arith.constant 16 : index
    %swap3A_2305 = tpu.vector_load %arg43[%swap3A_2304] {strides = array<i32>} : memref<64xi32, #tpu.memory_space<vmem>>, vector<16xi32>,
    tpu.vector_store %arg43[%swap3A_2304], %add3A_2303 {strides = array<i32>} : memref<64xi32, #tpu.memory_space<vmem>>, vector<16xi32>,
    %iota3A_2306 = tpu.iota {dimensions = array<i32: 0>} : vector<16xi32>
    %add3A_2307 = arith.constant 32 : i32
    %add3A_2308 = vector.broadcast %add3A_2307 : i32 to vector<16xi32>
    %add3A_2309 = arith.addi %iota3A_2306, %add3A_2308 : vector<16xi32>
    %broadcast_in_dim3A_2310 = arith.constant 5 : i32
    %broadcast_in_dim3A_2311 = vector.broadcast %broadcast_in_dim3A_2310 : i32 to vector<16xi32>
    %gather3A_2312 = tpu.vector_load_idx %arg11[%add3A_2309, %broadcast_in_dim3A_2311] : memref<64x128xf32, #tpu.memory_space<vmem>>[vector<16xi32>, vector<16xi32>], vector<16xf32>,
    %gather3A_2313 = tpu.vector_load_idx %arg17[%add3A_2309, %broadcast_in_dim3A_2311] : memref<64x128xf32, #tpu.memory_space<vmem>>[vector<16xi32>, vector<16xi32>], vector<16xf32>,
    %sub3A_2314 = arith.subf %gather3A_2312, %gather3A_2313 : vector<16xf32>
    %add3A_2315 = arith.addf %gather3A_2312, %gather3A_2313 : vector<16xf32>
    %sub3A_2316 = arith.subf %add3A_2315, %sub3A_2314 : vector<16xf32>
    %max3A_2317 = arith.constant 9.99999997E-7 : f32
    %max3A_2318 = vector.broadcast %max3A_2317 : f32 to vector<16xf32>
    %max3A_2319 = arith.maximumf %sub3A_2316, %max3A_2318 : vector<16xf32>
    %sub3A_2320 = arith.constant 0.000000e+00 : f32
    %sub3A_2321 = vector.broadcast %sub3A_2320 : f32 to vector<16xf32>
    %sub3A_2322 = arith.subf %sub3A_2321, %sub3A_2314 : vector<16xf32>
    %div3A_2323 = arith.divf %sub3A_2322, %max3A_2319 : vector<16xf32>
    %le3A_2324 = arith.constant 0.000000e+00 : f32
    %le3A_2325 = vector.broadcast %le3A_2324 : f32 to vector<16xf32>
    %le3A_2326 = arith.cmpf ole, %add3A_2315, %le3A_2325 : vector<16xf32>
    %gt3A_2327 = arith.constant 0.000000e+00 : f32
    %gt3A_2328 = vector.broadcast %gt3A_2327 : f32 to vector<16xf32>
    %gt3A_2329 = arith.cmpf ogt, %sub3A_2314, %gt3A_2328 : vector<16xf32>
    %jit3A_2330 = arith.constant 0.000000e+00 : f32
    %broadcast_in_dim3A_2331 = vector.broadcast %jit3A_2330 : f32 to vector<16xf32>
    %select_n3A_2332 = arith.select %gt3A_2329, %broadcast_in_dim3A_2331, %div3A_2323 : vector<16xi1>, vector<16xf32>
    %jit3A_2333 = arith.constant 1.000000e+00 : f32
    %broadcast_in_dim3A_2334 = vector.broadcast %jit3A_2333 : f32 to vector<16xf32>
    %select_n3A_2335 = arith.select %le3A_2326, %broadcast_in_dim3A_2334, %select_n3A_2332 : vector<16xi1>, vector<16xf32>
    %jit3A_2336 = arith.constant 0.000000e+00 : f32
    %jit3A_2337 = arith.constant 1.000000e+00 : f32
    %max3A_2338 = vector.broadcast %jit3A_2336 : f32 to vector<16xf32>
    %max3A_2339 = arith.maximumf %max3A_2338, %select_n3A_2335 : vector<16xf32>
    %min3A_2340 = vector.broadcast %jit3A_2337 : f32 to vector<16xf32>
    %min3A_2341 = arith.minimumf %min3A_2340, %max3A_2339 : vector<16xf32>
    %get3A_2342 = arith.constant 288 : index
    %get3A_2343 = tpu.vector_load %arg20[%get3A_2342] {strides = array<i32>} : memref<512xf32, #tpu.memory_space<vmem>>, vector<16xf32>,
    %lt3A_2344 = arith.cmpf olt, %get3A_2343, %min3A_2341 : vector<16xf32>
    %min3A_2345 = arith.constant 0.000000e+00 : f32
    %min3A_2346 = vector.broadcast %min3A_2345 : f32 to vector<16xf32>
    %min3A_2347 = arith.minimumf %add3A_2315, %min3A_2346 : vector<16xf32>
    %max3A_2348 = arith.constant 0.000000e+00 : f32
    %max3A_2349 = vector.broadcast %max3A_2348 : f32 to vector<16xf32>
    %max3A_2350 = arith.maximumf %sub3A_2314, %max3A_2349 : vector<16xf32>
    %add3A_2351 = arith.addf %sub3A_2314, %min3A_2347 : vector<16xf32>
    %mul3A_2352 = arith.constant 5.000000e-01 : f32
    %mul3A_2353 = vector.broadcast %mul3A_2352 : f32 to vector<16xf32>
    %mul3A_2354 = arith.mulf %add3A_2351, %mul3A_2353 : vector<16xf32>
    %add3A_2355 = arith.addf %max3A_2350, %add3A_2315 : vector<16xf32>
    %mul3A_2356 = arith.constant 5.000000e-01 : f32
    %mul3A_2357 = vector.broadcast %mul3A_2356 : f32 to vector<16xf32>
    %mul3A_2358 = arith.mulf %add3A_2355, %mul3A_2357 : vector<16xf32>
    %select_n3A_2359 = arith.select %lt3A_2344, %mul3A_2354, %mul3A_2358 : vector<16xi1>, vector<16xf32>
    %sub3A_2360 = arith.subf %min3A_2347, %sub3A_2314 : vector<16xf32>
    %mul3A_2361 = arith.constant 5.000000e-01 : f32
    %mul3A_2362 = vector.broadcast %mul3A_2361 : f32 to vector<16xf32>
    %mul3A_2363 = arith.mulf %sub3A_2360, %mul3A_2362 : vector<16xf32>
    %sub3A_2364 = arith.subf %add3A_2315, %max3A_2350 : vector<16xf32>
    %mul3A_2365 = arith.constant 5.000000e-01 : f32
    %mul3A_2366 = vector.broadcast %mul3A_2365 : f32 to vector<16xf32>
    %mul3A_2367 = arith.mulf %sub3A_2364, %mul3A_2366 : vector<16xf32>
    %select_n3A_2368 = arith.select %lt3A_2344, %mul3A_2363, %mul3A_2367 : vector<16xi1>, vector<16xf32>
    tpu.vector_store_idx %arg11[%add3A_2309, %broadcast_in_dim3A_2311], %select_n3A_2359 : memref<64x128xf32, #tpu.memory_space<vmem>>[vector<16xi32>, vector<16xi32>], vector<16xf32>,
    tpu.vector_store_idx %arg17[%add3A_2309, %broadcast_in_dim3A_2311], %select_n3A_2368 : memref<64x128xf32, #tpu.memory_space<vmem>>[vector<16xi32>, vector<16xi32>], vector<16xf32>,
    %add3A_2369 = vector.broadcast %add3A_2067 : i32 to vector<16xi32>
    %add3A_2370 = arith.addi %add3A_2309, %add3A_2369 : vector<16xi32>
    %shift_right_arithmetic3A_2371 = arith.constant 3 : i32
    %shift_right_arithmetic3A_2372 = vector.broadcast %shift_right_arithmetic3A_2371 : i32 to vector<16xi32>
    %shift_right_arithmetic3A_2373 = arith.shrsi %add3A_2370, %shift_right_arithmetic3A_2372 : vector<16xi32>
    %shift_left3A_2374 = arith.constant 5 : i32
    %shift_left3A_2375 = vector.broadcast %shift_left3A_2374 : i32 to vector<16xi32>
    %shift_left3A_2376 = arith.shli %shift_right_arithmetic3A_2373, %shift_left3A_2375 : vector<16xi32>
    %and3A_2377 = arith.constant 7 : i32
    %and3A_2378 = vector.broadcast %and3A_2377 : i32 to vector<16xi32>
    %and3A_2379 = arith.andi %add3A_2370, %and3A_2378 : vector<16xi32>
    %add3A_2380 = arith.addi %shift_left3A_2376, %and3A_2379 : vector<16xi32>
    %jit3A_2381 = arith.constant 0 : i32
    %jit3A_2382 = arith.constant 2 : i32
    %broadcast_in_dim3A_2383 = vector.broadcast %jit3A_2381 : i32 to vector<16xi32>
    %broadcast_in_dim3A_2384 = vector.broadcast %jit3A_2382 : i32 to vector<16xi32>
    %select_n3A_2385 = arith.select %lt3A_2344, %broadcast_in_dim3A_2383, %broadcast_in_dim3A_2384 : vector<16xi1>, vector<16xi32>
    %shift_left3A_2386 = arith.constant 3 : i32
    %shift_left3A_2387 = vector.broadcast %shift_left3A_2386 : i32 to vector<16xi32>
    %shift_left3A_2388 = arith.shli %select_n3A_2385, %shift_left3A_2387 : vector<16xi32>
    %add3A_2389 = arith.addi %add3A_2380, %shift_left3A_2388 : vector<16xi32>
    %swap3A_2390 = arith.constant 32 : index
    %swap3A_2391 = tpu.vector_load %arg25[%swap3A_2390] {strides = array<i32>} : memref<64xi32, #tpu.memory_space<vmem>>, vector<16xi32>,
    tpu.vector_store %arg25[%swap3A_2390], %add3A_2389 {strides = array<i32>} : memref<64xi32, #tpu.memory_space<vmem>>, vector<16xi32>,
    %jit3A_2392 = arith.constant 1 : i32
    %jit3A_2393 = arith.constant 3 : i32
    %broadcast_in_dim3A_2394 = vector.broadcast %jit3A_2392 : i32 to vector<16xi32>
    %broadcast_in_dim3A_2395 = vector.broadcast %jit3A_2393 : i32 to vector<16xi32>
    %select_n3A_2396 = arith.select %lt3A_2344, %broadcast_in_dim3A_2394, %broadcast_in_dim3A_2395 : vector<16xi1>, vector<16xi32>
    %shift_left3A_2397 = arith.constant 3 : i32
    %shift_left3A_2398 = vector.broadcast %shift_left3A_2397 : i32 to vector<16xi32>
    %shift_left3A_2399 = arith.shli %select_n3A_2396, %shift_left3A_2398 : vector<16xi32>
    %add3A_2400 = arith.addi %add3A_2380, %shift_left3A_2399 : vector<16xi32>
    %swap3A_2401 = arith.constant 32 : index
    %swap3A_2402 = tpu.vector_load %arg31[%swap3A_2401] {strides = array<i32>} : memref<64xi32, #tpu.memory_space<vmem>>, vector<16xi32>,
    tpu.vector_store %arg31[%swap3A_2401], %add3A_2400 {strides = array<i32>} : memref<64xi32, #tpu.memory_space<vmem>>, vector<16xi32>,
    %jit3A_2403 = arith.constant 2 : i32
    %jit3A_2404 = arith.constant 0 : i32
    %broadcast_in_dim3A_2405 = vector.broadcast %jit3A_2403 : i32 to vector<16xi32>
    %broadcast_in_dim3A_2406 = vector.broadcast %jit3A_2404 : i32 to vector<16xi32>
    %select_n3A_2407 = arith.select %lt3A_2344, %broadcast_in_dim3A_2405, %broadcast_in_dim3A_2406 : vector<16xi1>, vector<16xi32>
    %shift_left3A_2408 = arith.constant 3 : i32
    %shift_left3A_2409 = vector.broadcast %shift_left3A_2408 : i32 to vector<16xi32>
    %shift_left3A_2410 = arith.shli %select_n3A_2407, %shift_left3A_2409 : vector<16xi32>
    %add3A_2411 = arith.addi %add3A_2380, %shift_left3A_2410 : vector<16xi32>
    %swap3A_2412 = arith.constant 32 : index
    %swap3A_2413 = tpu.vector_load %arg37[%swap3A_2412] {strides = array<i32>} : memref<64xi32, #tpu.memory_space<vmem>>, vector<16xi32>,
    tpu.vector_store %arg37[%swap3A_2412], %add3A_2411 {strides = array<i32>} : memref<64xi32, #tpu.memory_space<vmem>>, vector<16xi32>,
    %jit3A_2414 = arith.constant 3 : i32
    %jit3A_2415 = arith.constant 1 : i32
    %broadcast_in_dim3A_2416 = vector.broadcast %jit3A_2414 : i32 to vector<16xi32>
    %broadcast_in_dim3A_2417 = vector.broadcast %jit3A_2415 : i32 to vector<16xi32>
    %select_n3A_2418 = arith.select %lt3A_2344, %broadcast_in_dim3A_2416, %broadcast_in_dim3A_2417 : vector<16xi1>, vector<16xi32>
    %shift_left3A_2419 = arith.constant 3 : i32
    %shift_left3A_2420 = vector.broadcast %shift_left3A_2419 : i32 to vector<16xi32>
    %shift_left3A_2421 = arith.shli %select_n3A_2418, %shift_left3A_2420 : vector<16xi32>
    %add3A_2422 = arith.addi %add3A_2380, %shift_left3A_2421 : vector<16xi32>
    %swap3A_2423 = arith.constant 32 : index
    %swap3A_2424 = tpu.vector_load %arg43[%swap3A_2423] {strides = array<i32>} : memref<64xi32, #tpu.memory_space<vmem>>, vector<16xi32>,
    tpu.vector_store %arg43[%swap3A_2423], %add3A_2422 {strides = array<i32>} : memref<64xi32, #tpu.memory_space<vmem>>, vector<16xi32>,
    %iota3A_2425 = tpu.iota {dimensions = array<i32: 0>} : vector<16xi32>
    %add3A_2426 = arith.constant 48 : i32
    %add3A_2427 = vector.broadcast %add3A_2426 : i32 to vector<16xi32>
    %add3A_2428 = arith.addi %iota3A_2425, %add3A_2427 : vector<16xi32>
    %broadcast_in_dim3A_2429 = arith.constant 5 : i32
    %broadcast_in_dim3A_2430 = vector.broadcast %broadcast_in_dim3A_2429 : i32 to vector<16xi32>
    %gather3A_2431 = tpu.vector_load_idx %arg11[%add3A_2428, %broadcast_in_dim3A_2430] : memref<64x128xf32, #tpu.memory_space<vmem>>[vector<16xi32>, vector<16xi32>], vector<16xf32>,
    %gather3A_2432 = tpu.vector_load_idx %arg17[%add3A_2428, %broadcast_in_dim3A_2430] : memref<64x128xf32, #tpu.memory_space<vmem>>[vector<16xi32>, vector<16xi32>], vector<16xf32>,
    %sub3A_2433 = arith.subf %gather3A_2431, %gather3A_2432 : vector<16xf32>
    %add3A_2434 = arith.addf %gather3A_2431, %gather3A_2432 : vector<16xf32>
    %sub3A_2435 = arith.subf %add3A_2434, %sub3A_2433 : vector<16xf32>
    %max3A_2436 = arith.constant 9.99999997E-7 : f32
    %max3A_2437 = vector.broadcast %max3A_2436 : f32 to vector<16xf32>
    %max3A_2438 = arith.maximumf %sub3A_2435, %max3A_2437 : vector<16xf32>
    %sub3A_2439 = arith.constant 0.000000e+00 : f32
    %sub3A_2440 = vector.broadcast %sub3A_2439 : f32 to vector<16xf32>
    %sub3A_2441 = arith.subf %sub3A_2440, %sub3A_2433 : vector<16xf32>
    %div3A_2442 = arith.divf %sub3A_2441, %max3A_2438 : vector<16xf32>
    %le3A_2443 = arith.constant 0.000000e+00 : f32
    %le3A_2444 = vector.broadcast %le3A_2443 : f32 to vector<16xf32>
    %le3A_2445 = arith.cmpf ole, %add3A_2434, %le3A_2444 : vector<16xf32>
    %gt3A_2446 = arith.constant 0.000000e+00 : f32
    %gt3A_2447 = vector.broadcast %gt3A_2446 : f32 to vector<16xf32>
    %gt3A_2448 = arith.cmpf ogt, %sub3A_2433, %gt3A_2447 : vector<16xf32>
    %jit3A_2449 = arith.constant 0.000000e+00 : f32
    %broadcast_in_dim3A_2450 = vector.broadcast %jit3A_2449 : f32 to vector<16xf32>
    %select_n3A_2451 = arith.select %gt3A_2448, %broadcast_in_dim3A_2450, %div3A_2442 : vector<16xi1>, vector<16xf32>
    %jit3A_2452 = arith.constant 1.000000e+00 : f32
    %broadcast_in_dim3A_2453 = vector.broadcast %jit3A_2452 : f32 to vector<16xf32>
    %select_n3A_2454 = arith.select %le3A_2445, %broadcast_in_dim3A_2453, %select_n3A_2451 : vector<16xi1>, vector<16xf32>
    %jit3A_2455 = arith.constant 0.000000e+00 : f32
    %jit3A_2456 = arith.constant 1.000000e+00 : f32
    %max3A_2457 = vector.broadcast %jit3A_2455 : f32 to vector<16xf32>
    %max3A_2458 = arith.maximumf %max3A_2457, %select_n3A_2454 : vector<16xf32>
    %min3A_2459 = vector.broadcast %jit3A_2456 : f32 to vector<16xf32>
    %min3A_2460 = arith.minimumf %min3A_2459, %max3A_2458 : vector<16xf32>
    %get3A_2461 = arith.constant 304 : index
    %get3A_2462 = tpu.vector_load %arg20[%get3A_2461] {strides = array<i32>} : memref<512xf32, #tpu.memory_space<vmem>>, vector<16xf32>,
    %lt3A_2463 = arith.cmpf olt, %get3A_2462, %min3A_2460 : vector<16xf32>
    %min3A_2464 = arith.constant 0.000000e+00 : f32
    %min3A_2465 = vector.broadcast %min3A_2464 : f32 to vector<16xf32>
    %min3A_2466 = arith.minimumf %add3A_2434, %min3A_2465 : vector<16xf32>
    %max3A_2467 = arith.constant 0.000000e+00 : f32
    %max3A_2468 = vector.broadcast %max3A_2467 : f32 to vector<16xf32>
    %max3A_2469 = arith.maximumf %sub3A_2433, %max3A_2468 : vector<16xf32>
    %add3A_2470 = arith.addf %sub3A_2433, %min3A_2466 : vector<16xf32>
    %mul3A_2471 = arith.constant 5.000000e-01 : f32
    %mul3A_2472 = vector.broadcast %mul3A_2471 : f32 to vector<16xf32>
    %mul3A_2473 = arith.mulf %add3A_2470, %mul3A_2472 : vector<16xf32>
    %add3A_2474 = arith.addf %max3A_2469, %add3A_2434 : vector<16xf32>
    %mul3A_2475 = arith.constant 5.000000e-01 : f32
    %mul3A_2476 = vector.broadcast %mul3A_2475 : f32 to vector<16xf32>
    %mul3A_2477 = arith.mulf %add3A_2474, %mul3A_2476 : vector<16xf32>
    %select_n3A_2478 = arith.select %lt3A_2463, %mul3A_2473, %mul3A_2477 : vector<16xi1>, vector<16xf32>
    %sub3A_2479 = arith.subf %min3A_2466, %sub3A_2433 : vector<16xf32>
    %mul3A_2480 = arith.constant 5.000000e-01 : f32
    %mul3A_2481 = vector.broadcast %mul3A_2480 : f32 to vector<16xf32>
    %mul3A_2482 = arith.mulf %sub3A_2479, %mul3A_2481 : vector<16xf32>
    %sub3A_2483 = arith.subf %add3A_2434, %max3A_2469 : vector<16xf32>
    %mul3A_2484 = arith.constant 5.000000e-01 : f32
    %mul3A_2485 = vector.broadcast %mul3A_2484 : f32 to vector<16xf32>
    %mul3A_2486 = arith.mulf %sub3A_2483, %mul3A_2485 : vector<16xf32>
    %select_n3A_2487 = arith.select %lt3A_2463, %mul3A_2482, %mul3A_2486 : vector<16xi1>, vector<16xf32>
    tpu.vector_store_idx %arg11[%add3A_2428, %broadcast_in_dim3A_2430], %select_n3A_2478 : memref<64x128xf32, #tpu.memory_space<vmem>>[vector<16xi32>, vector<16xi32>], vector<16xf32>,
    tpu.vector_store_idx %arg17[%add3A_2428, %broadcast_in_dim3A_2430], %select_n3A_2487 : memref<64x128xf32, #tpu.memory_space<vmem>>[vector<16xi32>, vector<16xi32>], vector<16xf32>,
    %add3A_2488 = vector.broadcast %add3A_2067 : i32 to vector<16xi32>
    %add3A_2489 = arith.addi %add3A_2428, %add3A_2488 : vector<16xi32>
    %shift_right_arithmetic3A_2490 = arith.constant 3 : i32
    %shift_right_arithmetic3A_2491 = vector.broadcast %shift_right_arithmetic3A_2490 : i32 to vector<16xi32>
    %shift_right_arithmetic3A_2492 = arith.shrsi %add3A_2489, %shift_right_arithmetic3A_2491 : vector<16xi32>
    %shift_left3A_2493 = arith.constant 5 : i32
    %shift_left3A_2494 = vector.broadcast %shift_left3A_2493 : i32 to vector<16xi32>
    %shift_left3A_2495 = arith.shli %shift_right_arithmetic3A_2492, %shift_left3A_2494 : vector<16xi32>
    %and3A_2496 = arith.constant 7 : i32
    %and3A_2497 = vector.broadcast %and3A_2496 : i32 to vector<16xi32>
    %and3A_2498 = arith.andi %add3A_2489, %and3A_2497 : vector<16xi32>
    %add3A_2499 = arith.addi %shift_left3A_2495, %and3A_2498 : vector<16xi32>
    %jit3A_2500 = arith.constant 0 : i32
    %jit3A_2501 = arith.constant 2 : i32
    %broadcast_in_dim3A_2502 = vector.broadcast %jit3A_2500 : i32 to vector<16xi32>
    %broadcast_in_dim3A_2503 = vector.broadcast %jit3A_2501 : i32 to vector<16xi32>
    %select_n3A_2504 = arith.select %lt3A_2463, %broadcast_in_dim3A_2502, %broadcast_in_dim3A_2503 : vector<16xi1>, vector<16xi32>
    %shift_left3A_2505 = arith.constant 3 : i32
    %shift_left3A_2506 = vector.broadcast %shift_left3A_2505 : i32 to vector<16xi32>
    %shift_left3A_2507 = arith.shli %select_n3A_2504, %shift_left3A_2506 : vector<16xi32>
    %add3A_2508 = arith.addi %add3A_2499, %shift_left3A_2507 : vector<16xi32>
    %swap3A_2509 = arith.constant 48 : index
    %swap3A_2510 = tpu.vector_load %arg25[%swap3A_2509] {strides = array<i32>} : memref<64xi32, #tpu.memory_space<vmem>>, vector<16xi32>,
    tpu.vector_store %arg25[%swap3A_2509], %add3A_2508 {strides = array<i32>} : memref<64xi32, #tpu.memory_space<vmem>>, vector<16xi32>,
    %jit3A_2511 = arith.constant 1 : i32
    %jit3A_2512 = arith.constant 3 : i32
    %broadcast_in_dim3A_2513 = vector.broadcast %jit3A_2511 : i32 to vector<16xi32>
    %broadcast_in_dim3A_2514 = vector.broadcast %jit3A_2512 : i32 to vector<16xi32>
    %select_n3A_2515 = arith.select %lt3A_2463, %broadcast_in_dim3A_2513, %broadcast_in_dim3A_2514 : vector<16xi1>, vector<16xi32>
    %shift_left3A_2516 = arith.constant 3 : i32
    %shift_left3A_2517 = vector.broadcast %shift_left3A_2516 : i32 to vector<16xi32>
    %shift_left3A_2518 = arith.shli %select_n3A_2515, %shift_left3A_2517 : vector<16xi32>
    %add3A_2519 = arith.addi %add3A_2499, %shift_left3A_2518 : vector<16xi32>
    %swap3A_2520 = arith.constant 48 : index
    %swap3A_2521 = tpu.vector_load %arg31[%swap3A_2520] {strides = array<i32>} : memref<64xi32, #tpu.memory_space<vmem>>, vector<16xi32>,
    tpu.vector_store %arg31[%swap3A_2520], %add3A_2519 {strides = array<i32>} : memref<64xi32, #tpu.memory_space<vmem>>, vector<16xi32>,
    %jit3A_2522 = arith.constant 2 : i32
    %jit3A_2523 = arith.constant 0 : i32
    %broadcast_in_dim3A_2524 = vector.broadcast %jit3A_2522 : i32 to vector<16xi32>
    %broadcast_in_dim3A_2525 = vector.broadcast %jit3A_2523 : i32 to vector<16xi32>
    %select_n3A_2526 = arith.select %lt3A_2463, %broadcast_in_dim3A_2524, %broadcast_in_dim3A_2525 : vector<16xi1>, vector<16xi32>
    %shift_left3A_2527 = arith.constant 3 : i32
    %shift_left3A_2528 = vector.broadcast %shift_left3A_2527 : i32 to vector<16xi32>
    %shift_left3A_2529 = arith.shli %select_n3A_2526, %shift_left3A_2528 : vector<16xi32>
    %add3A_2530 = arith.addi %add3A_2499, %shift_left3A_2529 : vector<16xi32>
    %swap3A_2531 = arith.constant 48 : index
    %swap3A_2532 = tpu.vector_load %arg37[%swap3A_2531] {strides = array<i32>} : memref<64xi32, #tpu.memory_space<vmem>>, vector<16xi32>,
    tpu.vector_store %arg37[%swap3A_2531], %add3A_2530 {strides = array<i32>} : memref<64xi32, #tpu.memory_space<vmem>>, vector<16xi32>,
    %jit3A_2533 = arith.constant 3 : i32
    %jit3A_2534 = arith.constant 1 : i32
    %broadcast_in_dim3A_2535 = vector.broadcast %jit3A_2533 : i32 to vector<16xi32>
    %broadcast_in_dim3A_2536 = vector.broadcast %jit3A_2534 : i32 to vector<16xi32>
    %select_n3A_2537 = arith.select %lt3A_2463, %broadcast_in_dim3A_2535, %broadcast_in_dim3A_2536 : vector<16xi1>, vector<16xi32>
    %shift_left3A_2538 = arith.constant 3 : i32
    %shift_left3A_2539 = vector.broadcast %shift_left3A_2538 : i32 to vector<16xi32>
    %shift_left3A_2540 = arith.shli %select_n3A_2537, %shift_left3A_2539 : vector<16xi32>
    %add3A_2541 = arith.addi %add3A_2499, %shift_left3A_2540 : vector<16xi32>
    %swap3A_2542 = arith.constant 48 : index
    %swap3A_2543 = tpu.vector_load %arg43[%swap3A_2542] {strides = array<i32>} : memref<64xi32, #tpu.memory_space<vmem>>, vector<16xi32>,
    tpu.vector_store %arg43[%swap3A_2542], %add3A_2541 {strides = array<i32>} : memref<64xi32, #tpu.memory_space<vmem>>, vector<16xi32>,
    %dma_start3A_2544 = arith.constant 0 : i32
    %dma_start3A_2545 = arith.constant 0 : i32
    %dma_start3A_2546 = tpu.memref_slice %arg6[%dma_start3A_2544, %dma_start3A_2545] : memref<65536x128xf32, #tpu.memory_space<hbm>> -> memref<65536x128xf32, #tpu.memory_space<hbm>>
    tpu.enqueue_indirect_dma source(%arg11 : memref<64x128xf32, #tpu.memory_space<vmem>>) target(%dma_start3A_2546 : memref<65536x128xf32, #tpu.memory_space<hbm>>) offsets(%arg25 : memref<64xi32, #tpu.memory_space<vmem>>) semaphore(%arg55 : memref<!tpu.dma_semaphore, #tpu.memory_space<semaphore_mem>>)
    %dma_start3A_2547 = arith.constant 0 : i32
    %dma_start3A_2548 = arith.constant 0 : i32
    %dma_start3A_2549 = tpu.memref_slice %arg6[%dma_start3A_2547, %dma_start3A_2548] : memref<65536x128xf32, #tpu.memory_space<hbm>> -> memref<65536x128xf32, #tpu.memory_space<hbm>>
    tpu.enqueue_indirect_dma source(%arg17 : memref<64x128xf32, #tpu.memory_space<vmem>>) target(%dma_start3A_2549 : memref<65536x128xf32, #tpu.memory_space<hbm>>) offsets(%arg31 : memref<64xi32, #tpu.memory_space<vmem>>) semaphore(%arg55 : memref<!tpu.dma_semaphore, #tpu.memory_space<semaphore_mem>>)
    %dma_start3A_2550 = arith.constant 0 : i32
    %dma_start3A_2551 = arith.constant 0 : i32
    %dma_start3A_2552 = tpu.memref_slice %arg6[%dma_start3A_2550, %dma_start3A_2551] : memref<65536x128xf32, #tpu.memory_space<hbm>> -> memref<65536x128xf32, #tpu.memory_space<hbm>>
    tpu.enqueue_indirect_dma source(%arg19 : memref<64x128xf32, #tpu.memory_space<vmem>>) target(%dma_start3A_2552 : memref<65536x128xf32, #tpu.memory_space<hbm>>) offsets(%arg37 : memref<64xi32, #tpu.memory_space<vmem>>) semaphore(%arg55 : memref<!tpu.dma_semaphore, #tpu.memory_space<semaphore_mem>>)
    %dma_start3A_2553 = arith.constant 0 : i32
    %dma_start3A_2554 = arith.constant 0 : i32
    %dma_start3A_2555 = tpu.memref_slice %arg6[%dma_start3A_2553, %dma_start3A_2554] : memref<65536x128xf32, #tpu.memory_space<hbm>> -> memref<65536x128xf32, #tpu.memory_space<hbm>>
    tpu.enqueue_indirect_dma source(%arg19 : memref<64x128xf32, #tpu.memory_space<vmem>>) target(%dma_start3A_2555 : memref<65536x128xf32, #tpu.memory_space<hbm>>) offsets(%arg43 : memref<64xi32, #tpu.memory_space<vmem>>) semaphore(%arg55 : memref<!tpu.dma_semaphore, #tpu.memory_space<semaphore_mem>>)
    %dma_wait3A_2556 = arith.constant 0 : i32
    %dma_wait3A_2557 = arith.constant 0 : i32
    %dma_wait3A_2558 = tpu.memref_slice %arg6[%dma_wait3A_2556, %dma_wait3A_2557] : memref<65536x128xf32, #tpu.memory_space<hbm>> -> memref<65536x128xf32, #tpu.memory_space<hbm>>
    tpu.wait_indirect_dma semaphore(%arg51 : memref<!tpu.dma_semaphore, #tpu.memory_space<semaphore_mem>>) src(%arg7 : memref<64x128xf32, #tpu.memory_space<vmem>>) dst(%dma_wait3A_2558 : memref<65536x128xf32, #tpu.memory_space<hbm>>)
    %dma_wait3A_2559 = arith.constant 0 : i32
    %dma_wait3A_2560 = arith.constant 0 : i32
    %dma_wait3A_2561 = tpu.memref_slice %arg6[%dma_wait3A_2559, %dma_wait3A_2560] : memref<65536x128xf32, #tpu.memory_space<hbm>> -> memref<65536x128xf32, #tpu.memory_space<hbm>>
    tpu.wait_indirect_dma semaphore(%arg51 : memref<!tpu.dma_semaphore, #tpu.memory_space<semaphore_mem>>) src(%arg13 : memref<64x128xf32, #tpu.memory_space<vmem>>) dst(%dma_wait3A_2561 : memref<65536x128xf32, #tpu.memory_space<hbm>>)
    %dma_wait3A_2562 = arith.constant 0 : i32
    %dma_wait3A_2563 = arith.constant 0 : i32
    %dma_wait3A_2564 = tpu.memref_slice %arg6[%dma_wait3A_2562, %dma_wait3A_2563] : memref<65536x128xf32, #tpu.memory_space<hbm>> -> memref<65536x128xf32, #tpu.memory_space<hbm>>
    tpu.wait_indirect_dma semaphore(%arg51 : memref<!tpu.dma_semaphore, #tpu.memory_space<semaphore_mem>>) src(%arg19 : memref<64x128xf32, #tpu.memory_space<vmem>>) dst(%dma_wait3A_2564 : memref<65536x128xf32, #tpu.memory_space<hbm>>)
    %dma_wait3A_2565 = arith.constant 0 : i32
    %dma_wait3A_2566 = arith.constant 0 : i32
    %dma_wait3A_2567 = tpu.memref_slice %arg6[%dma_wait3A_2565, %dma_wait3A_2566] : memref<65536x128xf32, #tpu.memory_space<hbm>> -> memref<65536x128xf32, #tpu.memory_space<hbm>>
    tpu.wait_indirect_dma semaphore(%arg51 : memref<!tpu.dma_semaphore, #tpu.memory_space<semaphore_mem>>) src(%arg19 : memref<64x128xf32, #tpu.memory_space<vmem>>) dst(%dma_wait3A_2567 : memref<65536x128xf32, #tpu.memory_space<hbm>>)
    %mul3A_2568 = arith.constant 512 : i32
    %mul3A_2569 = arith.muli %add3A, %mul3A_2568 : i32
    %add3A_2570 = arith.constant 384 : i32
    %add3A_2571 = arith.addi %mul3A_2569, %add3A_2570 : i32
    %dma_start3A_2572 = arith.constant 0 : i32
    %dma_start3A_2573 = tpu.memref_slice %arg2[%add3A_2571, %dma_start3A_2572] : memref<16384x128xf32, #tpu.memory_space<hbm>> -> memref<64x128xf32, #tpu.memory_space<hbm>>
    %dma_start3A_2574 = arith.constant 0 : i32
    %dma_start3A_2575 = tpu.memref_slice %arg2[%add3A_2571, %dma_start3A_2574] : memref<16384x128xf32, #tpu.memory_space<hbm>> -> memref<64x128xf32, #tpu.memory_space<hbm>>
    tpu.enqueue_dma source(%dma_start3A_2575 : memref<64x128xf32, #tpu.memory_space<hbm>>) target(%arg7 : memref<64x128xf32, #tpu.memory_space<vmem>>) target_semaphore(%arg45 : memref<!tpu.dma_semaphore, #tpu.memory_space<semaphore_mem>>)
    %dma_start3A_2576 = arith.constant 0 : i32
    %dma_start3A_2577 = tpu.memref_slice %arg3[%add3A_2571, %dma_start3A_2576] : memref<16384x128xf32, #tpu.memory_space<hbm>> -> memref<64x128xf32, #tpu.memory_space<hbm>>
    %dma_start3A_2578 = arith.constant 0 : i32
    %dma_start3A_2579 = tpu.memref_slice %arg3[%add3A_2571, %dma_start3A_2578] : memref<16384x128xf32, #tpu.memory_space<hbm>> -> memref<64x128xf32, #tpu.memory_space<hbm>>
    tpu.enqueue_dma source(%dma_start3A_2579 : memref<64x128xf32, #tpu.memory_space<hbm>>) target(%arg13 : memref<64x128xf32, #tpu.memory_space<vmem>>) target_semaphore(%arg45 : memref<!tpu.dma_semaphore, #tpu.memory_space<semaphore_mem>>)
    %dma_wait3A_2580 = arith.constant 0 : i32
    %dma_wait3A_2581 = tpu.memref_slice %arg2[%add3A_2047, %dma_wait3A_2580] : memref<16384x128xf32, #tpu.memory_space<hbm>> -> memref<64x128xf32, #tpu.memory_space<hbm>>
    %dma_wait3A_2582 = arith.constant 0 : i32
    %dma_wait3A_2583 = tpu.memref_slice %arg2[%add3A_2047, %dma_wait3A_2582] : memref<16384x128xf32, #tpu.memory_space<hbm>> -> memref<64x128xf32, #tpu.memory_space<hbm>>
    tpu.wait_dma2 semaphore(%arg50 : memref<!tpu.dma_semaphore, #tpu.memory_space<semaphore_mem>>) src(%dma_wait3A_2583 : memref<64x128xf32, #tpu.memory_space<hbm>>) dst(%arg12 : memref<64x128xf32, #tpu.memory_space<vmem>>)
    %dma_wait3A_2584 = arith.constant 0 : i32
    %dma_wait3A_2585 = tpu.memref_slice %arg3[%add3A_2047, %dma_wait3A_2584] : memref<16384x128xf32, #tpu.memory_space<hbm>> -> memref<64x128xf32, #tpu.memory_space<hbm>>
    %dma_wait3A_2586 = arith.constant 0 : i32
    %dma_wait3A_2587 = tpu.memref_slice %arg3[%add3A_2047, %dma_wait3A_2586] : memref<16384x128xf32, #tpu.memory_space<hbm>> -> memref<64x128xf32, #tpu.memory_space<hbm>>
    tpu.wait_dma2 semaphore(%arg50 : memref<!tpu.dma_semaphore, #tpu.memory_space<semaphore_mem>>) src(%dma_wait3A_2587 : memref<64x128xf32, #tpu.memory_space<hbm>>) dst(%arg18 : memref<64x128xf32, #tpu.memory_space<vmem>>)
    %mul3A_2588 = arith.constant 512 : i32
    %mul3A_2589 = arith.muli %add3A, %mul3A_2588 : i32
    %add3A_2590 = arith.constant 320 : i32
    %add3A_2591 = arith.addi %mul3A_2589, %add3A_2590 : i32
    %iota3A_2592 = tpu.iota {dimensions = array<i32: 0>} : vector<16xi32>
    %add3A_2593 = arith.constant 0 : i32
    %add3A_2594 = vector.broadcast %add3A_2593 : i32 to vector<16xi32>
    %add3A_2595 = arith.addi %iota3A_2592, %add3A_2594 : vector<16xi32>
    %broadcast_in_dim3A_2596 = arith.constant 5 : i32
    %broadcast_in_dim3A_2597 = vector.broadcast %broadcast_in_dim3A_2596 : i32 to vector<16xi32>
    %gather3A_2598 = tpu.vector_load_idx %arg12[%add3A_2595, %broadcast_in_dim3A_2597] : memref<64x128xf32, #tpu.memory_space<vmem>>[vector<16xi32>, vector<16xi32>], vector<16xf32>,
    %gather3A_2599 = tpu.vector_load_idx %arg18[%add3A_2595, %broadcast_in_dim3A_2597] : memref<64x128xf32, #tpu.memory_space<vmem>>[vector<16xi32>, vector<16xi32>], vector<16xf32>,
    %sub3A_2600 = arith.subf %gather3A_2598, %gather3A_2599 : vector<16xf32>
    %add3A_2601 = arith.addf %gather3A_2598, %gather3A_2599 : vector<16xf32>
    %sub3A_2602 = arith.subf %add3A_2601, %sub3A_2600 : vector<16xf32>
    %max3A_2603 = arith.constant 9.99999997E-7 : f32
    %max3A_2604 = vector.broadcast %max3A_2603 : f32 to vector<16xf32>
    %max3A_2605 = arith.maximumf %sub3A_2602, %max3A_2604 : vector<16xf32>
    %sub3A_2606 = arith.constant 0.000000e+00 : f32
    %sub3A_2607 = vector.broadcast %sub3A_2606 : f32 to vector<16xf32>
    %sub3A_2608 = arith.subf %sub3A_2607, %sub3A_2600 : vector<16xf32>
    %div3A_2609 = arith.divf %sub3A_2608, %max3A_2605 : vector<16xf32>
    %le3A_2610 = arith.constant 0.000000e+00 : f32
    %le3A_2611 = vector.broadcast %le3A_2610 : f32 to vector<16xf32>
    %le3A_2612 = arith.cmpf ole, %add3A_2601, %le3A_2611 : vector<16xf32>
    %gt3A_2613 = arith.constant 0.000000e+00 : f32
    %gt3A_2614 = vector.broadcast %gt3A_2613 : f32 to vector<16xf32>
    %gt3A_2615 = arith.cmpf ogt, %sub3A_2600, %gt3A_2614 : vector<16xf32>
    %jit3A_2616 = arith.constant 0.000000e+00 : f32
    %broadcast_in_dim3A_2617 = vector.broadcast %jit3A_2616 : f32 to vector<16xf32>
    %select_n3A_2618 = arith.select %gt3A_2615, %broadcast_in_dim3A_2617, %div3A_2609 : vector<16xi1>, vector<16xf32>
    %jit3A_2619 = arith.constant 1.000000e+00 : f32
    %broadcast_in_dim3A_2620 = vector.broadcast %jit3A_2619 : f32 to vector<16xf32>
    %select_n3A_2621 = arith.select %le3A_2612, %broadcast_in_dim3A_2620, %select_n3A_2618 : vector<16xi1>, vector<16xf32>
    %jit3A_2622 = arith.constant 0.000000e+00 : f32
    %jit3A_2623 = arith.constant 1.000000e+00 : f32
    %max3A_2624 = vector.broadcast %jit3A_2622 : f32 to vector<16xf32>
    %max3A_2625 = arith.maximumf %max3A_2624, %select_n3A_2621 : vector<16xf32>
    %min3A_2626 = vector.broadcast %jit3A_2623 : f32 to vector<16xf32>
    %min3A_2627 = arith.minimumf %min3A_2626, %max3A_2625 : vector<16xf32>
    %get3A_2628 = arith.constant 320 : index
    %get3A_2629 = tpu.vector_load %arg20[%get3A_2628] {strides = array<i32>} : memref<512xf32, #tpu.memory_space<vmem>>, vector<16xf32>,
    %lt3A_2630 = arith.cmpf olt, %get3A_2629, %min3A_2627 : vector<16xf32>
    %min3A_2631 = arith.constant 0.000000e+00 : f32
    %min3A_2632 = vector.broadcast %min3A_2631 : f32 to vector<16xf32>
    %min3A_2633 = arith.minimumf %add3A_2601, %min3A_2632 : vector<16xf32>
    %max3A_2634 = arith.constant 0.000000e+00 : f32
    %max3A_2635 = vector.broadcast %max3A_2634 : f32 to vector<16xf32>
    %max3A_2636 = arith.maximumf %sub3A_2600, %max3A_2635 : vector<16xf32>
    %add3A_2637 = arith.addf %sub3A_2600, %min3A_2633 : vector<16xf32>
    %mul3A_2638 = arith.constant 5.000000e-01 : f32
    %mul3A_2639 = vector.broadcast %mul3A_2638 : f32 to vector<16xf32>
    %mul3A_2640 = arith.mulf %add3A_2637, %mul3A_2639 : vector<16xf32>
    %add3A_2641 = arith.addf %max3A_2636, %add3A_2601 : vector<16xf32>
    %mul3A_2642 = arith.constant 5.000000e-01 : f32
    %mul3A_2643 = vector.broadcast %mul3A_2642 : f32 to vector<16xf32>
    %mul3A_2644 = arith.mulf %add3A_2641, %mul3A_2643 : vector<16xf32>
    %select_n3A_2645 = arith.select %lt3A_2630, %mul3A_2640, %mul3A_2644 : vector<16xi1>, vector<16xf32>
    %sub3A_2646 = arith.subf %min3A_2633, %sub3A_2600 : vector<16xf32>
    %mul3A_2647 = arith.constant 5.000000e-01 : f32
    %mul3A_2648 = vector.broadcast %mul3A_2647 : f32 to vector<16xf32>
    %mul3A_2649 = arith.mulf %sub3A_2646, %mul3A_2648 : vector<16xf32>
    %sub3A_2650 = arith.subf %add3A_2601, %max3A_2636 : vector<16xf32>
    %mul3A_2651 = arith.constant 5.000000e-01 : f32
    %mul3A_2652 = vector.broadcast %mul3A_2651 : f32 to vector<16xf32>
    %mul3A_2653 = arith.mulf %sub3A_2650, %mul3A_2652 : vector<16xf32>
    %select_n3A_2654 = arith.select %lt3A_2630, %mul3A_2649, %mul3A_2653 : vector<16xi1>, vector<16xf32>
    tpu.vector_store_idx %arg12[%add3A_2595, %broadcast_in_dim3A_2597], %select_n3A_2645 : memref<64x128xf32, #tpu.memory_space<vmem>>[vector<16xi32>, vector<16xi32>], vector<16xf32>,
    tpu.vector_store_idx %arg18[%add3A_2595, %broadcast_in_dim3A_2597], %select_n3A_2654 : memref<64x128xf32, #tpu.memory_space<vmem>>[vector<16xi32>, vector<16xi32>], vector<16xf32>,
    %add3A_2655 = vector.broadcast %add3A_2591 : i32 to vector<16xi32>
    %add3A_2656 = arith.addi %add3A_2595, %add3A_2655 : vector<16xi32>
    %shift_right_arithmetic3A_2657 = arith.constant 3 : i32
    %shift_right_arithmetic3A_2658 = vector.broadcast %shift_right_arithmetic3A_2657 : i32 to vector<16xi32>
    %shift_right_arithmetic3A_2659 = arith.shrsi %add3A_2656, %shift_right_arithmetic3A_2658 : vector<16xi32>
    %shift_left3A_2660 = arith.constant 5 : i32
    %shift_left3A_2661 = vector.broadcast %shift_left3A_2660 : i32 to vector<16xi32>
    %shift_left3A_2662 = arith.shli %shift_right_arithmetic3A_2659, %shift_left3A_2661 : vector<16xi32>
    %and3A_2663 = arith.constant 7 : i32
    %and3A_2664 = vector.broadcast %and3A_2663 : i32 to vector<16xi32>
    %and3A_2665 = arith.andi %add3A_2656, %and3A_2664 : vector<16xi32>
    %add3A_2666 = arith.addi %shift_left3A_2662, %and3A_2665 : vector<16xi32>
    %jit3A_2667 = arith.constant 0 : i32
    %jit3A_2668 = arith.constant 2 : i32
    %broadcast_in_dim3A_2669 = vector.broadcast %jit3A_2667 : i32 to vector<16xi32>
    %broadcast_in_dim3A_2670 = vector.broadcast %jit3A_2668 : i32 to vector<16xi32>
    %select_n3A_2671 = arith.select %lt3A_2630, %broadcast_in_dim3A_2669, %broadcast_in_dim3A_2670 : vector<16xi1>, vector<16xi32>
    %shift_left3A_2672 = arith.constant 3 : i32
    %shift_left3A_2673 = vector.broadcast %shift_left3A_2672 : i32 to vector<16xi32>
    %shift_left3A_2674 = arith.shli %select_n3A_2671, %shift_left3A_2673 : vector<16xi32>
    %add3A_2675 = arith.addi %add3A_2666, %shift_left3A_2674 : vector<16xi32>
    %swap3A_2676 = arith.constant 0 : index
    %swap3A_2677 = tpu.vector_load %arg26[%swap3A_2676] {strides = array<i32>} : memref<64xi32, #tpu.memory_space<vmem>>, vector<16xi32>,
    tpu.vector_store %arg26[%swap3A_2676], %add3A_2675 {strides = array<i32>} : memref<64xi32, #tpu.memory_space<vmem>>, vector<16xi32>,
    %jit3A_2678 = arith.constant 1 : i32
    %jit3A_2679 = arith.constant 3 : i32
    %broadcast_in_dim3A_2680 = vector.broadcast %jit3A_2678 : i32 to vector<16xi32>
    %broadcast_in_dim3A_2681 = vector.broadcast %jit3A_2679 : i32 to vector<16xi32>
    %select_n3A_2682 = arith.select %lt3A_2630, %broadcast_in_dim3A_2680, %broadcast_in_dim3A_2681 : vector<16xi1>, vector<16xi32>
    %shift_left3A_2683 = arith.constant 3 : i32
    %shift_left3A_2684 = vector.broadcast %shift_left3A_2683 : i32 to vector<16xi32>
    %shift_left3A_2685 = arith.shli %select_n3A_2682, %shift_left3A_2684 : vector<16xi32>
    %add3A_2686 = arith.addi %add3A_2666, %shift_left3A_2685 : vector<16xi32>
    %swap3A_2687 = arith.constant 0 : index
    %swap3A_2688 = tpu.vector_load %arg32[%swap3A_2687] {strides = array<i32>} : memref<64xi32, #tpu.memory_space<vmem>>, vector<16xi32>,
    tpu.vector_store %arg32[%swap3A_2687], %add3A_2686 {strides = array<i32>} : memref<64xi32, #tpu.memory_space<vmem>>, vector<16xi32>,
    %jit3A_2689 = arith.constant 2 : i32
    %jit3A_2690 = arith.constant 0 : i32
    %broadcast_in_dim3A_2691 = vector.broadcast %jit3A_2689 : i32 to vector<16xi32>
    %broadcast_in_dim3A_2692 = vector.broadcast %jit3A_2690 : i32 to vector<16xi32>
    %select_n3A_2693 = arith.select %lt3A_2630, %broadcast_in_dim3A_2691, %broadcast_in_dim3A_2692 : vector<16xi1>, vector<16xi32>
    %shift_left3A_2694 = arith.constant 3 : i32
    %shift_left3A_2695 = vector.broadcast %shift_left3A_2694 : i32 to vector<16xi32>
    %shift_left3A_2696 = arith.shli %select_n3A_2693, %shift_left3A_2695 : vector<16xi32>
    %add3A_2697 = arith.addi %add3A_2666, %shift_left3A_2696 : vector<16xi32>
    %swap3A_2698 = arith.constant 0 : index
    %swap3A_2699 = tpu.vector_load %arg38[%swap3A_2698] {strides = array<i32>} : memref<64xi32, #tpu.memory_space<vmem>>, vector<16xi32>,
    tpu.vector_store %arg38[%swap3A_2698], %add3A_2697 {strides = array<i32>} : memref<64xi32, #tpu.memory_space<vmem>>, vector<16xi32>,
    %jit3A_2700 = arith.constant 3 : i32
    %jit3A_2701 = arith.constant 1 : i32
    %broadcast_in_dim3A_2702 = vector.broadcast %jit3A_2700 : i32 to vector<16xi32>
    %broadcast_in_dim3A_2703 = vector.broadcast %jit3A_2701 : i32 to vector<16xi32>
    %select_n3A_2704 = arith.select %lt3A_2630, %broadcast_in_dim3A_2702, %broadcast_in_dim3A_2703 : vector<16xi1>, vector<16xi32>
    %shift_left3A_2705 = arith.constant 3 : i32
    %shift_left3A_2706 = vector.broadcast %shift_left3A_2705 : i32 to vector<16xi32>
    %shift_left3A_2707 = arith.shli %select_n3A_2704, %shift_left3A_2706 : vector<16xi32>
    %add3A_2708 = arith.addi %add3A_2666, %shift_left3A_2707 : vector<16xi32>
    %swap3A_2709 = arith.constant 0 : index
    %swap3A_2710 = tpu.vector_load %arg44[%swap3A_2709] {strides = array<i32>} : memref<64xi32, #tpu.memory_space<vmem>>, vector<16xi32>,
    tpu.vector_store %arg44[%swap3A_2709], %add3A_2708 {strides = array<i32>} : memref<64xi32, #tpu.memory_space<vmem>>, vector<16xi32>,
    %iota3A_2711 = tpu.iota {dimensions = array<i32: 0>} : vector<16xi32>
    %add3A_2712 = arith.constant 16 : i32
    %add3A_2713 = vector.broadcast %add3A_2712 : i32 to vector<16xi32>
    %add3A_2714 = arith.addi %iota3A_2711, %add3A_2713 : vector<16xi32>
    %broadcast_in_dim3A_2715 = arith.constant 5 : i32
    %broadcast_in_dim3A_2716 = vector.broadcast %broadcast_in_dim3A_2715 : i32 to vector<16xi32>
    %gather3A_2717 = tpu.vector_load_idx %arg12[%add3A_2714, %broadcast_in_dim3A_2716] : memref<64x128xf32, #tpu.memory_space<vmem>>[vector<16xi32>, vector<16xi32>], vector<16xf32>,
    %gather3A_2718 = tpu.vector_load_idx %arg18[%add3A_2714, %broadcast_in_dim3A_2716] : memref<64x128xf32, #tpu.memory_space<vmem>>[vector<16xi32>, vector<16xi32>], vector<16xf32>,
    %sub3A_2719 = arith.subf %gather3A_2717, %gather3A_2718 : vector<16xf32>
    %add3A_2720 = arith.addf %gather3A_2717, %gather3A_2718 : vector<16xf32>
    %sub3A_2721 = arith.subf %add3A_2720, %sub3A_2719 : vector<16xf32>
    %max3A_2722 = arith.constant 9.99999997E-7 : f32
    %max3A_2723 = vector.broadcast %max3A_2722 : f32 to vector<16xf32>
    %max3A_2724 = arith.maximumf %sub3A_2721, %max3A_2723 : vector<16xf32>
    %sub3A_2725 = arith.constant 0.000000e+00 : f32
    %sub3A_2726 = vector.broadcast %sub3A_2725 : f32 to vector<16xf32>
    %sub3A_2727 = arith.subf %sub3A_2726, %sub3A_2719 : vector<16xf32>
    %div3A_2728 = arith.divf %sub3A_2727, %max3A_2724 : vector<16xf32>
    %le3A_2729 = arith.constant 0.000000e+00 : f32
    %le3A_2730 = vector.broadcast %le3A_2729 : f32 to vector<16xf32>
    %le3A_2731 = arith.cmpf ole, %add3A_2720, %le3A_2730 : vector<16xf32>
    %gt3A_2732 = arith.constant 0.000000e+00 : f32
    %gt3A_2733 = vector.broadcast %gt3A_2732 : f32 to vector<16xf32>
    %gt3A_2734 = arith.cmpf ogt, %sub3A_2719, %gt3A_2733 : vector<16xf32>
    %jit3A_2735 = arith.constant 0.000000e+00 : f32
    %broadcast_in_dim3A_2736 = vector.broadcast %jit3A_2735 : f32 to vector<16xf32>
    %select_n3A_2737 = arith.select %gt3A_2734, %broadcast_in_dim3A_2736, %div3A_2728 : vector<16xi1>, vector<16xf32>
    %jit3A_2738 = arith.constant 1.000000e+00 : f32
    %broadcast_in_dim3A_2739 = vector.broadcast %jit3A_2738 : f32 to vector<16xf32>
    %select_n3A_2740 = arith.select %le3A_2731, %broadcast_in_dim3A_2739, %select_n3A_2737 : vector<16xi1>, vector<16xf32>
    %jit3A_2741 = arith.constant 0.000000e+00 : f32
    %jit3A_2742 = arith.constant 1.000000e+00 : f32
    %max3A_2743 = vector.broadcast %jit3A_2741 : f32 to vector<16xf32>
    %max3A_2744 = arith.maximumf %max3A_2743, %select_n3A_2740 : vector<16xf32>
    %min3A_2745 = vector.broadcast %jit3A_2742 : f32 to vector<16xf32>
    %min3A_2746 = arith.minimumf %min3A_2745, %max3A_2744 : vector<16xf32>
    %get3A_2747 = arith.constant 336 : index
    %get3A_2748 = tpu.vector_load %arg20[%get3A_2747] {strides = array<i32>} : memref<512xf32, #tpu.memory_space<vmem>>, vector<16xf32>,
    %lt3A_2749 = arith.cmpf olt, %get3A_2748, %min3A_2746 : vector<16xf32>
    %min3A_2750 = arith.constant 0.000000e+00 : f32
    %min3A_2751 = vector.broadcast %min3A_2750 : f32 to vector<16xf32>
    %min3A_2752 = arith.minimumf %add3A_2720, %min3A_2751 : vector<16xf32>
    %max3A_2753 = arith.constant 0.000000e+00 : f32
    %max3A_2754 = vector.broadcast %max3A_2753 : f32 to vector<16xf32>
    %max3A_2755 = arith.maximumf %sub3A_2719, %max3A_2754 : vector<16xf32>
    %add3A_2756 = arith.addf %sub3A_2719, %min3A_2752 : vector<16xf32>
    %mul3A_2757 = arith.constant 5.000000e-01 : f32
    %mul3A_2758 = vector.broadcast %mul3A_2757 : f32 to vector<16xf32>
    %mul3A_2759 = arith.mulf %add3A_2756, %mul3A_2758 : vector<16xf32>
    %add3A_2760 = arith.addf %max3A_2755, %add3A_2720 : vector<16xf32>
    %mul3A_2761 = arith.constant 5.000000e-01 : f32
    %mul3A_2762 = vector.broadcast %mul3A_2761 : f32 to vector<16xf32>
    %mul3A_2763 = arith.mulf %add3A_2760, %mul3A_2762 : vector<16xf32>
    %select_n3A_2764 = arith.select %lt3A_2749, %mul3A_2759, %mul3A_2763 : vector<16xi1>, vector<16xf32>
    %sub3A_2765 = arith.subf %min3A_2752, %sub3A_2719 : vector<16xf32>
    %mul3A_2766 = arith.constant 5.000000e-01 : f32
    %mul3A_2767 = vector.broadcast %mul3A_2766 : f32 to vector<16xf32>
    %mul3A_2768 = arith.mulf %sub3A_2765, %mul3A_2767 : vector<16xf32>
    %sub3A_2769 = arith.subf %add3A_2720, %max3A_2755 : vector<16xf32>
    %mul3A_2770 = arith.constant 5.000000e-01 : f32
    %mul3A_2771 = vector.broadcast %mul3A_2770 : f32 to vector<16xf32>
    %mul3A_2772 = arith.mulf %sub3A_2769, %mul3A_2771 : vector<16xf32>
    %select_n3A_2773 = arith.select %lt3A_2749, %mul3A_2768, %mul3A_2772 : vector<16xi1>, vector<16xf32>
    tpu.vector_store_idx %arg12[%add3A_2714, %broadcast_in_dim3A_2716], %select_n3A_2764 : memref<64x128xf32, #tpu.memory_space<vmem>>[vector<16xi32>, vector<16xi32>], vector<16xf32>,
    tpu.vector_store_idx %arg18[%add3A_2714, %broadcast_in_dim3A_2716], %select_n3A_2773 : memref<64x128xf32, #tpu.memory_space<vmem>>[vector<16xi32>, vector<16xi32>], vector<16xf32>,
    %add3A_2774 = vector.broadcast %add3A_2591 : i32 to vector<16xi32>
    %add3A_2775 = arith.addi %add3A_2714, %add3A_2774 : vector<16xi32>
    %shift_right_arithmetic3A_2776 = arith.constant 3 : i32
    %shift_right_arithmetic3A_2777 = vector.broadcast %shift_right_arithmetic3A_2776 : i32 to vector<16xi32>
    %shift_right_arithmetic3A_2778 = arith.shrsi %add3A_2775, %shift_right_arithmetic3A_2777 : vector<16xi32>
    %shift_left3A_2779 = arith.constant 5 : i32
    %shift_left3A_2780 = vector.broadcast %shift_left3A_2779 : i32 to vector<16xi32>
    %shift_left3A_2781 = arith.shli %shift_right_arithmetic3A_2778, %shift_left3A_2780 : vector<16xi32>
    %and3A_2782 = arith.constant 7 : i32
    %and3A_2783 = vector.broadcast %and3A_2782 : i32 to vector<16xi32>
    %and3A_2784 = arith.andi %add3A_2775, %and3A_2783 : vector<16xi32>
    %add3A_2785 = arith.addi %shift_left3A_2781, %and3A_2784 : vector<16xi32>
    %jit3A_2786 = arith.constant 0 : i32
    %jit3A_2787 = arith.constant 2 : i32
    %broadcast_in_dim3A_2788 = vector.broadcast %jit3A_2786 : i32 to vector<16xi32>
    %broadcast_in_dim3A_2789 = vector.broadcast %jit3A_2787 : i32 to vector<16xi32>
    %select_n3A_2790 = arith.select %lt3A_2749, %broadcast_in_dim3A_2788, %broadcast_in_dim3A_2789 : vector<16xi1>, vector<16xi32>
    %shift_left3A_2791 = arith.constant 3 : i32
    %shift_left3A_2792 = vector.broadcast %shift_left3A_2791 : i32 to vector<16xi32>
    %shift_left3A_2793 = arith.shli %select_n3A_2790, %shift_left3A_2792 : vector<16xi32>
    %add3A_2794 = arith.addi %add3A_2785, %shift_left3A_2793 : vector<16xi32>
    %swap3A_2795 = arith.constant 16 : index
    %swap3A_2796 = tpu.vector_load %arg26[%swap3A_2795] {strides = array<i32>} : memref<64xi32, #tpu.memory_space<vmem>>, vector<16xi32>,
    tpu.vector_store %arg26[%swap3A_2795], %add3A_2794 {strides = array<i32>} : memref<64xi32, #tpu.memory_space<vmem>>, vector<16xi32>,
    %jit3A_2797 = arith.constant 1 : i32
    %jit3A_2798 = arith.constant 3 : i32
    %broadcast_in_dim3A_2799 = vector.broadcast %jit3A_2797 : i32 to vector<16xi32>
    %broadcast_in_dim3A_2800 = vector.broadcast %jit3A_2798 : i32 to vector<16xi32>
    %select_n3A_2801 = arith.select %lt3A_2749, %broadcast_in_dim3A_2799, %broadcast_in_dim3A_2800 : vector<16xi1>, vector<16xi32>
    %shift_left3A_2802 = arith.constant 3 : i32
    %shift_left3A_2803 = vector.broadcast %shift_left3A_2802 : i32 to vector<16xi32>
    %shift_left3A_2804 = arith.shli %select_n3A_2801, %shift_left3A_2803 : vector<16xi32>
    %add3A_2805 = arith.addi %add3A_2785, %shift_left3A_2804 : vector<16xi32>
    %swap3A_2806 = arith.constant 16 : index
    %swap3A_2807 = tpu.vector_load %arg32[%swap3A_2806] {strides = array<i32>} : memref<64xi32, #tpu.memory_space<vmem>>, vector<16xi32>,
    tpu.vector_store %arg32[%swap3A_2806], %add3A_2805 {strides = array<i32>} : memref<64xi32, #tpu.memory_space<vmem>>, vector<16xi32>,
    %jit3A_2808 = arith.constant 2 : i32
    %jit3A_2809 = arith.constant 0 : i32
    %broadcast_in_dim3A_2810 = vector.broadcast %jit3A_2808 : i32 to vector<16xi32>
    %broadcast_in_dim3A_2811 = vector.broadcast %jit3A_2809 : i32 to vector<16xi32>
    %select_n3A_2812 = arith.select %lt3A_2749, %broadcast_in_dim3A_2810, %broadcast_in_dim3A_2811 : vector<16xi1>, vector<16xi32>
    %shift_left3A_2813 = arith.constant 3 : i32
    %shift_left3A_2814 = vector.broadcast %shift_left3A_2813 : i32 to vector<16xi32>
    %shift_left3A_2815 = arith.shli %select_n3A_2812, %shift_left3A_2814 : vector<16xi32>
    %add3A_2816 = arith.addi %add3A_2785, %shift_left3A_2815 : vector<16xi32>
    %swap3A_2817 = arith.constant 16 : index
    %swap3A_2818 = tpu.vector_load %arg38[%swap3A_2817] {strides = array<i32>} : memref<64xi32, #tpu.memory_space<vmem>>, vector<16xi32>,
    tpu.vector_store %arg38[%swap3A_2817], %add3A_2816 {strides = array<i32>} : memref<64xi32, #tpu.memory_space<vmem>>, vector<16xi32>,
    %jit3A_2819 = arith.constant 3 : i32
    %jit3A_2820 = arith.constant 1 : i32
    %broadcast_in_dim3A_2821 = vector.broadcast %jit3A_2819 : i32 to vector<16xi32>
    %broadcast_in_dim3A_2822 = vector.broadcast %jit3A_2820 : i32 to vector<16xi32>
    %select_n3A_2823 = arith.select %lt3A_2749, %broadcast_in_dim3A_2821, %broadcast_in_dim3A_2822 : vector<16xi1>, vector<16xi32>
    %shift_left3A_2824 = arith.constant 3 : i32
    %shift_left3A_2825 = vector.broadcast %shift_left3A_2824 : i32 to vector<16xi32>
    %shift_left3A_2826 = arith.shli %select_n3A_2823, %shift_left3A_2825 : vector<16xi32>
    %add3A_2827 = arith.addi %add3A_2785, %shift_left3A_2826 : vector<16xi32>
    %swap3A_2828 = arith.constant 16 : index
    %swap3A_2829 = tpu.vector_load %arg44[%swap3A_2828] {strides = array<i32>} : memref<64xi32, #tpu.memory_space<vmem>>, vector<16xi32>,
    tpu.vector_store %arg44[%swap3A_2828], %add3A_2827 {strides = array<i32>} : memref<64xi32, #tpu.memory_space<vmem>>, vector<16xi32>,
    %iota3A_2830 = tpu.iota {dimensions = array<i32: 0>} : vector<16xi32>
    %add3A_2831 = arith.constant 32 : i32
    %add3A_2832 = vector.broadcast %add3A_2831 : i32 to vector<16xi32>
    %add3A_2833 = arith.addi %iota3A_2830, %add3A_2832 : vector<16xi32>
    %broadcast_in_dim3A_2834 = arith.constant 5 : i32
    %broadcast_in_dim3A_2835 = vector.broadcast %broadcast_in_dim3A_2834 : i32 to vector<16xi32>
    %gather3A_2836 = tpu.vector_load_idx %arg12[%add3A_2833, %broadcast_in_dim3A_2835] : memref<64x128xf32, #tpu.memory_space<vmem>>[vector<16xi32>, vector<16xi32>], vector<16xf32>,
    %gather3A_2837 = tpu.vector_load_idx %arg18[%add3A_2833, %broadcast_in_dim3A_2835] : memref<64x128xf32, #tpu.memory_space<vmem>>[vector<16xi32>, vector<16xi32>], vector<16xf32>,
    %sub3A_2838 = arith.subf %gather3A_2836, %gather3A_2837 : vector<16xf32>
    %add3A_2839 = arith.addf %gather3A_2836, %gather3A_2837 : vector<16xf32>
    %sub3A_2840 = arith.subf %add3A_2839, %sub3A_2838 : vector<16xf32>
    %max3A_2841 = arith.constant 9.99999997E-7 : f32
    %max3A_2842 = vector.broadcast %max3A_2841 : f32 to vector<16xf32>
    %max3A_2843 = arith.maximumf %sub3A_2840, %max3A_2842 : vector<16xf32>
    %sub3A_2844 = arith.constant 0.000000e+00 : f32
    %sub3A_2845 = vector.broadcast %sub3A_2844 : f32 to vector<16xf32>
    %sub3A_2846 = arith.subf %sub3A_2845, %sub3A_2838 : vector<16xf32>
    %div3A_2847 = arith.divf %sub3A_2846, %max3A_2843 : vector<16xf32>
    %le3A_2848 = arith.constant 0.000000e+00 : f32
    %le3A_2849 = vector.broadcast %le3A_2848 : f32 to vector<16xf32>
    %le3A_2850 = arith.cmpf ole, %add3A_2839, %le3A_2849 : vector<16xf32>
    %gt3A_2851 = arith.constant 0.000000e+00 : f32
    %gt3A_2852 = vector.broadcast %gt3A_2851 : f32 to vector<16xf32>
    %gt3A_2853 = arith.cmpf ogt, %sub3A_2838, %gt3A_2852 : vector<16xf32>
    %jit3A_2854 = arith.constant 0.000000e+00 : f32
    %broadcast_in_dim3A_2855 = vector.broadcast %jit3A_2854 : f32 to vector<16xf32>
    %select_n3A_2856 = arith.select %gt3A_2853, %broadcast_in_dim3A_2855, %div3A_2847 : vector<16xi1>, vector<16xf32>
    %jit3A_2857 = arith.constant 1.000000e+00 : f32
    %broadcast_in_dim3A_2858 = vector.broadcast %jit3A_2857 : f32 to vector<16xf32>
    %select_n3A_2859 = arith.select %le3A_2850, %broadcast_in_dim3A_2858, %select_n3A_2856 : vector<16xi1>, vector<16xf32>
    %jit3A_2860 = arith.constant 0.000000e+00 : f32
    %jit3A_2861 = arith.constant 1.000000e+00 : f32
    %max3A_2862 = vector.broadcast %jit3A_2860 : f32 to vector<16xf32>
    %max3A_2863 = arith.maximumf %max3A_2862, %select_n3A_2859 : vector<16xf32>
    %min3A_2864 = vector.broadcast %jit3A_2861 : f32 to vector<16xf32>
    %min3A_2865 = arith.minimumf %min3A_2864, %max3A_2863 : vector<16xf32>
    %get3A_2866 = arith.constant 352 : index
    %get3A_2867 = tpu.vector_load %arg20[%get3A_2866] {strides = array<i32>} : memref<512xf32, #tpu.memory_space<vmem>>, vector<16xf32>,
    %lt3A_2868 = arith.cmpf olt, %get3A_2867, %min3A_2865 : vector<16xf32>
    %min3A_2869 = arith.constant 0.000000e+00 : f32
    %min3A_2870 = vector.broadcast %min3A_2869 : f32 to vector<16xf32>
    %min3A_2871 = arith.minimumf %add3A_2839, %min3A_2870 : vector<16xf32>
    %max3A_2872 = arith.constant 0.000000e+00 : f32
    %max3A_2873 = vector.broadcast %max3A_2872 : f32 to vector<16xf32>
    %max3A_2874 = arith.maximumf %sub3A_2838, %max3A_2873 : vector<16xf32>
    %add3A_2875 = arith.addf %sub3A_2838, %min3A_2871 : vector<16xf32>
    %mul3A_2876 = arith.constant 5.000000e-01 : f32
    %mul3A_2877 = vector.broadcast %mul3A_2876 : f32 to vector<16xf32>
    %mul3A_2878 = arith.mulf %add3A_2875, %mul3A_2877 : vector<16xf32>
    %add3A_2879 = arith.addf %max3A_2874, %add3A_2839 : vector<16xf32>
    %mul3A_2880 = arith.constant 5.000000e-01 : f32
    %mul3A_2881 = vector.broadcast %mul3A_2880 : f32 to vector<16xf32>
    %mul3A_2882 = arith.mulf %add3A_2879, %mul3A_2881 : vector<16xf32>
    %select_n3A_2883 = arith.select %lt3A_2868, %mul3A_2878, %mul3A_2882 : vector<16xi1>, vector<16xf32>
    %sub3A_2884 = arith.subf %min3A_2871, %sub3A_2838 : vector<16xf32>
    %mul3A_2885 = arith.constant 5.000000e-01 : f32
    %mul3A_2886 = vector.broadcast %mul3A_2885 : f32 to vector<16xf32>
    %mul3A_2887 = arith.mulf %sub3A_2884, %mul3A_2886 : vector<16xf32>
    %sub3A_2888 = arith.subf %add3A_2839, %max3A_2874 : vector<16xf32>
    %mul3A_2889 = arith.constant 5.000000e-01 : f32
    %mul3A_2890 = vector.broadcast %mul3A_2889 : f32 to vector<16xf32>
    %mul3A_2891 = arith.mulf %sub3A_2888, %mul3A_2890 : vector<16xf32>
    %select_n3A_2892 = arith.select %lt3A_2868, %mul3A_2887, %mul3A_2891 : vector<16xi1>, vector<16xf32>
    tpu.vector_store_idx %arg12[%add3A_2833, %broadcast_in_dim3A_2835], %select_n3A_2883 : memref<64x128xf32, #tpu.memory_space<vmem>>[vector<16xi32>, vector<16xi32>], vector<16xf32>,
    tpu.vector_store_idx %arg18[%add3A_2833, %broadcast_in_dim3A_2835], %select_n3A_2892 : memref<64x128xf32, #tpu.memory_space<vmem>>[vector<16xi32>, vector<16xi32>], vector<16xf32>,
    %add3A_2893 = vector.broadcast %add3A_2591 : i32 to vector<16xi32>
    %add3A_2894 = arith.addi %add3A_2833, %add3A_2893 : vector<16xi32>
    %shift_right_arithmetic3A_2895 = arith.constant 3 : i32
    %shift_right_arithmetic3A_2896 = vector.broadcast %shift_right_arithmetic3A_2895 : i32 to vector<16xi32>
    %shift_right_arithmetic3A_2897 = arith.shrsi %add3A_2894, %shift_right_arithmetic3A_2896 : vector<16xi32>
    %shift_left3A_2898 = arith.constant 5 : i32
    %shift_left3A_2899 = vector.broadcast %shift_left3A_2898 : i32 to vector<16xi32>
    %shift_left3A_2900 = arith.shli %shift_right_arithmetic3A_2897, %shift_left3A_2899 : vector<16xi32>
    %and3A_2901 = arith.constant 7 : i32
    %and3A_2902 = vector.broadcast %and3A_2901 : i32 to vector<16xi32>
    %and3A_2903 = arith.andi %add3A_2894, %and3A_2902 : vector<16xi32>
    %add3A_2904 = arith.addi %shift_left3A_2900, %and3A_2903 : vector<16xi32>
    %jit3A_2905 = arith.constant 0 : i32
    %jit3A_2906 = arith.constant 2 : i32
    %broadcast_in_dim3A_2907 = vector.broadcast %jit3A_2905 : i32 to vector<16xi32>
    %broadcast_in_dim3A_2908 = vector.broadcast %jit3A_2906 : i32 to vector<16xi32>
    %select_n3A_2909 = arith.select %lt3A_2868, %broadcast_in_dim3A_2907, %broadcast_in_dim3A_2908 : vector<16xi1>, vector<16xi32>
    %shift_left3A_2910 = arith.constant 3 : i32
    %shift_left3A_2911 = vector.broadcast %shift_left3A_2910 : i32 to vector<16xi32>
    %shift_left3A_2912 = arith.shli %select_n3A_2909, %shift_left3A_2911 : vector<16xi32>
    %add3A_2913 = arith.addi %add3A_2904, %shift_left3A_2912 : vector<16xi32>
    %swap3A_2914 = arith.constant 32 : index
    %swap3A_2915 = tpu.vector_load %arg26[%swap3A_2914] {strides = array<i32>} : memref<64xi32, #tpu.memory_space<vmem>>, vector<16xi32>,
    tpu.vector_store %arg26[%swap3A_2914], %add3A_2913 {strides = array<i32>} : memref<64xi32, #tpu.memory_space<vmem>>, vector<16xi32>,
    %jit3A_2916 = arith.constant 1 : i32
    %jit3A_2917 = arith.constant 3 : i32
    %broadcast_in_dim3A_2918 = vector.broadcast %jit3A_2916 : i32 to vector<16xi32>
    %broadcast_in_dim3A_2919 = vector.broadcast %jit3A_2917 : i32 to vector<16xi32>
    %select_n3A_2920 = arith.select %lt3A_2868, %broadcast_in_dim3A_2918, %broadcast_in_dim3A_2919 : vector<16xi1>, vector<16xi32>
    %shift_left3A_2921 = arith.constant 3 : i32
    %shift_left3A_2922 = vector.broadcast %shift_left3A_2921 : i32 to vector<16xi32>
    %shift_left3A_2923 = arith.shli %select_n3A_2920, %shift_left3A_2922 : vector<16xi32>
    %add3A_2924 = arith.addi %add3A_2904, %shift_left3A_2923 : vector<16xi32>
    %swap3A_2925 = arith.constant 32 : index
    %swap3A_2926 = tpu.vector_load %arg32[%swap3A_2925] {strides = array<i32>} : memref<64xi32, #tpu.memory_space<vmem>>, vector<16xi32>,
    tpu.vector_store %arg32[%swap3A_2925], %add3A_2924 {strides = array<i32>} : memref<64xi32, #tpu.memory_space<vmem>>, vector<16xi32>,
    %jit3A_2927 = arith.constant 2 : i32
    %jit3A_2928 = arith.constant 0 : i32
    %broadcast_in_dim3A_2929 = vector.broadcast %jit3A_2927 : i32 to vector<16xi32>
    %broadcast_in_dim3A_2930 = vector.broadcast %jit3A_2928 : i32 to vector<16xi32>
    %select_n3A_2931 = arith.select %lt3A_2868, %broadcast_in_dim3A_2929, %broadcast_in_dim3A_2930 : vector<16xi1>, vector<16xi32>
    %shift_left3A_2932 = arith.constant 3 : i32
    %shift_left3A_2933 = vector.broadcast %shift_left3A_2932 : i32 to vector<16xi32>
    %shift_left3A_2934 = arith.shli %select_n3A_2931, %shift_left3A_2933 : vector<16xi32>
    %add3A_2935 = arith.addi %add3A_2904, %shift_left3A_2934 : vector<16xi32>
    %swap3A_2936 = arith.constant 32 : index
    %swap3A_2937 = tpu.vector_load %arg38[%swap3A_2936] {strides = array<i32>} : memref<64xi32, #tpu.memory_space<vmem>>, vector<16xi32>,
    tpu.vector_store %arg38[%swap3A_2936], %add3A_2935 {strides = array<i32>} : memref<64xi32, #tpu.memory_space<vmem>>, vector<16xi32>,
    %jit3A_2938 = arith.constant 3 : i32
    %jit3A_2939 = arith.constant 1 : i32
    %broadcast_in_dim3A_2940 = vector.broadcast %jit3A_2938 : i32 to vector<16xi32>
    %broadcast_in_dim3A_2941 = vector.broadcast %jit3A_2939 : i32 to vector<16xi32>
    %select_n3A_2942 = arith.select %lt3A_2868, %broadcast_in_dim3A_2940, %broadcast_in_dim3A_2941 : vector<16xi1>, vector<16xi32>
    %shift_left3A_2943 = arith.constant 3 : i32
    %shift_left3A_2944 = vector.broadcast %shift_left3A_2943 : i32 to vector<16xi32>
    %shift_left3A_2945 = arith.shli %select_n3A_2942, %shift_left3A_2944 : vector<16xi32>
    %add3A_2946 = arith.addi %add3A_2904, %shift_left3A_2945 : vector<16xi32>
    %swap3A_2947 = arith.constant 32 : index
    %swap3A_2948 = tpu.vector_load %arg44[%swap3A_2947] {strides = array<i32>} : memref<64xi32, #tpu.memory_space<vmem>>, vector<16xi32>,
    tpu.vector_store %arg44[%swap3A_2947], %add3A_2946 {strides = array<i32>} : memref<64xi32, #tpu.memory_space<vmem>>, vector<16xi32>,
    %iota3A_2949 = tpu.iota {dimensions = array<i32: 0>} : vector<16xi32>
    %add3A_2950 = arith.constant 48 : i32
    %add3A_2951 = vector.broadcast %add3A_2950 : i32 to vector<16xi32>
    %add3A_2952 = arith.addi %iota3A_2949, %add3A_2951 : vector<16xi32>
    %broadcast_in_dim3A_2953 = arith.constant 5 : i32
    %broadcast_in_dim3A_2954 = vector.broadcast %broadcast_in_dim3A_2953 : i32 to vector<16xi32>
    %gather3A_2955 = tpu.vector_load_idx %arg12[%add3A_2952, %broadcast_in_dim3A_2954] : memref<64x128xf32, #tpu.memory_space<vmem>>[vector<16xi32>, vector<16xi32>], vector<16xf32>,
    %gather3A_2956 = tpu.vector_load_idx %arg18[%add3A_2952, %broadcast_in_dim3A_2954] : memref<64x128xf32, #tpu.memory_space<vmem>>[vector<16xi32>, vector<16xi32>], vector<16xf32>,
    %sub3A_2957 = arith.subf %gather3A_2955, %gather3A_2956 : vector<16xf32>
    %add3A_2958 = arith.addf %gather3A_2955, %gather3A_2956 : vector<16xf32>
    %sub3A_2959 = arith.subf %add3A_2958, %sub3A_2957 : vector<16xf32>
    %max3A_2960 = arith.constant 9.99999997E-7 : f32
    %max3A_2961 = vector.broadcast %max3A_2960 : f32 to vector<16xf32>
    %max3A_2962 = arith.maximumf %sub3A_2959, %max3A_2961 : vector<16xf32>
    %sub3A_2963 = arith.constant 0.000000e+00 : f32
    %sub3A_2964 = vector.broadcast %sub3A_2963 : f32 to vector<16xf32>
    %sub3A_2965 = arith.subf %sub3A_2964, %sub3A_2957 : vector<16xf32>
    %div3A_2966 = arith.divf %sub3A_2965, %max3A_2962 : vector<16xf32>
    %le3A_2967 = arith.constant 0.000000e+00 : f32
    %le3A_2968 = vector.broadcast %le3A_2967 : f32 to vector<16xf32>
    %le3A_2969 = arith.cmpf ole, %add3A_2958, %le3A_2968 : vector<16xf32>
    %gt3A_2970 = arith.constant 0.000000e+00 : f32
    %gt3A_2971 = vector.broadcast %gt3A_2970 : f32 to vector<16xf32>
    %gt3A_2972 = arith.cmpf ogt, %sub3A_2957, %gt3A_2971 : vector<16xf32>
    %jit3A_2973 = arith.constant 0.000000e+00 : f32
    %broadcast_in_dim3A_2974 = vector.broadcast %jit3A_2973 : f32 to vector<16xf32>
    %select_n3A_2975 = arith.select %gt3A_2972, %broadcast_in_dim3A_2974, %div3A_2966 : vector<16xi1>, vector<16xf32>
    %jit3A_2976 = arith.constant 1.000000e+00 : f32
    %broadcast_in_dim3A_2977 = vector.broadcast %jit3A_2976 : f32 to vector<16xf32>
    %select_n3A_2978 = arith.select %le3A_2969, %broadcast_in_dim3A_2977, %select_n3A_2975 : vector<16xi1>, vector<16xf32>
    %jit3A_2979 = arith.constant 0.000000e+00 : f32
    %jit3A_2980 = arith.constant 1.000000e+00 : f32
    %max3A_2981 = vector.broadcast %jit3A_2979 : f32 to vector<16xf32>
    %max3A_2982 = arith.maximumf %max3A_2981, %select_n3A_2978 : vector<16xf32>
    %min3A_2983 = vector.broadcast %jit3A_2980 : f32 to vector<16xf32>
    %min3A_2984 = arith.minimumf %min3A_2983, %max3A_2982 : vector<16xf32>
    %get3A_2985 = arith.constant 368 : index
    %get3A_2986 = tpu.vector_load %arg20[%get3A_2985] {strides = array<i32>} : memref<512xf32, #tpu.memory_space<vmem>>, vector<16xf32>,
    %lt3A_2987 = arith.cmpf olt, %get3A_2986, %min3A_2984 : vector<16xf32>
    %min3A_2988 = arith.constant 0.000000e+00 : f32
    %min3A_2989 = vector.broadcast %min3A_2988 : f32 to vector<16xf32>
    %min3A_2990 = arith.minimumf %add3A_2958, %min3A_2989 : vector<16xf32>
    %max3A_2991 = arith.constant 0.000000e+00 : f32
    %max3A_2992 = vector.broadcast %max3A_2991 : f32 to vector<16xf32>
    %max3A_2993 = arith.maximumf %sub3A_2957, %max3A_2992 : vector<16xf32>
    %add3A_2994 = arith.addf %sub3A_2957, %min3A_2990 : vector<16xf32>
    %mul3A_2995 = arith.constant 5.000000e-01 : f32
    %mul3A_2996 = vector.broadcast %mul3A_2995 : f32 to vector<16xf32>
    %mul3A_2997 = arith.mulf %add3A_2994, %mul3A_2996 : vector<16xf32>
    %add3A_2998 = arith.addf %max3A_2993, %add3A_2958 : vector<16xf32>
    %mul3A_2999 = arith.constant 5.000000e-01 : f32
    %mul3A_3000 = vector.broadcast %mul3A_2999 : f32 to vector<16xf32>
    %mul3A_3001 = arith.mulf %add3A_2998, %mul3A_3000 : vector<16xf32>
    %select_n3A_3002 = arith.select %lt3A_2987, %mul3A_2997, %mul3A_3001 : vector<16xi1>, vector<16xf32>
    %sub3A_3003 = arith.subf %min3A_2990, %sub3A_2957 : vector<16xf32>
    %mul3A_3004 = arith.constant 5.000000e-01 : f32
    %mul3A_3005 = vector.broadcast %mul3A_3004 : f32 to vector<16xf32>
    %mul3A_3006 = arith.mulf %sub3A_3003, %mul3A_3005 : vector<16xf32>
    %sub3A_3007 = arith.subf %add3A_2958, %max3A_2993 : vector<16xf32>
    %mul3A_3008 = arith.constant 5.000000e-01 : f32
    %mul3A_3009 = vector.broadcast %mul3A_3008 : f32 to vector<16xf32>
    %mul3A_3010 = arith.mulf %sub3A_3007, %mul3A_3009 : vector<16xf32>
    %select_n3A_3011 = arith.select %lt3A_2987, %mul3A_3006, %mul3A_3010 : vector<16xi1>, vector<16xf32>
    tpu.vector_store_idx %arg12[%add3A_2952, %broadcast_in_dim3A_2954], %select_n3A_3002 : memref<64x128xf32, #tpu.memory_space<vmem>>[vector<16xi32>, vector<16xi32>], vector<16xf32>,
    tpu.vector_store_idx %arg18[%add3A_2952, %broadcast_in_dim3A_2954], %select_n3A_3011 : memref<64x128xf32, #tpu.memory_space<vmem>>[vector<16xi32>, vector<16xi32>], vector<16xf32>,
    %add3A_3012 = vector.broadcast %add3A_2591 : i32 to vector<16xi32>
    %add3A_3013 = arith.addi %add3A_2952, %add3A_3012 : vector<16xi32>
    %shift_right_arithmetic3A_3014 = arith.constant 3 : i32
    %shift_right_arithmetic3A_3015 = vector.broadcast %shift_right_arithmetic3A_3014 : i32 to vector<16xi32>
    %shift_right_arithmetic3A_3016 = arith.shrsi %add3A_3013, %shift_right_arithmetic3A_3015 : vector<16xi32>
    %shift_left3A_3017 = arith.constant 5 : i32
    %shift_left3A_3018 = vector.broadcast %shift_left3A_3017 : i32 to vector<16xi32>
    %shift_left3A_3019 = arith.shli %shift_right_arithmetic3A_3016, %shift_left3A_3018 : vector<16xi32>
    %and3A_3020 = arith.constant 7 : i32
    %and3A_3021 = vector.broadcast %and3A_3020 : i32 to vector<16xi32>
    %and3A_3022 = arith.andi %add3A_3013, %and3A_3021 : vector<16xi32>
    %add3A_3023 = arith.addi %shift_left3A_3019, %and3A_3022 : vector<16xi32>
    %jit3A_3024 = arith.constant 0 : i32
    %jit3A_3025 = arith.constant 2 : i32
    %broadcast_in_dim3A_3026 = vector.broadcast %jit3A_3024 : i32 to vector<16xi32>
    %broadcast_in_dim3A_3027 = vector.broadcast %jit3A_3025 : i32 to vector<16xi32>
    %select_n3A_3028 = arith.select %lt3A_2987, %broadcast_in_dim3A_3026, %broadcast_in_dim3A_3027 : vector<16xi1>, vector<16xi32>
    %shift_left3A_3029 = arith.constant 3 : i32
    %shift_left3A_3030 = vector.broadcast %shift_left3A_3029 : i32 to vector<16xi32>
    %shift_left3A_3031 = arith.shli %select_n3A_3028, %shift_left3A_3030 : vector<16xi32>
    %add3A_3032 = arith.addi %add3A_3023, %shift_left3A_3031 : vector<16xi32>
    %swap3A_3033 = arith.constant 48 : index
    %swap3A_3034 = tpu.vector_load %arg26[%swap3A_3033] {strides = array<i32>} : memref<64xi32, #tpu.memory_space<vmem>>, vector<16xi32>,
    tpu.vector_store %arg26[%swap3A_3033], %add3A_3032 {strides = array<i32>} : memref<64xi32, #tpu.memory_space<vmem>>, vector<16xi32>,
    %jit3A_3035 = arith.constant 1 : i32
    %jit3A_3036 = arith.constant 3 : i32
    %broadcast_in_dim3A_3037 = vector.broadcast %jit3A_3035 : i32 to vector<16xi32>
    %broadcast_in_dim3A_3038 = vector.broadcast %jit3A_3036 : i32 to vector<16xi32>
    %select_n3A_3039 = arith.select %lt3A_2987, %broadcast_in_dim3A_3037, %broadcast_in_dim3A_3038 : vector<16xi1>, vector<16xi32>
    %shift_left3A_3040 = arith.constant 3 : i32
    %shift_left3A_3041 = vector.broadcast %shift_left3A_3040 : i32 to vector<16xi32>
    %shift_left3A_3042 = arith.shli %select_n3A_3039, %shift_left3A_3041 : vector<16xi32>
    %add3A_3043 = arith.addi %add3A_3023, %shift_left3A_3042 : vector<16xi32>
    %swap3A_3044 = arith.constant 48 : index
    %swap3A_3045 = tpu.vector_load %arg32[%swap3A_3044] {strides = array<i32>} : memref<64xi32, #tpu.memory_space<vmem>>, vector<16xi32>,
    tpu.vector_store %arg32[%swap3A_3044], %add3A_3043 {strides = array<i32>} : memref<64xi32, #tpu.memory_space<vmem>>, vector<16xi32>,
    %jit3A_3046 = arith.constant 2 : i32
    %jit3A_3047 = arith.constant 0 : i32
    %broadcast_in_dim3A_3048 = vector.broadcast %jit3A_3046 : i32 to vector<16xi32>
    %broadcast_in_dim3A_3049 = vector.broadcast %jit3A_3047 : i32 to vector<16xi32>
    %select_n3A_3050 = arith.select %lt3A_2987, %broadcast_in_dim3A_3048, %broadcast_in_dim3A_3049 : vector<16xi1>, vector<16xi32>
    %shift_left3A_3051 = arith.constant 3 : i32
    %shift_left3A_3052 = vector.broadcast %shift_left3A_3051 : i32 to vector<16xi32>
    %shift_left3A_3053 = arith.shli %select_n3A_3050, %shift_left3A_3052 : vector<16xi32>
    %add3A_3054 = arith.addi %add3A_3023, %shift_left3A_3053 : vector<16xi32>
    %swap3A_3055 = arith.constant 48 : index
    %swap3A_3056 = tpu.vector_load %arg38[%swap3A_3055] {strides = array<i32>} : memref<64xi32, #tpu.memory_space<vmem>>, vector<16xi32>,
    tpu.vector_store %arg38[%swap3A_3055], %add3A_3054 {strides = array<i32>} : memref<64xi32, #tpu.memory_space<vmem>>, vector<16xi32>,
    %jit3A_3057 = arith.constant 3 : i32
    %jit3A_3058 = arith.constant 1 : i32
    %broadcast_in_dim3A_3059 = vector.broadcast %jit3A_3057 : i32 to vector<16xi32>
    %broadcast_in_dim3A_3060 = vector.broadcast %jit3A_3058 : i32 to vector<16xi32>
    %select_n3A_3061 = arith.select %lt3A_2987, %broadcast_in_dim3A_3059, %broadcast_in_dim3A_3060 : vector<16xi1>, vector<16xi32>
    %shift_left3A_3062 = arith.constant 3 : i32
    %shift_left3A_3063 = vector.broadcast %shift_left3A_3062 : i32 to vector<16xi32>
    %shift_left3A_3064 = arith.shli %select_n3A_3061, %shift_left3A_3063 : vector<16xi32>
    %add3A_3065 = arith.addi %add3A_3023, %shift_left3A_3064 : vector<16xi32>
    %swap3A_3066 = arith.constant 48 : index
    %swap3A_3067 = tpu.vector_load %arg44[%swap3A_3066] {strides = array<i32>} : memref<64xi32, #tpu.memory_space<vmem>>, vector<16xi32>,
    tpu.vector_store %arg44[%swap3A_3066], %add3A_3065 {strides = array<i32>} : memref<64xi32, #tpu.memory_space<vmem>>, vector<16xi32>,
    %dma_start3A_3068 = arith.constant 0 : i32
    %dma_start3A_3069 = arith.constant 0 : i32
    %dma_start3A_3070 = tpu.memref_slice %arg6[%dma_start3A_3068, %dma_start3A_3069] : memref<65536x128xf32, #tpu.memory_space<hbm>> -> memref<65536x128xf32, #tpu.memory_space<hbm>>
    tpu.enqueue_indirect_dma source(%arg12 : memref<64x128xf32, #tpu.memory_space<vmem>>) target(%dma_start3A_3070 : memref<65536x128xf32, #tpu.memory_space<hbm>>) offsets(%arg26 : memref<64xi32, #tpu.memory_space<vmem>>) semaphore(%arg56 : memref<!tpu.dma_semaphore, #tpu.memory_space<semaphore_mem>>)
    %dma_start3A_3071 = arith.constant 0 : i32
    %dma_start3A_3072 = arith.constant 0 : i32
    %dma_start3A_3073 = tpu.memref_slice %arg6[%dma_start3A_3071, %dma_start3A_3072] : memref<65536x128xf32, #tpu.memory_space<hbm>> -> memref<65536x128xf32, #tpu.memory_space<hbm>>
    tpu.enqueue_indirect_dma source(%arg18 : memref<64x128xf32, #tpu.memory_space<vmem>>) target(%dma_start3A_3073 : memref<65536x128xf32, #tpu.memory_space<hbm>>) offsets(%arg32 : memref<64xi32, #tpu.memory_space<vmem>>) semaphore(%arg56 : memref<!tpu.dma_semaphore, #tpu.memory_space<semaphore_mem>>)
    %dma_start3A_3074 = arith.constant 0 : i32
    %dma_start3A_3075 = arith.constant 0 : i32
    %dma_start3A_3076 = tpu.memref_slice %arg6[%dma_start3A_3074, %dma_start3A_3075] : memref<65536x128xf32, #tpu.memory_space<hbm>> -> memref<65536x128xf32, #tpu.memory_space<hbm>>
    tpu.enqueue_indirect_dma source(%arg19 : memref<64x128xf32, #tpu.memory_space<vmem>>) target(%dma_start3A_3076 : memref<65536x128xf32, #tpu.memory_space<hbm>>) offsets(%arg38 : memref<64xi32, #tpu.memory_space<vmem>>) semaphore(%arg56 : memref<!tpu.dma_semaphore, #tpu.memory_space<semaphore_mem>>)
    %dma_start3A_3077 = arith.constant 0 : i32
    %dma_start3A_3078 = arith.constant 0 : i32
    %dma_start3A_3079 = tpu.memref_slice %arg6[%dma_start3A_3077, %dma_start3A_3078] : memref<65536x128xf32, #tpu.memory_space<hbm>> -> memref<65536x128xf32, #tpu.memory_space<hbm>>
    tpu.enqueue_indirect_dma source(%arg19 : memref<64x128xf32, #tpu.memory_space<vmem>>) target(%dma_start3A_3079 : memref<65536x128xf32, #tpu.memory_space<hbm>>) offsets(%arg44 : memref<64xi32, #tpu.memory_space<vmem>>) semaphore(%arg56 : memref<!tpu.dma_semaphore, #tpu.memory_space<semaphore_mem>>)
    %dma_wait3A_3080 = arith.constant 0 : i32
    %dma_wait3A_3081 = arith.constant 0 : i32
    %dma_wait3A_3082 = tpu.memref_slice %arg6[%dma_wait3A_3080, %dma_wait3A_3081] : memref<65536x128xf32, #tpu.memory_space<hbm>> -> memref<65536x128xf32, #tpu.memory_space<hbm>>
    tpu.wait_indirect_dma semaphore(%arg52 : memref<!tpu.dma_semaphore, #tpu.memory_space<semaphore_mem>>) src(%arg8 : memref<64x128xf32, #tpu.memory_space<vmem>>) dst(%dma_wait3A_3082 : memref<65536x128xf32, #tpu.memory_space<hbm>>)
    %dma_wait3A_3083 = arith.constant 0 : i32
    %dma_wait3A_3084 = arith.constant 0 : i32
    %dma_wait3A_3085 = tpu.memref_slice %arg6[%dma_wait3A_3083, %dma_wait3A_3084] : memref<65536x128xf32, #tpu.memory_space<hbm>> -> memref<65536x128xf32, #tpu.memory_space<hbm>>
    tpu.wait_indirect_dma semaphore(%arg52 : memref<!tpu.dma_semaphore, #tpu.memory_space<semaphore_mem>>) src(%arg14 : memref<64x128xf32, #tpu.memory_space<vmem>>) dst(%dma_wait3A_3085 : memref<65536x128xf32, #tpu.memory_space<hbm>>)
    %dma_wait3A_3086 = arith.constant 0 : i32
    %dma_wait3A_3087 = arith.constant 0 : i32
    %dma_wait3A_3088 = tpu.memref_slice %arg6[%dma_wait3A_3086, %dma_wait3A_3087] : memref<65536x128xf32, #tpu.memory_space<hbm>> -> memref<65536x128xf32, #tpu.memory_space<hbm>>
    tpu.wait_indirect_dma semaphore(%arg52 : memref<!tpu.dma_semaphore, #tpu.memory_space<semaphore_mem>>) src(%arg19 : memref<64x128xf32, #tpu.memory_space<vmem>>) dst(%dma_wait3A_3088 : memref<65536x128xf32, #tpu.memory_space<hbm>>)
    %dma_wait3A_3089 = arith.constant 0 : i32
    %dma_wait3A_3090 = arith.constant 0 : i32
    %dma_wait3A_3091 = tpu.memref_slice %arg6[%dma_wait3A_3089, %dma_wait3A_3090] : memref<65536x128xf32, #tpu.memory_space<hbm>> -> memref<65536x128xf32, #tpu.memory_space<hbm>>
    tpu.wait_indirect_dma semaphore(%arg52 : memref<!tpu.dma_semaphore, #tpu.memory_space<semaphore_mem>>) src(%arg19 : memref<64x128xf32, #tpu.memory_space<vmem>>) dst(%dma_wait3A_3091 : memref<65536x128xf32, #tpu.memory_space<hbm>>)
    %mul3A_3092 = arith.constant 512 : i32
    %mul3A_3093 = arith.muli %add3A, %mul3A_3092 : i32
    %add3A_3094 = arith.constant 448 : i32
    %add3A_3095 = arith.addi %mul3A_3093, %add3A_3094 : i32
    %dma_start3A_3096 = arith.constant 0 : i32
    %dma_start3A_3097 = tpu.memref_slice %arg2[%add3A_3095, %dma_start3A_3096] : memref<16384x128xf32, #tpu.memory_space<hbm>> -> memref<64x128xf32, #tpu.memory_space<hbm>>
    %dma_start3A_3098 = arith.constant 0 : i32
    %dma_start3A_3099 = tpu.memref_slice %arg2[%add3A_3095, %dma_start3A_3098] : memref<16384x128xf32, #tpu.memory_space<hbm>> -> memref<64x128xf32, #tpu.memory_space<hbm>>
    tpu.enqueue_dma source(%dma_start3A_3099 : memref<64x128xf32, #tpu.memory_space<hbm>>) target(%arg8 : memref<64x128xf32, #tpu.memory_space<vmem>>) target_semaphore(%arg46 : memref<!tpu.dma_semaphore, #tpu.memory_space<semaphore_mem>>)
    %dma_start3A_3100 = arith.constant 0 : i32
    %dma_start3A_3101 = tpu.memref_slice %arg3[%add3A_3095, %dma_start3A_3100] : memref<16384x128xf32, #tpu.memory_space<hbm>> -> memref<64x128xf32, #tpu.memory_space<hbm>>
    %dma_start3A_3102 = arith.constant 0 : i32
    %dma_start3A_3103 = tpu.memref_slice %arg3[%add3A_3095, %dma_start3A_3102] : memref<16384x128xf32, #tpu.memory_space<hbm>> -> memref<64x128xf32, #tpu.memory_space<hbm>>
    tpu.enqueue_dma source(%dma_start3A_3103 : memref<64x128xf32, #tpu.memory_space<hbm>>) target(%arg14 : memref<64x128xf32, #tpu.memory_space<vmem>>) target_semaphore(%arg46 : memref<!tpu.dma_semaphore, #tpu.memory_space<semaphore_mem>>)
    %dma_wait3A_3104 = arith.constant 0 : i32
    %dma_wait3A_3105 = tpu.memref_slice %arg2[%add3A_2571, %dma_wait3A_3104] : memref<16384x128xf32, #tpu.memory_space<hbm>> -> memref<64x128xf32, #tpu.memory_space<hbm>>
    %dma_wait3A_3106 = arith.constant 0 : i32
    %dma_wait3A_3107 = tpu.memref_slice %arg2[%add3A_2571, %dma_wait3A_3106] : memref<16384x128xf32, #tpu.memory_space<hbm>> -> memref<64x128xf32, #tpu.memory_space<hbm>>
    tpu.wait_dma2 semaphore(%arg45 : memref<!tpu.dma_semaphore, #tpu.memory_space<semaphore_mem>>) src(%dma_wait3A_3107 : memref<64x128xf32, #tpu.memory_space<hbm>>) dst(%arg7 : memref<64x128xf32, #tpu.memory_space<vmem>>)
    %dma_wait3A_3108 = arith.constant 0 : i32
    %dma_wait3A_3109 = tpu.memref_slice %arg3[%add3A_2571, %dma_wait3A_3108] : memref<16384x128xf32, #tpu.memory_space<hbm>> -> memref<64x128xf32, #tpu.memory_space<hbm>>
    %dma_wait3A_3110 = arith.constant 0 : i32
    %dma_wait3A_3111 = tpu.memref_slice %arg3[%add3A_2571, %dma_wait3A_3110] : memref<16384x128xf32, #tpu.memory_space<hbm>> -> memref<64x128xf32, #tpu.memory_space<hbm>>
    tpu.wait_dma2 semaphore(%arg45 : memref<!tpu.dma_semaphore, #tpu.memory_space<semaphore_mem>>) src(%dma_wait3A_3111 : memref<64x128xf32, #tpu.memory_space<hbm>>) dst(%arg13 : memref<64x128xf32, #tpu.memory_space<vmem>>)
    %mul3A_3112 = arith.constant 512 : i32
    %mul3A_3113 = arith.muli %add3A, %mul3A_3112 : i32
    %add3A_3114 = arith.constant 384 : i32
    %add3A_3115 = arith.addi %mul3A_3113, %add3A_3114 : i32
    %iota3A_3116 = tpu.iota {dimensions = array<i32: 0>} : vector<16xi32>
    %add3A_3117 = arith.constant 0 : i32
    %add3A_3118 = vector.broadcast %add3A_3117 : i32 to vector<16xi32>
    %add3A_3119 = arith.addi %iota3A_3116, %add3A_3118 : vector<16xi32>
    %broadcast_in_dim3A_3120 = arith.constant 5 : i32
    %broadcast_in_dim3A_3121 = vector.broadcast %broadcast_in_dim3A_3120 : i32 to vector<16xi32>
    %gather3A_3122 = tpu.vector_load_idx %arg7[%add3A_3119, %broadcast_in_dim3A_3121] : memref<64x128xf32, #tpu.memory_space<vmem>>[vector<16xi32>, vector<16xi32>], vector<16xf32>,
    %gather3A_3123 = tpu.vector_load_idx %arg13[%add3A_3119, %broadcast_in_dim3A_3121] : memref<64x128xf32, #tpu.memory_space<vmem>>[vector<16xi32>, vector<16xi32>], vector<16xf32>,
    %sub3A_3124 = arith.subf %gather3A_3122, %gather3A_3123 : vector<16xf32>
    %add3A_3125 = arith.addf %gather3A_3122, %gather3A_3123 : vector<16xf32>
    %sub3A_3126 = arith.subf %add3A_3125, %sub3A_3124 : vector<16xf32>
    %max3A_3127 = arith.constant 9.99999997E-7 : f32
    %max3A_3128 = vector.broadcast %max3A_3127 : f32 to vector<16xf32>
    %max3A_3129 = arith.maximumf %sub3A_3126, %max3A_3128 : vector<16xf32>
    %sub3A_3130 = arith.constant 0.000000e+00 : f32
    %sub3A_3131 = vector.broadcast %sub3A_3130 : f32 to vector<16xf32>
    %sub3A_3132 = arith.subf %sub3A_3131, %sub3A_3124 : vector<16xf32>
    %div3A_3133 = arith.divf %sub3A_3132, %max3A_3129 : vector<16xf32>
    %le3A_3134 = arith.constant 0.000000e+00 : f32
    %le3A_3135 = vector.broadcast %le3A_3134 : f32 to vector<16xf32>
    %le3A_3136 = arith.cmpf ole, %add3A_3125, %le3A_3135 : vector<16xf32>
    %gt3A_3137 = arith.constant 0.000000e+00 : f32
    %gt3A_3138 = vector.broadcast %gt3A_3137 : f32 to vector<16xf32>
    %gt3A_3139 = arith.cmpf ogt, %sub3A_3124, %gt3A_3138 : vector<16xf32>
    %jit3A_3140 = arith.constant 0.000000e+00 : f32
    %broadcast_in_dim3A_3141 = vector.broadcast %jit3A_3140 : f32 to vector<16xf32>
    %select_n3A_3142 = arith.select %gt3A_3139, %broadcast_in_dim3A_3141, %div3A_3133 : vector<16xi1>, vector<16xf32>
    %jit3A_3143 = arith.constant 1.000000e+00 : f32
    %broadcast_in_dim3A_3144 = vector.broadcast %jit3A_3143 : f32 to vector<16xf32>
    %select_n3A_3145 = arith.select %le3A_3136, %broadcast_in_dim3A_3144, %select_n3A_3142 : vector<16xi1>, vector<16xf32>
    %jit3A_3146 = arith.constant 0.000000e+00 : f32
    %jit3A_3147 = arith.constant 1.000000e+00 : f32
    %max3A_3148 = vector.broadcast %jit3A_3146 : f32 to vector<16xf32>
    %max3A_3149 = arith.maximumf %max3A_3148, %select_n3A_3145 : vector<16xf32>
    %min3A_3150 = vector.broadcast %jit3A_3147 : f32 to vector<16xf32>
    %min3A_3151 = arith.minimumf %min3A_3150, %max3A_3149 : vector<16xf32>
    %get3A_3152 = arith.constant 384 : index
    %get3A_3153 = tpu.vector_load %arg20[%get3A_3152] {strides = array<i32>} : memref<512xf32, #tpu.memory_space<vmem>>, vector<16xf32>,
    %lt3A_3154 = arith.cmpf olt, %get3A_3153, %min3A_3151 : vector<16xf32>
    %min3A_3155 = arith.constant 0.000000e+00 : f32
    %min3A_3156 = vector.broadcast %min3A_3155 : f32 to vector<16xf32>
    %min3A_3157 = arith.minimumf %add3A_3125, %min3A_3156 : vector<16xf32>
    %max3A_3158 = arith.constant 0.000000e+00 : f32
    %max3A_3159 = vector.broadcast %max3A_3158 : f32 to vector<16xf32>
    %max3A_3160 = arith.maximumf %sub3A_3124, %max3A_3159 : vector<16xf32>
    %add3A_3161 = arith.addf %sub3A_3124, %min3A_3157 : vector<16xf32>
    %mul3A_3162 = arith.constant 5.000000e-01 : f32
    %mul3A_3163 = vector.broadcast %mul3A_3162 : f32 to vector<16xf32>
    %mul3A_3164 = arith.mulf %add3A_3161, %mul3A_3163 : vector<16xf32>
    %add3A_3165 = arith.addf %max3A_3160, %add3A_3125 : vector<16xf32>
    %mul3A_3166 = arith.constant 5.000000e-01 : f32
    %mul3A_3167 = vector.broadcast %mul3A_3166 : f32 to vector<16xf32>
    %mul3A_3168 = arith.mulf %add3A_3165, %mul3A_3167 : vector<16xf32>
    %select_n3A_3169 = arith.select %lt3A_3154, %mul3A_3164, %mul3A_3168 : vector<16xi1>, vector<16xf32>
    %sub3A_3170 = arith.subf %min3A_3157, %sub3A_3124 : vector<16xf32>
    %mul3A_3171 = arith.constant 5.000000e-01 : f32
    %mul3A_3172 = vector.broadcast %mul3A_3171 : f32 to vector<16xf32>
    %mul3A_3173 = arith.mulf %sub3A_3170, %mul3A_3172 : vector<16xf32>
    %sub3A_3174 = arith.subf %add3A_3125, %max3A_3160 : vector<16xf32>
    %mul3A_3175 = arith.constant 5.000000e-01 : f32
    %mul3A_3176 = vector.broadcast %mul3A_3175 : f32 to vector<16xf32>
    %mul3A_3177 = arith.mulf %sub3A_3174, %mul3A_3176 : vector<16xf32>
    %select_n3A_3178 = arith.select %lt3A_3154, %mul3A_3173, %mul3A_3177 : vector<16xi1>, vector<16xf32>
    tpu.vector_store_idx %arg7[%add3A_3119, %broadcast_in_dim3A_3121], %select_n3A_3169 : memref<64x128xf32, #tpu.memory_space<vmem>>[vector<16xi32>, vector<16xi32>], vector<16xf32>,
    tpu.vector_store_idx %arg13[%add3A_3119, %broadcast_in_dim3A_3121], %select_n3A_3178 : memref<64x128xf32, #tpu.memory_space<vmem>>[vector<16xi32>, vector<16xi32>], vector<16xf32>,
    %add3A_3179 = vector.broadcast %add3A_3115 : i32 to vector<16xi32>
    %add3A_3180 = arith.addi %add3A_3119, %add3A_3179 : vector<16xi32>
    %shift_right_arithmetic3A_3181 = arith.constant 3 : i32
    %shift_right_arithmetic3A_3182 = vector.broadcast %shift_right_arithmetic3A_3181 : i32 to vector<16xi32>
    %shift_right_arithmetic3A_3183 = arith.shrsi %add3A_3180, %shift_right_arithmetic3A_3182 : vector<16xi32>
    %shift_left3A_3184 = arith.constant 5 : i32
    %shift_left3A_3185 = vector.broadcast %shift_left3A_3184 : i32 to vector<16xi32>
    %shift_left3A_3186 = arith.shli %shift_right_arithmetic3A_3183, %shift_left3A_3185 : vector<16xi32>
    %and3A_3187 = arith.constant 7 : i32
    %and3A_3188 = vector.broadcast %and3A_3187 : i32 to vector<16xi32>
    %and3A_3189 = arith.andi %add3A_3180, %and3A_3188 : vector<16xi32>
    %add3A_3190 = arith.addi %shift_left3A_3186, %and3A_3189 : vector<16xi32>
    %jit3A_3191 = arith.constant 0 : i32
    %jit3A_3192 = arith.constant 2 : i32
    %broadcast_in_dim3A_3193 = vector.broadcast %jit3A_3191 : i32 to vector<16xi32>
    %broadcast_in_dim3A_3194 = vector.broadcast %jit3A_3192 : i32 to vector<16xi32>
    %select_n3A_3195 = arith.select %lt3A_3154, %broadcast_in_dim3A_3193, %broadcast_in_dim3A_3194 : vector<16xi1>, vector<16xi32>
    %shift_left3A_3196 = arith.constant 3 : i32
    %shift_left3A_3197 = vector.broadcast %shift_left3A_3196 : i32 to vector<16xi32>
    %shift_left3A_3198 = arith.shli %select_n3A_3195, %shift_left3A_3197 : vector<16xi32>
    %add3A_3199 = arith.addi %add3A_3190, %shift_left3A_3198 : vector<16xi32>
    %swap3A_3200 = arith.constant 0 : index
    %swap3A_3201 = tpu.vector_load %arg21[%swap3A_3200] {strides = array<i32>} : memref<64xi32, #tpu.memory_space<vmem>>, vector<16xi32>,
    tpu.vector_store %arg21[%swap3A_3200], %add3A_3199 {strides = array<i32>} : memref<64xi32, #tpu.memory_space<vmem>>, vector<16xi32>,
    %jit3A_3202 = arith.constant 1 : i32
    %jit3A_3203 = arith.constant 3 : i32
    %broadcast_in_dim3A_3204 = vector.broadcast %jit3A_3202 : i32 to vector<16xi32>
    %broadcast_in_dim3A_3205 = vector.broadcast %jit3A_3203 : i32 to vector<16xi32>
    %select_n3A_3206 = arith.select %lt3A_3154, %broadcast_in_dim3A_3204, %broadcast_in_dim3A_3205 : vector<16xi1>, vector<16xi32>
    %shift_left3A_3207 = arith.constant 3 : i32
    %shift_left3A_3208 = vector.broadcast %shift_left3A_3207 : i32 to vector<16xi32>
    %shift_left3A_3209 = arith.shli %select_n3A_3206, %shift_left3A_3208 : vector<16xi32>
    %add3A_3210 = arith.addi %add3A_3190, %shift_left3A_3209 : vector<16xi32>
    %swap3A_3211 = arith.constant 0 : index
    %swap3A_3212 = tpu.vector_load %arg27[%swap3A_3211] {strides = array<i32>} : memref<64xi32, #tpu.memory_space<vmem>>, vector<16xi32>,
    tpu.vector_store %arg27[%swap3A_3211], %add3A_3210 {strides = array<i32>} : memref<64xi32, #tpu.memory_space<vmem>>, vector<16xi32>,
    %jit3A_3213 = arith.constant 2 : i32
    %jit3A_3214 = arith.constant 0 : i32
    %broadcast_in_dim3A_3215 = vector.broadcast %jit3A_3213 : i32 to vector<16xi32>
    %broadcast_in_dim3A_3216 = vector.broadcast %jit3A_3214 : i32 to vector<16xi32>
    %select_n3A_3217 = arith.select %lt3A_3154, %broadcast_in_dim3A_3215, %broadcast_in_dim3A_3216 : vector<16xi1>, vector<16xi32>
    %shift_left3A_3218 = arith.constant 3 : i32
    %shift_left3A_3219 = vector.broadcast %shift_left3A_3218 : i32 to vector<16xi32>
    %shift_left3A_3220 = arith.shli %select_n3A_3217, %shift_left3A_3219 : vector<16xi32>
    %add3A_3221 = arith.addi %add3A_3190, %shift_left3A_3220 : vector<16xi32>
    %swap3A_3222 = arith.constant 0 : index
    %swap3A_3223 = tpu.vector_load %arg33[%swap3A_3222] {strides = array<i32>} : memref<64xi32, #tpu.memory_space<vmem>>, vector<16xi32>,
    tpu.vector_store %arg33[%swap3A_3222], %add3A_3221 {strides = array<i32>} : memref<64xi32, #tpu.memory_space<vmem>>, vector<16xi32>,
    %jit3A_3224 = arith.constant 3 : i32
    %jit3A_3225 = arith.constant 1 : i32
    %broadcast_in_dim3A_3226 = vector.broadcast %jit3A_3224 : i32 to vector<16xi32>
    %broadcast_in_dim3A_3227 = vector.broadcast %jit3A_3225 : i32 to vector<16xi32>
    %select_n3A_3228 = arith.select %lt3A_3154, %broadcast_in_dim3A_3226, %broadcast_in_dim3A_3227 : vector<16xi1>, vector<16xi32>
    %shift_left3A_3229 = arith.constant 3 : i32
    %shift_left3A_3230 = vector.broadcast %shift_left3A_3229 : i32 to vector<16xi32>
    %shift_left3A_3231 = arith.shli %select_n3A_3228, %shift_left3A_3230 : vector<16xi32>
    %add3A_3232 = arith.addi %add3A_3190, %shift_left3A_3231 : vector<16xi32>
    %swap3A_3233 = arith.constant 0 : index
    %swap3A_3234 = tpu.vector_load %arg39[%swap3A_3233] {strides = array<i32>} : memref<64xi32, #tpu.memory_space<vmem>>, vector<16xi32>,
    tpu.vector_store %arg39[%swap3A_3233], %add3A_3232 {strides = array<i32>} : memref<64xi32, #tpu.memory_space<vmem>>, vector<16xi32>,
    %iota3A_3235 = tpu.iota {dimensions = array<i32: 0>} : vector<16xi32>
    %add3A_3236 = arith.constant 16 : i32
    %add3A_3237 = vector.broadcast %add3A_3236 : i32 to vector<16xi32>
    %add3A_3238 = arith.addi %iota3A_3235, %add3A_3237 : vector<16xi32>
    %broadcast_in_dim3A_3239 = arith.constant 5 : i32
    %broadcast_in_dim3A_3240 = vector.broadcast %broadcast_in_dim3A_3239 : i32 to vector<16xi32>
    %gather3A_3241 = tpu.vector_load_idx %arg7[%add3A_3238, %broadcast_in_dim3A_3240] : memref<64x128xf32, #tpu.memory_space<vmem>>[vector<16xi32>, vector<16xi32>], vector<16xf32>,
    %gather3A_3242 = tpu.vector_load_idx %arg13[%add3A_3238, %broadcast_in_dim3A_3240] : memref<64x128xf32, #tpu.memory_space<vmem>>[vector<16xi32>, vector<16xi32>], vector<16xf32>,
    %sub3A_3243 = arith.subf %gather3A_3241, %gather3A_3242 : vector<16xf32>
    %add3A_3244 = arith.addf %gather3A_3241, %gather3A_3242 : vector<16xf32>
    %sub3A_3245 = arith.subf %add3A_3244, %sub3A_3243 : vector<16xf32>
    %max3A_3246 = arith.constant 9.99999997E-7 : f32
    %max3A_3247 = vector.broadcast %max3A_3246 : f32 to vector<16xf32>
    %max3A_3248 = arith.maximumf %sub3A_3245, %max3A_3247 : vector<16xf32>
    %sub3A_3249 = arith.constant 0.000000e+00 : f32
    %sub3A_3250 = vector.broadcast %sub3A_3249 : f32 to vector<16xf32>
    %sub3A_3251 = arith.subf %sub3A_3250, %sub3A_3243 : vector<16xf32>
    %div3A_3252 = arith.divf %sub3A_3251, %max3A_3248 : vector<16xf32>
    %le3A_3253 = arith.constant 0.000000e+00 : f32
    %le3A_3254 = vector.broadcast %le3A_3253 : f32 to vector<16xf32>
    %le3A_3255 = arith.cmpf ole, %add3A_3244, %le3A_3254 : vector<16xf32>
    %gt3A_3256 = arith.constant 0.000000e+00 : f32
    %gt3A_3257 = vector.broadcast %gt3A_3256 : f32 to vector<16xf32>
    %gt3A_3258 = arith.cmpf ogt, %sub3A_3243, %gt3A_3257 : vector<16xf32>
    %jit3A_3259 = arith.constant 0.000000e+00 : f32
    %broadcast_in_dim3A_3260 = vector.broadcast %jit3A_3259 : f32 to vector<16xf32>
    %select_n3A_3261 = arith.select %gt3A_3258, %broadcast_in_dim3A_3260, %div3A_3252 : vector<16xi1>, vector<16xf32>
    %jit3A_3262 = arith.constant 1.000000e+00 : f32
    %broadcast_in_dim3A_3263 = vector.broadcast %jit3A_3262 : f32 to vector<16xf32>
    %select_n3A_3264 = arith.select %le3A_3255, %broadcast_in_dim3A_3263, %select_n3A_3261 : vector<16xi1>, vector<16xf32>
    %jit3A_3265 = arith.constant 0.000000e+00 : f32
    %jit3A_3266 = arith.constant 1.000000e+00 : f32
    %max3A_3267 = vector.broadcast %jit3A_3265 : f32 to vector<16xf32>
    %max3A_3268 = arith.maximumf %max3A_3267, %select_n3A_3264 : vector<16xf32>
    %min3A_3269 = vector.broadcast %jit3A_3266 : f32 to vector<16xf32>
    %min3A_3270 = arith.minimumf %min3A_3269, %max3A_3268 : vector<16xf32>
    %get3A_3271 = arith.constant 400 : index
    %get3A_3272 = tpu.vector_load %arg20[%get3A_3271] {strides = array<i32>} : memref<512xf32, #tpu.memory_space<vmem>>, vector<16xf32>,
    %lt3A_3273 = arith.cmpf olt, %get3A_3272, %min3A_3270 : vector<16xf32>
    %min3A_3274 = arith.constant 0.000000e+00 : f32
    %min3A_3275 = vector.broadcast %min3A_3274 : f32 to vector<16xf32>
    %min3A_3276 = arith.minimumf %add3A_3244, %min3A_3275 : vector<16xf32>
    %max3A_3277 = arith.constant 0.000000e+00 : f32
    %max3A_3278 = vector.broadcast %max3A_3277 : f32 to vector<16xf32>
    %max3A_3279 = arith.maximumf %sub3A_3243, %max3A_3278 : vector<16xf32>
    %add3A_3280 = arith.addf %sub3A_3243, %min3A_3276 : vector<16xf32>
    %mul3A_3281 = arith.constant 5.000000e-01 : f32
    %mul3A_3282 = vector.broadcast %mul3A_3281 : f32 to vector<16xf32>
    %mul3A_3283 = arith.mulf %add3A_3280, %mul3A_3282 : vector<16xf32>
    %add3A_3284 = arith.addf %max3A_3279, %add3A_3244 : vector<16xf32>
    %mul3A_3285 = arith.constant 5.000000e-01 : f32
    %mul3A_3286 = vector.broadcast %mul3A_3285 : f32 to vector<16xf32>
    %mul3A_3287 = arith.mulf %add3A_3284, %mul3A_3286 : vector<16xf32>
    %select_n3A_3288 = arith.select %lt3A_3273, %mul3A_3283, %mul3A_3287 : vector<16xi1>, vector<16xf32>
    %sub3A_3289 = arith.subf %min3A_3276, %sub3A_3243 : vector<16xf32>
    %mul3A_3290 = arith.constant 5.000000e-01 : f32
    %mul3A_3291 = vector.broadcast %mul3A_3290 : f32 to vector<16xf32>
    %mul3A_3292 = arith.mulf %sub3A_3289, %mul3A_3291 : vector<16xf32>
    %sub3A_3293 = arith.subf %add3A_3244, %max3A_3279 : vector<16xf32>
    %mul3A_3294 = arith.constant 5.000000e-01 : f32
    %mul3A_3295 = vector.broadcast %mul3A_3294 : f32 to vector<16xf32>
    %mul3A_3296 = arith.mulf %sub3A_3293, %mul3A_3295 : vector<16xf32>
    %select_n3A_3297 = arith.select %lt3A_3273, %mul3A_3292, %mul3A_3296 : vector<16xi1>, vector<16xf32>
    tpu.vector_store_idx %arg7[%add3A_3238, %broadcast_in_dim3A_3240], %select_n3A_3288 : memref<64x128xf32, #tpu.memory_space<vmem>>[vector<16xi32>, vector<16xi32>], vector<16xf32>,
    tpu.vector_store_idx %arg13[%add3A_3238, %broadcast_in_dim3A_3240], %select_n3A_3297 : memref<64x128xf32, #tpu.memory_space<vmem>>[vector<16xi32>, vector<16xi32>], vector<16xf32>,
    %add3A_3298 = vector.broadcast %add3A_3115 : i32 to vector<16xi32>
    %add3A_3299 = arith.addi %add3A_3238, %add3A_3298 : vector<16xi32>
    %shift_right_arithmetic3A_3300 = arith.constant 3 : i32
    %shift_right_arithmetic3A_3301 = vector.broadcast %shift_right_arithmetic3A_3300 : i32 to vector<16xi32>
    %shift_right_arithmetic3A_3302 = arith.shrsi %add3A_3299, %shift_right_arithmetic3A_3301 : vector<16xi32>
    %shift_left3A_3303 = arith.constant 5 : i32
    %shift_left3A_3304 = vector.broadcast %shift_left3A_3303 : i32 to vector<16xi32>
    %shift_left3A_3305 = arith.shli %shift_right_arithmetic3A_3302, %shift_left3A_3304 : vector<16xi32>
    %and3A_3306 = arith.constant 7 : i32
    %and3A_3307 = vector.broadcast %and3A_3306 : i32 to vector<16xi32>
    %and3A_3308 = arith.andi %add3A_3299, %and3A_3307 : vector<16xi32>
    %add3A_3309 = arith.addi %shift_left3A_3305, %and3A_3308 : vector<16xi32>
    %jit3A_3310 = arith.constant 0 : i32
    %jit3A_3311 = arith.constant 2 : i32
    %broadcast_in_dim3A_3312 = vector.broadcast %jit3A_3310 : i32 to vector<16xi32>
    %broadcast_in_dim3A_3313 = vector.broadcast %jit3A_3311 : i32 to vector<16xi32>
    %select_n3A_3314 = arith.select %lt3A_3273, %broadcast_in_dim3A_3312, %broadcast_in_dim3A_3313 : vector<16xi1>, vector<16xi32>
    %shift_left3A_3315 = arith.constant 3 : i32
    %shift_left3A_3316 = vector.broadcast %shift_left3A_3315 : i32 to vector<16xi32>
    %shift_left3A_3317 = arith.shli %select_n3A_3314, %shift_left3A_3316 : vector<16xi32>
    %add3A_3318 = arith.addi %add3A_3309, %shift_left3A_3317 : vector<16xi32>
    %swap3A_3319 = arith.constant 16 : index
    %swap3A_3320 = tpu.vector_load %arg21[%swap3A_3319] {strides = array<i32>} : memref<64xi32, #tpu.memory_space<vmem>>, vector<16xi32>,
    tpu.vector_store %arg21[%swap3A_3319], %add3A_3318 {strides = array<i32>} : memref<64xi32, #tpu.memory_space<vmem>>, vector<16xi32>,
    %jit3A_3321 = arith.constant 1 : i32
    %jit3A_3322 = arith.constant 3 : i32
    %broadcast_in_dim3A_3323 = vector.broadcast %jit3A_3321 : i32 to vector<16xi32>
    %broadcast_in_dim3A_3324 = vector.broadcast %jit3A_3322 : i32 to vector<16xi32>
    %select_n3A_3325 = arith.select %lt3A_3273, %broadcast_in_dim3A_3323, %broadcast_in_dim3A_3324 : vector<16xi1>, vector<16xi32>
    %shift_left3A_3326 = arith.constant 3 : i32
    %shift_left3A_3327 = vector.broadcast %shift_left3A_3326 : i32 to vector<16xi32>
    %shift_left3A_3328 = arith.shli %select_n3A_3325, %shift_left3A_3327 : vector<16xi32>
    %add3A_3329 = arith.addi %add3A_3309, %shift_left3A_3328 : vector<16xi32>
    %swap3A_3330 = arith.constant 16 : index
    %swap3A_3331 = tpu.vector_load %arg27[%swap3A_3330] {strides = array<i32>} : memref<64xi32, #tpu.memory_space<vmem>>, vector<16xi32>,
    tpu.vector_store %arg27[%swap3A_3330], %add3A_3329 {strides = array<i32>} : memref<64xi32, #tpu.memory_space<vmem>>, vector<16xi32>,
    %jit3A_3332 = arith.constant 2 : i32
    %jit3A_3333 = arith.constant 0 : i32
    %broadcast_in_dim3A_3334 = vector.broadcast %jit3A_3332 : i32 to vector<16xi32>
    %broadcast_in_dim3A_3335 = vector.broadcast %jit3A_3333 : i32 to vector<16xi32>
    %select_n3A_3336 = arith.select %lt3A_3273, %broadcast_in_dim3A_3334, %broadcast_in_dim3A_3335 : vector<16xi1>, vector<16xi32>
    %shift_left3A_3337 = arith.constant 3 : i32
    %shift_left3A_3338 = vector.broadcast %shift_left3A_3337 : i32 to vector<16xi32>
    %shift_left3A_3339 = arith.shli %select_n3A_3336, %shift_left3A_3338 : vector<16xi32>
    %add3A_3340 = arith.addi %add3A_3309, %shift_left3A_3339 : vector<16xi32>
    %swap3A_3341 = arith.constant 16 : index
    %swap3A_3342 = tpu.vector_load %arg33[%swap3A_3341] {strides = array<i32>} : memref<64xi32, #tpu.memory_space<vmem>>, vector<16xi32>,
    tpu.vector_store %arg33[%swap3A_3341], %add3A_3340 {strides = array<i32>} : memref<64xi32, #tpu.memory_space<vmem>>, vector<16xi32>,
    %jit3A_3343 = arith.constant 3 : i32
    %jit3A_3344 = arith.constant 1 : i32
    %broadcast_in_dim3A_3345 = vector.broadcast %jit3A_3343 : i32 to vector<16xi32>
    %broadcast_in_dim3A_3346 = vector.broadcast %jit3A_3344 : i32 to vector<16xi32>
    %select_n3A_3347 = arith.select %lt3A_3273, %broadcast_in_dim3A_3345, %broadcast_in_dim3A_3346 : vector<16xi1>, vector<16xi32>
    %shift_left3A_3348 = arith.constant 3 : i32
    %shift_left3A_3349 = vector.broadcast %shift_left3A_3348 : i32 to vector<16xi32>
    %shift_left3A_3350 = arith.shli %select_n3A_3347, %shift_left3A_3349 : vector<16xi32>
    %add3A_3351 = arith.addi %add3A_3309, %shift_left3A_3350 : vector<16xi32>
    %swap3A_3352 = arith.constant 16 : index
    %swap3A_3353 = tpu.vector_load %arg39[%swap3A_3352] {strides = array<i32>} : memref<64xi32, #tpu.memory_space<vmem>>, vector<16xi32>,
    tpu.vector_store %arg39[%swap3A_3352], %add3A_3351 {strides = array<i32>} : memref<64xi32, #tpu.memory_space<vmem>>, vector<16xi32>,
    %iota3A_3354 = tpu.iota {dimensions = array<i32: 0>} : vector<16xi32>
    %add3A_3355 = arith.constant 32 : i32
    %add3A_3356 = vector.broadcast %add3A_3355 : i32 to vector<16xi32>
    %add3A_3357 = arith.addi %iota3A_3354, %add3A_3356 : vector<16xi32>
    %broadcast_in_dim3A_3358 = arith.constant 5 : i32
    %broadcast_in_dim3A_3359 = vector.broadcast %broadcast_in_dim3A_3358 : i32 to vector<16xi32>
    %gather3A_3360 = tpu.vector_load_idx %arg7[%add3A_3357, %broadcast_in_dim3A_3359] : memref<64x128xf32, #tpu.memory_space<vmem>>[vector<16xi32>, vector<16xi32>], vector<16xf32>,
    %gather3A_3361 = tpu.vector_load_idx %arg13[%add3A_3357, %broadcast_in_dim3A_3359] : memref<64x128xf32, #tpu.memory_space<vmem>>[vector<16xi32>, vector<16xi32>], vector<16xf32>,
    %sub3A_3362 = arith.subf %gather3A_3360, %gather3A_3361 : vector<16xf32>
    %add3A_3363 = arith.addf %gather3A_3360, %gather3A_3361 : vector<16xf32>
    %sub3A_3364 = arith.subf %add3A_3363, %sub3A_3362 : vector<16xf32>
    %max3A_3365 = arith.constant 9.99999997E-7 : f32
    %max3A_3366 = vector.broadcast %max3A_3365 : f32 to vector<16xf32>
    %max3A_3367 = arith.maximumf %sub3A_3364, %max3A_3366 : vector<16xf32>
    %sub3A_3368 = arith.constant 0.000000e+00 : f32
    %sub3A_3369 = vector.broadcast %sub3A_3368 : f32 to vector<16xf32>
    %sub3A_3370 = arith.subf %sub3A_3369, %sub3A_3362 : vector<16xf32>
    %div3A_3371 = arith.divf %sub3A_3370, %max3A_3367 : vector<16xf32>
    %le3A_3372 = arith.constant 0.000000e+00 : f32
    %le3A_3373 = vector.broadcast %le3A_3372 : f32 to vector<16xf32>
    %le3A_3374 = arith.cmpf ole, %add3A_3363, %le3A_3373 : vector<16xf32>
    %gt3A_3375 = arith.constant 0.000000e+00 : f32
    %gt3A_3376 = vector.broadcast %gt3A_3375 : f32 to vector<16xf32>
    %gt3A_3377 = arith.cmpf ogt, %sub3A_3362, %gt3A_3376 : vector<16xf32>
    %jit3A_3378 = arith.constant 0.000000e+00 : f32
    %broadcast_in_dim3A_3379 = vector.broadcast %jit3A_3378 : f32 to vector<16xf32>
    %select_n3A_3380 = arith.select %gt3A_3377, %broadcast_in_dim3A_3379, %div3A_3371 : vector<16xi1>, vector<16xf32>
    %jit3A_3381 = arith.constant 1.000000e+00 : f32
    %broadcast_in_dim3A_3382 = vector.broadcast %jit3A_3381 : f32 to vector<16xf32>
    %select_n3A_3383 = arith.select %le3A_3374, %broadcast_in_dim3A_3382, %select_n3A_3380 : vector<16xi1>, vector<16xf32>
    %jit3A_3384 = arith.constant 0.000000e+00 : f32
    %jit3A_3385 = arith.constant 1.000000e+00 : f32
    %max3A_3386 = vector.broadcast %jit3A_3384 : f32 to vector<16xf32>
    %max3A_3387 = arith.maximumf %max3A_3386, %select_n3A_3383 : vector<16xf32>
    %min3A_3388 = vector.broadcast %jit3A_3385 : f32 to vector<16xf32>
    %min3A_3389 = arith.minimumf %min3A_3388, %max3A_3387 : vector<16xf32>
    %get3A_3390 = arith.constant 416 : index
    %get3A_3391 = tpu.vector_load %arg20[%get3A_3390] {strides = array<i32>} : memref<512xf32, #tpu.memory_space<vmem>>, vector<16xf32>,
    %lt3A_3392 = arith.cmpf olt, %get3A_3391, %min3A_3389 : vector<16xf32>
    %min3A_3393 = arith.constant 0.000000e+00 : f32
    %min3A_3394 = vector.broadcast %min3A_3393 : f32 to vector<16xf32>
    %min3A_3395 = arith.minimumf %add3A_3363, %min3A_3394 : vector<16xf32>
    %max3A_3396 = arith.constant 0.000000e+00 : f32
    %max3A_3397 = vector.broadcast %max3A_3396 : f32 to vector<16xf32>
    %max3A_3398 = arith.maximumf %sub3A_3362, %max3A_3397 : vector<16xf32>
    %add3A_3399 = arith.addf %sub3A_3362, %min3A_3395 : vector<16xf32>
    %mul3A_3400 = arith.constant 5.000000e-01 : f32
    %mul3A_3401 = vector.broadcast %mul3A_3400 : f32 to vector<16xf32>
    %mul3A_3402 = arith.mulf %add3A_3399, %mul3A_3401 : vector<16xf32>
    %add3A_3403 = arith.addf %max3A_3398, %add3A_3363 : vector<16xf32>
    %mul3A_3404 = arith.constant 5.000000e-01 : f32
    %mul3A_3405 = vector.broadcast %mul3A_3404 : f32 to vector<16xf32>
    %mul3A_3406 = arith.mulf %add3A_3403, %mul3A_3405 : vector<16xf32>
    %select_n3A_3407 = arith.select %lt3A_3392, %mul3A_3402, %mul3A_3406 : vector<16xi1>, vector<16xf32>
    %sub3A_3408 = arith.subf %min3A_3395, %sub3A_3362 : vector<16xf32>
    %mul3A_3409 = arith.constant 5.000000e-01 : f32
    %mul3A_3410 = vector.broadcast %mul3A_3409 : f32 to vector<16xf32>
    %mul3A_3411 = arith.mulf %sub3A_3408, %mul3A_3410 : vector<16xf32>
    %sub3A_3412 = arith.subf %add3A_3363, %max3A_3398 : vector<16xf32>
    %mul3A_3413 = arith.constant 5.000000e-01 : f32
    %mul3A_3414 = vector.broadcast %mul3A_3413 : f32 to vector<16xf32>
    %mul3A_3415 = arith.mulf %sub3A_3412, %mul3A_3414 : vector<16xf32>
    %select_n3A_3416 = arith.select %lt3A_3392, %mul3A_3411, %mul3A_3415 : vector<16xi1>, vector<16xf32>
    tpu.vector_store_idx %arg7[%add3A_3357, %broadcast_in_dim3A_3359], %select_n3A_3407 : memref<64x128xf32, #tpu.memory_space<vmem>>[vector<16xi32>, vector<16xi32>], vector<16xf32>,
    tpu.vector_store_idx %arg13[%add3A_3357, %broadcast_in_dim3A_3359], %select_n3A_3416 : memref<64x128xf32, #tpu.memory_space<vmem>>[vector<16xi32>, vector<16xi32>], vector<16xf32>,
    %add3A_3417 = vector.broadcast %add3A_3115 : i32 to vector<16xi32>
    %add3A_3418 = arith.addi %add3A_3357, %add3A_3417 : vector<16xi32>
    %shift_right_arithmetic3A_3419 = arith.constant 3 : i32
    %shift_right_arithmetic3A_3420 = vector.broadcast %shift_right_arithmetic3A_3419 : i32 to vector<16xi32>
    %shift_right_arithmetic3A_3421 = arith.shrsi %add3A_3418, %shift_right_arithmetic3A_3420 : vector<16xi32>
    %shift_left3A_3422 = arith.constant 5 : i32
    %shift_left3A_3423 = vector.broadcast %shift_left3A_3422 : i32 to vector<16xi32>
    %shift_left3A_3424 = arith.shli %shift_right_arithmetic3A_3421, %shift_left3A_3423 : vector<16xi32>
    %and3A_3425 = arith.constant 7 : i32
    %and3A_3426 = vector.broadcast %and3A_3425 : i32 to vector<16xi32>
    %and3A_3427 = arith.andi %add3A_3418, %and3A_3426 : vector<16xi32>
    %add3A_3428 = arith.addi %shift_left3A_3424, %and3A_3427 : vector<16xi32>
    %jit3A_3429 = arith.constant 0 : i32
    %jit3A_3430 = arith.constant 2 : i32
    %broadcast_in_dim3A_3431 = vector.broadcast %jit3A_3429 : i32 to vector<16xi32>
    %broadcast_in_dim3A_3432 = vector.broadcast %jit3A_3430 : i32 to vector<16xi32>
    %select_n3A_3433 = arith.select %lt3A_3392, %broadcast_in_dim3A_3431, %broadcast_in_dim3A_3432 : vector<16xi1>, vector<16xi32>
    %shift_left3A_3434 = arith.constant 3 : i32
    %shift_left3A_3435 = vector.broadcast %shift_left3A_3434 : i32 to vector<16xi32>
    %shift_left3A_3436 = arith.shli %select_n3A_3433, %shift_left3A_3435 : vector<16xi32>
    %add3A_3437 = arith.addi %add3A_3428, %shift_left3A_3436 : vector<16xi32>
    %swap3A_3438 = arith.constant 32 : index
    %swap3A_3439 = tpu.vector_load %arg21[%swap3A_3438] {strides = array<i32>} : memref<64xi32, #tpu.memory_space<vmem>>, vector<16xi32>,
    tpu.vector_store %arg21[%swap3A_3438], %add3A_3437 {strides = array<i32>} : memref<64xi32, #tpu.memory_space<vmem>>, vector<16xi32>,
    %jit3A_3440 = arith.constant 1 : i32
    %jit3A_3441 = arith.constant 3 : i32
    %broadcast_in_dim3A_3442 = vector.broadcast %jit3A_3440 : i32 to vector<16xi32>
    %broadcast_in_dim3A_3443 = vector.broadcast %jit3A_3441 : i32 to vector<16xi32>
    %select_n3A_3444 = arith.select %lt3A_3392, %broadcast_in_dim3A_3442, %broadcast_in_dim3A_3443 : vector<16xi1>, vector<16xi32>
    %shift_left3A_3445 = arith.constant 3 : i32
    %shift_left3A_3446 = vector.broadcast %shift_left3A_3445 : i32 to vector<16xi32>
    %shift_left3A_3447 = arith.shli %select_n3A_3444, %shift_left3A_3446 : vector<16xi32>
    %add3A_3448 = arith.addi %add3A_3428, %shift_left3A_3447 : vector<16xi32>
    %swap3A_3449 = arith.constant 32 : index
    %swap3A_3450 = tpu.vector_load %arg27[%swap3A_3449] {strides = array<i32>} : memref<64xi32, #tpu.memory_space<vmem>>, vector<16xi32>,
    tpu.vector_store %arg27[%swap3A_3449], %add3A_3448 {strides = array<i32>} : memref<64xi32, #tpu.memory_space<vmem>>, vector<16xi32>,
    %jit3A_3451 = arith.constant 2 : i32
    %jit3A_3452 = arith.constant 0 : i32
    %broadcast_in_dim3A_3453 = vector.broadcast %jit3A_3451 : i32 to vector<16xi32>
    %broadcast_in_dim3A_3454 = vector.broadcast %jit3A_3452 : i32 to vector<16xi32>
    %select_n3A_3455 = arith.select %lt3A_3392, %broadcast_in_dim3A_3453, %broadcast_in_dim3A_3454 : vector<16xi1>, vector<16xi32>
    %shift_left3A_3456 = arith.constant 3 : i32
    %shift_left3A_3457 = vector.broadcast %shift_left3A_3456 : i32 to vector<16xi32>
    %shift_left3A_3458 = arith.shli %select_n3A_3455, %shift_left3A_3457 : vector<16xi32>
    %add3A_3459 = arith.addi %add3A_3428, %shift_left3A_3458 : vector<16xi32>
    %swap3A_3460 = arith.constant 32 : index
    %swap3A_3461 = tpu.vector_load %arg33[%swap3A_3460] {strides = array<i32>} : memref<64xi32, #tpu.memory_space<vmem>>, vector<16xi32>,
    tpu.vector_store %arg33[%swap3A_3460], %add3A_3459 {strides = array<i32>} : memref<64xi32, #tpu.memory_space<vmem>>, vector<16xi32>,
    %jit3A_3462 = arith.constant 3 : i32
    %jit3A_3463 = arith.constant 1 : i32
    %broadcast_in_dim3A_3464 = vector.broadcast %jit3A_3462 : i32 to vector<16xi32>
    %broadcast_in_dim3A_3465 = vector.broadcast %jit3A_3463 : i32 to vector<16xi32>
    %select_n3A_3466 = arith.select %lt3A_3392, %broadcast_in_dim3A_3464, %broadcast_in_dim3A_3465 : vector<16xi1>, vector<16xi32>
    %shift_left3A_3467 = arith.constant 3 : i32
    %shift_left3A_3468 = vector.broadcast %shift_left3A_3467 : i32 to vector<16xi32>
    %shift_left3A_3469 = arith.shli %select_n3A_3466, %shift_left3A_3468 : vector<16xi32>
    %add3A_3470 = arith.addi %add3A_3428, %shift_left3A_3469 : vector<16xi32>
    %swap3A_3471 = arith.constant 32 : index
    %swap3A_3472 = tpu.vector_load %arg39[%swap3A_3471] {strides = array<i32>} : memref<64xi32, #tpu.memory_space<vmem>>, vector<16xi32>,
    tpu.vector_store %arg39[%swap3A_3471], %add3A_3470 {strides = array<i32>} : memref<64xi32, #tpu.memory_space<vmem>>, vector<16xi32>,
    %iota3A_3473 = tpu.iota {dimensions = array<i32: 0>} : vector<16xi32>
    %add3A_3474 = arith.constant 48 : i32
    %add3A_3475 = vector.broadcast %add3A_3474 : i32 to vector<16xi32>
    %add3A_3476 = arith.addi %iota3A_3473, %add3A_3475 : vector<16xi32>
    %broadcast_in_dim3A_3477 = arith.constant 5 : i32
    %broadcast_in_dim3A_3478 = vector.broadcast %broadcast_in_dim3A_3477 : i32 to vector<16xi32>
    %gather3A_3479 = tpu.vector_load_idx %arg7[%add3A_3476, %broadcast_in_dim3A_3478] : memref<64x128xf32, #tpu.memory_space<vmem>>[vector<16xi32>, vector<16xi32>], vector<16xf32>,
    %gather3A_3480 = tpu.vector_load_idx %arg13[%add3A_3476, %broadcast_in_dim3A_3478] : memref<64x128xf32, #tpu.memory_space<vmem>>[vector<16xi32>, vector<16xi32>], vector<16xf32>,
    %sub3A_3481 = arith.subf %gather3A_3479, %gather3A_3480 : vector<16xf32>
    %add3A_3482 = arith.addf %gather3A_3479, %gather3A_3480 : vector<16xf32>
    %sub3A_3483 = arith.subf %add3A_3482, %sub3A_3481 : vector<16xf32>
    %max3A_3484 = arith.constant 9.99999997E-7 : f32
    %max3A_3485 = vector.broadcast %max3A_3484 : f32 to vector<16xf32>
    %max3A_3486 = arith.maximumf %sub3A_3483, %max3A_3485 : vector<16xf32>
    %sub3A_3487 = arith.constant 0.000000e+00 : f32
    %sub3A_3488 = vector.broadcast %sub3A_3487 : f32 to vector<16xf32>
    %sub3A_3489 = arith.subf %sub3A_3488, %sub3A_3481 : vector<16xf32>
    %div3A_3490 = arith.divf %sub3A_3489, %max3A_3486 : vector<16xf32>
    %le3A_3491 = arith.constant 0.000000e+00 : f32
    %le3A_3492 = vector.broadcast %le3A_3491 : f32 to vector<16xf32>
    %le3A_3493 = arith.cmpf ole, %add3A_3482, %le3A_3492 : vector<16xf32>
    %gt3A_3494 = arith.constant 0.000000e+00 : f32
    %gt3A_3495 = vector.broadcast %gt3A_3494 : f32 to vector<16xf32>
    %gt3A_3496 = arith.cmpf ogt, %sub3A_3481, %gt3A_3495 : vector<16xf32>
    %jit3A_3497 = arith.constant 0.000000e+00 : f32
    %broadcast_in_dim3A_3498 = vector.broadcast %jit3A_3497 : f32 to vector<16xf32>
    %select_n3A_3499 = arith.select %gt3A_3496, %broadcast_in_dim3A_3498, %div3A_3490 : vector<16xi1>, vector<16xf32>
    %jit3A_3500 = arith.constant 1.000000e+00 : f32
    %broadcast_in_dim3A_3501 = vector.broadcast %jit3A_3500 : f32 to vector<16xf32>
    %select_n3A_3502 = arith.select %le3A_3493, %broadcast_in_dim3A_3501, %select_n3A_3499 : vector<16xi1>, vector<16xf32>
    %jit3A_3503 = arith.constant 0.000000e+00 : f32
    %jit3A_3504 = arith.constant 1.000000e+00 : f32
    %max3A_3505 = vector.broadcast %jit3A_3503 : f32 to vector<16xf32>
    %max3A_3506 = arith.maximumf %max3A_3505, %select_n3A_3502 : vector<16xf32>
    %min3A_3507 = vector.broadcast %jit3A_3504 : f32 to vector<16xf32>
    %min3A_3508 = arith.minimumf %min3A_3507, %max3A_3506 : vector<16xf32>
    %get3A_3509 = arith.constant 432 : index
    %get3A_3510 = tpu.vector_load %arg20[%get3A_3509] {strides = array<i32>} : memref<512xf32, #tpu.memory_space<vmem>>, vector<16xf32>,
    %lt3A_3511 = arith.cmpf olt, %get3A_3510, %min3A_3508 : vector<16xf32>
    %min3A_3512 = arith.constant 0.000000e+00 : f32
    %min3A_3513 = vector.broadcast %min3A_3512 : f32 to vector<16xf32>
    %min3A_3514 = arith.minimumf %add3A_3482, %min3A_3513 : vector<16xf32>
    %max3A_3515 = arith.constant 0.000000e+00 : f32
    %max3A_3516 = vector.broadcast %max3A_3515 : f32 to vector<16xf32>
    %max3A_3517 = arith.maximumf %sub3A_3481, %max3A_3516 : vector<16xf32>
    %add3A_3518 = arith.addf %sub3A_3481, %min3A_3514 : vector<16xf32>
    %mul3A_3519 = arith.constant 5.000000e-01 : f32
    %mul3A_3520 = vector.broadcast %mul3A_3519 : f32 to vector<16xf32>
    %mul3A_3521 = arith.mulf %add3A_3518, %mul3A_3520 : vector<16xf32>
    %add3A_3522 = arith.addf %max3A_3517, %add3A_3482 : vector<16xf32>
    %mul3A_3523 = arith.constant 5.000000e-01 : f32
    %mul3A_3524 = vector.broadcast %mul3A_3523 : f32 to vector<16xf32>
    %mul3A_3525 = arith.mulf %add3A_3522, %mul3A_3524 : vector<16xf32>
    %select_n3A_3526 = arith.select %lt3A_3511, %mul3A_3521, %mul3A_3525 : vector<16xi1>, vector<16xf32>
    %sub3A_3527 = arith.subf %min3A_3514, %sub3A_3481 : vector<16xf32>
    %mul3A_3528 = arith.constant 5.000000e-01 : f32
    %mul3A_3529 = vector.broadcast %mul3A_3528 : f32 to vector<16xf32>
    %mul3A_3530 = arith.mulf %sub3A_3527, %mul3A_3529 : vector<16xf32>
    %sub3A_3531 = arith.subf %add3A_3482, %max3A_3517 : vector<16xf32>
    %mul3A_3532 = arith.constant 5.000000e-01 : f32
    %mul3A_3533 = vector.broadcast %mul3A_3532 : f32 to vector<16xf32>
    %mul3A_3534 = arith.mulf %sub3A_3531, %mul3A_3533 : vector<16xf32>
    %select_n3A_3535 = arith.select %lt3A_3511, %mul3A_3530, %mul3A_3534 : vector<16xi1>, vector<16xf32>
    tpu.vector_store_idx %arg7[%add3A_3476, %broadcast_in_dim3A_3478], %select_n3A_3526 : memref<64x128xf32, #tpu.memory_space<vmem>>[vector<16xi32>, vector<16xi32>], vector<16xf32>,
    tpu.vector_store_idx %arg13[%add3A_3476, %broadcast_in_dim3A_3478], %select_n3A_3535 : memref<64x128xf32, #tpu.memory_space<vmem>>[vector<16xi32>, vector<16xi32>], vector<16xf32>,
    %add3A_3536 = vector.broadcast %add3A_3115 : i32 to vector<16xi32>
    %add3A_3537 = arith.addi %add3A_3476, %add3A_3536 : vector<16xi32>
    %shift_right_arithmetic3A_3538 = arith.constant 3 : i32
    %shift_right_arithmetic3A_3539 = vector.broadcast %shift_right_arithmetic3A_3538 : i32 to vector<16xi32>
    %shift_right_arithmetic3A_3540 = arith.shrsi %add3A_3537, %shift_right_arithmetic3A_3539 : vector<16xi32>
    %shift_left3A_3541 = arith.constant 5 : i32
    %shift_left3A_3542 = vector.broadcast %shift_left3A_3541 : i32 to vector<16xi32>
    %shift_left3A_3543 = arith.shli %shift_right_arithmetic3A_3540, %shift_left3A_3542 : vector<16xi32>
    %and3A_3544 = arith.constant 7 : i32
    %and3A_3545 = vector.broadcast %and3A_3544 : i32 to vector<16xi32>
    %and3A_3546 = arith.andi %add3A_3537, %and3A_3545 : vector<16xi32>
    %add3A_3547 = arith.addi %shift_left3A_3543, %and3A_3546 : vector<16xi32>
    %jit3A_3548 = arith.constant 0 : i32
    %jit3A_3549 = arith.constant 2 : i32
    %broadcast_in_dim3A_3550 = vector.broadcast %jit3A_3548 : i32 to vector<16xi32>
    %broadcast_in_dim3A_3551 = vector.broadcast %jit3A_3549 : i32 to vector<16xi32>
    %select_n3A_3552 = arith.select %lt3A_3511, %broadcast_in_dim3A_3550, %broadcast_in_dim3A_3551 : vector<16xi1>, vector<16xi32>
    %shift_left3A_3553 = arith.constant 3 : i32
    %shift_left3A_3554 = vector.broadcast %shift_left3A_3553 : i32 to vector<16xi32>
    %shift_left3A_3555 = arith.shli %select_n3A_3552, %shift_left3A_3554 : vector<16xi32>
    %add3A_3556 = arith.addi %add3A_3547, %shift_left3A_3555 : vector<16xi32>
    %swap3A_3557 = arith.constant 48 : index
    %swap3A_3558 = tpu.vector_load %arg21[%swap3A_3557] {strides = array<i32>} : memref<64xi32, #tpu.memory_space<vmem>>, vector<16xi32>,
    tpu.vector_store %arg21[%swap3A_3557], %add3A_3556 {strides = array<i32>} : memref<64xi32, #tpu.memory_space<vmem>>, vector<16xi32>,
    %jit3A_3559 = arith.constant 1 : i32
    %jit3A_3560 = arith.constant 3 : i32
    %broadcast_in_dim3A_3561 = vector.broadcast %jit3A_3559 : i32 to vector<16xi32>
    %broadcast_in_dim3A_3562 = vector.broadcast %jit3A_3560 : i32 to vector<16xi32>
    %select_n3A_3563 = arith.select %lt3A_3511, %broadcast_in_dim3A_3561, %broadcast_in_dim3A_3562 : vector<16xi1>, vector<16xi32>
    %shift_left3A_3564 = arith.constant 3 : i32
    %shift_left3A_3565 = vector.broadcast %shift_left3A_3564 : i32 to vector<16xi32>
    %shift_left3A_3566 = arith.shli %select_n3A_3563, %shift_left3A_3565 : vector<16xi32>
    %add3A_3567 = arith.addi %add3A_3547, %shift_left3A_3566 : vector<16xi32>
    %swap3A_3568 = arith.constant 48 : index
    %swap3A_3569 = tpu.vector_load %arg27[%swap3A_3568] {strides = array<i32>} : memref<64xi32, #tpu.memory_space<vmem>>, vector<16xi32>,
    tpu.vector_store %arg27[%swap3A_3568], %add3A_3567 {strides = array<i32>} : memref<64xi32, #tpu.memory_space<vmem>>, vector<16xi32>,
    %jit3A_3570 = arith.constant 2 : i32
    %jit3A_3571 = arith.constant 0 : i32
    %broadcast_in_dim3A_3572 = vector.broadcast %jit3A_3570 : i32 to vector<16xi32>
    %broadcast_in_dim3A_3573 = vector.broadcast %jit3A_3571 : i32 to vector<16xi32>
    %select_n3A_3574 = arith.select %lt3A_3511, %broadcast_in_dim3A_3572, %broadcast_in_dim3A_3573 : vector<16xi1>, vector<16xi32>
    %shift_left3A_3575 = arith.constant 3 : i32
    %shift_left3A_3576 = vector.broadcast %shift_left3A_3575 : i32 to vector<16xi32>
    %shift_left3A_3577 = arith.shli %select_n3A_3574, %shift_left3A_3576 : vector<16xi32>
    %add3A_3578 = arith.addi %add3A_3547, %shift_left3A_3577 : vector<16xi32>
    %swap3A_3579 = arith.constant 48 : index
    %swap3A_3580 = tpu.vector_load %arg33[%swap3A_3579] {strides = array<i32>} : memref<64xi32, #tpu.memory_space<vmem>>, vector<16xi32>,
    tpu.vector_store %arg33[%swap3A_3579], %add3A_3578 {strides = array<i32>} : memref<64xi32, #tpu.memory_space<vmem>>, vector<16xi32>,
    %jit3A_3581 = arith.constant 3 : i32
    %jit3A_3582 = arith.constant 1 : i32
    %broadcast_in_dim3A_3583 = vector.broadcast %jit3A_3581 : i32 to vector<16xi32>
    %broadcast_in_dim3A_3584 = vector.broadcast %jit3A_3582 : i32 to vector<16xi32>
    %select_n3A_3585 = arith.select %lt3A_3511, %broadcast_in_dim3A_3583, %broadcast_in_dim3A_3584 : vector<16xi1>, vector<16xi32>
    %shift_left3A_3586 = arith.constant 3 : i32
    %shift_left3A_3587 = vector.broadcast %shift_left3A_3586 : i32 to vector<16xi32>
    %shift_left3A_3588 = arith.shli %select_n3A_3585, %shift_left3A_3587 : vector<16xi32>
    %add3A_3589 = arith.addi %add3A_3547, %shift_left3A_3588 : vector<16xi32>
    %swap3A_3590 = arith.constant 48 : index
    %swap3A_3591 = tpu.vector_load %arg39[%swap3A_3590] {strides = array<i32>} : memref<64xi32, #tpu.memory_space<vmem>>, vector<16xi32>,
    tpu.vector_store %arg39[%swap3A_3590], %add3A_3589 {strides = array<i32>} : memref<64xi32, #tpu.memory_space<vmem>>, vector<16xi32>,
    %dma_start3A_3592 = arith.constant 0 : i32
    %dma_start3A_3593 = arith.constant 0 : i32
    %dma_start3A_3594 = tpu.memref_slice %arg6[%dma_start3A_3592, %dma_start3A_3593] : memref<65536x128xf32, #tpu.memory_space<hbm>> -> memref<65536x128xf32, #tpu.memory_space<hbm>>
    tpu.enqueue_indirect_dma source(%arg7 : memref<64x128xf32, #tpu.memory_space<vmem>>) target(%dma_start3A_3594 : memref<65536x128xf32, #tpu.memory_space<hbm>>) offsets(%arg21 : memref<64xi32, #tpu.memory_space<vmem>>) semaphore(%arg51 : memref<!tpu.dma_semaphore, #tpu.memory_space<semaphore_mem>>)
    %dma_start3A_3595 = arith.constant 0 : i32
    %dma_start3A_3596 = arith.constant 0 : i32
    %dma_start3A_3597 = tpu.memref_slice %arg6[%dma_start3A_3595, %dma_start3A_3596] : memref<65536x128xf32, #tpu.memory_space<hbm>> -> memref<65536x128xf32, #tpu.memory_space<hbm>>
    tpu.enqueue_indirect_dma source(%arg13 : memref<64x128xf32, #tpu.memory_space<vmem>>) target(%dma_start3A_3597 : memref<65536x128xf32, #tpu.memory_space<hbm>>) offsets(%arg27 : memref<64xi32, #tpu.memory_space<vmem>>) semaphore(%arg51 : memref<!tpu.dma_semaphore, #tpu.memory_space<semaphore_mem>>)
    %dma_start3A_3598 = arith.constant 0 : i32
    %dma_start3A_3599 = arith.constant 0 : i32
    %dma_start3A_3600 = tpu.memref_slice %arg6[%dma_start3A_3598, %dma_start3A_3599] : memref<65536x128xf32, #tpu.memory_space<hbm>> -> memref<65536x128xf32, #tpu.memory_space<hbm>>
    tpu.enqueue_indirect_dma source(%arg19 : memref<64x128xf32, #tpu.memory_space<vmem>>) target(%dma_start3A_3600 : memref<65536x128xf32, #tpu.memory_space<hbm>>) offsets(%arg33 : memref<64xi32, #tpu.memory_space<vmem>>) semaphore(%arg51 : memref<!tpu.dma_semaphore, #tpu.memory_space<semaphore_mem>>)
    %dma_start3A_3601 = arith.constant 0 : i32
    %dma_start3A_3602 = arith.constant 0 : i32
    %dma_start3A_3603 = tpu.memref_slice %arg6[%dma_start3A_3601, %dma_start3A_3602] : memref<65536x128xf32, #tpu.memory_space<hbm>> -> memref<65536x128xf32, #tpu.memory_space<hbm>>
    tpu.enqueue_indirect_dma source(%arg19 : memref<64x128xf32, #tpu.memory_space<vmem>>) target(%dma_start3A_3603 : memref<65536x128xf32, #tpu.memory_space<hbm>>) offsets(%arg39 : memref<64xi32, #tpu.memory_space<vmem>>) semaphore(%arg51 : memref<!tpu.dma_semaphore, #tpu.memory_space<semaphore_mem>>)
    %dma_wait3A_3604 = arith.constant 0 : i32
    %dma_wait3A_3605 = tpu.memref_slice %arg2[%add3A_3095, %dma_wait3A_3604] : memref<16384x128xf32, #tpu.memory_space<hbm>> -> memref<64x128xf32, #tpu.memory_space<hbm>>
    %dma_wait3A_3606 = arith.constant 0 : i32
    %dma_wait3A_3607 = tpu.memref_slice %arg2[%add3A_3095, %dma_wait3A_3606] : memref<16384x128xf32, #tpu.memory_space<hbm>> -> memref<64x128xf32, #tpu.memory_space<hbm>>
    tpu.wait_dma2 semaphore(%arg46 : memref<!tpu.dma_semaphore, #tpu.memory_space<semaphore_mem>>) src(%dma_wait3A_3607 : memref<64x128xf32, #tpu.memory_space<hbm>>) dst(%arg8 : memref<64x128xf32, #tpu.memory_space<vmem>>)
    %dma_wait3A_3608 = arith.constant 0 : i32
    %dma_wait3A_3609 = tpu.memref_slice %arg3[%add3A_3095, %dma_wait3A_3608] : memref<16384x128xf32, #tpu.memory_space<hbm>> -> memref<64x128xf32, #tpu.memory_space<hbm>>
    %dma_wait3A_3610 = arith.constant 0 : i32
    %dma_wait3A_3611 = tpu.memref_slice %arg3[%add3A_3095, %dma_wait3A_3610] : memref<16384x128xf32, #tpu.memory_space<hbm>> -> memref<64x128xf32, #tpu.memory_space<hbm>>
    tpu.wait_dma2 semaphore(%arg46 : memref<!tpu.dma_semaphore, #tpu.memory_space<semaphore_mem>>) src(%dma_wait3A_3611 : memref<64x128xf32, #tpu.memory_space<hbm>>) dst(%arg14 : memref<64x128xf32, #tpu.memory_space<vmem>>)
    %mul3A_3612 = arith.constant 512 : i32
    %mul3A_3613 = arith.muli %add3A, %mul3A_3612 : i32
    %add3A_3614 = arith.constant 448 : i32
    %add3A_3615 = arith.addi %mul3A_3613, %add3A_3614 : i32
    %iota3A_3616 = tpu.iota {dimensions = array<i32: 0>} : vector<16xi32>
    %add3A_3617 = arith.constant 0 : i32
    %add3A_3618 = vector.broadcast %add3A_3617 : i32 to vector<16xi32>
    %add3A_3619 = arith.addi %iota3A_3616, %add3A_3618 : vector<16xi32>
    %broadcast_in_dim3A_3620 = arith.constant 5 : i32
    %broadcast_in_dim3A_3621 = vector.broadcast %broadcast_in_dim3A_3620 : i32 to vector<16xi32>
    %gather3A_3622 = tpu.vector_load_idx %arg8[%add3A_3619, %broadcast_in_dim3A_3621] : memref<64x128xf32, #tpu.memory_space<vmem>>[vector<16xi32>, vector<16xi32>], vector<16xf32>,
    %gather3A_3623 = tpu.vector_load_idx %arg14[%add3A_3619, %broadcast_in_dim3A_3621] : memref<64x128xf32, #tpu.memory_space<vmem>>[vector<16xi32>, vector<16xi32>], vector<16xf32>,
    %sub3A_3624 = arith.subf %gather3A_3622, %gather3A_3623 : vector<16xf32>
    %add3A_3625 = arith.addf %gather3A_3622, %gather3A_3623 : vector<16xf32>
    %sub3A_3626 = arith.subf %add3A_3625, %sub3A_3624 : vector<16xf32>
    %max3A_3627 = arith.constant 9.99999997E-7 : f32
    %max3A_3628 = vector.broadcast %max3A_3627 : f32 to vector<16xf32>
    %max3A_3629 = arith.maximumf %sub3A_3626, %max3A_3628 : vector<16xf32>
    %sub3A_3630 = arith.constant 0.000000e+00 : f32
    %sub3A_3631 = vector.broadcast %sub3A_3630 : f32 to vector<16xf32>
    %sub3A_3632 = arith.subf %sub3A_3631, %sub3A_3624 : vector<16xf32>
    %div3A_3633 = arith.divf %sub3A_3632, %max3A_3629 : vector<16xf32>
    %le3A_3634 = arith.constant 0.000000e+00 : f32
    %le3A_3635 = vector.broadcast %le3A_3634 : f32 to vector<16xf32>
    %le3A_3636 = arith.cmpf ole, %add3A_3625, %le3A_3635 : vector<16xf32>
    %gt3A_3637 = arith.constant 0.000000e+00 : f32
    %gt3A_3638 = vector.broadcast %gt3A_3637 : f32 to vector<16xf32>
    %gt3A_3639 = arith.cmpf ogt, %sub3A_3624, %gt3A_3638 : vector<16xf32>
    %jit3A_3640 = arith.constant 0.000000e+00 : f32
    %broadcast_in_dim3A_3641 = vector.broadcast %jit3A_3640 : f32 to vector<16xf32>
    %select_n3A_3642 = arith.select %gt3A_3639, %broadcast_in_dim3A_3641, %div3A_3633 : vector<16xi1>, vector<16xf32>
    %jit3A_3643 = arith.constant 1.000000e+00 : f32
    %broadcast_in_dim3A_3644 = vector.broadcast %jit3A_3643 : f32 to vector<16xf32>
    %select_n3A_3645 = arith.select %le3A_3636, %broadcast_in_dim3A_3644, %select_n3A_3642 : vector<16xi1>, vector<16xf32>
    %jit3A_3646 = arith.constant 0.000000e+00 : f32
    %jit3A_3647 = arith.constant 1.000000e+00 : f32
    %max3A_3648 = vector.broadcast %jit3A_3646 : f32 to vector<16xf32>
    %max3A_3649 = arith.maximumf %max3A_3648, %select_n3A_3645 : vector<16xf32>
    %min3A_3650 = vector.broadcast %jit3A_3647 : f32 to vector<16xf32>
    %min3A_3651 = arith.minimumf %min3A_3650, %max3A_3649 : vector<16xf32>
    %get3A_3652 = arith.constant 448 : index
    %get3A_3653 = tpu.vector_load %arg20[%get3A_3652] {strides = array<i32>} : memref<512xf32, #tpu.memory_space<vmem>>, vector<16xf32>,
    %lt3A_3654 = arith.cmpf olt, %get3A_3653, %min3A_3651 : vector<16xf32>
    %min3A_3655 = arith.constant 0.000000e+00 : f32
    %min3A_3656 = vector.broadcast %min3A_3655 : f32 to vector<16xf32>
    %min3A_3657 = arith.minimumf %add3A_3625, %min3A_3656 : vector<16xf32>
    %max3A_3658 = arith.constant 0.000000e+00 : f32
    %max3A_3659 = vector.broadcast %max3A_3658 : f32 to vector<16xf32>
    %max3A_3660 = arith.maximumf %sub3A_3624, %max3A_3659 : vector<16xf32>
    %add3A_3661 = arith.addf %sub3A_3624, %min3A_3657 : vector<16xf32>
    %mul3A_3662 = arith.constant 5.000000e-01 : f32
    %mul3A_3663 = vector.broadcast %mul3A_3662 : f32 to vector<16xf32>
    %mul3A_3664 = arith.mulf %add3A_3661, %mul3A_3663 : vector<16xf32>
    %add3A_3665 = arith.addf %max3A_3660, %add3A_3625 : vector<16xf32>
    %mul3A_3666 = arith.constant 5.000000e-01 : f32
    %mul3A_3667 = vector.broadcast %mul3A_3666 : f32 to vector<16xf32>
    %mul3A_3668 = arith.mulf %add3A_3665, %mul3A_3667 : vector<16xf32>
    %select_n3A_3669 = arith.select %lt3A_3654, %mul3A_3664, %mul3A_3668 : vector<16xi1>, vector<16xf32>
    %sub3A_3670 = arith.subf %min3A_3657, %sub3A_3624 : vector<16xf32>
    %mul3A_3671 = arith.constant 5.000000e-01 : f32
    %mul3A_3672 = vector.broadcast %mul3A_3671 : f32 to vector<16xf32>
    %mul3A_3673 = arith.mulf %sub3A_3670, %mul3A_3672 : vector<16xf32>
    %sub3A_3674 = arith.subf %add3A_3625, %max3A_3660 : vector<16xf32>
    %mul3A_3675 = arith.constant 5.000000e-01 : f32
    %mul3A_3676 = vector.broadcast %mul3A_3675 : f32 to vector<16xf32>
    %mul3A_3677 = arith.mulf %sub3A_3674, %mul3A_3676 : vector<16xf32>
    %select_n3A_3678 = arith.select %lt3A_3654, %mul3A_3673, %mul3A_3677 : vector<16xi1>, vector<16xf32>
    tpu.vector_store_idx %arg8[%add3A_3619, %broadcast_in_dim3A_3621], %select_n3A_3669 : memref<64x128xf32, #tpu.memory_space<vmem>>[vector<16xi32>, vector<16xi32>], vector<16xf32>,
    tpu.vector_store_idx %arg14[%add3A_3619, %broadcast_in_dim3A_3621], %select_n3A_3678 : memref<64x128xf32, #tpu.memory_space<vmem>>[vector<16xi32>, vector<16xi32>], vector<16xf32>,
    %add3A_3679 = vector.broadcast %add3A_3615 : i32 to vector<16xi32>
    %add3A_3680 = arith.addi %add3A_3619, %add3A_3679 : vector<16xi32>
    %shift_right_arithmetic3A_3681 = arith.constant 3 : i32
    %shift_right_arithmetic3A_3682 = vector.broadcast %shift_right_arithmetic3A_3681 : i32 to vector<16xi32>
    %shift_right_arithmetic3A_3683 = arith.shrsi %add3A_3680, %shift_right_arithmetic3A_3682 : vector<16xi32>
    %shift_left3A_3684 = arith.constant 5 : i32
    %shift_left3A_3685 = vector.broadcast %shift_left3A_3684 : i32 to vector<16xi32>
    %shift_left3A_3686 = arith.shli %shift_right_arithmetic3A_3683, %shift_left3A_3685 : vector<16xi32>
    %and3A_3687 = arith.constant 7 : i32
    %and3A_3688 = vector.broadcast %and3A_3687 : i32 to vector<16xi32>
    %and3A_3689 = arith.andi %add3A_3680, %and3A_3688 : vector<16xi32>
    %add3A_3690 = arith.addi %shift_left3A_3686, %and3A_3689 : vector<16xi32>
    %jit3A_3691 = arith.constant 0 : i32
    %jit3A_3692 = arith.constant 2 : i32
    %broadcast_in_dim3A_3693 = vector.broadcast %jit3A_3691 : i32 to vector<16xi32>
    %broadcast_in_dim3A_3694 = vector.broadcast %jit3A_3692 : i32 to vector<16xi32>
    %select_n3A_3695 = arith.select %lt3A_3654, %broadcast_in_dim3A_3693, %broadcast_in_dim3A_3694 : vector<16xi1>, vector<16xi32>
    %shift_left3A_3696 = arith.constant 3 : i32
    %shift_left3A_3697 = vector.broadcast %shift_left3A_3696 : i32 to vector<16xi32>
    %shift_left3A_3698 = arith.shli %select_n3A_3695, %shift_left3A_3697 : vector<16xi32>
    %add3A_3699 = arith.addi %add3A_3690, %shift_left3A_3698 : vector<16xi32>
    %swap3A_3700 = arith.constant 0 : index
    %swap3A_3701 = tpu.vector_load %arg22[%swap3A_3700] {strides = array<i32>} : memref<64xi32, #tpu.memory_space<vmem>>, vector<16xi32>,
    tpu.vector_store %arg22[%swap3A_3700], %add3A_3699 {strides = array<i32>} : memref<64xi32, #tpu.memory_space<vmem>>, vector<16xi32>,
    %jit3A_3702 = arith.constant 1 : i32
    %jit3A_3703 = arith.constant 3 : i32
    %broadcast_in_dim3A_3704 = vector.broadcast %jit3A_3702 : i32 to vector<16xi32>
    %broadcast_in_dim3A_3705 = vector.broadcast %jit3A_3703 : i32 to vector<16xi32>
    %select_n3A_3706 = arith.select %lt3A_3654, %broadcast_in_dim3A_3704, %broadcast_in_dim3A_3705 : vector<16xi1>, vector<16xi32>
    %shift_left3A_3707 = arith.constant 3 : i32
    %shift_left3A_3708 = vector.broadcast %shift_left3A_3707 : i32 to vector<16xi32>
    %shift_left3A_3709 = arith.shli %select_n3A_3706, %shift_left3A_3708 : vector<16xi32>
    %add3A_3710 = arith.addi %add3A_3690, %shift_left3A_3709 : vector<16xi32>
    %swap3A_3711 = arith.constant 0 : index
    %swap3A_3712 = tpu.vector_load %arg28[%swap3A_3711] {strides = array<i32>} : memref<64xi32, #tpu.memory_space<vmem>>, vector<16xi32>,
    tpu.vector_store %arg28[%swap3A_3711], %add3A_3710 {strides = array<i32>} : memref<64xi32, #tpu.memory_space<vmem>>, vector<16xi32>,
    %jit3A_3713 = arith.constant 2 : i32
    %jit3A_3714 = arith.constant 0 : i32
    %broadcast_in_dim3A_3715 = vector.broadcast %jit3A_3713 : i32 to vector<16xi32>
    %broadcast_in_dim3A_3716 = vector.broadcast %jit3A_3714 : i32 to vector<16xi32>
    %select_n3A_3717 = arith.select %lt3A_3654, %broadcast_in_dim3A_3715, %broadcast_in_dim3A_3716 : vector<16xi1>, vector<16xi32>
    %shift_left3A_3718 = arith.constant 3 : i32
    %shift_left3A_3719 = vector.broadcast %shift_left3A_3718 : i32 to vector<16xi32>
    %shift_left3A_3720 = arith.shli %select_n3A_3717, %shift_left3A_3719 : vector<16xi32>
    %add3A_3721 = arith.addi %add3A_3690, %shift_left3A_3720 : vector<16xi32>
    %swap3A_3722 = arith.constant 0 : index
    %swap3A_3723 = tpu.vector_load %arg34[%swap3A_3722] {strides = array<i32>} : memref<64xi32, #tpu.memory_space<vmem>>, vector<16xi32>,
    tpu.vector_store %arg34[%swap3A_3722], %add3A_3721 {strides = array<i32>} : memref<64xi32, #tpu.memory_space<vmem>>, vector<16xi32>,
    %jit3A_3724 = arith.constant 3 : i32
    %jit3A_3725 = arith.constant 1 : i32
    %broadcast_in_dim3A_3726 = vector.broadcast %jit3A_3724 : i32 to vector<16xi32>
    %broadcast_in_dim3A_3727 = vector.broadcast %jit3A_3725 : i32 to vector<16xi32>
    %select_n3A_3728 = arith.select %lt3A_3654, %broadcast_in_dim3A_3726, %broadcast_in_dim3A_3727 : vector<16xi1>, vector<16xi32>
    %shift_left3A_3729 = arith.constant 3 : i32
    %shift_left3A_3730 = vector.broadcast %shift_left3A_3729 : i32 to vector<16xi32>
    %shift_left3A_3731 = arith.shli %select_n3A_3728, %shift_left3A_3730 : vector<16xi32>
    %add3A_3732 = arith.addi %add3A_3690, %shift_left3A_3731 : vector<16xi32>
    %swap3A_3733 = arith.constant 0 : index
    %swap3A_3734 = tpu.vector_load %arg40[%swap3A_3733] {strides = array<i32>} : memref<64xi32, #tpu.memory_space<vmem>>, vector<16xi32>,
    tpu.vector_store %arg40[%swap3A_3733], %add3A_3732 {strides = array<i32>} : memref<64xi32, #tpu.memory_space<vmem>>, vector<16xi32>,
    %iota3A_3735 = tpu.iota {dimensions = array<i32: 0>} : vector<16xi32>
    %add3A_3736 = arith.constant 16 : i32
    %add3A_3737 = vector.broadcast %add3A_3736 : i32 to vector<16xi32>
    %add3A_3738 = arith.addi %iota3A_3735, %add3A_3737 : vector<16xi32>
    %broadcast_in_dim3A_3739 = arith.constant 5 : i32
    %broadcast_in_dim3A_3740 = vector.broadcast %broadcast_in_dim3A_3739 : i32 to vector<16xi32>
    %gather3A_3741 = tpu.vector_load_idx %arg8[%add3A_3738, %broadcast_in_dim3A_3740] : memref<64x128xf32, #tpu.memory_space<vmem>>[vector<16xi32>, vector<16xi32>], vector<16xf32>,
    %gather3A_3742 = tpu.vector_load_idx %arg14[%add3A_3738, %broadcast_in_dim3A_3740] : memref<64x128xf32, #tpu.memory_space<vmem>>[vector<16xi32>, vector<16xi32>], vector<16xf32>,
    %sub3A_3743 = arith.subf %gather3A_3741, %gather3A_3742 : vector<16xf32>
    %add3A_3744 = arith.addf %gather3A_3741, %gather3A_3742 : vector<16xf32>
    %sub3A_3745 = arith.subf %add3A_3744, %sub3A_3743 : vector<16xf32>
    %max3A_3746 = arith.constant 9.99999997E-7 : f32
    %max3A_3747 = vector.broadcast %max3A_3746 : f32 to vector<16xf32>
    %max3A_3748 = arith.maximumf %sub3A_3745, %max3A_3747 : vector<16xf32>
    %sub3A_3749 = arith.constant 0.000000e+00 : f32
    %sub3A_3750 = vector.broadcast %sub3A_3749 : f32 to vector<16xf32>
    %sub3A_3751 = arith.subf %sub3A_3750, %sub3A_3743 : vector<16xf32>
    %div3A_3752 = arith.divf %sub3A_3751, %max3A_3748 : vector<16xf32>
    %le3A_3753 = arith.constant 0.000000e+00 : f32
    %le3A_3754 = vector.broadcast %le3A_3753 : f32 to vector<16xf32>
    %le3A_3755 = arith.cmpf ole, %add3A_3744, %le3A_3754 : vector<16xf32>
    %gt3A_3756 = arith.constant 0.000000e+00 : f32
    %gt3A_3757 = vector.broadcast %gt3A_3756 : f32 to vector<16xf32>
    %gt3A_3758 = arith.cmpf ogt, %sub3A_3743, %gt3A_3757 : vector<16xf32>
    %jit3A_3759 = arith.constant 0.000000e+00 : f32
    %broadcast_in_dim3A_3760 = vector.broadcast %jit3A_3759 : f32 to vector<16xf32>
    %select_n3A_3761 = arith.select %gt3A_3758, %broadcast_in_dim3A_3760, %div3A_3752 : vector<16xi1>, vector<16xf32>
    %jit3A_3762 = arith.constant 1.000000e+00 : f32
    %broadcast_in_dim3A_3763 = vector.broadcast %jit3A_3762 : f32 to vector<16xf32>
    %select_n3A_3764 = arith.select %le3A_3755, %broadcast_in_dim3A_3763, %select_n3A_3761 : vector<16xi1>, vector<16xf32>
    %jit3A_3765 = arith.constant 0.000000e+00 : f32
    %jit3A_3766 = arith.constant 1.000000e+00 : f32
    %max3A_3767 = vector.broadcast %jit3A_3765 : f32 to vector<16xf32>
    %max3A_3768 = arith.maximumf %max3A_3767, %select_n3A_3764 : vector<16xf32>
    %min3A_3769 = vector.broadcast %jit3A_3766 : f32 to vector<16xf32>
    %min3A_3770 = arith.minimumf %min3A_3769, %max3A_3768 : vector<16xf32>
    %get3A_3771 = arith.constant 464 : index
    %get3A_3772 = tpu.vector_load %arg20[%get3A_3771] {strides = array<i32>} : memref<512xf32, #tpu.memory_space<vmem>>, vector<16xf32>,
    %lt3A_3773 = arith.cmpf olt, %get3A_3772, %min3A_3770 : vector<16xf32>
    %min3A_3774 = arith.constant 0.000000e+00 : f32
    %min3A_3775 = vector.broadcast %min3A_3774 : f32 to vector<16xf32>
    %min3A_3776 = arith.minimumf %add3A_3744, %min3A_3775 : vector<16xf32>
    %max3A_3777 = arith.constant 0.000000e+00 : f32
    %max3A_3778 = vector.broadcast %max3A_3777 : f32 to vector<16xf32>
    %max3A_3779 = arith.maximumf %sub3A_3743, %max3A_3778 : vector<16xf32>
    %add3A_3780 = arith.addf %sub3A_3743, %min3A_3776 : vector<16xf32>
    %mul3A_3781 = arith.constant 5.000000e-01 : f32
    %mul3A_3782 = vector.broadcast %mul3A_3781 : f32 to vector<16xf32>
    %mul3A_3783 = arith.mulf %add3A_3780, %mul3A_3782 : vector<16xf32>
    %add3A_3784 = arith.addf %max3A_3779, %add3A_3744 : vector<16xf32>
    %mul3A_3785 = arith.constant 5.000000e-01 : f32
    %mul3A_3786 = vector.broadcast %mul3A_3785 : f32 to vector<16xf32>
    %mul3A_3787 = arith.mulf %add3A_3784, %mul3A_3786 : vector<16xf32>
    %select_n3A_3788 = arith.select %lt3A_3773, %mul3A_3783, %mul3A_3787 : vector<16xi1>, vector<16xf32>
    %sub3A_3789 = arith.subf %min3A_3776, %sub3A_3743 : vector<16xf32>
    %mul3A_3790 = arith.constant 5.000000e-01 : f32
    %mul3A_3791 = vector.broadcast %mul3A_3790 : f32 to vector<16xf32>
    %mul3A_3792 = arith.mulf %sub3A_3789, %mul3A_3791 : vector<16xf32>
    %sub3A_3793 = arith.subf %add3A_3744, %max3A_3779 : vector<16xf32>
    %mul3A_3794 = arith.constant 5.000000e-01 : f32
    %mul3A_3795 = vector.broadcast %mul3A_3794 : f32 to vector<16xf32>
    %mul3A_3796 = arith.mulf %sub3A_3793, %mul3A_3795 : vector<16xf32>
    %select_n3A_3797 = arith.select %lt3A_3773, %mul3A_3792, %mul3A_3796 : vector<16xi1>, vector<16xf32>
    tpu.vector_store_idx %arg8[%add3A_3738, %broadcast_in_dim3A_3740], %select_n3A_3788 : memref<64x128xf32, #tpu.memory_space<vmem>>[vector<16xi32>, vector<16xi32>], vector<16xf32>,
    tpu.vector_store_idx %arg14[%add3A_3738, %broadcast_in_dim3A_3740], %select_n3A_3797 : memref<64x128xf32, #tpu.memory_space<vmem>>[vector<16xi32>, vector<16xi32>], vector<16xf32>,
    %add3A_3798 = vector.broadcast %add3A_3615 : i32 to vector<16xi32>
    %add3A_3799 = arith.addi %add3A_3738, %add3A_3798 : vector<16xi32>
    %shift_right_arithmetic3A_3800 = arith.constant 3 : i32
    %shift_right_arithmetic3A_3801 = vector.broadcast %shift_right_arithmetic3A_3800 : i32 to vector<16xi32>
    %shift_right_arithmetic3A_3802 = arith.shrsi %add3A_3799, %shift_right_arithmetic3A_3801 : vector<16xi32>
    %shift_left3A_3803 = arith.constant 5 : i32
    %shift_left3A_3804 = vector.broadcast %shift_left3A_3803 : i32 to vector<16xi32>
    %shift_left3A_3805 = arith.shli %shift_right_arithmetic3A_3802, %shift_left3A_3804 : vector<16xi32>
    %and3A_3806 = arith.constant 7 : i32
    %and3A_3807 = vector.broadcast %and3A_3806 : i32 to vector<16xi32>
    %and3A_3808 = arith.andi %add3A_3799, %and3A_3807 : vector<16xi32>
    %add3A_3809 = arith.addi %shift_left3A_3805, %and3A_3808 : vector<16xi32>
    %jit3A_3810 = arith.constant 0 : i32
    %jit3A_3811 = arith.constant 2 : i32
    %broadcast_in_dim3A_3812 = vector.broadcast %jit3A_3810 : i32 to vector<16xi32>
    %broadcast_in_dim3A_3813 = vector.broadcast %jit3A_3811 : i32 to vector<16xi32>
    %select_n3A_3814 = arith.select %lt3A_3773, %broadcast_in_dim3A_3812, %broadcast_in_dim3A_3813 : vector<16xi1>, vector<16xi32>
    %shift_left3A_3815 = arith.constant 3 : i32
    %shift_left3A_3816 = vector.broadcast %shift_left3A_3815 : i32 to vector<16xi32>
    %shift_left3A_3817 = arith.shli %select_n3A_3814, %shift_left3A_3816 : vector<16xi32>
    %add3A_3818 = arith.addi %add3A_3809, %shift_left3A_3817 : vector<16xi32>
    %swap3A_3819 = arith.constant 16 : index
    %swap3A_3820 = tpu.vector_load %arg22[%swap3A_3819] {strides = array<i32>} : memref<64xi32, #tpu.memory_space<vmem>>, vector<16xi32>,
    tpu.vector_store %arg22[%swap3A_3819], %add3A_3818 {strides = array<i32>} : memref<64xi32, #tpu.memory_space<vmem>>, vector<16xi32>,
    %jit3A_3821 = arith.constant 1 : i32
    %jit3A_3822 = arith.constant 3 : i32
    %broadcast_in_dim3A_3823 = vector.broadcast %jit3A_3821 : i32 to vector<16xi32>
    %broadcast_in_dim3A_3824 = vector.broadcast %jit3A_3822 : i32 to vector<16xi32>
    %select_n3A_3825 = arith.select %lt3A_3773, %broadcast_in_dim3A_3823, %broadcast_in_dim3A_3824 : vector<16xi1>, vector<16xi32>
    %shift_left3A_3826 = arith.constant 3 : i32
    %shift_left3A_3827 = vector.broadcast %shift_left3A_3826 : i32 to vector<16xi32>
    %shift_left3A_3828 = arith.shli %select_n3A_3825, %shift_left3A_3827 : vector<16xi32>
    %add3A_3829 = arith.addi %add3A_3809, %shift_left3A_3828 : vector<16xi32>
    %swap3A_3830 = arith.constant 16 : index
    %swap3A_3831 = tpu.vector_load %arg28[%swap3A_3830] {strides = array<i32>} : memref<64xi32, #tpu.memory_space<vmem>>, vector<16xi32>,
    tpu.vector_store %arg28[%swap3A_3830], %add3A_3829 {strides = array<i32>} : memref<64xi32, #tpu.memory_space<vmem>>, vector<16xi32>,
    %jit3A_3832 = arith.constant 2 : i32
    %jit3A_3833 = arith.constant 0 : i32
    %broadcast_in_dim3A_3834 = vector.broadcast %jit3A_3832 : i32 to vector<16xi32>
    %broadcast_in_dim3A_3835 = vector.broadcast %jit3A_3833 : i32 to vector<16xi32>
    %select_n3A_3836 = arith.select %lt3A_3773, %broadcast_in_dim3A_3834, %broadcast_in_dim3A_3835 : vector<16xi1>, vector<16xi32>
    %shift_left3A_3837 = arith.constant 3 : i32
    %shift_left3A_3838 = vector.broadcast %shift_left3A_3837 : i32 to vector<16xi32>
    %shift_left3A_3839 = arith.shli %select_n3A_3836, %shift_left3A_3838 : vector<16xi32>
    %add3A_3840 = arith.addi %add3A_3809, %shift_left3A_3839 : vector<16xi32>
    %swap3A_3841 = arith.constant 16 : index
    %swap3A_3842 = tpu.vector_load %arg34[%swap3A_3841] {strides = array<i32>} : memref<64xi32, #tpu.memory_space<vmem>>, vector<16xi32>,
    tpu.vector_store %arg34[%swap3A_3841], %add3A_3840 {strides = array<i32>} : memref<64xi32, #tpu.memory_space<vmem>>, vector<16xi32>,
    %jit3A_3843 = arith.constant 3 : i32
    %jit3A_3844 = arith.constant 1 : i32
    %broadcast_in_dim3A_3845 = vector.broadcast %jit3A_3843 : i32 to vector<16xi32>
    %broadcast_in_dim3A_3846 = vector.broadcast %jit3A_3844 : i32 to vector<16xi32>
    %select_n3A_3847 = arith.select %lt3A_3773, %broadcast_in_dim3A_3845, %broadcast_in_dim3A_3846 : vector<16xi1>, vector<16xi32>
    %shift_left3A_3848 = arith.constant 3 : i32
    %shift_left3A_3849 = vector.broadcast %shift_left3A_3848 : i32 to vector<16xi32>
    %shift_left3A_3850 = arith.shli %select_n3A_3847, %shift_left3A_3849 : vector<16xi32>
    %add3A_3851 = arith.addi %add3A_3809, %shift_left3A_3850 : vector<16xi32>
    %swap3A_3852 = arith.constant 16 : index
    %swap3A_3853 = tpu.vector_load %arg40[%swap3A_3852] {strides = array<i32>} : memref<64xi32, #tpu.memory_space<vmem>>, vector<16xi32>,
    tpu.vector_store %arg40[%swap3A_3852], %add3A_3851 {strides = array<i32>} : memref<64xi32, #tpu.memory_space<vmem>>, vector<16xi32>,
    %iota3A_3854 = tpu.iota {dimensions = array<i32: 0>} : vector<16xi32>
    %add3A_3855 = arith.constant 32 : i32
    %add3A_3856 = vector.broadcast %add3A_3855 : i32 to vector<16xi32>
    %add3A_3857 = arith.addi %iota3A_3854, %add3A_3856 : vector<16xi32>
    %broadcast_in_dim3A_3858 = arith.constant 5 : i32
    %broadcast_in_dim3A_3859 = vector.broadcast %broadcast_in_dim3A_3858 : i32 to vector<16xi32>
    %gather3A_3860 = tpu.vector_load_idx %arg8[%add3A_3857, %broadcast_in_dim3A_3859] : memref<64x128xf32, #tpu.memory_space<vmem>>[vector<16xi32>, vector<16xi32>], vector<16xf32>,
    %gather3A_3861 = tpu.vector_load_idx %arg14[%add3A_3857, %broadcast_in_dim3A_3859] : memref<64x128xf32, #tpu.memory_space<vmem>>[vector<16xi32>, vector<16xi32>], vector<16xf32>,
    %sub3A_3862 = arith.subf %gather3A_3860, %gather3A_3861 : vector<16xf32>
    %add3A_3863 = arith.addf %gather3A_3860, %gather3A_3861 : vector<16xf32>
    %sub3A_3864 = arith.subf %add3A_3863, %sub3A_3862 : vector<16xf32>
    %max3A_3865 = arith.constant 9.99999997E-7 : f32
    %max3A_3866 = vector.broadcast %max3A_3865 : f32 to vector<16xf32>
    %max3A_3867 = arith.maximumf %sub3A_3864, %max3A_3866 : vector<16xf32>
    %sub3A_3868 = arith.constant 0.000000e+00 : f32
    %sub3A_3869 = vector.broadcast %sub3A_3868 : f32 to vector<16xf32>
    %sub3A_3870 = arith.subf %sub3A_3869, %sub3A_3862 : vector<16xf32>
    %div3A_3871 = arith.divf %sub3A_3870, %max3A_3867 : vector<16xf32>
    %le3A_3872 = arith.constant 0.000000e+00 : f32
    %le3A_3873 = vector.broadcast %le3A_3872 : f32 to vector<16xf32>
    %le3A_3874 = arith.cmpf ole, %add3A_3863, %le3A_3873 : vector<16xf32>
    %gt3A_3875 = arith.constant 0.000000e+00 : f32
    %gt3A_3876 = vector.broadcast %gt3A_3875 : f32 to vector<16xf32>
    %gt3A_3877 = arith.cmpf ogt, %sub3A_3862, %gt3A_3876 : vector<16xf32>
    %jit3A_3878 = arith.constant 0.000000e+00 : f32
    %broadcast_in_dim3A_3879 = vector.broadcast %jit3A_3878 : f32 to vector<16xf32>
    %select_n3A_3880 = arith.select %gt3A_3877, %broadcast_in_dim3A_3879, %div3A_3871 : vector<16xi1>, vector<16xf32>
    %jit3A_3881 = arith.constant 1.000000e+00 : f32
    %broadcast_in_dim3A_3882 = vector.broadcast %jit3A_3881 : f32 to vector<16xf32>
    %select_n3A_3883 = arith.select %le3A_3874, %broadcast_in_dim3A_3882, %select_n3A_3880 : vector<16xi1>, vector<16xf32>
    %jit3A_3884 = arith.constant 0.000000e+00 : f32
    %jit3A_3885 = arith.constant 1.000000e+00 : f32
    %max3A_3886 = vector.broadcast %jit3A_3884 : f32 to vector<16xf32>
    %max3A_3887 = arith.maximumf %max3A_3886, %select_n3A_3883 : vector<16xf32>
    %min3A_3888 = vector.broadcast %jit3A_3885 : f32 to vector<16xf32>
    %min3A_3889 = arith.minimumf %min3A_3888, %max3A_3887 : vector<16xf32>
    %get3A_3890 = arith.constant 480 : index
    %get3A_3891 = tpu.vector_load %arg20[%get3A_3890] {strides = array<i32>} : memref<512xf32, #tpu.memory_space<vmem>>, vector<16xf32>,
    %lt3A_3892 = arith.cmpf olt, %get3A_3891, %min3A_3889 : vector<16xf32>
    %min3A_3893 = arith.constant 0.000000e+00 : f32
    %min3A_3894 = vector.broadcast %min3A_3893 : f32 to vector<16xf32>
    %min3A_3895 = arith.minimumf %add3A_3863, %min3A_3894 : vector<16xf32>
    %max3A_3896 = arith.constant 0.000000e+00 : f32
    %max3A_3897 = vector.broadcast %max3A_3896 : f32 to vector<16xf32>
    %max3A_3898 = arith.maximumf %sub3A_3862, %max3A_3897 : vector<16xf32>
    %add3A_3899 = arith.addf %sub3A_3862, %min3A_3895 : vector<16xf32>
    %mul3A_3900 = arith.constant 5.000000e-01 : f32
    %mul3A_3901 = vector.broadcast %mul3A_3900 : f32 to vector<16xf32>
    %mul3A_3902 = arith.mulf %add3A_3899, %mul3A_3901 : vector<16xf32>
    %add3A_3903 = arith.addf %max3A_3898, %add3A_3863 : vector<16xf32>
    %mul3A_3904 = arith.constant 5.000000e-01 : f32
    %mul3A_3905 = vector.broadcast %mul3A_3904 : f32 to vector<16xf32>
    %mul3A_3906 = arith.mulf %add3A_3903, %mul3A_3905 : vector<16xf32>
    %select_n3A_3907 = arith.select %lt3A_3892, %mul3A_3902, %mul3A_3906 : vector<16xi1>, vector<16xf32>
    %sub3A_3908 = arith.subf %min3A_3895, %sub3A_3862 : vector<16xf32>
    %mul3A_3909 = arith.constant 5.000000e-01 : f32
    %mul3A_3910 = vector.broadcast %mul3A_3909 : f32 to vector<16xf32>
    %mul3A_3911 = arith.mulf %sub3A_3908, %mul3A_3910 : vector<16xf32>
    %sub3A_3912 = arith.subf %add3A_3863, %max3A_3898 : vector<16xf32>
    %mul3A_3913 = arith.constant 5.000000e-01 : f32
    %mul3A_3914 = vector.broadcast %mul3A_3913 : f32 to vector<16xf32>
    %mul3A_3915 = arith.mulf %sub3A_3912, %mul3A_3914 : vector<16xf32>
    %select_n3A_3916 = arith.select %lt3A_3892, %mul3A_3911, %mul3A_3915 : vector<16xi1>, vector<16xf32>
    tpu.vector_store_idx %arg8[%add3A_3857, %broadcast_in_dim3A_3859], %select_n3A_3907 : memref<64x128xf32, #tpu.memory_space<vmem>>[vector<16xi32>, vector<16xi32>], vector<16xf32>,
    tpu.vector_store_idx %arg14[%add3A_3857, %broadcast_in_dim3A_3859], %select_n3A_3916 : memref<64x128xf32, #tpu.memory_space<vmem>>[vector<16xi32>, vector<16xi32>], vector<16xf32>,
    %add3A_3917 = vector.broadcast %add3A_3615 : i32 to vector<16xi32>
    %add3A_3918 = arith.addi %add3A_3857, %add3A_3917 : vector<16xi32>
    %shift_right_arithmetic3A_3919 = arith.constant 3 : i32
    %shift_right_arithmetic3A_3920 = vector.broadcast %shift_right_arithmetic3A_3919 : i32 to vector<16xi32>
    %shift_right_arithmetic3A_3921 = arith.shrsi %add3A_3918, %shift_right_arithmetic3A_3920 : vector<16xi32>
    %shift_left3A_3922 = arith.constant 5 : i32
    %shift_left3A_3923 = vector.broadcast %shift_left3A_3922 : i32 to vector<16xi32>
    %shift_left3A_3924 = arith.shli %shift_right_arithmetic3A_3921, %shift_left3A_3923 : vector<16xi32>
    %and3A_3925 = arith.constant 7 : i32
    %and3A_3926 = vector.broadcast %and3A_3925 : i32 to vector<16xi32>
    %and3A_3927 = arith.andi %add3A_3918, %and3A_3926 : vector<16xi32>
    %add3A_3928 = arith.addi %shift_left3A_3924, %and3A_3927 : vector<16xi32>
    %jit3A_3929 = arith.constant 0 : i32
    %jit3A_3930 = arith.constant 2 : i32
    %broadcast_in_dim3A_3931 = vector.broadcast %jit3A_3929 : i32 to vector<16xi32>
    %broadcast_in_dim3A_3932 = vector.broadcast %jit3A_3930 : i32 to vector<16xi32>
    %select_n3A_3933 = arith.select %lt3A_3892, %broadcast_in_dim3A_3931, %broadcast_in_dim3A_3932 : vector<16xi1>, vector<16xi32>
    %shift_left3A_3934 = arith.constant 3 : i32
    %shift_left3A_3935 = vector.broadcast %shift_left3A_3934 : i32 to vector<16xi32>
    %shift_left3A_3936 = arith.shli %select_n3A_3933, %shift_left3A_3935 : vector<16xi32>
    %add3A_3937 = arith.addi %add3A_3928, %shift_left3A_3936 : vector<16xi32>
    %swap3A_3938 = arith.constant 32 : index
    %swap3A_3939 = tpu.vector_load %arg22[%swap3A_3938] {strides = array<i32>} : memref<64xi32, #tpu.memory_space<vmem>>, vector<16xi32>,
    tpu.vector_store %arg22[%swap3A_3938], %add3A_3937 {strides = array<i32>} : memref<64xi32, #tpu.memory_space<vmem>>, vector<16xi32>,
    %jit3A_3940 = arith.constant 1 : i32
    %jit3A_3941 = arith.constant 3 : i32
    %broadcast_in_dim3A_3942 = vector.broadcast %jit3A_3940 : i32 to vector<16xi32>
    %broadcast_in_dim3A_3943 = vector.broadcast %jit3A_3941 : i32 to vector<16xi32>
    %select_n3A_3944 = arith.select %lt3A_3892, %broadcast_in_dim3A_3942, %broadcast_in_dim3A_3943 : vector<16xi1>, vector<16xi32>
    %shift_left3A_3945 = arith.constant 3 : i32
    %shift_left3A_3946 = vector.broadcast %shift_left3A_3945 : i32 to vector<16xi32>
    %shift_left3A_3947 = arith.shli %select_n3A_3944, %shift_left3A_3946 : vector<16xi32>
    %add3A_3948 = arith.addi %add3A_3928, %shift_left3A_3947 : vector<16xi32>
    %swap3A_3949 = arith.constant 32 : index
    %swap3A_3950 = tpu.vector_load %arg28[%swap3A_3949] {strides = array<i32>} : memref<64xi32, #tpu.memory_space<vmem>>, vector<16xi32>,
    tpu.vector_store %arg28[%swap3A_3949], %add3A_3948 {strides = array<i32>} : memref<64xi32, #tpu.memory_space<vmem>>, vector<16xi32>,
    %jit3A_3951 = arith.constant 2 : i32
    %jit3A_3952 = arith.constant 0 : i32
    %broadcast_in_dim3A_3953 = vector.broadcast %jit3A_3951 : i32 to vector<16xi32>
    %broadcast_in_dim3A_3954 = vector.broadcast %jit3A_3952 : i32 to vector<16xi32>
    %select_n3A_3955 = arith.select %lt3A_3892, %broadcast_in_dim3A_3953, %broadcast_in_dim3A_3954 : vector<16xi1>, vector<16xi32>
    %shift_left3A_3956 = arith.constant 3 : i32
    %shift_left3A_3957 = vector.broadcast %shift_left3A_3956 : i32 to vector<16xi32>
    %shift_left3A_3958 = arith.shli %select_n3A_3955, %shift_left3A_3957 : vector<16xi32>
    %add3A_3959 = arith.addi %add3A_3928, %shift_left3A_3958 : vector<16xi32>
    %swap3A_3960 = arith.constant 32 : index
    %swap3A_3961 = tpu.vector_load %arg34[%swap3A_3960] {strides = array<i32>} : memref<64xi32, #tpu.memory_space<vmem>>, vector<16xi32>,
    tpu.vector_store %arg34[%swap3A_3960], %add3A_3959 {strides = array<i32>} : memref<64xi32, #tpu.memory_space<vmem>>, vector<16xi32>,
    %jit3A_3962 = arith.constant 3 : i32
    %jit3A_3963 = arith.constant 1 : i32
    %broadcast_in_dim3A_3964 = vector.broadcast %jit3A_3962 : i32 to vector<16xi32>
    %broadcast_in_dim3A_3965 = vector.broadcast %jit3A_3963 : i32 to vector<16xi32>
    %select_n3A_3966 = arith.select %lt3A_3892, %broadcast_in_dim3A_3964, %broadcast_in_dim3A_3965 : vector<16xi1>, vector<16xi32>
    %shift_left3A_3967 = arith.constant 3 : i32
    %shift_left3A_3968 = vector.broadcast %shift_left3A_3967 : i32 to vector<16xi32>
    %shift_left3A_3969 = arith.shli %select_n3A_3966, %shift_left3A_3968 : vector<16xi32>
    %add3A_3970 = arith.addi %add3A_3928, %shift_left3A_3969 : vector<16xi32>
    %swap3A_3971 = arith.constant 32 : index
    %swap3A_3972 = tpu.vector_load %arg40[%swap3A_3971] {strides = array<i32>} : memref<64xi32, #tpu.memory_space<vmem>>, vector<16xi32>,
    tpu.vector_store %arg40[%swap3A_3971], %add3A_3970 {strides = array<i32>} : memref<64xi32, #tpu.memory_space<vmem>>, vector<16xi32>,
    %iota3A_3973 = tpu.iota {dimensions = array<i32: 0>} : vector<16xi32>
    %add3A_3974 = arith.constant 48 : i32
    %add3A_3975 = vector.broadcast %add3A_3974 : i32 to vector<16xi32>
    %add3A_3976 = arith.addi %iota3A_3973, %add3A_3975 : vector<16xi32>
    %broadcast_in_dim3A_3977 = arith.constant 5 : i32
    %broadcast_in_dim3A_3978 = vector.broadcast %broadcast_in_dim3A_3977 : i32 to vector<16xi32>
    %gather3A_3979 = tpu.vector_load_idx %arg8[%add3A_3976, %broadcast_in_dim3A_3978] : memref<64x128xf32, #tpu.memory_space<vmem>>[vector<16xi32>, vector<16xi32>], vector<16xf32>,
    %gather3A_3980 = tpu.vector_load_idx %arg14[%add3A_3976, %broadcast_in_dim3A_3978] : memref<64x128xf32, #tpu.memory_space<vmem>>[vector<16xi32>, vector<16xi32>], vector<16xf32>,
    %sub3A_3981 = arith.subf %gather3A_3979, %gather3A_3980 : vector<16xf32>
    %add3A_3982 = arith.addf %gather3A_3979, %gather3A_3980 : vector<16xf32>
    %sub3A_3983 = arith.subf %add3A_3982, %sub3A_3981 : vector<16xf32>
    %max3A_3984 = arith.constant 9.99999997E-7 : f32
    %max3A_3985 = vector.broadcast %max3A_3984 : f32 to vector<16xf32>
    %max3A_3986 = arith.maximumf %sub3A_3983, %max3A_3985 : vector<16xf32>
    %sub3A_3987 = arith.constant 0.000000e+00 : f32
    %sub3A_3988 = vector.broadcast %sub3A_3987 : f32 to vector<16xf32>
    %sub3A_3989 = arith.subf %sub3A_3988, %sub3A_3981 : vector<16xf32>
    %div3A_3990 = arith.divf %sub3A_3989, %max3A_3986 : vector<16xf32>
    %le3A_3991 = arith.constant 0.000000e+00 : f32
    %le3A_3992 = vector.broadcast %le3A_3991 : f32 to vector<16xf32>
    %le3A_3993 = arith.cmpf ole, %add3A_3982, %le3A_3992 : vector<16xf32>
    %gt3A_3994 = arith.constant 0.000000e+00 : f32
    %gt3A_3995 = vector.broadcast %gt3A_3994 : f32 to vector<16xf32>
    %gt3A_3996 = arith.cmpf ogt, %sub3A_3981, %gt3A_3995 : vector<16xf32>
    %jit3A_3997 = arith.constant 0.000000e+00 : f32
    %broadcast_in_dim3A_3998 = vector.broadcast %jit3A_3997 : f32 to vector<16xf32>
    %select_n3A_3999 = arith.select %gt3A_3996, %broadcast_in_dim3A_3998, %div3A_3990 : vector<16xi1>, vector<16xf32>
    %jit3A_4000 = arith.constant 1.000000e+00 : f32
    %broadcast_in_dim3A_4001 = vector.broadcast %jit3A_4000 : f32 to vector<16xf32>
    %select_n3A_4002 = arith.select %le3A_3993, %broadcast_in_dim3A_4001, %select_n3A_3999 : vector<16xi1>, vector<16xf32>
    %jit3A_4003 = arith.constant 0.000000e+00 : f32
    %jit3A_4004 = arith.constant 1.000000e+00 : f32
    %max3A_4005 = vector.broadcast %jit3A_4003 : f32 to vector<16xf32>
    %max3A_4006 = arith.maximumf %max3A_4005, %select_n3A_4002 : vector<16xf32>
    %min3A_4007 = vector.broadcast %jit3A_4004 : f32 to vector<16xf32>
    %min3A_4008 = arith.minimumf %min3A_4007, %max3A_4006 : vector<16xf32>
    %get3A_4009 = arith.constant 496 : index
    %get3A_4010 = tpu.vector_load %arg20[%get3A_4009] {strides = array<i32>} : memref<512xf32, #tpu.memory_space<vmem>>, vector<16xf32>,
    %lt3A_4011 = arith.cmpf olt, %get3A_4010, %min3A_4008 : vector<16xf32>
    %min3A_4012 = arith.constant 0.000000e+00 : f32
    %min3A_4013 = vector.broadcast %min3A_4012 : f32 to vector<16xf32>
    %min3A_4014 = arith.minimumf %add3A_3982, %min3A_4013 : vector<16xf32>
    %max3A_4015 = arith.constant 0.000000e+00 : f32
    %max3A_4016 = vector.broadcast %max3A_4015 : f32 to vector<16xf32>
    %max3A_4017 = arith.maximumf %sub3A_3981, %max3A_4016 : vector<16xf32>
    %add3A_4018 = arith.addf %sub3A_3981, %min3A_4014 : vector<16xf32>
    %mul3A_4019 = arith.constant 5.000000e-01 : f32
    %mul3A_4020 = vector.broadcast %mul3A_4019 : f32 to vector<16xf32>
    %mul3A_4021 = arith.mulf %add3A_4018, %mul3A_4020 : vector<16xf32>
    %add3A_4022 = arith.addf %max3A_4017, %add3A_3982 : vector<16xf32>
    %mul3A_4023 = arith.constant 5.000000e-01 : f32
    %mul3A_4024 = vector.broadcast %mul3A_4023 : f32 to vector<16xf32>
    %mul3A_4025 = arith.mulf %add3A_4022, %mul3A_4024 : vector<16xf32>
    %select_n3A_4026 = arith.select %lt3A_4011, %mul3A_4021, %mul3A_4025 : vector<16xi1>, vector<16xf32>
    %sub3A_4027 = arith.subf %min3A_4014, %sub3A_3981 : vector<16xf32>
    %mul3A_4028 = arith.constant 5.000000e-01 : f32
    %mul3A_4029 = vector.broadcast %mul3A_4028 : f32 to vector<16xf32>
    %mul3A_4030 = arith.mulf %sub3A_4027, %mul3A_4029 : vector<16xf32>
    %sub3A_4031 = arith.subf %add3A_3982, %max3A_4017 : vector<16xf32>
    %mul3A_4032 = arith.constant 5.000000e-01 : f32
    %mul3A_4033 = vector.broadcast %mul3A_4032 : f32 to vector<16xf32>
    %mul3A_4034 = arith.mulf %sub3A_4031, %mul3A_4033 : vector<16xf32>
    %select_n3A_4035 = arith.select %lt3A_4011, %mul3A_4030, %mul3A_4034 : vector<16xi1>, vector<16xf32>
    tpu.vector_store_idx %arg8[%add3A_3976, %broadcast_in_dim3A_3978], %select_n3A_4026 : memref<64x128xf32, #tpu.memory_space<vmem>>[vector<16xi32>, vector<16xi32>], vector<16xf32>,
    tpu.vector_store_idx %arg14[%add3A_3976, %broadcast_in_dim3A_3978], %select_n3A_4035 : memref<64x128xf32, #tpu.memory_space<vmem>>[vector<16xi32>, vector<16xi32>], vector<16xf32>,
    %add3A_4036 = vector.broadcast %add3A_3615 : i32 to vector<16xi32>
    %add3A_4037 = arith.addi %add3A_3976, %add3A_4036 : vector<16xi32>
    %shift_right_arithmetic3A_4038 = arith.constant 3 : i32
    %shift_right_arithmetic3A_4039 = vector.broadcast %shift_right_arithmetic3A_4038 : i32 to vector<16xi32>
    %shift_right_arithmetic3A_4040 = arith.shrsi %add3A_4037, %shift_right_arithmetic3A_4039 : vector<16xi32>
    %shift_left3A_4041 = arith.constant 5 : i32
    %shift_left3A_4042 = vector.broadcast %shift_left3A_4041 : i32 to vector<16xi32>
    %shift_left3A_4043 = arith.shli %shift_right_arithmetic3A_4040, %shift_left3A_4042 : vector<16xi32>
    %and3A_4044 = arith.constant 7 : i32
    %and3A_4045 = vector.broadcast %and3A_4044 : i32 to vector<16xi32>
    %and3A_4046 = arith.andi %add3A_4037, %and3A_4045 : vector<16xi32>
    %add3A_4047 = arith.addi %shift_left3A_4043, %and3A_4046 : vector<16xi32>
    %jit3A_4048 = arith.constant 0 : i32
    %jit3A_4049 = arith.constant 2 : i32
    %broadcast_in_dim3A_4050 = vector.broadcast %jit3A_4048 : i32 to vector<16xi32>
    %broadcast_in_dim3A_4051 = vector.broadcast %jit3A_4049 : i32 to vector<16xi32>
    %select_n3A_4052 = arith.select %lt3A_4011, %broadcast_in_dim3A_4050, %broadcast_in_dim3A_4051 : vector<16xi1>, vector<16xi32>
    %shift_left3A_4053 = arith.constant 3 : i32
    %shift_left3A_4054 = vector.broadcast %shift_left3A_4053 : i32 to vector<16xi32>
    %shift_left3A_4055 = arith.shli %select_n3A_4052, %shift_left3A_4054 : vector<16xi32>
    %add3A_4056 = arith.addi %add3A_4047, %shift_left3A_4055 : vector<16xi32>
    %swap3A_4057 = arith.constant 48 : index
    %swap3A_4058 = tpu.vector_load %arg22[%swap3A_4057] {strides = array<i32>} : memref<64xi32, #tpu.memory_space<vmem>>, vector<16xi32>,
    tpu.vector_store %arg22[%swap3A_4057], %add3A_4056 {strides = array<i32>} : memref<64xi32, #tpu.memory_space<vmem>>, vector<16xi32>,
    %jit3A_4059 = arith.constant 1 : i32
    %jit3A_4060 = arith.constant 3 : i32
    %broadcast_in_dim3A_4061 = vector.broadcast %jit3A_4059 : i32 to vector<16xi32>
    %broadcast_in_dim3A_4062 = vector.broadcast %jit3A_4060 : i32 to vector<16xi32>
    %select_n3A_4063 = arith.select %lt3A_4011, %broadcast_in_dim3A_4061, %broadcast_in_dim3A_4062 : vector<16xi1>, vector<16xi32>
    %shift_left3A_4064 = arith.constant 3 : i32
    %shift_left3A_4065 = vector.broadcast %shift_left3A_4064 : i32 to vector<16xi32>
    %shift_left3A_4066 = arith.shli %select_n3A_4063, %shift_left3A_4065 : vector<16xi32>
    %add3A_4067 = arith.addi %add3A_4047, %shift_left3A_4066 : vector<16xi32>
    %swap3A_4068 = arith.constant 48 : index
    %swap3A_4069 = tpu.vector_load %arg28[%swap3A_4068] {strides = array<i32>} : memref<64xi32, #tpu.memory_space<vmem>>, vector<16xi32>,
    tpu.vector_store %arg28[%swap3A_4068], %add3A_4067 {strides = array<i32>} : memref<64xi32, #tpu.memory_space<vmem>>, vector<16xi32>,
    %jit3A_4070 = arith.constant 2 : i32
    %jit3A_4071 = arith.constant 0 : i32
    %broadcast_in_dim3A_4072 = vector.broadcast %jit3A_4070 : i32 to vector<16xi32>
    %broadcast_in_dim3A_4073 = vector.broadcast %jit3A_4071 : i32 to vector<16xi32>
    %select_n3A_4074 = arith.select %lt3A_4011, %broadcast_in_dim3A_4072, %broadcast_in_dim3A_4073 : vector<16xi1>, vector<16xi32>
    %shift_left3A_4075 = arith.constant 3 : i32
    %shift_left3A_4076 = vector.broadcast %shift_left3A_4075 : i32 to vector<16xi32>
    %shift_left3A_4077 = arith.shli %select_n3A_4074, %shift_left3A_4076 : vector<16xi32>
    %add3A_4078 = arith.addi %add3A_4047, %shift_left3A_4077 : vector<16xi32>
    %swap3A_4079 = arith.constant 48 : index
    %swap3A_4080 = tpu.vector_load %arg34[%swap3A_4079] {strides = array<i32>} : memref<64xi32, #tpu.memory_space<vmem>>, vector<16xi32>,
    tpu.vector_store %arg34[%swap3A_4079], %add3A_4078 {strides = array<i32>} : memref<64xi32, #tpu.memory_space<vmem>>, vector<16xi32>,
    %jit3A_4081 = arith.constant 3 : i32
    %jit3A_4082 = arith.constant 1 : i32
    %broadcast_in_dim3A_4083 = vector.broadcast %jit3A_4081 : i32 to vector<16xi32>
    %broadcast_in_dim3A_4084 = vector.broadcast %jit3A_4082 : i32 to vector<16xi32>
    %select_n3A_4085 = arith.select %lt3A_4011, %broadcast_in_dim3A_4083, %broadcast_in_dim3A_4084 : vector<16xi1>, vector<16xi32>
    %shift_left3A_4086 = arith.constant 3 : i32
    %shift_left3A_4087 = vector.broadcast %shift_left3A_4086 : i32 to vector<16xi32>
    %shift_left3A_4088 = arith.shli %select_n3A_4085, %shift_left3A_4087 : vector<16xi32>
    %add3A_4089 = arith.addi %add3A_4047, %shift_left3A_4088 : vector<16xi32>
    %swap3A_4090 = arith.constant 48 : index
    %swap3A_4091 = tpu.vector_load %arg40[%swap3A_4090] {strides = array<i32>} : memref<64xi32, #tpu.memory_space<vmem>>, vector<16xi32>,
    tpu.vector_store %arg40[%swap3A_4090], %add3A_4089 {strides = array<i32>} : memref<64xi32, #tpu.memory_space<vmem>>, vector<16xi32>,
    %dma_start3A_4092 = arith.constant 0 : i32
    %dma_start3A_4093 = arith.constant 0 : i32
    %dma_start3A_4094 = tpu.memref_slice %arg6[%dma_start3A_4092, %dma_start3A_4093] : memref<65536x128xf32, #tpu.memory_space<hbm>> -> memref<65536x128xf32, #tpu.memory_space<hbm>>
    tpu.enqueue_indirect_dma source(%arg8 : memref<64x128xf32, #tpu.memory_space<vmem>>) target(%dma_start3A_4094 : memref<65536x128xf32, #tpu.memory_space<hbm>>) offsets(%arg22 : memref<64xi32, #tpu.memory_space<vmem>>) semaphore(%arg52 : memref<!tpu.dma_semaphore, #tpu.memory_space<semaphore_mem>>)
    %dma_start3A_4095 = arith.constant 0 : i32
    %dma_start3A_4096 = arith.constant 0 : i32
    %dma_start3A_4097 = tpu.memref_slice %arg6[%dma_start3A_4095, %dma_start3A_4096] : memref<65536x128xf32, #tpu.memory_space<hbm>> -> memref<65536x128xf32, #tpu.memory_space<hbm>>
    tpu.enqueue_indirect_dma source(%arg14 : memref<64x128xf32, #tpu.memory_space<vmem>>) target(%dma_start3A_4097 : memref<65536x128xf32, #tpu.memory_space<hbm>>) offsets(%arg28 : memref<64xi32, #tpu.memory_space<vmem>>) semaphore(%arg52 : memref<!tpu.dma_semaphore, #tpu.memory_space<semaphore_mem>>)
    %dma_start3A_4098 = arith.constant 0 : i32
    %dma_start3A_4099 = arith.constant 0 : i32
    %dma_start3A_4100 = tpu.memref_slice %arg6[%dma_start3A_4098, %dma_start3A_4099] : memref<65536x128xf32, #tpu.memory_space<hbm>> -> memref<65536x128xf32, #tpu.memory_space<hbm>>
    tpu.enqueue_indirect_dma source(%arg19 : memref<64x128xf32, #tpu.memory_space<vmem>>) target(%dma_start3A_4100 : memref<65536x128xf32, #tpu.memory_space<hbm>>) offsets(%arg34 : memref<64xi32, #tpu.memory_space<vmem>>) semaphore(%arg52 : memref<!tpu.dma_semaphore, #tpu.memory_space<semaphore_mem>>)
    %dma_start3A_4101 = arith.constant 0 : i32
    %dma_start3A_4102 = arith.constant 0 : i32
    %dma_start3A_4103 = tpu.memref_slice %arg6[%dma_start3A_4101, %dma_start3A_4102] : memref<65536x128xf32, #tpu.memory_space<hbm>> -> memref<65536x128xf32, #tpu.memory_space<hbm>>
    tpu.enqueue_indirect_dma source(%arg19 : memref<64x128xf32, #tpu.memory_space<vmem>>) target(%dma_start3A_4103 : memref<65536x128xf32, #tpu.memory_space<hbm>>) offsets(%arg40 : memref<64xi32, #tpu.memory_space<vmem>>) semaphore(%arg52 : memref<!tpu.dma_semaphore, #tpu.memory_space<semaphore_mem>>)
    %dma_wait3A_4104 = arith.constant 0 : i32
    %dma_wait3A_4105 = arith.constant 0 : i32
    %dma_wait3A_4106 = tpu.memref_slice %arg6[%dma_wait3A_4104, %dma_wait3A_4105] : memref<65536x128xf32, #tpu.memory_space<hbm>> -> memref<65536x128xf32, #tpu.memory_space<hbm>>
    tpu.wait_indirect_dma semaphore(%arg53 : memref<!tpu.dma_semaphore, #tpu.memory_space<semaphore_mem>>) src(%arg9 : memref<64x128xf32, #tpu.memory_space<vmem>>) dst(%dma_wait3A_4106 : memref<65536x128xf32, #tpu.memory_space<hbm>>)
    %dma_wait3A_4107 = arith.constant 0 : i32
    %dma_wait3A_4108 = arith.constant 0 : i32
    %dma_wait3A_4109 = tpu.memref_slice %arg6[%dma_wait3A_4107, %dma_wait3A_4108] : memref<65536x128xf32, #tpu.memory_space<hbm>> -> memref<65536x128xf32, #tpu.memory_space<hbm>>
    tpu.wait_indirect_dma semaphore(%arg53 : memref<!tpu.dma_semaphore, #tpu.memory_space<semaphore_mem>>) src(%arg15 : memref<64x128xf32, #tpu.memory_space<vmem>>) dst(%dma_wait3A_4109 : memref<65536x128xf32, #tpu.memory_space<hbm>>)
    %dma_wait3A_4110 = arith.constant 0 : i32
    %dma_wait3A_4111 = arith.constant 0 : i32
    %dma_wait3A_4112 = tpu.memref_slice %arg6[%dma_wait3A_4110, %dma_wait3A_4111] : memref<65536x128xf32, #tpu.memory_space<hbm>> -> memref<65536x128xf32, #tpu.memory_space<hbm>>
    tpu.wait_indirect_dma semaphore(%arg53 : memref<!tpu.dma_semaphore, #tpu.memory_space<semaphore_mem>>) src(%arg19 : memref<64x128xf32, #tpu.memory_space<vmem>>) dst(%dma_wait3A_4112 : memref<65536x128xf32, #tpu.memory_space<hbm>>)
    %dma_wait3A_4113 = arith.constant 0 : i32
    %dma_wait3A_4114 = arith.constant 0 : i32
    %dma_wait3A_4115 = tpu.memref_slice %arg6[%dma_wait3A_4113, %dma_wait3A_4114] : memref<65536x128xf32, #tpu.memory_space<hbm>> -> memref<65536x128xf32, #tpu.memory_space<hbm>>
    tpu.wait_indirect_dma semaphore(%arg53 : memref<!tpu.dma_semaphore, #tpu.memory_space<semaphore_mem>>) src(%arg19 : memref<64x128xf32, #tpu.memory_space<vmem>>) dst(%dma_wait3A_4115 : memref<65536x128xf32, #tpu.memory_space<hbm>>)
    %dma_wait3A_4116 = arith.constant 0 : i32
    %dma_wait3A_4117 = arith.constant 0 : i32
    %dma_wait3A_4118 = tpu.memref_slice %arg6[%dma_wait3A_4116, %dma_wait3A_4117] : memref<65536x128xf32, #tpu.memory_space<hbm>> -> memref<65536x128xf32, #tpu.memory_space<hbm>>
    tpu.wait_indirect_dma semaphore(%arg54 : memref<!tpu.dma_semaphore, #tpu.memory_space<semaphore_mem>>) src(%arg10 : memref<64x128xf32, #tpu.memory_space<vmem>>) dst(%dma_wait3A_4118 : memref<65536x128xf32, #tpu.memory_space<hbm>>)
    %dma_wait3A_4119 = arith.constant 0 : i32
    %dma_wait3A_4120 = arith.constant 0 : i32
    %dma_wait3A_4121 = tpu.memref_slice %arg6[%dma_wait3A_4119, %dma_wait3A_4120] : memref<65536x128xf32, #tpu.memory_space<hbm>> -> memref<65536x128xf32, #tpu.memory_space<hbm>>
    tpu.wait_indirect_dma semaphore(%arg54 : memref<!tpu.dma_semaphore, #tpu.memory_space<semaphore_mem>>) src(%arg16 : memref<64x128xf32, #tpu.memory_space<vmem>>) dst(%dma_wait3A_4121 : memref<65536x128xf32, #tpu.memory_space<hbm>>)
    %dma_wait3A_4122 = arith.constant 0 : i32
    %dma_wait3A_4123 = arith.constant 0 : i32
    %dma_wait3A_4124 = tpu.memref_slice %arg6[%dma_wait3A_4122, %dma_wait3A_4123] : memref<65536x128xf32, #tpu.memory_space<hbm>> -> memref<65536x128xf32, #tpu.memory_space<hbm>>
    tpu.wait_indirect_dma semaphore(%arg54 : memref<!tpu.dma_semaphore, #tpu.memory_space<semaphore_mem>>) src(%arg19 : memref<64x128xf32, #tpu.memory_space<vmem>>) dst(%dma_wait3A_4124 : memref<65536x128xf32, #tpu.memory_space<hbm>>)
    %dma_wait3A_4125 = arith.constant 0 : i32
    %dma_wait3A_4126 = arith.constant 0 : i32
    %dma_wait3A_4127 = tpu.memref_slice %arg6[%dma_wait3A_4125, %dma_wait3A_4126] : memref<65536x128xf32, #tpu.memory_space<hbm>> -> memref<65536x128xf32, #tpu.memory_space<hbm>>
    tpu.wait_indirect_dma semaphore(%arg54 : memref<!tpu.dma_semaphore, #tpu.memory_space<semaphore_mem>>) src(%arg19 : memref<64x128xf32, #tpu.memory_space<vmem>>) dst(%dma_wait3A_4127 : memref<65536x128xf32, #tpu.memory_space<hbm>>)
    %dma_wait3A_4128 = arith.constant 0 : i32
    %dma_wait3A_4129 = arith.constant 0 : i32
    %dma_wait3A_4130 = tpu.memref_slice %arg6[%dma_wait3A_4128, %dma_wait3A_4129] : memref<65536x128xf32, #tpu.memory_space<hbm>> -> memref<65536x128xf32, #tpu.memory_space<hbm>>
    tpu.wait_indirect_dma semaphore(%arg55 : memref<!tpu.dma_semaphore, #tpu.memory_space<semaphore_mem>>) src(%arg11 : memref<64x128xf32, #tpu.memory_space<vmem>>) dst(%dma_wait3A_4130 : memref<65536x128xf32, #tpu.memory_space<hbm>>)
    %dma_wait3A_4131 = arith.constant 0 : i32
    %dma_wait3A_4132 = arith.constant 0 : i32
    %dma_wait3A_4133 = tpu.memref_slice %arg6[%dma_wait3A_4131, %dma_wait3A_4132] : memref<65536x128xf32, #tpu.memory_space<hbm>> -> memref<65536x128xf32, #tpu.memory_space<hbm>>
    tpu.wait_indirect_dma semaphore(%arg55 : memref<!tpu.dma_semaphore, #tpu.memory_space<semaphore_mem>>) src(%arg17 : memref<64x128xf32, #tpu.memory_space<vmem>>) dst(%dma_wait3A_4133 : memref<65536x128xf32, #tpu.memory_space<hbm>>)
    %dma_wait3A_4134 = arith.constant 0 : i32
    %dma_wait3A_4135 = arith.constant 0 : i32
    %dma_wait3A_4136 = tpu.memref_slice %arg6[%dma_wait3A_4134, %dma_wait3A_4135] : memref<65536x128xf32, #tpu.memory_space<hbm>> -> memref<65536x128xf32, #tpu.memory_space<hbm>>
    tpu.wait_indirect_dma semaphore(%arg55 : memref<!tpu.dma_semaphore, #tpu.memory_space<semaphore_mem>>) src(%arg19 : memref<64x128xf32, #tpu.memory_space<vmem>>) dst(%dma_wait3A_4136 : memref<65536x128xf32, #tpu.memory_space<hbm>>)
    %dma_wait3A_4137 = arith.constant 0 : i32
    %dma_wait3A_4138 = arith.constant 0 : i32
    %dma_wait3A_4139 = tpu.memref_slice %arg6[%dma_wait3A_4137, %dma_wait3A_4138] : memref<65536x128xf32, #tpu.memory_space<hbm>> -> memref<65536x128xf32, #tpu.memory_space<hbm>>
    tpu.wait_indirect_dma semaphore(%arg55 : memref<!tpu.dma_semaphore, #tpu.memory_space<semaphore_mem>>) src(%arg19 : memref<64x128xf32, #tpu.memory_space<vmem>>) dst(%dma_wait3A_4139 : memref<65536x128xf32, #tpu.memory_space<hbm>>)
    %dma_wait3A_4140 = arith.constant 0 : i32
    %dma_wait3A_4141 = arith.constant 0 : i32
    %dma_wait3A_4142 = tpu.memref_slice %arg6[%dma_wait3A_4140, %dma_wait3A_4141] : memref<65536x128xf32, #tpu.memory_space<hbm>> -> memref<65536x128xf32, #tpu.memory_space<hbm>>
    tpu.wait_indirect_dma semaphore(%arg56 : memref<!tpu.dma_semaphore, #tpu.memory_space<semaphore_mem>>) src(%arg12 : memref<64x128xf32, #tpu.memory_space<vmem>>) dst(%dma_wait3A_4142 : memref<65536x128xf32, #tpu.memory_space<hbm>>)
    %dma_wait3A_4143 = arith.constant 0 : i32
    %dma_wait3A_4144 = arith.constant 0 : i32
    %dma_wait3A_4145 = tpu.memref_slice %arg6[%dma_wait3A_4143, %dma_wait3A_4144] : memref<65536x128xf32, #tpu.memory_space<hbm>> -> memref<65536x128xf32, #tpu.memory_space<hbm>>
    tpu.wait_indirect_dma semaphore(%arg56 : memref<!tpu.dma_semaphore, #tpu.memory_space<semaphore_mem>>) src(%arg18 : memref<64x128xf32, #tpu.memory_space<vmem>>) dst(%dma_wait3A_4145 : memref<65536x128xf32, #tpu.memory_space<hbm>>)
    %dma_wait3A_4146 = arith.constant 0 : i32
    %dma_wait3A_4147 = arith.constant 0 : i32
    %dma_wait3A_4148 = tpu.memref_slice %arg6[%dma_wait3A_4146, %dma_wait3A_4147] : memref<65536x128xf32, #tpu.memory_space<hbm>> -> memref<65536x128xf32, #tpu.memory_space<hbm>>
    tpu.wait_indirect_dma semaphore(%arg56 : memref<!tpu.dma_semaphore, #tpu.memory_space<semaphore_mem>>) src(%arg19 : memref<64x128xf32, #tpu.memory_space<vmem>>) dst(%dma_wait3A_4148 : memref<65536x128xf32, #tpu.memory_space<hbm>>)
    %dma_wait3A_4149 = arith.constant 0 : i32
    %dma_wait3A_4150 = arith.constant 0 : i32
    %dma_wait3A_4151 = tpu.memref_slice %arg6[%dma_wait3A_4149, %dma_wait3A_4150] : memref<65536x128xf32, #tpu.memory_space<hbm>> -> memref<65536x128xf32, #tpu.memory_space<hbm>>
    tpu.wait_indirect_dma semaphore(%arg56 : memref<!tpu.dma_semaphore, #tpu.memory_space<semaphore_mem>>) src(%arg19 : memref<64x128xf32, #tpu.memory_space<vmem>>) dst(%dma_wait3A_4151 : memref<65536x128xf32, #tpu.memory_space<hbm>>)
    %dma_wait3A_4152 = arith.constant 0 : i32
    %dma_wait3A_4153 = arith.constant 0 : i32
    %dma_wait3A_4154 = tpu.memref_slice %arg6[%dma_wait3A_4152, %dma_wait3A_4153] : memref<65536x128xf32, #tpu.memory_space<hbm>> -> memref<65536x128xf32, #tpu.memory_space<hbm>>
    tpu.wait_indirect_dma semaphore(%arg51 : memref<!tpu.dma_semaphore, #tpu.memory_space<semaphore_mem>>) src(%arg7 : memref<64x128xf32, #tpu.memory_space<vmem>>) dst(%dma_wait3A_4154 : memref<65536x128xf32, #tpu.memory_space<hbm>>)
    %dma_wait3A_4155 = arith.constant 0 : i32
    %dma_wait3A_4156 = arith.constant 0 : i32
    %dma_wait3A_4157 = tpu.memref_slice %arg6[%dma_wait3A_4155, %dma_wait3A_4156] : memref<65536x128xf32, #tpu.memory_space<hbm>> -> memref<65536x128xf32, #tpu.memory_space<hbm>>
    tpu.wait_indirect_dma semaphore(%arg51 : memref<!tpu.dma_semaphore, #tpu.memory_space<semaphore_mem>>) src(%arg13 : memref<64x128xf32, #tpu.memory_space<vmem>>) dst(%dma_wait3A_4157 : memref<65536x128xf32, #tpu.memory_space<hbm>>)
    %dma_wait3A_4158 = arith.constant 0 : i32
    %dma_wait3A_4159 = arith.constant 0 : i32
    %dma_wait3A_4160 = tpu.memref_slice %arg6[%dma_wait3A_4158, %dma_wait3A_4159] : memref<65536x128xf32, #tpu.memory_space<hbm>> -> memref<65536x128xf32, #tpu.memory_space<hbm>>
    tpu.wait_indirect_dma semaphore(%arg51 : memref<!tpu.dma_semaphore, #tpu.memory_space<semaphore_mem>>) src(%arg19 : memref<64x128xf32, #tpu.memory_space<vmem>>) dst(%dma_wait3A_4160 : memref<65536x128xf32, #tpu.memory_space<hbm>>)
    %dma_wait3A_4161 = arith.constant 0 : i32
    %dma_wait3A_4162 = arith.constant 0 : i32
    %dma_wait3A_4163 = tpu.memref_slice %arg6[%dma_wait3A_4161, %dma_wait3A_4162] : memref<65536x128xf32, #tpu.memory_space<hbm>> -> memref<65536x128xf32, #tpu.memory_space<hbm>>
    tpu.wait_indirect_dma semaphore(%arg51 : memref<!tpu.dma_semaphore, #tpu.memory_space<semaphore_mem>>) src(%arg19 : memref<64x128xf32, #tpu.memory_space<vmem>>) dst(%dma_wait3A_4163 : memref<65536x128xf32, #tpu.memory_space<hbm>>)
    %dma_wait3A_4164 = arith.constant 0 : i32
    %dma_wait3A_4165 = arith.constant 0 : i32
    %dma_wait3A_4166 = tpu.memref_slice %arg6[%dma_wait3A_4164, %dma_wait3A_4165] : memref<65536x128xf32, #tpu.memory_space<hbm>> -> memref<65536x128xf32, #tpu.memory_space<hbm>>
    tpu.wait_indirect_dma semaphore(%arg52 : memref<!tpu.dma_semaphore, #tpu.memory_space<semaphore_mem>>) src(%arg8 : memref<64x128xf32, #tpu.memory_space<vmem>>) dst(%dma_wait3A_4166 : memref<65536x128xf32, #tpu.memory_space<hbm>>)
    %dma_wait3A_4167 = arith.constant 0 : i32
    %dma_wait3A_4168 = arith.constant 0 : i32
    %dma_wait3A_4169 = tpu.memref_slice %arg6[%dma_wait3A_4167, %dma_wait3A_4168] : memref<65536x128xf32, #tpu.memory_space<hbm>> -> memref<65536x128xf32, #tpu.memory_space<hbm>>
    tpu.wait_indirect_dma semaphore(%arg52 : memref<!tpu.dma_semaphore, #tpu.memory_space<semaphore_mem>>) src(%arg14 : memref<64x128xf32, #tpu.memory_space<vmem>>) dst(%dma_wait3A_4169 : memref<65536x128xf32, #tpu.memory_space<hbm>>)
    %dma_wait3A_4170 = arith.constant 0 : i32
    %dma_wait3A_4171 = arith.constant 0 : i32
    %dma_wait3A_4172 = tpu.memref_slice %arg6[%dma_wait3A_4170, %dma_wait3A_4171] : memref<65536x128xf32, #tpu.memory_space<hbm>> -> memref<65536x128xf32, #tpu.memory_space<hbm>>
    tpu.wait_indirect_dma semaphore(%arg52 : memref<!tpu.dma_semaphore, #tpu.memory_space<semaphore_mem>>) src(%arg19 : memref<64x128xf32, #tpu.memory_space<vmem>>) dst(%dma_wait3A_4172 : memref<65536x128xf32, #tpu.memory_space<hbm>>)
    %dma_wait3A_4173 = arith.constant 0 : i32
    %dma_wait3A_4174 = arith.constant 0 : i32
    %dma_wait3A_4175 = tpu.memref_slice %arg6[%dma_wait3A_4173, %dma_wait3A_4174] : memref<65536x128xf32, #tpu.memory_space<hbm>> -> memref<65536x128xf32, #tpu.memory_space<hbm>>
    tpu.wait_indirect_dma semaphore(%arg52 : memref<!tpu.dma_semaphore, #tpu.memory_space<semaphore_mem>>) src(%arg19 : memref<64x128xf32, #tpu.memory_space<vmem>>) dst(%dma_wait3A_4175 : memref<65536x128xf32, #tpu.memory_space<hbm>>)
    return
  }
}

</mosaic_0001>

<sc_bundles>
// kernel: kernel.3.cloned.1.call-start
scs
__scs_entry_jumppad:
0x0: {  	(pc) =	sbr.rel $0x88, $3  }
0x1: {  	(tag) =	ssettag $0x0;
	lr =	simm.s32 $0x1  }
0x2: {  	[smem:$0x3F9F] =	sst lr;
	_ =	strace $0xD0000000  }
0x3: {  	_ = 	snop  }
0x4: {  	_ = 	snop  }
0x5: {  	_ = 	snop  }
0x6: {  	_ = 	snop  }
0x7: {  	_ = 	snop  }
__scs_overlays_trampoline_lowered:
0x8: {  	[smem:$0x3FAE] =	sst s0  }
0x9: {  	[smem:$0x3FAF] =	sst s1  }
0xa: {  	[smem:$0x3FB0] =	sst s2  }
0xb: {  	[smem:$0x3FB1] =	sst s3  }
0xc: {  	[smem:$0x3FB2] =	sst s4  }
0xd: {  	[smem:$0x3FB3] =	sst s5  }
0xe: {  	[smem:$0x3FB4] =	sst s6  }
0xf: {  	[smem:$0x3FB5] =	sst s7  }
0x10: {  	[smem:$0x3FB6] =	sst s8  }
0x11: {  	[smem:$0x3FB7] =	sst s9;
	s0 =	simm.s32 @!p0 $0x0  }
0x12: {  	s1 =	sld [smem:$0x3F9D];
	s0 =	simm.s32 @p0 $0x1  }
0x13: {  	[smem:$0x3FB8] =	sst s0;
	s0 =	simm.s32 @!p1 $0x0  }
0x14: {  	s2 =	sld [smem:$0x3F9C];
	s0 =	simm.s32 @p1 $0x1  }
0x15: {  	[smem:$0x3FB9] =	sst s0;
	s0 =	simm.s32 @!p2 $0x0  }
0x16: {  	s3 =	sld [smem:$0x3FDB];
	s0 =	simm.s32 @p2 $0x1  }
0x17: {  	s4 =	simm.s32 $0x1BF5;
	[smem:$0x3FBB] =	sst s0  }
0x18: {  	s0 =	sld [smem:$0x3F9E];
	_ =	swait.ge [sflag:s4], $0x0  }
0x19: {  	s7 =	sld [smem:$0x3F9F]  }
0x1a: {  	s8 =	sadd.s32 $0xFFFFE003, lr  }
0x1b: {  	s9 =	sadd.s32 $0xFFFFFEF7, lr;
	s5 =	simm.s32 $0xFFFFFFFF;
	p2 =	slt.u32 s8, $0xFFFFF086  }
0x1c: {  	p1 =	slt.u32 s9, $0xF7A;
	s5 =	simm.s32 @!p2 $0x0  }
0x1d: {  	s5 =	simm.s32 @p1 $0x1;
	p0 =	seq.s32 s7, s2  }
0x1e: {  	s7 =	smul.u32 @!p0 $0xF7A, s2;
	p2 =	seq.s32 @!p0 s5, $0x0  }
0x1f: {  	s9 =	smul.u32 $0xF7A, s1;
	s8 =	simm.s32 @!p0 $0x1BF5;
	p2 =	por !p2, p0  }
0x20: {  	[sflag:s8] =	ssyncset.s32 @!p0 $0xFFFFF086;
	s6 =	sadd.s32 @!p0 s3, s7;
	s7 =	simm.s32 @!p0 $0x108  }
0x21: {  	s3 =	sadd.s32 s3, s9;
	s6 =	sadd.s32 @!p0 $0x88, s6;
	s7 =	simm.s32 @p2 $0x1082  }
0x22: {  	[simem:s7], [sflag:s8] =	dma.local @!p0 [hbm:s6], $0xF7A  }
0x23: {  	s9 =	sor.u32 $0xD0000000, s2;
	s6 =	simm.s32 $0x108;
	_ =	swait.ge @!p0 [sflag:s8], $0x0  }
0x24: {  	s3 =	sadd.s32 $0x88, s3;
	s6 =	simm.s32 @!p1 $0x1082;
	[sflag:s4] =	ssyncset.s32 $0xFFFFF086  }
0x25: {  	[simem:s6], [sflag:s4] =	dma.local [hbm:s3], $0xF7A  }
0x26: {  	[smem:$0x3F9F] =	sst s1;
	(tag) =	ssettag s2;
	_ =	strace s9  }
0x27: {  	s1 =	sld [smem:$0x3FAF]  }
0x28: {  	s2 =	sld [smem:$0x3FB0]  }
0x29: {  	s4 =	sld [smem:$0x3FB2]  }
0x2a: {  	p0 =	seq.s32 s5, $0x0;
	s5 =	sld [smem:$0x3FB3]  }
0x2b: {  	s6 =	sld [smem:$0x3FB4]  }
0x2c: {  	s7 =	sld [smem:$0x3FB5]  }
0x2d: {  	s3 =	simm.s32 $0x108;
	s8 =	sld [smem:$0x3FB6]  }
0x2e: {  	s3 =	simm.s32 @!p0 $0x1082;
	s9 =	sld [smem:$0x3FB7]  }
0x2f: {  	lr =	sadd.s32 s0, s3;
	s0 =	sld [smem:$0x3FAE]  }
0x30: {  	s3 =	sld [smem:$0x3FB1]  }
0x31: {  	[smem:$0x3FBA] =	sst s10  }
0x32: {  	s10 =	sld [smem:$0x3FB8];
	_ =	sdelay $0x3  }
0x33: {  	p0 =	seq.s32 s10, $0x1;
	s10 =	sld [smem:$0x3FBA];
	_ =	sdelay $0x3  }
0x34: {  	[smem:$0x3FBA] =	sst s10  }
0x35: {  	s10 =	sld [smem:$0x3FB9];
	_ =	sdelay $0x3  }
0x36: {  	p1 =	seq.s32 s10, $0x1;
	s10 =	sld [smem:$0x3FBA];
	_ =	sdelay $0x3  }
0x37: {  	[smem:$0x3FBA] =	sst s10  }
0x38: {  	s10 =	sld [smem:$0x3FBB]  }
0x39: {  	_ = 	snop;
	(pc) =	sbr.ind lr, $3  }
0x3a: {  	_ = 	snop  }
0x3b: {  	_ = 	snop  }
0x3c: {  	p2 =	seq.s32 s10, $0x1;
	s10 =	sld [smem:$0x3FBA]  }
0x3d: {  	_ =	shalt  }
0x3e: {  	_ =	shalt  }
0x3f: {  	_ =	shalt  }
0x40: {  	_ =	shalt  }
0x41: {  	_ =	shalt  }
0x42: {  	_ =	shalt  }
0x43: {  	_ =	shalt  }
0x44: {  	_ =	shalt  }
0x45: {  	_ =	shalt  }
0x46: {  	_ =	shalt  }
0x47: {  	_ =	shalt  }
0x48: {  	_ =	shalt  }
0x49: {  	_ =	shalt  }
0x4a: {  	_ =	shalt  }
0x4b: {  	_ =	shalt  }
0x4c: {  	_ =	shalt  }
0x4d: {  	_ =	shalt  }
0x4e: {  	_ =	shalt  }
0x4f: {  	_ =	shalt  }
0x50: {  	_ =	shalt  }
0x51: {  	_ =	shalt  }
0x52: {  	_ =	shalt  }
0x53: {  	_ =	shalt  }
0x54: {  	_ =	shalt  }
0x55: {  	_ =	shalt  }
0x56: {  	_ =	shalt  }
0x57: {  	_ =	shalt  }
0x58: {  	_ =	shalt  }
0x59: {  	_ =	shalt  }
0x5a: {  	_ =	shalt  }
0x5b: {  	_ =	shalt  }
0x5c: {  	_ =	shalt  }
0x5d: {  	_ =	shalt  }
0x5e: {  	_ =	shalt  }
0x5f: {  	_ =	shalt  }
0x60: {  	_ =	shalt  }
0x61: {  	_ =	shalt  }
0x62: {  	_ =	shalt  }
0x63: {  	_ =	shalt  }
0x64: {  	_ =	shalt  }
0x65: {  	_ =	shalt  }
0x66: {  	_ =	shalt  }
0x67: {  	_ =	shalt  }
0x68: {  	_ =	shalt  }
0x69: {  	_ =	shalt  }
0x6a: {  	_ =	shalt  }
0x6b: {  	_ =	shalt  }
0x6c: {  	_ =	shalt  }
0x6d: {  	_ =	shalt  }
0x6e: {  	_ =	shalt  }
0x6f: {  	_ =	shalt  }
0x70: {  	_ =	shalt  }
0x71: {  	_ =	shalt  }
0x72: {  	_ =	shalt  }
0x73: {  	_ =	shalt  }
0x74: {  	_ =	shalt  }
0x75: {  	_ =	shalt  }
0x76: {  	_ =	shalt  }
0x77: {  	_ =	shalt  }
0x78: {  	_ =	shalt  }
0x79: {  	_ =	shalt  }
0x7a: {  	_ =	shalt  }
0x7b: {  	_ =	shalt  }
0x7c: {  	_ =	shalt  }
0x7d: {  	_ =	shalt  }
0x7e: {  	_ =	shalt  }
0x7f: {  	_ =	shalt  }
0x80: {  	_ =	shalt  }
0x81: {  	_ =	shalt  }
0x82: {  	_ =	shalt  }
0x83: {  	_ =	shalt  }
0x84: {  	_ =	shalt  }
0x85: {  	_ =	shalt  }
0x86: {  	_ =	shalt  }
0x87: {  	_ =	shalt  }
.Lfunc_end0:
.L_simem_size_0:
called_computation_lowered:
.L_overlay_start_0:
0x88: {  	s2 =	sld [smem:$0x3FD9]  }
0x89: {  	s3 =	sld [smem:$0x3FFE];
	_ =	sdelay $0x1  }
0x8a: {  	s1 =	srdreg.scid  }
0x8b: {  	s0 =	sand.u32 $0x1, s1  }
0x8c: {  	s17 =	sshll.u32 s0, $0xA;
	s2 =	sadd.s32 s3, s2  }
0x8d: {  	s2 =	sadd.s32 s2, s17  }
0x8e: {  	[smem:$0x3FC6] =	sst s2  }
0x8f: {  	_ = 	snop  }
0x90: {  	s2 =	sld [smem:$0x3FC9]  }
0x91: {  	s18 =	sld [smem:$0x3FC8]  }
0x92: {  	s4 =	sld [smem:$0x3FD0];
	(tm) =	ssettm $0x1  }
0x93: {  	s5 =	sld [smem:$0x3FFB];
	_ =	sdelay $0x3  }
0x94: {  	_ =	strace s5  }
0x95: {  	s5 =	sld [smem:$0x3FFC];
	_ =	sdelay $0x3  }
0x96: {  	_ =	strace s5  }
0x97: {  	s5 =	sld [smem:$0x3FFD];
	_ =	sdelay $0x3  }
0x98: {  	_ =	strace s5  }
0x99: {  	_ =	strace $0x8FFFFFFF  }
0x9a: {  	s19 =	sld [smem:$0x3FDB];
	_ =	sdelay $0x1  }
0x9b: {  	s6 =	simm.s32 $_scs_section_size  }
0x9c: {  	s7 =	simm.s32 $_size__tile_overlayer_lowered;
	s8 =	simm.s32 $_tile_overlayer_lowered  }
0x9d: {  	s22 =	simm.s32 $0x1BFF;
	s21 =	sshll.u32 s8, $0x1;
	s5 =	sadd.s32 s6, s19  }
0x9e: {  	s9 =	simm.s32 $0x0;
	s20 =	sshll.u32 s7, $0x1;
	s7 =	sadd.s32 s21, s5  }
0x9f: {  	[timem:s9], [sflag:s22] =	dma.local [hbm:s7], s20  }
0xa0: {  	_ =	swait.ge [sflag:s22], s20  }
0xa1: {  	s6 =	ssub.s32 $0x0, s20;
	[sflag:s22] =	ssyncset.done $0x0  }
0xa2: {  	[sflag:s22] =	ssyncadd.s32 s6;
	_ =	sdelay $0x1  }
0xa3: {  	s23 =	simm.s32 $0x1B8B  }
0xa4: {  	_ =	swait.ge [sflag:s23], $0x1  }
0xa5: {  	[sflag:s23] =	ssyncset.done $0x0  }
0xa6: {  	s25 =	simm.s32 $0x1B8E;
	s24 =	sld [smem:$0x3FFE];
	[sflag:s23] =	ssyncadd.s32 $0xFFFFFFFF  }
0xa7: {  	s26 =	simm.s32 $execute0_lowered;
	[smem:$0x3FD2] =	sst s25  }
0xa8: {  	s7 =	sshll.u32 s26, $0x1;
	_ =	strace $0x80000046;
	[dreg:$0x1] =	wrdreg $0xFFFFFFFF  }
0xa9: {  	s28 =	simm.s32 $_size_execute0_lowered;
	s5 =	sadd.s32 s5, s7;
	[dreg:$0x0] =	wrdreg $0x0  }
0xaa: {  	s7 =	sshll.u32 s28, $0x1;
	[dreg:$0x2] =	wrdreg s5  }
0xab: {  	[dreg:$0x3] =	wrdreg s7  }
0xac: {  	[dreg:$0x4] =	wrdreg $0xC0  }
0xad: {  	_ =	task [dreg:s9], $0x5FFFF  }
0xae: {  	[dreg:$0x1] =	wrdreg $0xFFFFFFFF  }
0xaf: {  	[dreg:$0x0] =	wrdreg $0x60  }
0xb0: {  	[dreg:$0x2] =	wrdreg s2  }
0xb1: {  	[dreg:$0x3] =	wrdreg s18  }
0xb2: {  	[dreg:$0x4] =	wrdreg s24  }
0xb3: {  	[dreg:$0x5] =	wrdreg s4  }
0xb4: {  	[dreg:$0x6] =	wrdreg $0x9  }
0xb5: {  	_ =	task.clear_ibuf [dreg:s9], $0x7FFFF;
	_ =	strace $0x90000046  }
0xb6: {  	s29 =	simm.s32 $0x9;
	_ =	strace $0x80000048  }
0xb7: {  	_ =	swait.ge [sflag:s29], $0x1  }
0xb8: {  	[sflag:s29] =	ssyncadd.s32 $0xFFFFFFFF  }
0xb9: {  	_ =	strace $0x90000048  }
0xba: {  	_ =	sfence  }
0xbb: {  	s30 =	sld [smem:$0x0];
	_ =	sdelay $0x2  }
0xbc: {  	s31 =	sshll.u32 s1, $0xD;
	s1 =	sshrl.u32 s1, $0x2  }
0xbd: {  	s3 =	sand.u32 $0x4000, s31;
	s1 =	sadd.s32 s1, s30  }
0xbe: {  	s0 =	sor.u32 s3, s0;
	s1 =	sshll.u32 s1, $0x11  }
0xbf: {  	s0 =	sor.u32 s1, s0  }
0xc0: {  	s0 =	sadd.s32 $0x8F2B, s0  }
0xc1: {  	[sflag:s0] =	ssyncadd.remote.s32 $0x1  }
0xc2: {  	_ =	sfence.sel $0xFFFF  }
0xc3: {  	[dreg:$0x0] =	wrdreg $0xFFFFFFFF;
	(pc) =	sbr.abs _section_cstart, $3  }
0xc4: {  	[dreg:$0x1] =	wrdreg $0xFFFFFFFF  }
0xc5: {  	_ =	task.clear_ibuf [dreg:s9], $0x2FFFF;
	_ =	strace $0x9FFFFFFF  }
0xc6: {  	(tm) =	ssettm $0x7FFFFFFF  }
0xc7: {  	_ =	shalt  }
tec
execute0_lowered:
.L_overlay_start_1:
0x0: {  	(tag) =	ssettag $0x1  }
0x1: {  	s1 =	rddreg [dreg:$0x0];
	s3 =	srdreg.scid;
	v29 =	vlaneseq.u32  }
0x2: {  	s0 =	rddreg [dreg:$0x1];
	s5 =	stileid.u32;
	s4 =	sand.u32 $0x1, s3;
	v27 =	vmul.u32 $0x4, v29  }
0x3: {  	s6 =	rddreg [dreg:$0x2];
	v36 =	vimm.s32 $0x8;
	s5 =	sshll.u32 s5, $0xA;
	v39 =	vmul.u32 $0x80, v29;
	s7 =	sshll.u32 s4, $0x9  }
0x4: {  	s2 =	rddreg [dreg:$0x3];
	v31 =	vand.u32 $0x7, v29;
	s5 =	sor.u32 s7, s5;
	v30 =	vor.u32 $0xC0, v27;
	v28 =	vor.u32 $0x40, v27  }
0x5: {  	s28 =	simm.s32 $0x14000;
	s3 =	simm.s32 $0x0;
	v32 =	vor.u32 $0x80, v27;
	v37 =	vor.u32 $0x805, v39;
	v0 =	vmov s5;
	s15 =	sor.u32 $0x40, s5  }
0x6: {  	v38 =	vor.u32 $0x1005, v39;
	s18 =	sor.u32 $0x80, s5;
	s22 =	sor.u32 $0xC0, s5;
	s26 =	sor.u32 $0x100, s5;
	v2 =	vshll.u32 v0, $0x2;
	v4 =	vmov s15  }
0x7: {  	s8 =	sadd.s32 $0xC00, s6;
	[smem:$0x7FF] =	sst s3;
	s10 =	sor.u32 $0x140, s5;
	v7 =	vmov s18;
	v12 =	vmov s22;
	v16 =	vmov s26  }
0x8: {  	_ =	strace $0x80000047;
	s7 =	sshrl.u32 s5, $0x3;
	s9 =	sshll.u32 s5, $0x4;
	v19 =	vmov s10;
	v0 =	vor.u32 v27, v2;
	v1 =	vor.u32 v28, v2  }
0x9: {  	[dreg:$0x5] =	wrdreg s8;
	s6 =	sadd.s32 s7, s6;
	s13 =	sadd.s32 s1, s9;
	v3 =	vor.u32 v32, v2;
	v5 =	vor.u32 v30, v2;
	v6 =	vshll.u32 v4, $0x2  }
0xa: {  	s14 =	sadd.s32 s0, s9;
	s16 =	sshll.u32 s15, $0x4;
	[dreg:$0x6] =	wrdreg s13;
	v11 =	vshll.u32 v7, $0x2;
	v14 =	vshll.u32 v12, $0x2;
	v18 =	vshll.u32 v16, $0x2  }
0xb: {  	s12 =	sshll.u32 s26, $0x4;
	s26 =	simm.s32 $0x1A600;
	[dreg:$0x7] =	wrdreg s14;
	v23 =	vshll.u32 v19, $0x2;
	v0 =	vand.u32 $0x7FFFF820, v0;
	v1 =	vand.u32 $0x7FFFF860, v1  }
0xc: {  	s20 =	sshll.u32 s18, $0x4;
	s6 =	sadd.s32 $0x400, s6;
	[dreg:$0x19] =	wrdreg s26;
	v3 =	vand.u32 $0x7FFFF8A0, v3;
	v4 =	vor.u32 v27, v6;
	v8 =	vor.u32 v32, v6  }
0xd: {  	s17 =	sadd.s32 s1, s16;
	s19 =	sadd.s32 s0, s16;
	[dreg:$0x8] =	wrdreg s6;
	v9 =	vor.u32 v27, v11;
	v10 =	vor.u32 v32, v11;
	v12 =	vor.u32 v27, v14  }
0xe: {  	s21 =	sadd.s32 s1, s20;
	s13 =	sadd.s32 s1, s12;
	[dreg:$0x9] =	wrdreg s17;
	v13 =	vor.u32 v28, v14;
	v15 =	vor.u32 v32, v14;
	v17 =	vor.u32 v30, v14  }
0xf: {  	s14 =	sadd.s32 s0, s12;
	s12 =	sor.u32 $0x1C0, s5;
	[dreg:$0xa] =	wrdreg s19;
	v16 =	vor.u32 v27, v18;
	v20 =	vor.u32 v32, v18;
	v21 =	vor.u32 v27, v23  }
0x10: {  	s24 =	sshll.u32 s22, $0x4;
	s23 =	sadd.s32 s0, s20;
	[dreg:$0xb] =	wrdreg s21;
	v22 =	vor.u32 v32, v23;
	v34 =	vmov s12;
	v0 =	vor.u32 v31, v0  }
0x11: {  	s29 =	simm.s32 $0x4;
	s25 =	sadd.s32 s1, s24;
	[dreg:$0xc] =	wrdreg s23;
	v1 =	vor.u32 v31, v1;
	v2 =	vor.u32 v31, v3;
	v3 =	vand.u32 $0x7FFFF8E0, v5  }
0x12: {  	s30 =	simm.s32 $0xA000;
	s11 =	sadd.s32 s0, s24;
	[dreg:$0xd] =	wrdreg s25;
	v4 =	vand.u32 $0x7FFFFFE0, v4;
	v5 =	vor.u32 v28, v6;
	v7 =	vand.u32 $0x7FFFFFE0, v8  }
0x13: {  	s31 =	simm.s32 $0x16000;
	s4 =	ssub.s32 $0x2, s4;
	[dreg:$0xe] =	wrdreg s11;
	v8 =	vor.u32 v30, v6;
	v10 =	vand.u32 $0x7FFFFFE0, v10;
	v12 =	vand.u32 $0x7FFFFFE0, v12  }
0x14: {  	s15 =	sshll.u32 s10, $0x4;
	[dreg:$0xf] =	wrdreg s13;
	s13 =	sor.u32 $0x180, s5;
	v13 =	vand.u32 $0x7FFFFFE0, v13;
	v15 =	vand.u32 $0x7FFFFFE0, v15;
	v16 =	vand.u32 $0x7FFFFFE0, v16  }
0x15: {  	s8 =	simm.s32 $0x2000;
	s16 =	sadd.s32 s1, s15;
	[dreg:$0x10] =	wrdreg s14;
	v19 =	vand.u32 $0x7FFFFFE0, v20;
	v20 =	vor.u32 v30, v18;
	v24 =	vmov s13  }
0x16: {  	s22 =	sshrl.u32 s4, $0x1;
	s24 =	simm.s32 $0x1A000;
	[dreg:$0x11] =	wrdreg s16;
	v22 =	vand.u32 $0x7FFFFFE0, v22;
	v34 =	vshll.u32 v34, $0x2;
	v3 =	vor.u32 v31, v3  }
0x17: {  	s7 =	simm.s32 $0xD;
	s26 =	simm.s32 $0x1AD80;
	[dreg:$0x17] =	wrdreg s24;
	v4 =	vor.u32 v31, v4;
	v5 =	vand.u32 $0x7FFFFFE0, v5;
	v6 =	vor.u32 v31, v7  }
0x18: {  	s9 =	simm.s32 $0xE000;
	s17 =	sadd.s32 s0, s15;
	[smem:$0x7FD] =	sst s26;
	v7 =	vand.u32 $0x7FFFFFE0, v8;
	v8 =	vand.u32 $0x7FFFFFE0, v9;
	v9 =	vor.u32 v28, v11  }
0x19: {  	s10 =	simm.s32 $0x1;
	s25 =	simm.s32 $0x1A300;
	[dreg:$0x12] =	wrdreg s17;
	v10 =	vor.u32 v31, v10;
	v11 =	vor.u32 v30, v11;
	v12 =	vor.u32 v31, v12  }
0x1a: {  	s21 =	sshll.u32 s12, $0x4;
	s14 =	simm.s32 $0x1AC00;
	[dreg:$0x18] =	wrdreg s25;
	v13 =	vor.u32 v31, v13;
	v14 =	vor.u32 v31, v15;
	v15 =	vand.u32 $0x7FFFFFE0, v17  }
0x1b: {  	s23 =	ssub.s32 s4, s22;
	s15 =	simm.s32 $0x1A380;
	[dreg:$0x1b] =	wrdreg s14;
	v17 =	vor.u32 v28, v18;
	v16 =	vor.u32 v31, v16;
	v18 =	vor.u32 v31, v19  }
0x1c: {  	s5 =	simm.s32 $0xC000;
	s16 =	simm.s32 $0x1A680;
	[dreg:$0x1c] =	wrdreg s15;
	v19 =	vand.u32 $0x7FFFFFE0, v20;
	v20 =	vand.u32 $0x7FFFFFE0, v21;
	v21 =	vor.u32 v28, v23  }
0x1d: {  	s6 =	simm.s32 $0x18000;
	s22 =	simm.s32 $0x1AD00;
	[dreg:$0x1d] =	wrdreg s16;
	v26 =	vshll.u32 v24, $0x2;
	v22 =	vor.u32 v31, v22;
	v23 =	vor.u32 v30, v23  }
0x1e: {  	s11 =	simm.s32 $0x40;
	s24 =	simm.s32 $0x1A780;
	[smem:$0x7F9] =	sst s22;
	v59 =	vor.u32 v27, v34;
	v61 =	vor.u32 v28, v34;
	v5 =	vor.u32 v31, v5  }
0x1f: {  	s26 =	simm.s32 $0x8000;
	s17 =	simm.s32 $0x1A980;
	[smem:$0x7FB] =	sst s24;
	v7 =	vor.u32 v31, v7;
	v8 =	vor.u32 v31, v8;
	v9 =	vand.u32 $0x7FFFFFE0, v9  }
0x20: {  	s4 =	smax.u32 s23, $0x1;
	s23 =	simm.s32 $0x1A480;
	[dreg:$0x1e] =	wrdreg s17;
	v11 =	vand.u32 $0x7FFFFFE0, v11;
	v15 =	vor.u32 v31, v15;
	v17 =	vand.u32 $0x7FFFFFE0, v17  }
0x21: {  	s18 =	sshll.u32 s13, $0x4;
	s25 =	simm.s32 $0x1AA80;
	[smem:$0x7FA] =	sst s23;
	v19 =	vor.u32 v31, v19;
	v20 =	vor.u32 v31, v20;
	v21 =	vand.u32 $0x7FFFFFE0, v21  }
0x22: {  	s12 =	simm.s32 $0x6;
	s19 =	sadd.s32 s1, s18;
	[smem:$0x7FC] =	sst s25;
	v24 =	vor.u32 v27, v26;
	v23 =	vand.u32 $0x7FFFFFE0, v23;
	v25 =	vor.u32 v28, v26  }
0x23: {  	s16 =	simm.s32 $0x4000;
	s20 =	sadd.s32 s0, s18;
	[dreg:$0x13] =	wrdreg s19;
	v33 =	vor.u32 v32, v26;
	v35 =	vor.u32 v30, v26;
	v60 =	vand.u32 $0x7FFFFFE0, v59  }
0x24: {  	s24 =	simm.s32 $0x12000;
	s1 =	sadd.s32 s1, s21;
	[dreg:$0x14] =	wrdreg s20;
	v62 =	vand.u32 $0x7FFFFFE0, v61;
	v32 =	vor.u32 v32, v34;
	v34 =	vor.u32 v30, v34  }
0x25: {  	s13 =	simm.s32 $0x8;
	s0 =	sadd.s32 s0, s21;
	[dreg:$0x15] =	wrdreg s1;
	v9 =	vor.u32 v31, v9;
	v11 =	vor.u32 v31, v11;
	v17 =	vor.u32 v31, v17  }
0x26: {  	s14 =	simm.s32 $0x9;
	s18 =	simm.s32 $0x1AC80;
	[dreg:$0x16] =	wrdreg s0;
	v21 =	vor.u32 v31, v21;
	v24 =	vand.u32 $0x7FFFFFE0, v24;
	v23 =	vor.u32 v31, v23  }
0x27: {  	s15 =	simm.s32 $0xA;
	s21 =	simm.s32 $0x1AA00;
	[dreg:$0x1f] =	wrdreg s18;
	v25 =	vand.u32 $0x7FFFFFE0, v25;
	v33 =	vand.u32 $0x7FFFFFE0, v33;
	v58 =	vand.u32 $0x7FFFFFE0, v35  }
0x28: {  	s17 =	simm.s32 $0x10000;
	s1 =	simm.s32 $0x1A900;
	[smem:$0x7F8] =	sst s21;
	v28 =	vor.u32 v31, v60;
	v32 =	vand.u32 $0x7FFFFFE0, v32;
	v29 =	vor.u32 v31, v62  }
0x29: {  	s23 =	simm.s32 $0x6000;
	s19 =	simm.s32 $0x1A400;
	[dreg:$0x1a] =	wrdreg s1;
	v63 =	vand.u32 $0x7FFFFFE0, v34;
	v34 =	vimm.s32 $0x0;
	v35 =	vimm.s32 $0x18  }
0x2a: {  	s25 =	simm.s32 $0x3;
	s20 =	simm.s32 $0x1A700;
	[smem:$0x7F6] =	sst s19;
	v24 =	vor.u32 v31, v24;
	v25 =	vor.u32 v31, v25;
	v26 =	vor.u32 v31, v33  }
0x2b: {  	s18 =	simm.s32 $0x2;
	s0 =	simm.s32 $0x5;
	[smem:$0x7F7] =	sst s20;
	v27 =	vor.u32 v31, v58;
	v30 =	vor.u32 v31, v32;
	v31 =	vor.u32 v31, v63  }
0x2c: {  	s1 =	simm.s32 $0x7;
	s19 =	simm.s32 $0xB;
	s20 =	simm.s32 $0xC;
	v32 =	vor.u32 $0x5, v39;
	v33 =	vimm.s32 $0x10;
	v39 =	vor.u32 $0x1805, v39  }
.LBB2_1:
0x2d: {  	s21 =	rddreg [dreg:$0x6]  }
0x2e: {  	[tilespmem:s3], [sflag:$0x1] =	stream.linear.gather [hbm4b:s21+s3], $0x2000, $0x38;
	[tilespmem:$0x1AE00] =	vst v63  }
0x2f: {  	s22 =	rddreg [dreg:$0x7]  }
0x30: {  	[tilespmem:s5], [sflag:$0x1] =	stream.linear.gather [hbm4b:s22+s3], $0x2000, $0x38;
	[tilespmem:$0x1AE00] =	vst v63  }
0x31: {  	s21 =	rddreg [dreg:$0x5]  }
0x32: {  	[tilespmem:s6], [sflag:$0xD] =	stream.linear.gather [hbm4b:s21+s3], $0x2000, $0x38;
	[tilespmem:$0x1AE00] =	vst v63  }
0x33: {  	_ =	swait.ge [sflag:s7], $0x2000  }
0x34: {  	s21 =	rddreg [dreg:$0x8];
	[sflag:s7] =	ssyncset.done $0x0  }
0x35: {  	s22 =	rddreg [dreg:$0x17];
	[sflag:s7] =	ssyncadd.s32 $0xFFFFE000  }
0x36: {  	[tilespmem:s22], [sflag:$0xD] =	stream.linear.gather [hbm4b:s21+s3], $0x200, $0x38;
	[tilespmem:$0x1AE00] =	vst v63  }
0x37: {  	_ =	swait.ge [sflag:s7], $0x200  }
0x38: {  	[sflag:s7] =	ssyncset.done $0x0  }
0x39: {  	s21 =	rddreg [dreg:$0x9];
	[sflag:s7] =	ssyncadd.s32 $0xFFFFFE00  }
0x3a: {  	[tilespmem:s8], [sflag:$0x2] =	stream.linear.gather [hbm4b:s21+s3], $0x2000, $0x38;
	[tilespmem:$0x1AE00] =	vst v63  }
0x3b: {  	s22 =	rddreg [dreg:$0xa]  }
0x3c: {  	[tilespmem:s9], [sflag:$0x2] =	stream.linear.gather [hbm4b:s22+s3], $0x2000, $0x38;
	[tilespmem:$0x1AE00] =	vst v63  }
0x3d: {  	_ =	swait.ge [sflag:s10], $0x2000  }
0x3e: {  	[sflag:s10] =	ssyncset.done $0x0  }
0x3f: {  	[sflag:s10] =	ssyncadd.s32 $0xFFFFE000  }
0x40: {  	_ =	swait.ge [sflag:s10], $0x2000  }
0x41: {  	[sflag:s10] =	ssyncset.done $0x0  }
0x42: {  	[sflag:s10] =	ssyncadd.s32 $0xFFFFE000  }
0x43: {  	v40 =	vld.idx.msk [tilespmem:v32+s3+$0x0], $0xffff  }
0x44: {  	v41 =	vld.idx.msk [tilespmem:v32+s5+$0x0], $0xffff;
	_ =	sdelay $0x4  }
0x45: {  	v42 =	vsub.f32 v40, v41;
	v40 =	vadd.f32 v41, v40;
	_ =	sdelay $0x1  }
0x46: {  	v41 =	vsub.f32 v40, v42;
	_ =	sdelay $0x1  }
0x47: {  	v41 =	vmax.f32 v41, $9.999999970e-07  }
0x48: {  	(erf) = vrcp.f32 v41;
	_ =	sdelay $0x7  }
0x49: {  	v60 =	vsub.f32 $0.0e+00, v42  }
0x4a: {  	v43 =	vpop (erf)  }
0x4b: {  	v41 =	vmul.f32 v43, v60  }
0x4c: {  	v61 =	vld [tilespmem:$0x1A000]  }
0x4d: {  	v41 =	vmax.f32 v41, $0.0e+00  }
0x4e: {  	vm0 =	vle.f32 v40, $0.0e+00;
	vm1 =	vgt.f32 v42, $0.0e+00;
	v41 =	vmin.f32 v41, $1.000000000e+00  }
0x4f: {  	v44 =	vmin.f32 v40, $0.0e+00;
	v45 =	vmax.f32 v42, $0.0e+00;
	v41 =	vsel vm1, $0x0, v41  }
0x50: {  	v46 =	vadd.f32 v44, v42;
	v47 =	vadd.f32 v45, v40;
	v41 =	vsel vm0, $0x3F800000, v41  }
0x51: {  	v62 =	vsub.f32 v44, v42;
	v40 =	vsub.f32 v40, v45;
	vm0 =	vlt.f32 v61, v41  }
0x52: {  	v63 =	vsel vm0, v46, v47  }
0x53: {  	v40 =	vsel vm0, v62, v40;
	v42 =	vmul.f32 $5.000000000e-01, v63  }
0x54: {  	v40 =	vmul.f32 $5.000000000e-01, v40  }
0x55: {  	v45 =	vsel vm0, $0x0, v33;
	[tilespmem:v32+s3+$0x0] =	vst.idx.msk $0xffff, v42  }
0x56: {  	v47 =	vsel vm0, $0x8, v35;
	v46 =	vor.u32 v0, v45;
	[tilespmem:v32+s5+$0x0] =	vst.idx.msk $0xffff, v40  }
0x57: {  	v49 =	vsel vm0, $0x10, v34;
	v48 =	vor.u32 v0, v47;
	[tilespmem:$0x1A200] =	vst v46  }
0x58: {  	v51 =	vsel vm0, $0x18, v36;
	v50 =	vor.u32 v0, v49;
	[tilespmem:$0x1A500] =	vst v48  }
0x59: {  	v52 =	vor.u32 v0, v51;
	[tilespmem:$0x1A800] =	vst v50  }
0x5a: {  	[tilespmem:$0x1AB00] =	vst v52  }
0x5b: {  	v40 =	vld.idx.msk [tilespmem:v37+s3+$0x0], $0xffff  }
0x5c: {  	v53 =	vld.idx.msk [tilespmem:v37+s5+$0x0], $0xffff;
	_ =	sdelay $0x4  }
0x5d: {  	v54 =	vsub.f32 v40, v53;
	v40 =	vadd.f32 v53, v40;
	_ =	sdelay $0x1  }
0x5e: {  	v41 =	vsub.f32 v40, v54;
	_ =	sdelay $0x1  }
0x5f: {  	v41 =	vmax.f32 v41, $9.999999970e-07  }
0x60: {  	(erf) = vrcp.f32 v41;
	_ =	sdelay $0x7  }
0x61: {  	v55 =	vsub.f32 $0.0e+00, v54  }
0x62: {  	v56 =	vpop (erf)  }
0x63: {  	v41 =	vmul.f32 v56, v55  }
0x64: {  	v57 =	vld [tilespmem:$0x1A010]  }
0x65: {  	v41 =	vmax.f32 v41, $0.0e+00  }
0x66: {  	vm14 =	vle.f32 v40, $0.0e+00;
	vm15 =	vgt.f32 v54, $0.0e+00;
	v41 =	vmin.f32 v41, $1.000000000e+00  }
0x67: {  	v58 =	vmin.f32 v40, $0.0e+00;
	v59 =	vmax.f32 v54, $0.0e+00;
	v41 =	vsel vm15, $0x0, v41  }
0x68: {  	v60 =	vadd.f32 v58, v54;
	v61 =	vadd.f32 v59, v40;
	v41 =	vsel vm14, $0x3F800000, v41  }
0x69: {  	v62 =	vsub.f32 v58, v54;
	v40 =	vsub.f32 v40, v59;
	vm0 =	vlt.f32 v57, v41  }
0x6a: {  	v63 =	vsel vm0, v60, v61  }
0x6b: {  	v40 =	vsel vm0, v62, v40;
	v42 =	vmul.f32 $5.000000000e-01, v63  }
0x6c: {  	v40 =	vmul.f32 $5.000000000e-01, v40  }
0x6d: {  	v45 =	vsel vm0, $0x0, v33;
	[tilespmem:v37+s3+$0x0] =	vst.idx.msk $0xffff, v42  }
0x6e: {  	v47 =	vsel vm0, $0x8, v35;
	v46 =	vor.u32 v1, v45;
	[tilespmem:v37+s5+$0x0] =	vst.idx.msk $0xffff, v40  }
0x6f: {  	v49 =	vsel vm0, $0x10, v34;
	v48 =	vor.u32 v1, v47;
	[tilespmem:$0x1A210] =	vst v46  }
0x70: {  	v51 =	vsel vm0, $0x18, v36;
	v50 =	vor.u32 v1, v49;
	[tilespmem:$0x1A510] =	vst v48  }
0x71: {  	v52 =	vor.u32 v1, v51;
	[tilespmem:$0x1A810] =	vst v50  }
0x72: {  	[tilespmem:$0x1AB10] =	vst v52  }
0x73: {  	v40 =	vld.idx.msk [tilespmem:v38+s3+$0x0], $0xffff  }
0x74: {  	v53 =	vld.idx.msk [tilespmem:v38+s5+$0x0], $0xffff;
	_ =	sdelay $0x4  }
0x75: {  	v54 =	vsub.f32 v40, v53;
	v40 =	vadd.f32 v53, v40;
	_ =	sdelay $0x1  }
0x76: {  	v41 =	vsub.f32 v40, v54;
	_ =	sdelay $0x1  }
0x77: {  	v41 =	vmax.f32 v41, $9.999999970e-07  }
0x78: {  	(erf) = vrcp.f32 v41;
	_ =	sdelay $0x7  }
0x79: {  	v55 =	vsub.f32 $0.0e+00, v54  }
0x7a: {  	v56 =	vpop (erf)  }
0x7b: {  	v41 =	vmul.f32 v56, v55  }
0x7c: {  	v57 =	vld [tilespmem:$0x1A020]  }
0x7d: {  	v41 =	vmax.f32 v41, $0.0e+00  }
0x7e: {  	vm4 =	vle.f32 v40, $0.0e+00;
	vm5 =	vgt.f32 v54, $0.0e+00;
	v41 =	vmin.f32 v41, $1.000000000e+00  }
0x7f: {  	v58 =	vmin.f32 v40, $0.0e+00;
	v59 =	vmax.f32 v54, $0.0e+00;
	v41 =	vsel vm5, $0x0, v41  }
0x80: {  	v60 =	vadd.f32 v58, v54;
	v61 =	vadd.f32 v59, v40;
	v41 =	vsel vm4, $0x3F800000, v41  }
0x81: {  	v62 =	vsub.f32 v58, v54;
	v40 =	vsub.f32 v40, v59;
	vm0 =	vlt.f32 v57, v41  }
0x82: {  	v63 =	vsel vm0, v60, v61  }
0x83: {  	v40 =	vsel vm0, v62, v40;
	v42 =	vmul.f32 $5.000000000e-01, v63  }
0x84: {  	v40 =	vmul.f32 $5.000000000e-01, v40  }
0x85: {  	v45 =	vsel vm0, $0x0, v33;
	[tilespmem:v38+s3+$0x0] =	vst.idx.msk $0xffff, v42  }
0x86: {  	v47 =	vsel vm0, $0x8, v35;
	v46 =	vor.u32 v2, v45;
	[tilespmem:v38+s5+$0x0] =	vst.idx.msk $0xffff, v40  }
0x87: {  	v49 =	vsel vm0, $0x10, v34;
	v48 =	vor.u32 v2, v47;
	[tilespmem:$0x1A220] =	vst v46  }
0x88: {  	v51 =	vsel vm0, $0x18, v36;
	v50 =	vor.u32 v2, v49;
	[tilespmem:$0x1A520] =	vst v48  }
0x89: {  	v52 =	vor.u32 v2, v51;
	[tilespmem:$0x1A820] =	vst v50  }
0x8a: {  	[tilespmem:$0x1AB20] =	vst v52  }
0x8b: {  	v40 =	vld.idx.msk [tilespmem:v39+s3+$0x0], $0xffff  }
0x8c: {  	v53 =	vld.idx.msk [tilespmem:v39+s5+$0x0], $0xffff;
	_ =	sdelay $0x4  }
0x8d: {  	v54 =	vsub.f32 v40, v53;
	v40 =	vadd.f32 v53, v40;
	_ =	sdelay $0x1  }
0x8e: {  	v41 =	vsub.f32 v40, v54;
	_ =	sdelay $0x1  }
0x8f: {  	v41 =	vmax.f32 v41, $9.999999970e-07  }
0x90: {  	(erf) = vrcp.f32 v41;
	_ =	sdelay $0x7  }
0x91: {  	v55 =	vsub.f32 $0.0e+00, v54  }
0x92: {  	v56 =	vpop (erf)  }
0x93: {  	v41 =	vmul.f32 v56, v55  }
0x94: {  	v57 =	vld [tilespmem:$0x1A030]  }
0x95: {  	v41 =	vmax.f32 v41, $0.0e+00  }
0x96: {  	vm6 =	vle.f32 v40, $0.0e+00;
	vm7 =	vgt.f32 v54, $0.0e+00;
	v41 =	vmin.f32 v41, $1.000000000e+00  }
0x97: {  	v58 =	vmin.f32 v40, $0.0e+00;
	v59 =	vmax.f32 v54, $0.0e+00;
	v41 =	vsel vm7, $0x0, v41  }
0x98: {  	v60 =	vadd.f32 v58, v54;
	v61 =	vadd.f32 v59, v40;
	v41 =	vsel vm6, $0x3F800000, v41  }
0x99: {  	v62 =	vsub.f32 v58, v54;
	v40 =	vsub.f32 v40, v59;
	vm0 =	vlt.f32 v57, v41  }
0x9a: {  	v63 =	vsel vm0, v60, v61  }
0x9b: {  	v40 =	vsel vm0, v62, v40;
	v42 =	vmul.f32 $5.000000000e-01, v63  }
0x9c: {  	v40 =	vmul.f32 $5.000000000e-01, v40  }
0x9d: {  	v44 =	vsel vm0, $0x0, v33;
	[tilespmem:v39+s3+$0x0] =	vst.idx.msk $0xffff, v42  }
0x9e: {  	v46 =	vsel vm0, $0x8, v35;
	v45 =	vor.u32 v3, v44;
	[tilespmem:v39+s5+$0x0] =	vst.idx.msk $0xffff, v40  }
0x9f: {  	v48 =	vsel vm0, $0x10, v34;
	v47 =	vor.u32 v3, v46;
	[tilespmem:$0x1A230] =	vst v45  }
0xa0: {  	v50 =	vsel vm0, $0x18, v36;
	v49 =	vor.u32 v3, v48;
	[tilespmem:$0x1A530] =	vst v47  }
0xa1: {  	v51 =	vor.u32 v3, v50;
	[tilespmem:$0x1A830] =	vst v49  }
0xa2: {  	s22 =	simm.s32 $0x1A200;
	[tilespmem:$0x1AB30] =	vst v51  }
0xa3: {  	[hbm4b:s2+s11] =	stream.indirect.scatter [tilespmem:s3], [sflag:$0x7], $0x80, s22, s11, $0xb8;
	[tilespmem:$0x1AE00] =	vst v63  }
0xa4: {  	s22 =	simm.s32 $0x1A500  }
0xa5: {  	[hbm4b:s2+s11] =	stream.indirect.scatter [tilespmem:s5], [sflag:$0x7], $0x80, s22, s11, $0xb8;
	[tilespmem:$0x1AE00] =	vst v63  }
0xa6: {  	s22 =	simm.s32 $0x1A800  }
0xa7: {  	[hbm4b:s2+s11] =	stream.indirect.scatter [tilespmem:s6], [sflag:$0x7], $0x80, s22, s11, $0xb8;
	[tilespmem:$0x1AE00] =	vst v63  }
0xa8: {  	s22 =	simm.s32 $0x1AB00  }
0xa9: {  	[hbm4b:s2+s11] =	stream.indirect.scatter [tilespmem:s6], [sflag:$0x7], $0x80, s22, s11, $0xb8;
	[tilespmem:$0x1AE00] =	vst v63  }
0xaa: {  	s21 =	rddreg [dreg:$0xb]  }
0xab: {  	[tilespmem:s16], [sflag:$0x3] =	stream.linear.gather [hbm4b:s21+s3], $0x2000, $0x38;
	[tilespmem:$0x1AE00] =	vst v63  }
0xac: {  	s22 =	rddreg [dreg:$0xc]  }
0xad: {  	[tilespmem:s17], [sflag:$0x3] =	stream.linear.gather [hbm4b:s22+s3], $0x2000, $0x38;
	[tilespmem:$0x1AE00] =	vst v63  }
0xae: {  	_ =	swait.ge [sflag:s18], $0x2000  }
0xaf: {  	[sflag:s18] =	ssyncset.done $0x0  }
0xb0: {  	[sflag:s18] =	ssyncadd.s32 $0xFFFFE000  }
0xb1: {  	_ =	swait.ge [sflag:s18], $0x2000  }
0xb2: {  	[sflag:s18] =	ssyncset.done $0x0  }
0xb3: {  	[sflag:s18] =	ssyncadd.s32 $0xFFFFE000  }
0xb4: {  	v52 =	vld.idx.msk [tilespmem:v32+s8+$0x0], $0xffff  }
0xb5: {  	v53 =	vld.idx.msk [tilespmem:v32+s9+$0x0], $0xffff;
	_ =	sdelay $0x4  }
0xb6: {  	v54 =	vsub.f32 v52, v53;
	v40 =	vadd.f32 v53, v52;
	_ =	sdelay $0x1  }
0xb7: {  	v41 =	vsub.f32 v40, v54;
	_ =	sdelay $0x1  }
0xb8: {  	v41 =	vmax.f32 v41, $9.999999970e-07  }
0xb9: {  	(erf) = vrcp.f32 v41;
	_ =	sdelay $0x7  }
0xba: {  	v55 =	vsub.f32 $0.0e+00, v54  }
0xbb: {  	v56 =	vpop (erf)  }
0xbc: {  	v41 =	vmul.f32 v56, v55  }
0xbd: {  	v57 =	vld [tilespmem:$0x1A040]  }
0xbe: {  	v41 =	vmax.f32 v41, $0.0e+00  }
0xbf: {  	vm8 =	vle.f32 v40, $0.0e+00;
	vm9 =	vgt.f32 v54, $0.0e+00;
	v41 =	vmin.f32 v41, $1.000000000e+00  }
0xc0: {  	v58 =	vmin.f32 v40, $0.0e+00;
	v59 =	vmax.f32 v54, $0.0e+00;
	v41 =	vsel vm9, $0x0, v41  }
0xc1: {  	v60 =	vadd.f32 v58, v54;
	v61 =	vadd.f32 v59, v40;
	v41 =	vsel vm8, $0x3F800000, v41  }
0xc2: {  	v62 =	vsub.f32 v58, v54;
	v40 =	vsub.f32 v40, v59;
	vm0 =	vlt.f32 v57, v41  }
0xc3: {  	v63 =	vsel vm0, v60, v61  }
0xc4: {  	v40 =	vsel vm0, v62, v40;
	v42 =	vmul.f32 $5.000000000e-01, v63  }
0xc5: {  	v40 =	vmul.f32 $5.000000000e-01, v40  }
0xc6: {  	v45 =	vsel vm0, $0x0, v33;
	[tilespmem:v32+s8+$0x0] =	vst.idx.msk $0xffff, v42  }
0xc7: {  	v47 =	vsel vm0, $0x8, v35;
	v46 =	vor.u32 v4, v45;
	[tilespmem:v32+s9+$0x0] =	vst.idx.msk $0xffff, v40  }
0xc8: {  	v49 =	vsel vm0, $0x10, v34;
	v48 =	vor.u32 v4, v47;
	[tilespmem:$0x1A280] =	vst v46  }
0xc9: {  	v51 =	vsel vm0, $0x18, v36;
	v50 =	vor.u32 v4, v49;
	[tilespmem:$0x1A580] =	vst v48  }
0xca: {  	v52 =	vor.u32 v4, v51;
	[tilespmem:$0x1A880] =	vst v50  }
0xcb: {  	[tilespmem:$0x1AB80] =	vst v52  }
0xcc: {  	v40 =	vld.idx.msk [tilespmem:v37+s8+$0x0], $0xffff  }
0xcd: {  	v53 =	vld.idx.msk [tilespmem:v37+s9+$0x0], $0xffff;
	_ =	sdelay $0x4  }
0xce: {  	v54 =	vsub.f32 v40, v53;
	v40 =	vadd.f32 v53, v40;
	_ =	sdelay $0x1  }
0xcf: {  	v41 =	vsub.f32 v40, v54;
	_ =	sdelay $0x1  }
0xd0: {  	v41 =	vmax.f32 v41, $9.999999970e-07  }
0xd1: {  	(erf) = vrcp.f32 v41;
	_ =	sdelay $0x7  }
0xd2: {  	v55 =	vsub.f32 $0.0e+00, v54  }
0xd3: {  	v56 =	vpop (erf)  }
0xd4: {  	v41 =	vmul.f32 v56, v55  }
0xd5: {  	v57 =	vld [tilespmem:$0x1A050]  }
0xd6: {  	v41 =	vmax.f32 v41, $0.0e+00  }
0xd7: {  	vm10 =	vle.f32 v40, $0.0e+00;
	vm11 =	vgt.f32 v54, $0.0e+00;
	v41 =	vmin.f32 v41, $1.000000000e+00  }
0xd8: {  	v58 =	vmin.f32 v40, $0.0e+00;
	v59 =	vmax.f32 v54, $0.0e+00;
	v41 =	vsel vm11, $0x0, v41  }
0xd9: {  	v60 =	vadd.f32 v58, v54;
	v61 =	vadd.f32 v59, v40;
	v41 =	vsel vm10, $0x3F800000, v41  }
0xda: {  	v62 =	vsub.f32 v58, v54;
	v40 =	vsub.f32 v40, v59;
	vm0 =	vlt.f32 v57, v41  }
0xdb: {  	v63 =	vsel vm0, v60, v61  }
0xdc: {  	v40 =	vsel vm0, v62, v40;
	v42 =	vmul.f32 $5.000000000e-01, v63  }
0xdd: {  	v40 =	vmul.f32 $5.000000000e-01, v40  }
0xde: {  	v45 =	vsel vm0, $0x0, v33;
	[tilespmem:v37+s8+$0x0] =	vst.idx.msk $0xffff, v42  }
0xdf: {  	v47 =	vsel vm0, $0x8, v35;
	v46 =	vor.u32 v5, v45;
	[tilespmem:v37+s9+$0x0] =	vst.idx.msk $0xffff, v40  }
0xe0: {  	v49 =	vsel vm0, $0x10, v34;
	v48 =	vor.u32 v5, v47;
	[tilespmem:$0x1A290] =	vst v46  }
0xe1: {  	v51 =	vsel vm0, $0x18, v36;
	v50 =	vor.u32 v5, v49;
	[tilespmem:$0x1A590] =	vst v48  }
0xe2: {  	v52 =	vor.u32 v5, v51;
	[tilespmem:$0x1A890] =	vst v50  }
0xe3: {  	[tilespmem:$0x1AB90] =	vst v52  }
0xe4: {  	v40 =	vld.idx.msk [tilespmem:v38+s8+$0x0], $0xffff  }
0xe5: {  	v53 =	vld.idx.msk [tilespmem:v38+s9+$0x0], $0xffff;
	_ =	sdelay $0x4  }
0xe6: {  	v54 =	vsub.f32 v40, v53;
	v40 =	vadd.f32 v53, v40;
	_ =	sdelay $0x1  }
0xe7: {  	v41 =	vsub.f32 v40, v54;
	_ =	sdelay $0x1  }
0xe8: {  	v41 =	vmax.f32 v41, $9.999999970e-07  }
0xe9: {  	(erf) = vrcp.f32 v41;
	_ =	sdelay $0x7  }
0xea: {  	v55 =	vsub.f32 $0.0e+00, v54  }
0xeb: {  	v56 =	vpop (erf)  }
0xec: {  	v41 =	vmul.f32 v56, v55  }
0xed: {  	v57 =	vld [tilespmem:$0x1A060]  }
0xee: {  	v41 =	vmax.f32 v41, $0.0e+00  }
0xef: {  	vm12 =	vle.f32 v40, $0.0e+00;
	vm13 =	vgt.f32 v54, $0.0e+00;
	v41 =	vmin.f32 v41, $1.000000000e+00  }
0xf0: {  	v58 =	vmin.f32 v40, $0.0e+00;
	v59 =	vmax.f32 v54, $0.0e+00;
	v41 =	vsel vm13, $0x0, v41  }
0xf1: {  	v60 =	vadd.f32 v58, v54;
	v61 =	vadd.f32 v59, v40;
	v41 =	vsel vm12, $0x3F800000, v41  }
0xf2: {  	v62 =	vsub.f32 v58, v54;
	v40 =	vsub.f32 v40, v59;
	vm0 =	vlt.f32 v57, v41  }
0xf3: {  	v63 =	vsel vm0, v60, v61  }
0xf4: {  	v40 =	vsel vm0, v62, v40;
	v42 =	vmul.f32 $5.000000000e-01, v63  }
0xf5: {  	v40 =	vmul.f32 $5.000000000e-01, v40  }
0xf6: {  	v45 =	vsel vm0, $0x0, v33;
	[tilespmem:v38+s8+$0x0] =	vst.idx.msk $0xffff, v42  }
0xf7: {  	v47 =	vsel vm0, $0x8, v35;
	v46 =	vor.u32 v6, v45;
	[tilespmem:v38+s9+$0x0] =	vst.idx.msk $0xffff, v40  }
0xf8: {  	v49 =	vsel vm0, $0x10, v34;
	v48 =	vor.u32 v6, v47;
	[tilespmem:$0x1A2A0] =	vst v46  }
0xf9: {  	v51 =	vsel vm0, $0x18, v36;
	v50 =	vor.u32 v6, v49;
	[tilespmem:$0x1A5A0] =	vst v48  }
0xfa: {  	v52 =	vor.u32 v6, v51;
	[tilespmem:$0x1A8A0] =	vst v50  }
0xfb: {  	[tilespmem:$0x1ABA0] =	vst v52  }
0xfc: {  	v40 =	vld.idx.msk [tilespmem:v39+s8+$0x0], $0xffff  }
0xfd: {  	v53 =	vld.idx.msk [tilespmem:v39+s9+$0x0], $0xffff;
	_ =	sdelay $0x4  }
0xfe: {  	v54 =	vsub.f32 v40, v53;
	v40 =	vadd.f32 v53, v40;
	_ =	sdelay $0x1  }
0xff: {  	v41 =	vsub.f32 v40, v54;
	_ =	sdelay $0x1  }
0x100: {  	v41 =	vmax.f32 v41, $9.999999970e-07  }
0x101: {  	(erf) = vrcp.f32 v41;
	_ =	sdelay $0x7  }
0x102: {  	v55 =	vsub.f32 $0.0e+00, v54  }
0x103: {  	v56 =	vpop (erf)  }
0x104: {  	v41 =	vmul.f32 v56, v55  }
0x105: {  	v57 =	vld [tilespmem:$0x1A070]  }
0x106: {  	v41 =	vmax.f32 v41, $0.0e+00  }
0x107: {  	vm14 =	vle.f32 v40, $0.0e+00;
	vm15 =	vgt.f32 v54, $0.0e+00;
	v41 =	vmin.f32 v41, $1.000000000e+00  }
0x108: {  	v58 =	vmin.f32 v40, $0.0e+00;
	v59 =	vmax.f32 v54, $0.0e+00;
	v41 =	vsel vm15, $0x0, v41  }
0x109: {  	v60 =	vadd.f32 v58, v54;
	v61 =	vadd.f32 v59, v40;
	v41 =	vsel vm14, $0x3F800000, v41  }
0x10a: {  	v62 =	vsub.f32 v58, v54;
	v40 =	vsub.f32 v40, v59;
	vm0 =	vlt.f32 v57, v41  }
0x10b: {  	v63 =	vsel vm0, v60, v61  }
0x10c: {  	v40 =	vsel vm0, v62, v40;
	v42 =	vmul.f32 $5.000000000e-01, v63  }
0x10d: {  	v40 =	vmul.f32 $5.000000000e-01, v40  }
0x10e: {  	v44 =	vsel vm0, $0x0, v33;
	[tilespmem:v39+s8+$0x0] =	vst.idx.msk $0xffff, v42  }
0x10f: {  	v46 =	vsel vm0, $0x8, v35;
	v45 =	vor.u32 v7, v44;
	[tilespmem:v39+s9+$0x0] =	vst.idx.msk $0xffff, v40  }
0x110: {  	v48 =	vsel vm0, $0x10, v34;
	v47 =	vor.u32 v7, v46;
	[tilespmem:$0x1A2B0] =	vst v45  }
0x111: {  	v50 =	vsel vm0, $0x18, v36;
	v49 =	vor.u32 v7, v48;
	[tilespmem:$0x1A5B0] =	vst v47  }
0x112: {  	v51 =	vor.u32 v7, v50;
	[tilespmem:$0x1A8B0] =	vst v49  }
0x113: {  	s22 =	simm.s32 $0x1A280;
	[tilespmem:$0x1ABB0] =	vst v51  }
0x114: {  	[hbm4b:s2+s11] =	stream.indirect.scatter [tilespmem:s8], [sflag:$0x8], $0x80, s22, s11, $0xb8;
	[tilespmem:$0x1AE00] =	vst v63  }
0x115: {  	s22 =	simm.s32 $0x1A580  }
0x116: {  	[hbm4b:s2+s11] =	stream.indirect.scatter [tilespmem:s9], [sflag:$0x8], $0x80, s22, s11, $0xb8;
	[tilespmem:$0x1AE00] =	vst v63  }
0x117: {  	s22 =	simm.s32 $0x1A880  }
0x118: {  	[hbm4b:s2+s11] =	stream.indirect.scatter [tilespmem:s6], [sflag:$0x8], $0x80, s22, s11, $0xb8;
	[tilespmem:$0x1AE00] =	vst v63  }
0x119: {  	s22 =	simm.s32 $0x1AB80  }
0x11a: {  	[hbm4b:s2+s11] =	stream.indirect.scatter [tilespmem:s6], [sflag:$0x8], $0x80, s22, s11, $0xb8;
	[tilespmem:$0x1AE00] =	vst v63  }
0x11b: {  	s21 =	rddreg [dreg:$0xd]  }
0x11c: {  	[tilespmem:s23], [sflag:$0x4] =	stream.linear.gather [hbm4b:s21+s3], $0x2000, $0x38;
	[tilespmem:$0x1AE00] =	vst v63  }
0x11d: {  	s22 =	rddreg [dreg:$0xe]  }
0x11e: {  	[tilespmem:s24], [sflag:$0x4] =	stream.linear.gather [hbm4b:s22+s3], $0x2000, $0x38;
	[tilespmem:$0x1AE00] =	vst v63  }
0x11f: {  	_ =	swait.ge [sflag:s25], $0x2000  }
0x120: {  	[sflag:s25] =	ssyncset.done $0x0  }
0x121: {  	[sflag:s25] =	ssyncadd.s32 $0xFFFFE000  }
0x122: {  	_ =	swait.ge [sflag:s25], $0x2000  }
0x123: {  	[sflag:s25] =	ssyncset.done $0x0  }
0x124: {  	[sflag:s25] =	ssyncadd.s32 $0xFFFFE000  }
0x125: {  	v52 =	vld.idx.msk [tilespmem:v32+s16+$0x0], $0xffff  }
0x126: {  	v53 =	vld.idx.msk [tilespmem:v32+s17+$0x0], $0xffff;
	_ =	sdelay $0x4  }
0x127: {  	v54 =	vsub.f32 v52, v53;
	v40 =	vadd.f32 v53, v52;
	_ =	sdelay $0x1  }
0x128: {  	v41 =	vsub.f32 v40, v54;
	_ =	sdelay $0x1  }
0x129: {  	v41 =	vmax.f32 v41, $9.999999970e-07  }
0x12a: {  	(erf) = vrcp.f32 v41;
	_ =	sdelay $0x7  }
0x12b: {  	v55 =	vsub.f32 $0.0e+00, v54  }
0x12c: {  	v56 =	vpop (erf)  }
0x12d: {  	v41 =	vmul.f32 v56, v55  }
0x12e: {  	v57 =	vld [tilespmem:$0x1A080]  }
0x12f: {  	v41 =	vmax.f32 v41, $0.0e+00  }
0x130: {  	vm4 =	vle.f32 v40, $0.0e+00;
	vm5 =	vgt.f32 v54, $0.0e+00;
	v41 =	vmin.f32 v41, $1.000000000e+00  }
0x131: {  	v58 =	vmin.f32 v40, $0.0e+00;
	v59 =	vmax.f32 v54, $0.0e+00;
	v41 =	vsel vm5, $0x0, v41  }
0x132: {  	v60 =	vadd.f32 v58, v54;
	v61 =	vadd.f32 v59, v40;
	v41 =	vsel vm4, $0x3F800000, v41  }
0x133: {  	v62 =	vsub.f32 v58, v54;
	v40 =	vsub.f32 v40, v59;
	vm0 =	vlt.f32 v57, v41  }
0x134: {  	v63 =	vsel vm0, v60, v61  }
0x135: {  	v40 =	vsel vm0, v62, v40;
	v42 =	vmul.f32 $5.000000000e-01, v63  }
0x136: {  	v40 =	vmul.f32 $5.000000000e-01, v40  }
0x137: {  	v45 =	vsel vm0, $0x0, v33;
	[tilespmem:v32+s16+$0x0] =	vst.idx.msk $0xffff, v42  }
0x138: {  	v47 =	vsel vm0, $0x8, v35;
	v46 =	vor.u32 v8, v45;
	[tilespmem:v32+s17+$0x0] =	vst.idx.msk $0xffff, v40  }
0x139: {  	v49 =	vsel vm0, $0x10, v34;
	v48 =	vor.u32 v8, v47;
	[tilespmem:$0x1A300] =	vst v46  }
0x13a: {  	v51 =	vsel vm0, $0x18, v36;
	v50 =	vor.u32 v8, v49;
	[tilespmem:$0x1A600] =	vst v48  }
0x13b: {  	v52 =	vor.u32 v8, v51;
	[tilespmem:$0x1A900] =	vst v50  }
0x13c: {  	[tilespmem:$0x1AC00] =	vst v52  }
0x13d: {  	v40 =	vld.idx.msk [tilespmem:v37+s16+$0x0], $0xffff  }
0x13e: {  	v53 =	vld.idx.msk [tilespmem:v37+s17+$0x0], $0xffff;
	_ =	sdelay $0x4  }
0x13f: {  	v54 =	vsub.f32 v40, v53;
	v40 =	vadd.f32 v53, v40;
	_ =	sdelay $0x1  }
0x140: {  	v41 =	vsub.f32 v40, v54;
	_ =	sdelay $0x1  }
0x141: {  	v41 =	vmax.f32 v41, $9.999999970e-07  }
0x142: {  	(erf) = vrcp.f32 v41;
	_ =	sdelay $0x7  }
0x143: {  	v55 =	vsub.f32 $0.0e+00, v54  }
0x144: {  	v56 =	vpop (erf)  }
0x145: {  	v41 =	vmul.f32 v56, v55  }
0x146: {  	v57 =	vld [tilespmem:$0x1A090]  }
0x147: {  	v41 =	vmax.f32 v41, $0.0e+00  }
0x148: {  	vm6 =	vle.f32 v40, $0.0e+00;
	vm7 =	vgt.f32 v54, $0.0e+00;
	v41 =	vmin.f32 v41, $1.000000000e+00  }
0x149: {  	v58 =	vmin.f32 v40, $0.0e+00;
	v59 =	vmax.f32 v54, $0.0e+00;
	v41 =	vsel vm7, $0x0, v41  }
0x14a: {  	v60 =	vadd.f32 v58, v54;
	v61 =	vadd.f32 v59, v40;
	v41 =	vsel vm6, $0x3F800000, v41  }
0x14b: {  	v62 =	vsub.f32 v58, v54;
	v40 =	vsub.f32 v40, v59;
	vm0 =	vlt.f32 v57, v41  }
0x14c: {  	v63 =	vsel vm0, v60, v61  }
0x14d: {  	v40 =	vsel vm0, v62, v40;
	v42 =	vmul.f32 $5.000000000e-01, v63  }
0x14e: {  	v40 =	vmul.f32 $5.000000000e-01, v40  }
0x14f: {  	v45 =	vsel vm0, $0x0, v33;
	[tilespmem:v37+s16+$0x0] =	vst.idx.msk $0xffff, v42  }
0x150: {  	v47 =	vsel vm0, $0x8, v35;
	v46 =	vor.u32 v9, v45;
	[tilespmem:v37+s17+$0x0] =	vst.idx.msk $0xffff, v40  }
0x151: {  	v49 =	vsel vm0, $0x10, v34;
	v48 =	vor.u32 v9, v47;
	[tilespmem:$0x1A310] =	vst v46  }
0x152: {  	v51 =	vsel vm0, $0x18, v36;
	v50 =	vor.u32 v9, v49;
	[tilespmem:$0x1A610] =	vst v48  }
0x153: {  	v52 =	vor.u32 v9, v51;
	[tilespmem:$0x1A910] =	vst v50  }
0x154: {  	[tilespmem:$0x1AC10] =	vst v52  }
0x155: {  	v40 =	vld.idx.msk [tilespmem:v38+s16+$0x0], $0xffff  }
0x156: {  	v53 =	vld.idx.msk [tilespmem:v38+s17+$0x0], $0xffff;
	_ =	sdelay $0x4  }
0x157: {  	v54 =	vsub.f32 v40, v53;
	v40 =	vadd.f32 v53, v40;
	_ =	sdelay $0x1  }
0x158: {  	v41 =	vsub.f32 v40, v54;
	_ =	sdelay $0x1  }
0x159: {  	v41 =	vmax.f32 v41, $9.999999970e-07  }
0x15a: {  	(erf) = vrcp.f32 v41;
	_ =	sdelay $0x7  }
0x15b: {  	v55 =	vsub.f32 $0.0e+00, v54  }
0x15c: {  	v56 =	vpop (erf)  }
0x15d: {  	v41 =	vmul.f32 v56, v55  }
0x15e: {  	v57 =	vld [tilespmem:$0x1A0A0]  }
0x15f: {  	v41 =	vmax.f32 v41, $0.0e+00  }
0x160: {  	vm8 =	vle.f32 v40, $0.0e+00;
	vm9 =	vgt.f32 v54, $0.0e+00;
	v41 =	vmin.f32 v41, $1.000000000e+00  }
0x161: {  	v58 =	vmin.f32 v40, $0.0e+00;
	v59 =	vmax.f32 v54, $0.0e+00;
	v41 =	vsel vm9, $0x0, v41  }
0x162: {  	v60 =	vadd.f32 v58, v54;
	v61 =	vadd.f32 v59, v40;
	v41 =	vsel vm8, $0x3F800000, v41  }
0x163: {  	v62 =	vsub.f32 v58, v54;
	v40 =	vsub.f32 v40, v59;
	vm0 =	vlt.f32 v57, v41  }
0x164: {  	v63 =	vsel vm0, v60, v61  }
0x165: {  	v40 =	vsel vm0, v62, v40;
	v42 =	vmul.f32 $5.000000000e-01, v63  }
0x166: {  	v40 =	vmul.f32 $5.000000000e-01, v40  }
0x167: {  	v45 =	vsel vm0, $0x0, v33;
	[tilespmem:v38+s16+$0x0] =	vst.idx.msk $0xffff, v42  }
0x168: {  	v47 =	vsel vm0, $0x8, v35;
	v46 =	vor.u32 v10, v45;
	[tilespmem:v38+s17+$0x0] =	vst.idx.msk $0xffff, v40  }
0x169: {  	v49 =	vsel vm0, $0x10, v34;
	v48 =	vor.u32 v10, v47;
	[tilespmem:$0x1A320] =	vst v46  }
0x16a: {  	v51 =	vsel vm0, $0x18, v36;
	v50 =	vor.u32 v10, v49;
	[tilespmem:$0x1A620] =	vst v48  }
0x16b: {  	v52 =	vor.u32 v10, v51;
	[tilespmem:$0x1A920] =	vst v50  }
0x16c: {  	[tilespmem:$0x1AC20] =	vst v52  }
0x16d: {  	v40 =	vld.idx.msk [tilespmem:v39+s16+$0x0], $0xffff  }
0x16e: {  	v53 =	vld.idx.msk [tilespmem:v39+s17+$0x0], $0xffff;
	_ =	sdelay $0x4  }
0x16f: {  	v54 =	vsub.f32 v40, v53;
	v40 =	vadd.f32 v53, v40;
	_ =	sdelay $0x1  }
0x170: {  	v41 =	vsub.f32 v40, v54;
	_ =	sdelay $0x1  }
0x171: {  	v41 =	vmax.f32 v41, $9.999999970e-07  }
0x172: {  	(erf) = vrcp.f32 v41;
	_ =	sdelay $0x7  }
0x173: {  	v55 =	vsub.f32 $0.0e+00, v54  }
0x174: {  	v56 =	vpop (erf)  }
0x175: {  	v41 =	vmul.f32 v56, v55  }
0x176: {  	v57 =	vld [tilespmem:$0x1A0B0]  }
0x177: {  	v41 =	vmax.f32 v41, $0.0e+00  }
0x178: {  	vm10 =	vle.f32 v40, $0.0e+00;
	vm11 =	vgt.f32 v54, $0.0e+00;
	v41 =	vmin.f32 v41, $1.000000000e+00  }
0x179: {  	v58 =	vmin.f32 v40, $0.0e+00;
	v59 =	vmax.f32 v54, $0.0e+00;
	v41 =	vsel vm11, $0x0, v41  }
0x17a: {  	v60 =	vadd.f32 v58, v54;
	v61 =	vadd.f32 v59, v40;
	v41 =	vsel vm10, $0x3F800000, v41  }
0x17b: {  	v62 =	vsub.f32 v58, v54;
	v40 =	vsub.f32 v40, v59;
	vm0 =	vlt.f32 v57, v41  }
0x17c: {  	v63 =	vsel vm0, v60, v61  }
0x17d: {  	v40 =	vsel vm0, v62, v40;
	v42 =	vmul.f32 $5.000000000e-01, v63  }
0x17e: {  	v40 =	vmul.f32 $5.000000000e-01, v40  }
0x17f: {  	v44 =	vsel vm0, $0x0, v33;
	[tilespmem:v39+s16+$0x0] =	vst.idx.msk $0xffff, v42  }
0x180: {  	v46 =	vsel vm0, $0x8, v35;
	v45 =	vor.u32 v11, v44;
	[tilespmem:v39+s17+$0x0] =	vst.idx.msk $0xffff, v40  }
0x181: {  	v48 =	vsel vm0, $0x10, v34;
	v47 =	vor.u32 v11, v46;
	[tilespmem:$0x1A330] =	vst v45  }
0x182: {  	v50 =	vsel vm0, $0x18, v36;
	v49 =	vor.u32 v11, v48;
	[tilespmem:$0x1A630] =	vst v47  }
0x183: {  	v51 =	vor.u32 v11, v50;
	[tilespmem:$0x1A930] =	vst v49  }
0x184: {  	s21 =	rddreg [dreg:$0x18];
	[tilespmem:$0x1AC30] =	vst v51  }
0x185: {  	[hbm4b:s2+s11] =	stream.indirect.scatter [tilespmem:s16], [sflag:$0x9], $0x80, s21, s11, $0xb8;
	[tilespmem:$0x1AE00] =	vst v63  }
0x186: {  	s22 =	rddreg [dreg:$0x19]  }
0x187: {  	[hbm4b:s2+s11] =	stream.indirect.scatter [tilespmem:s17], [sflag:$0x9], $0x80, s22, s11, $0xb8;
	[tilespmem:$0x1AE00] =	vst v63  }
0x188: {  	s21 =	rddreg [dreg:$0x1a]  }
0x189: {  	[hbm4b:s2+s11] =	stream.indirect.scatter [tilespmem:s6], [sflag:$0x9], $0x80, s21, s11, $0xb8;
	[tilespmem:$0x1AE00] =	vst v63  }
0x18a: {  	s22 =	rddreg [dreg:$0x1b]  }
0x18b: {  	[hbm4b:s2+s11] =	stream.indirect.scatter [tilespmem:s6], [sflag:$0x9], $0x80, s22, s11, $0xb8;
	[tilespmem:$0x1AE00] =	vst v63  }
0x18c: {  	s21 =	rddreg [dreg:$0xf]  }
0x18d: {  	[tilespmem:s26], [sflag:$0x5] =	stream.linear.gather [hbm4b:s21+s3], $0x2000, $0x38;
	[tilespmem:$0x1AE00] =	vst v63  }
0x18e: {  	s22 =	rddreg [dreg:$0x10]  }
0x18f: {  	[tilespmem:s28], [sflag:$0x5] =	stream.linear.gather [hbm4b:s22+s3], $0x2000, $0x38;
	[tilespmem:$0x1AE00] =	vst v63  }
0x190: {  	_ =	swait.ge [sflag:s29], $0x2000  }
0x191: {  	[sflag:s29] =	ssyncset.done $0x0  }
0x192: {  	[sflag:s29] =	ssyncadd.s32 $0xFFFFE000  }
0x193: {  	_ =	swait.ge [sflag:s29], $0x2000  }
0x194: {  	[sflag:s29] =	ssyncset.done $0x0  }
0x195: {  	[sflag:s29] =	ssyncadd.s32 $0xFFFFE000  }
0x196: {  	v52 =	vld.idx.msk [tilespmem:v32+s23+$0x0], $0xffff  }
0x197: {  	v53 =	vld.idx.msk [tilespmem:v32+s24+$0x0], $0xffff;
	_ =	sdelay $0x4  }
0x198: {  	v54 =	vsub.f32 v52, v53;
	v40 =	vadd.f32 v53, v52;
	_ =	sdelay $0x1  }
0x199: {  	v41 =	vsub.f32 v40, v54;
	_ =	sdelay $0x1  }
0x19a: {  	v41 =	vmax.f32 v41, $9.999999970e-07  }
0x19b: {  	(erf) = vrcp.f32 v41;
	_ =	sdelay $0x7  }
0x19c: {  	v55 =	vsub.f32 $0.0e+00, v54  }
0x19d: {  	v56 =	vpop (erf)  }
0x19e: {  	v41 =	vmul.f32 v56, v55  }
0x19f: {  	v57 =	vld [tilespmem:$0x1A0C0]  }
0x1a0: {  	v41 =	vmax.f32 v41, $0.0e+00  }
0x1a1: {  	vm12 =	vle.f32 v40, $0.0e+00;
	vm13 =	vgt.f32 v54, $0.0e+00;
	v41 =	vmin.f32 v41, $1.000000000e+00  }
0x1a2: {  	v58 =	vmin.f32 v40, $0.0e+00;
	v59 =	vmax.f32 v54, $0.0e+00;
	v41 =	vsel vm13, $0x0, v41  }
0x1a3: {  	v60 =	vadd.f32 v58, v54;
	v61 =	vadd.f32 v59, v40;
	v41 =	vsel vm12, $0x3F800000, v41  }
0x1a4: {  	v62 =	vsub.f32 v58, v54;
	v40 =	vsub.f32 v40, v59;
	vm0 =	vlt.f32 v57, v41  }
0x1a5: {  	v63 =	vsel vm0, v60, v61  }
0x1a6: {  	v40 =	vsel vm0, v62, v40;
	v42 =	vmul.f32 $5.000000000e-01, v63  }
0x1a7: {  	v40 =	vmul.f32 $5.000000000e-01, v40  }
0x1a8: {  	v45 =	vsel vm0, $0x0, v33;
	[tilespmem:v32+s23+$0x0] =	vst.idx.msk $0xffff, v42  }
0x1a9: {  	v47 =	vsel vm0, $0x8, v35;
	v46 =	vor.u32 v12, v45;
	[tilespmem:v32+s24+$0x0] =	vst.idx.msk $0xffff, v40  }
0x1aa: {  	v49 =	vsel vm0, $0x10, v34;
	v48 =	vor.u32 v12, v47;
	[tilespmem:$0x1A380] =	vst v46  }
0x1ab: {  	v51 =	vsel vm0, $0x18, v36;
	v50 =	vor.u32 v12, v49;
	[tilespmem:$0x1A680] =	vst v48  }
0x1ac: {  	v52 =	vor.u32 v12, v51;
	[tilespmem:$0x1A980] =	vst v50  }
0x1ad: {  	[tilespmem:$0x1AC80] =	vst v52  }
0x1ae: {  	v40 =	vld.idx.msk [tilespmem:v37+s23+$0x0], $0xffff  }
0x1af: {  	v53 =	vld.idx.msk [tilespmem:v37+s24+$0x0], $0xffff;
	_ =	sdelay $0x4  }
0x1b0: {  	v54 =	vsub.f32 v40, v53;
	v40 =	vadd.f32 v53, v40;
	_ =	sdelay $0x1  }
0x1b1: {  	v41 =	vsub.f32 v40, v54;
	_ =	sdelay $0x1  }
0x1b2: {  	v41 =	vmax.f32 v41, $9.999999970e-07  }
0x1b3: {  	(erf) = vrcp.f32 v41;
	_ =	sdelay $0x7  }
0x1b4: {  	v55 =	vsub.f32 $0.0e+00, v54  }
0x1b5: {  	v56 =	vpop (erf)  }
0x1b6: {  	v41 =	vmul.f32 v56, v55  }
0x1b7: {  	v57 =	vld [tilespmem:$0x1A0D0]  }
0x1b8: {  	v41 =	vmax.f32 v41, $0.0e+00  }
0x1b9: {  	vm14 =	vle.f32 v40, $0.0e+00;
	vm15 =	vgt.f32 v54, $0.0e+00;
	v41 =	vmin.f32 v41, $1.000000000e+00  }
0x1ba: {  	v58 =	vmin.f32 v40, $0.0e+00;
	v59 =	vmax.f32 v54, $0.0e+00;
	v41 =	vsel vm15, $0x0, v41  }
0x1bb: {  	v60 =	vadd.f32 v58, v54;
	v61 =	vadd.f32 v59, v40;
	v41 =	vsel vm14, $0x3F800000, v41  }
0x1bc: {  	v62 =	vsub.f32 v58, v54;
	v40 =	vsub.f32 v40, v59;
	vm0 =	vlt.f32 v57, v41  }
0x1bd: {  	v63 =	vsel vm0, v60, v61  }
0x1be: {  	v40 =	vsel vm0, v62, v40;
	v42 =	vmul.f32 $5.000000000e-01, v63  }
0x1bf: {  	v40 =	vmul.f32 $5.000000000e-01, v40  }
0x1c0: {  	v45 =	vsel vm0, $0x0, v33;
	[tilespmem:v37+s23+$0x0] =	vst.idx.msk $0xffff, v42  }
0x1c1: {  	v47 =	vsel vm0, $0x8, v35;
	v46 =	vor.u32 v13, v45;
	[tilespmem:v37+s24+$0x0] =	vst.idx.msk $0xffff, v40  }
0x1c2: {  	v49 =	vsel vm0, $0x10, v34;
	v48 =	vor.u32 v13, v47;
	[tilespmem:$0x1A390] =	vst v46  }
0x1c3: {  	v51 =	vsel vm0, $0x18, v36;
	v50 =	vor.u32 v13, v49;
	[tilespmem:$0x1A690] =	vst v48  }
0x1c4: {  	v52 =	vor.u32 v13, v51;
	[tilespmem:$0x1A990] =	vst v50  }
0x1c5: {  	[tilespmem:$0x1AC90] =	vst v52  }
0x1c6: {  	v40 =	vld.idx.msk [tilespmem:v38+s23+$0x0], $0xffff  }
0x1c7: {  	v53 =	vld.idx.msk [tilespmem:v38+s24+$0x0], $0xffff;
	_ =	sdelay $0x4  }
0x1c8: {  	v54 =	vsub.f32 v40, v53;
	v40 =	vadd.f32 v53, v40;
	_ =	sdelay $0x1  }
0x1c9: {  	v41 =	vsub.f32 v40, v54;
	_ =	sdelay $0x1  }
0x1ca: {  	v41 =	vmax.f32 v41, $9.999999970e-07  }
0x1cb: {  	(erf) = vrcp.f32 v41;
	_ =	sdelay $0x7  }
0x1cc: {  	v55 =	vsub.f32 $0.0e+00, v54  }
0x1cd: {  	v56 =	vpop (erf)  }
0x1ce: {  	v41 =	vmul.f32 v56, v55  }
0x1cf: {  	v57 =	vld [tilespmem:$0x1A0E0]  }
0x1d0: {  	v41 =	vmax.f32 v41, $0.0e+00  }
0x1d1: {  	vm4 =	vle.f32 v40, $0.0e+00;
	vm5 =	vgt.f32 v54, $0.0e+00;
	v41 =	vmin.f32 v41, $1.000000000e+00  }
0x1d2: {  	v58 =	vmin.f32 v40, $0.0e+00;
	v59 =	vmax.f32 v54, $0.0e+00;
	v41 =	vsel vm5, $0x0, v41  }
0x1d3: {  	v60 =	vadd.f32 v58, v54;
	v61 =	vadd.f32 v59, v40;
	v41 =	vsel vm4, $0x3F800000, v41  }
0x1d4: {  	v62 =	vsub.f32 v58, v54;
	v40 =	vsub.f32 v40, v59;
	vm0 =	vlt.f32 v57, v41  }
0x1d5: {  	v63 =	vsel vm0, v60, v61  }
0x1d6: {  	v40 =	vsel vm0, v62, v40;
	v42 =	vmul.f32 $5.000000000e-01, v63  }
0x1d7: {  	v40 =	vmul.f32 $5.000000000e-01, v40  }
0x1d8: {  	v45 =	vsel vm0, $0x0, v33;
	[tilespmem:v38+s23+$0x0] =	vst.idx.msk $0xffff, v42  }
0x1d9: {  	v47 =	vsel vm0, $0x8, v35;
	v46 =	vor.u32 v14, v45;
	[tilespmem:v38+s24+$0x0] =	vst.idx.msk $0xffff, v40  }
0x1da: {  	v49 =	vsel vm0, $0x10, v34;
	v48 =	vor.u32 v14, v47;
	[tilespmem:$0x1A3A0] =	vst v46  }
0x1db: {  	v51 =	vsel vm0, $0x18, v36;
	v50 =	vor.u32 v14, v49;
	[tilespmem:$0x1A6A0] =	vst v48  }
0x1dc: {  	v52 =	vor.u32 v14, v51;
	[tilespmem:$0x1A9A0] =	vst v50  }
0x1dd: {  	[tilespmem:$0x1ACA0] =	vst v52  }
0x1de: {  	v40 =	vld.idx.msk [tilespmem:v39+s23+$0x0], $0xffff  }
0x1df: {  	v53 =	vld.idx.msk [tilespmem:v39+s24+$0x0], $0xffff;
	_ =	sdelay $0x4  }
0x1e0: {  	v54 =	vsub.f32 v40, v53;
	v40 =	vadd.f32 v53, v40;
	_ =	sdelay $0x1  }
0x1e1: {  	v41 =	vsub.f32 v40, v54;
	_ =	sdelay $0x1  }
0x1e2: {  	v41 =	vmax.f32 v41, $9.999999970e-07  }
0x1e3: {  	(erf) = vrcp.f32 v41;
	_ =	sdelay $0x7  }
0x1e4: {  	v55 =	vsub.f32 $0.0e+00, v54  }
0x1e5: {  	v56 =	vpop (erf)  }
0x1e6: {  	v41 =	vmul.f32 v56, v55  }
0x1e7: {  	v57 =	vld [tilespmem:$0x1A0F0]  }
0x1e8: {  	v41 =	vmax.f32 v41, $0.0e+00  }
0x1e9: {  	vm6 =	vle.f32 v40, $0.0e+00;
	vm7 =	vgt.f32 v54, $0.0e+00;
	v41 =	vmin.f32 v41, $1.000000000e+00  }
0x1ea: {  	v58 =	vmin.f32 v40, $0.0e+00;
	v59 =	vmax.f32 v54, $0.0e+00;
	v41 =	vsel vm7, $0x0, v41  }
0x1eb: {  	v60 =	vadd.f32 v58, v54;
	v61 =	vadd.f32 v59, v40;
	v41 =	vsel vm6, $0x3F800000, v41  }
0x1ec: {  	v62 =	vsub.f32 v58, v54;
	v40 =	vsub.f32 v40, v59;
	vm0 =	vlt.f32 v57, v41  }
0x1ed: {  	v63 =	vsel vm0, v60, v61  }
0x1ee: {  	v40 =	vsel vm0, v62, v40;
	v42 =	vmul.f32 $5.000000000e-01, v63  }
0x1ef: {  	v40 =	vmul.f32 $5.000000000e-01, v40  }
0x1f0: {  	v44 =	vsel vm0, $0x0, v33;
	[tilespmem:v39+s23+$0x0] =	vst.idx.msk $0xffff, v42  }
0x1f1: {  	v46 =	vsel vm0, $0x8, v35;
	v45 =	vor.u32 v15, v44;
	[tilespmem:v39+s24+$0x0] =	vst.idx.msk $0xffff, v40  }
0x1f2: {  	v48 =	vsel vm0, $0x10, v34;
	v47 =	vor.u32 v15, v46;
	[tilespmem:$0x1A3B0] =	vst v45  }
0x1f3: {  	v50 =	vsel vm0, $0x18, v36;
	v49 =	vor.u32 v15, v48;
	[tilespmem:$0x1A6B0] =	vst v47  }
0x1f4: {  	v51 =	vor.u32 v15, v50;
	[tilespmem:$0x1A9B0] =	vst v49  }
0x1f5: {  	s21 =	rddreg [dreg:$0x1c];
	[tilespmem:$0x1ACB0] =	vst v51  }
0x1f6: {  	[hbm4b:s2+s11] =	stream.indirect.scatter [tilespmem:s23], [sflag:$0xA], $0x80, s21, s11, $0xb8;
	[tilespmem:$0x1AE00] =	vst v63  }
0x1f7: {  	s22 =	rddreg [dreg:$0x1d]  }
0x1f8: {  	[hbm4b:s2+s11] =	stream.indirect.scatter [tilespmem:s24], [sflag:$0xA], $0x80, s22, s11, $0xb8;
	[tilespmem:$0x1AE00] =	vst v63  }
0x1f9: {  	s21 =	rddreg [dreg:$0x1e]  }
0x1fa: {  	[hbm4b:s2+s11] =	stream.indirect.scatter [tilespmem:s6], [sflag:$0xA], $0x80, s21, s11, $0xb8;
	[tilespmem:$0x1AE00] =	vst v63  }
0x1fb: {  	s22 =	rddreg [dreg:$0x1f]  }
0x1fc: {  	[hbm4b:s2+s11] =	stream.indirect.scatter [tilespmem:s6], [sflag:$0xA], $0x80, s22, s11, $0xb8;
	[tilespmem:$0x1AE00] =	vst v63  }
0x1fd: {  	s21 =	rddreg [dreg:$0x11]  }
0x1fe: {  	[tilespmem:s30], [sflag:$0x6] =	stream.linear.gather [hbm4b:s21+s3], $0x2000, $0x38;
	[tilespmem:$0x1AE00] =	vst v63  }
0x1ff: {  	s22 =	rddreg [dreg:$0x12]  }
0x200: {  	[tilespmem:s31], [sflag:$0x6] =	stream.linear.gather [hbm4b:s22+s3], $0x2000, $0x38;
	[tilespmem:$0x1AE00] =	vst v63  }
0x201: {  	_ =	swait.ge [sflag:s0], $0x2000  }
0x202: {  	[sflag:s0] =	ssyncset.done $0x0  }
0x203: {  	[sflag:s0] =	ssyncadd.s32 $0xFFFFE000  }
0x204: {  	_ =	swait.ge [sflag:s0], $0x2000  }
0x205: {  	[sflag:s0] =	ssyncset.done $0x0  }
0x206: {  	[sflag:s0] =	ssyncadd.s32 $0xFFFFE000  }
0x207: {  	v52 =	vld.idx.msk [tilespmem:v32+s26+$0x0], $0xffff  }
0x208: {  	v53 =	vld.idx.msk [tilespmem:v32+s28+$0x0], $0xffff;
	_ =	sdelay $0x4  }
0x209: {  	v54 =	vsub.f32 v52, v53;
	v40 =	vadd.f32 v53, v52;
	_ =	sdelay $0x1  }
0x20a: {  	v41 =	vsub.f32 v40, v54;
	_ =	sdelay $0x1  }
0x20b: {  	v41 =	vmax.f32 v41, $9.999999970e-07  }
0x20c: {  	(erf) = vrcp.f32 v41;
	_ =	sdelay $0x7  }
0x20d: {  	v55 =	vsub.f32 $0.0e+00, v54  }
0x20e: {  	v56 =	vpop (erf)  }
0x20f: {  	v41 =	vmul.f32 v56, v55  }
0x210: {  	v57 =	vld [tilespmem:$0x1A100]  }
0x211: {  	v41 =	vmax.f32 v41, $0.0e+00  }
0x212: {  	vm8 =	vle.f32 v40, $0.0e+00;
	vm9 =	vgt.f32 v54, $0.0e+00;
	v41 =	vmin.f32 v41, $1.000000000e+00  }
0x213: {  	v58 =	vmin.f32 v40, $0.0e+00;
	v59 =	vmax.f32 v54, $0.0e+00;
	v41 =	vsel vm9, $0x0, v41  }
0x214: {  	v60 =	vadd.f32 v58, v54;
	v61 =	vadd.f32 v59, v40;
	v41 =	vsel vm8, $0x3F800000, v41  }
0x215: {  	v62 =	vsub.f32 v58, v54;
	v40 =	vsub.f32 v40, v59;
	vm0 =	vlt.f32 v57, v41  }
0x216: {  	v63 =	vsel vm0, v60, v61  }
0x217: {  	v40 =	vsel vm0, v62, v40;
	v42 =	vmul.f32 $5.000000000e-01, v63  }
0x218: {  	v40 =	vmul.f32 $5.000000000e-01, v40  }
0x219: {  	v45 =	vsel vm0, $0x0, v33;
	[tilespmem:v32+s26+$0x0] =	vst.idx.msk $0xffff, v42  }
0x21a: {  	v47 =	vsel vm0, $0x8, v35;
	v46 =	vor.u32 v16, v45;
	[tilespmem:v32+s28+$0x0] =	vst.idx.msk $0xffff, v40  }
0x21b: {  	v49 =	vsel vm0, $0x10, v34;
	v48 =	vor.u32 v16, v47;
	[tilespmem:$0x1A400] =	vst v46  }
0x21c: {  	v51 =	vsel vm0, $0x18, v36;
	v50 =	vor.u32 v16, v49;
	[tilespmem:$0x1A700] =	vst v48  }
0x21d: {  	v52 =	vor.u32 v16, v51;
	[tilespmem:$0x1AA00] =	vst v50  }
0x21e: {  	[tilespmem:$0x1AD00] =	vst v52  }
0x21f: {  	v40 =	vld.idx.msk [tilespmem:v37+s26+$0x0], $0xffff  }
0x220: {  	v53 =	vld.idx.msk [tilespmem:v37+s28+$0x0], $0xffff;
	_ =	sdelay $0x4  }
0x221: {  	v54 =	vsub.f32 v40, v53;
	v40 =	vadd.f32 v53, v40;
	_ =	sdelay $0x1  }
0x222: {  	v41 =	vsub.f32 v40, v54;
	_ =	sdelay $0x1  }
0x223: {  	v41 =	vmax.f32 v41, $9.999999970e-07  }
0x224: {  	(erf) = vrcp.f32 v41;
	_ =	sdelay $0x7  }
0x225: {  	v55 =	vsub.f32 $0.0e+00, v54  }
0x226: {  	v56 =	vpop (erf)  }
0x227: {  	v41 =	vmul.f32 v56, v55  }
0x228: {  	v57 =	vld [tilespmem:$0x1A110]  }
0x229: {  	v41 =	vmax.f32 v41, $0.0e+00  }
0x22a: {  	vm10 =	vle.f32 v40, $0.0e+00;
	vm11 =	vgt.f32 v54, $0.0e+00;
	v41 =	vmin.f32 v41, $1.000000000e+00  }
0x22b: {  	v58 =	vmin.f32 v40, $0.0e+00;
	v59 =	vmax.f32 v54, $0.0e+00;
	v41 =	vsel vm11, $0x0, v41  }
0x22c: {  	v60 =	vadd.f32 v58, v54;
	v61 =	vadd.f32 v59, v40;
	v41 =	vsel vm10, $0x3F800000, v41  }
0x22d: {  	v62 =	vsub.f32 v58, v54;
	v40 =	vsub.f32 v40, v59;
	vm0 =	vlt.f32 v57, v41  }
0x22e: {  	v63 =	vsel vm0, v60, v61  }
0x22f: {  	v40 =	vsel vm0, v62, v40;
	v42 =	vmul.f32 $5.000000000e-01, v63  }
0x230: {  	v40 =	vmul.f32 $5.000000000e-01, v40  }
0x231: {  	v45 =	vsel vm0, $0x0, v33;
	[tilespmem:v37+s26+$0x0] =	vst.idx.msk $0xffff, v42  }
0x232: {  	v47 =	vsel vm0, $0x8, v35;
	v46 =	vor.u32 v17, v45;
	[tilespmem:v37+s28+$0x0] =	vst.idx.msk $0xffff, v40  }
0x233: {  	v49 =	vsel vm0, $0x10, v34;
	v48 =	vor.u32 v17, v47;
	[tilespmem:$0x1A410] =	vst v46  }
0x234: {  	v51 =	vsel vm0, $0x18, v36;
	v50 =	vor.u32 v17, v49;
	[tilespmem:$0x1A710] =	vst v48  }
0x235: {  	v52 =	vor.u32 v17, v51;
	[tilespmem:$0x1AA10] =	vst v50  }
0x236: {  	[tilespmem:$0x1AD10] =	vst v52  }
0x237: {  	v40 =	vld.idx.msk [tilespmem:v38+s26+$0x0], $0xffff  }
0x238: {  	v53 =	vld.idx.msk [tilespmem:v38+s28+$0x0], $0xffff;
	_ =	sdelay $0x4  }
0x239: {  	v54 =	vsub.f32 v40, v53;
	v40 =	vadd.f32 v53, v40;
	_ =	sdelay $0x1  }
0x23a: {  	v41 =	vsub.f32 v40, v54;
	_ =	sdelay $0x1  }
0x23b: {  	v41 =	vmax.f32 v41, $9.999999970e-07  }
0x23c: {  	(erf) = vrcp.f32 v41;
	_ =	sdelay $0x7  }
0x23d: {  	v55 =	vsub.f32 $0.0e+00, v54  }
0x23e: {  	v56 =	vpop (erf)  }
0x23f: {  	v41 =	vmul.f32 v56, v55  }
0x240: {  	v57 =	vld [tilespmem:$0x1A120]  }
0x241: {  	v41 =	vmax.f32 v41, $0.0e+00  }
0x242: {  	vm12 =	vle.f32 v40, $0.0e+00;
	vm13 =	vgt.f32 v54, $0.0e+00;
	v41 =	vmin.f32 v41, $1.000000000e+00  }
0x243: {  	v58 =	vmin.f32 v40, $0.0e+00;
	v59 =	vmax.f32 v54, $0.0e+00;
	v41 =	vsel vm13, $0x0, v41  }
0x244: {  	v60 =	vadd.f32 v58, v54;
	v61 =	vadd.f32 v59, v40;
	v41 =	vsel vm12, $0x3F800000, v41  }
0x245: {  	v62 =	vsub.f32 v58, v54;
	v40 =	vsub.f32 v40, v59;
	vm0 =	vlt.f32 v57, v41  }
0x246: {  	v63 =	vsel vm0, v60, v61  }
0x247: {  	v40 =	vsel vm0, v62, v40;
	v42 =	vmul.f32 $5.000000000e-01, v63  }
0x248: {  	v40 =	vmul.f32 $5.000000000e-01, v40  }
0x249: {  	v45 =	vsel vm0, $0x0, v33;
	[tilespmem:v38+s26+$0x0] =	vst.idx.msk $0xffff, v42  }
0x24a: {  	v47 =	vsel vm0, $0x8, v35;
	v46 =	vor.u32 v18, v45;
	[tilespmem:v38+s28+$0x0] =	vst.idx.msk $0xffff, v40  }
0x24b: {  	v49 =	vsel vm0, $0x10, v34;
	v48 =	vor.u32 v18, v47;
	[tilespmem:$0x1A420] =	vst v46  }
0x24c: {  	v51 =	vsel vm0, $0x18, v36;
	v50 =	vor.u32 v18, v49;
	[tilespmem:$0x1A720] =	vst v48  }
0x24d: {  	v52 =	vor.u32 v18, v51;
	[tilespmem:$0x1AA20] =	vst v50  }
0x24e: {  	[tilespmem:$0x1AD20] =	vst v52  }
0x24f: {  	v40 =	vld.idx.msk [tilespmem:v39+s26+$0x0], $0xffff  }
0x250: {  	v53 =	vld.idx.msk [tilespmem:v39+s28+$0x0], $0xffff;
	_ =	sdelay $0x4  }
0x251: {  	v54 =	vsub.f32 v40, v53;
	v40 =	vadd.f32 v53, v40;
	_ =	sdelay $0x1  }
0x252: {  	v41 =	vsub.f32 v40, v54;
	_ =	sdelay $0x1  }
0x253: {  	v41 =	vmax.f32 v41, $9.999999970e-07  }
0x254: {  	(erf) = vrcp.f32 v41;
	_ =	sdelay $0x7  }
0x255: {  	v55 =	vsub.f32 $0.0e+00, v54  }
0x256: {  	v56 =	vpop (erf)  }
0x257: {  	v41 =	vmul.f32 v56, v55  }
0x258: {  	v57 =	vld [tilespmem:$0x1A130]  }
0x259: {  	v41 =	vmax.f32 v41, $0.0e+00  }
0x25a: {  	vm14 =	vle.f32 v40, $0.0e+00;
	vm15 =	vgt.f32 v54, $0.0e+00;
	v41 =	vmin.f32 v41, $1.000000000e+00  }
0x25b: {  	v58 =	vmin.f32 v40, $0.0e+00;
	v59 =	vmax.f32 v54, $0.0e+00;
	v41 =	vsel vm15, $0x0, v41  }
0x25c: {  	v60 =	vadd.f32 v58, v54;
	v61 =	vadd.f32 v59, v40;
	v41 =	vsel vm14, $0x3F800000, v41  }
0x25d: {  	v62 =	vsub.f32 v58, v54;
	v40 =	vsub.f32 v40, v59;
	vm0 =	vlt.f32 v57, v41  }
0x25e: {  	v63 =	vsel vm0, v60, v61  }
0x25f: {  	v40 =	vsel vm0, v62, v40;
	v42 =	vmul.f32 $5.000000000e-01, v63  }
0x260: {  	v40 =	vmul.f32 $5.000000000e-01, v40  }
0x261: {  	v44 =	vsel vm0, $0x0, v33;
	[tilespmem:v39+s26+$0x0] =	vst.idx.msk $0xffff, v42  }
0x262: {  	v46 =	vsel vm0, $0x8, v35;
	v45 =	vor.u32 v19, v44;
	[tilespmem:v39+s28+$0x0] =	vst.idx.msk $0xffff, v40  }
0x263: {  	v48 =	vsel vm0, $0x10, v34;
	v47 =	vor.u32 v19, v46;
	[tilespmem:$0x1A430] =	vst v45  }
0x264: {  	s21 =	sld [smem:$0x7F6];
	v50 =	vsel vm0, $0x18, v36;
	v49 =	vor.u32 v19, v48;
	[tilespmem:$0x1A730] =	vst v47  }
0x265: {  	v51 =	vor.u32 v19, v50;
	[tilespmem:$0x1AA30] =	vst v49  }
0x266: {  	s22 =	sld [smem:$0x7F7];
	[tilespmem:$0x1AD30] =	vst v51  }
0x267: {  	[hbm4b:s2+s11] =	stream.indirect.scatter [tilespmem:s26], [sflag:$0xB], $0x80, s21, s11, $0xb8;
	[tilespmem:$0x1AE00] =	vst v63  }
0x268: {  	s21 =	sld [smem:$0x7F8]  }
0x269: {  	[hbm4b:s2+s11] =	stream.indirect.scatter [tilespmem:s28], [sflag:$0xB], $0x80, s22, s11, $0xb8;
	[tilespmem:$0x1AE00] =	vst v63  }
0x26a: {  	s22 =	sld [smem:$0x7F9]  }
0x26b: {  	[hbm4b:s2+s11] =	stream.indirect.scatter [tilespmem:s6], [sflag:$0xB], $0x80, s21, s11, $0xb8;
	[tilespmem:$0x1AE00] =	vst v63  }
0x26c: {  	_ = 	snop  }
0x26d: {  	[hbm4b:s2+s11] =	stream.indirect.scatter [tilespmem:s6], [sflag:$0xB], $0x80, s22, s11, $0xb8;
	[tilespmem:$0x1AE00] =	vst v63  }
0x26e: {  	_ =	swait.ge [sflag:s1], $0x2000  }
0x26f: {  	[sflag:s1] =	ssyncset.done $0x0  }
0x270: {  	[sflag:s1] =	ssyncadd.s32 $0xFFFFE000  }
0x271: {  	_ =	swait.ge [sflag:s1], $0x2000  }
0x272: {  	[sflag:s1] =	ssyncset.done $0x0  }
0x273: {  	[sflag:s1] =	ssyncadd.s32 $0xFFFFE000  }
0x274: {  	_ =	swait.ge [sflag:s1], $0x2000  }
0x275: {  	[sflag:s1] =	ssyncset.done $0x0  }
0x276: {  	[sflag:s1] =	ssyncadd.s32 $0xFFFFE000  }
0x277: {  	_ =	swait.ge [sflag:s1], $0x2000  }
0x278: {  	[sflag:s1] =	ssyncset.done $0x0  }
0x279: {  	s21 =	rddreg [dreg:$0x13];
	[sflag:s1] =	ssyncadd.s32 $0xFFFFE000  }
0x27a: {  	[tilespmem:s3], [sflag:$0x1] =	stream.linear.gather [hbm4b:s21+s3], $0x2000, $0x38;
	[tilespmem:$0x1AE00] =	vst v63  }
0x27b: {  	s22 =	rddreg [dreg:$0x14]  }
0x27c: {  	[tilespmem:s5], [sflag:$0x1] =	stream.linear.gather [hbm4b:s22+s3], $0x2000, $0x38;
	[tilespmem:$0x1AE00] =	vst v63  }
0x27d: {  	_ =	swait.ge [sflag:s12], $0x2000  }
0x27e: {  	[sflag:s12] =	ssyncset.done $0x0  }
0x27f: {  	[sflag:s12] =	ssyncadd.s32 $0xFFFFE000  }
0x280: {  	_ =	swait.ge [sflag:s12], $0x2000  }
0x281: {  	[sflag:s12] =	ssyncset.done $0x0  }
0x282: {  	[sflag:s12] =	ssyncadd.s32 $0xFFFFE000  }
0x283: {  	v52 =	vld.idx.msk [tilespmem:v32+s30+$0x0], $0xffff  }
0x284: {  	v53 =	vld.idx.msk [tilespmem:v32+s31+$0x0], $0xffff;
	_ =	sdelay $0x4  }
0x285: {  	v54 =	vsub.f32 v52, v53;
	v40 =	vadd.f32 v53, v52;
	_ =	sdelay $0x1  }
0x286: {  	v41 =	vsub.f32 v40, v54;
	_ =	sdelay $0x1  }
0x287: {  	v41 =	vmax.f32 v41, $9.999999970e-07  }
0x288: {  	(erf) = vrcp.f32 v41;
	_ =	sdelay $0x7  }
0x289: {  	v55 =	vsub.f32 $0.0e+00, v54  }
0x28a: {  	v56 =	vpop (erf)  }
0x28b: {  	v41 =	vmul.f32 v56, v55  }
0x28c: {  	v57 =	vld [tilespmem:$0x1A140]  }
0x28d: {  	v41 =	vmax.f32 v41, $0.0e+00  }
0x28e: {  	vm4 =	vle.f32 v40, $0.0e+00;
	vm5 =	vgt.f32 v54, $0.0e+00;
	v41 =	vmin.f32 v41, $1.000000000e+00  }
0x28f: {  	v58 =	vmin.f32 v40, $0.0e+00;
	v59 =	vmax.f32 v54, $0.0e+00;
	v41 =	vsel vm5, $0x0, v41  }
0x290: {  	v60 =	vadd.f32 v58, v54;
	v61 =	vadd.f32 v59, v40;
	v41 =	vsel vm4, $0x3F800000, v41  }
0x291: {  	v62 =	vsub.f32 v58, v54;
	v40 =	vsub.f32 v40, v59;
	vm0 =	vlt.f32 v57, v41  }
0x292: {  	v63 =	vsel vm0, v60, v61  }
0x293: {  	v40 =	vsel vm0, v62, v40;
	v42 =	vmul.f32 $5.000000000e-01, v63  }
0x294: {  	v40 =	vmul.f32 $5.000000000e-01, v40  }
0x295: {  	v45 =	vsel vm0, $0x0, v33;
	[tilespmem:v32+s30+$0x0] =	vst.idx.msk $0xffff, v42  }
0x296: {  	v47 =	vsel vm0, $0x8, v35;
	v46 =	vor.u32 v20, v45;
	[tilespmem:v32+s31+$0x0] =	vst.idx.msk $0xffff, v40  }
0x297: {  	v49 =	vsel vm0, $0x10, v34;
	v48 =	vor.u32 v20, v47;
	[tilespmem:$0x1A480] =	vst v46  }
0x298: {  	v51 =	vsel vm0, $0x18, v36;
	v50 =	vor.u32 v20, v49;
	[tilespmem:$0x1A780] =	vst v48  }
0x299: {  	v52 =	vor.u32 v20, v51;
	[tilespmem:$0x1AA80] =	vst v50  }
0x29a: {  	[tilespmem:$0x1AD80] =	vst v52  }
0x29b: {  	v40 =	vld.idx.msk [tilespmem:v37+s30+$0x0], $0xffff  }
0x29c: {  	v53 =	vld.idx.msk [tilespmem:v37+s31+$0x0], $0xffff;
	_ =	sdelay $0x4  }
0x29d: {  	v54 =	vsub.f32 v40, v53;
	v40 =	vadd.f32 v53, v40;
	_ =	sdelay $0x1  }
0x29e: {  	v41 =	vsub.f32 v40, v54;
	_ =	sdelay $0x1  }
0x29f: {  	v41 =	vmax.f32 v41, $9.999999970e-07  }
0x2a0: {  	(erf) = vrcp.f32 v41;
	_ =	sdelay $0x7  }
0x2a1: {  	v55 =	vsub.f32 $0.0e+00, v54  }
0x2a2: {  	v56 =	vpop (erf)  }
0x2a3: {  	v41 =	vmul.f32 v56, v55  }
0x2a4: {  	v57 =	vld [tilespmem:$0x1A150]  }
0x2a5: {  	v41 =	vmax.f32 v41, $0.0e+00  }
0x2a6: {  	vm6 =	vle.f32 v40, $0.0e+00;
	vm7 =	vgt.f32 v54, $0.0e+00;
	v41 =	vmin.f32 v41, $1.000000000e+00  }
0x2a7: {  	v58 =	vmin.f32 v40, $0.0e+00;
	v59 =	vmax.f32 v54, $0.0e+00;
	v41 =	vsel vm7, $0x0, v41  }
0x2a8: {  	v60 =	vadd.f32 v58, v54;
	v61 =	vadd.f32 v59, v40;
	v41 =	vsel vm6, $0x3F800000, v41  }
0x2a9: {  	v62 =	vsub.f32 v58, v54;
	v40 =	vsub.f32 v40, v59;
	vm0 =	vlt.f32 v57, v41  }
0x2aa: {  	v63 =	vsel vm0, v60, v61  }
0x2ab: {  	v40 =	vsel vm0, v62, v40;
	v42 =	vmul.f32 $5.000000000e-01, v63  }
0x2ac: {  	v40 =	vmul.f32 $5.000000000e-01, v40  }
0x2ad: {  	v45 =	vsel vm0, $0x0, v33;
	[tilespmem:v37+s30+$0x0] =	vst.idx.msk $0xffff, v42  }
0x2ae: {  	v47 =	vsel vm0, $0x8, v35;
	v46 =	vor.u32 v21, v45;
	[tilespmem:v37+s31+$0x0] =	vst.idx.msk $0xffff, v40  }
0x2af: {  	v49 =	vsel vm0, $0x10, v34;
	v48 =	vor.u32 v21, v47;
	[tilespmem:$0x1A490] =	vst v46  }
0x2b0: {  	v51 =	vsel vm0, $0x18, v36;
	v50 =	vor.u32 v21, v49;
	[tilespmem:$0x1A790] =	vst v48  }
0x2b1: {  	v52 =	vor.u32 v21, v51;
	[tilespmem:$0x1AA90] =	vst v50  }
0x2b2: {  	[tilespmem:$0x1AD90] =	vst v52  }
0x2b3: {  	v40 =	vld.idx.msk [tilespmem:v38+s30+$0x0], $0xffff  }
0x2b4: {  	v53 =	vld.idx.msk [tilespmem:v38+s31+$0x0], $0xffff;
	_ =	sdelay $0x4  }
0x2b5: {  	v54 =	vsub.f32 v40, v53;
	v40 =	vadd.f32 v53, v40;
	_ =	sdelay $0x1  }
0x2b6: {  	v41 =	vsub.f32 v40, v54;
	_ =	sdelay $0x1  }
0x2b7: {  	v41 =	vmax.f32 v41, $9.999999970e-07  }
0x2b8: {  	(erf) = vrcp.f32 v41;
	_ =	sdelay $0x7  }
0x2b9: {  	v55 =	vsub.f32 $0.0e+00, v54  }
0x2ba: {  	v56 =	vpop (erf)  }
0x2bb: {  	v41 =	vmul.f32 v56, v55  }
0x2bc: {  	v57 =	vld [tilespmem:$0x1A160]  }
0x2bd: {  	v41 =	vmax.f32 v41, $0.0e+00  }
0x2be: {  	vm8 =	vle.f32 v40, $0.0e+00;
	vm9 =	vgt.f32 v54, $0.0e+00;
	v41 =	vmin.f32 v41, $1.000000000e+00  }
0x2bf: {  	v58 =	vmin.f32 v40, $0.0e+00;
	v59 =	vmax.f32 v54, $0.0e+00;
	v41 =	vsel vm9, $0x0, v41  }
0x2c0: {  	v60 =	vadd.f32 v58, v54;
	v61 =	vadd.f32 v59, v40;
	v41 =	vsel vm8, $0x3F800000, v41  }
0x2c1: {  	v62 =	vsub.f32 v58, v54;
	v40 =	vsub.f32 v40, v59;
	vm0 =	vlt.f32 v57, v41  }
0x2c2: {  	v63 =	vsel vm0, v60, v61  }
0x2c3: {  	v40 =	vsel vm0, v62, v40;
	v42 =	vmul.f32 $5.000000000e-01, v63  }
0x2c4: {  	v40 =	vmul.f32 $5.000000000e-01, v40  }
0x2c5: {  	v45 =	vsel vm0, $0x0, v33;
	[tilespmem:v38+s30+$0x0] =	vst.idx.msk $0xffff, v42  }
0x2c6: {  	v47 =	vsel vm0, $0x8, v35;
	v46 =	vor.u32 v22, v45;
	[tilespmem:v38+s31+$0x0] =	vst.idx.msk $0xffff, v40  }
0x2c7: {  	v49 =	vsel vm0, $0x10, v34;
	v48 =	vor.u32 v22, v47;
	[tilespmem:$0x1A4A0] =	vst v46  }
0x2c8: {  	v51 =	vsel vm0, $0x18, v36;
	v50 =	vor.u32 v22, v49;
	[tilespmem:$0x1A7A0] =	vst v48  }
0x2c9: {  	v52 =	vor.u32 v22, v51;
	[tilespmem:$0x1AAA0] =	vst v50  }
0x2ca: {  	[tilespmem:$0x1ADA0] =	vst v52  }
0x2cb: {  	v40 =	vld.idx.msk [tilespmem:v39+s30+$0x0], $0xffff  }
0x2cc: {  	v53 =	vld.idx.msk [tilespmem:v39+s31+$0x0], $0xffff;
	_ =	sdelay $0x4  }
0x2cd: {  	v54 =	vsub.f32 v40, v53;
	v40 =	vadd.f32 v53, v40;
	_ =	sdelay $0x1  }
0x2ce: {  	v41 =	vsub.f32 v40, v54;
	_ =	sdelay $0x1  }
0x2cf: {  	v41 =	vmax.f32 v41, $9.999999970e-07  }
0x2d0: {  	(erf) = vrcp.f32 v41;
	_ =	sdelay $0x7  }
0x2d1: {  	v55 =	vsub.f32 $0.0e+00, v54  }
0x2d2: {  	v56 =	vpop (erf)  }
0x2d3: {  	v41 =	vmul.f32 v56, v55  }
0x2d4: {  	v57 =	vld [tilespmem:$0x1A170]  }
0x2d5: {  	v41 =	vmax.f32 v41, $0.0e+00  }
0x2d6: {  	vm10 =	vle.f32 v40, $0.0e+00;
	vm11 =	vgt.f32 v54, $0.0e+00;
	v41 =	vmin.f32 v41, $1.000000000e+00  }
0x2d7: {  	v58 =	vmin.f32 v40, $0.0e+00;
	v59 =	vmax.f32 v54, $0.0e+00;
	v41 =	vsel vm11, $0x0, v41  }
0x2d8: {  	v60 =	vadd.f32 v58, v54;
	v61 =	vadd.f32 v59, v40;
	v41 =	vsel vm10, $0x3F800000, v41  }
0x2d9: {  	v62 =	vsub.f32 v58, v54;
	v40 =	vsub.f32 v40, v59;
	vm0 =	vlt.f32 v57, v41  }
0x2da: {  	v63 =	vsel vm0, v60, v61  }
0x2db: {  	v40 =	vsel vm0, v62, v40;
	v42 =	vmul.f32 $5.000000000e-01, v63  }
0x2dc: {  	v40 =	vmul.f32 $5.000000000e-01, v40  }
0x2dd: {  	v44 =	vsel vm0, $0x0, v33;
	[tilespmem:v39+s30+$0x0] =	vst.idx.msk $0xffff, v42  }
0x2de: {  	v46 =	vsel vm0, $0x8, v35;
	v45 =	vor.u32 v23, v44;
	[tilespmem:v39+s31+$0x0] =	vst.idx.msk $0xffff, v40  }
0x2df: {  	v48 =	vsel vm0, $0x10, v34;
	v47 =	vor.u32 v23, v46;
	[tilespmem:$0x1A4B0] =	vst v45  }
0x2e0: {  	s21 =	sld [smem:$0x7FA];
	v50 =	vsel vm0, $0x18, v36;
	v49 =	vor.u32 v23, v48;
	[tilespmem:$0x1A7B0] =	vst v47  }
0x2e1: {  	v51 =	vor.u32 v23, v50;
	[tilespmem:$0x1AAB0] =	vst v49  }
0x2e2: {  	s22 =	sld [smem:$0x7FB];
	[tilespmem:$0x1ADB0] =	vst v51  }
0x2e3: {  	[hbm4b:s2+s11] =	stream.indirect.scatter [tilespmem:s30], [sflag:$0xC], $0x80, s21, s11, $0xb8;
	[tilespmem:$0x1AE00] =	vst v63  }
0x2e4: {  	s21 =	sld [smem:$0x7FC]  }
0x2e5: {  	[hbm4b:s2+s11] =	stream.indirect.scatter [tilespmem:s31], [sflag:$0xC], $0x80, s22, s11, $0xb8;
	[tilespmem:$0x1AE00] =	vst v63  }
0x2e6: {  	s22 =	sld [smem:$0x7FD]  }
0x2e7: {  	[hbm4b:s2+s11] =	stream.indirect.scatter [tilespmem:s6], [sflag:$0xC], $0x80, s21, s11, $0xb8;
	[tilespmem:$0x1AE00] =	vst v63  }
0x2e8: {  	_ = 	snop  }
0x2e9: {  	[hbm4b:s2+s11] =	stream.indirect.scatter [tilespmem:s6], [sflag:$0xC], $0x80, s22, s11, $0xb8;
	[tilespmem:$0x1AE00] =	vst v63  }
0x2ea: {  	_ =	swait.ge [sflag:s13], $0x2000  }
0x2eb: {  	[sflag:s13] =	ssyncset.done $0x0  }
0x2ec: {  	[sflag:s13] =	ssyncadd.s32 $0xFFFFE000  }
0x2ed: {  	_ =	swait.ge [sflag:s13], $0x2000  }
0x2ee: {  	[sflag:s13] =	ssyncset.done $0x0  }
0x2ef: {  	[sflag:s13] =	ssyncadd.s32 $0xFFFFE000  }
0x2f0: {  	_ =	swait.ge [sflag:s13], $0x2000  }
0x2f1: {  	[sflag:s13] =	ssyncset.done $0x0  }
0x2f2: {  	[sflag:s13] =	ssyncadd.s32 $0xFFFFE000  }
0x2f3: {  	_ =	swait.ge [sflag:s13], $0x2000  }
0x2f4: {  	[sflag:s13] =	ssyncset.done $0x0  }
0x2f5: {  	s21 =	rddreg [dreg:$0x15];
	[sflag:s13] =	ssyncadd.s32 $0xFFFFE000  }
0x2f6: {  	[tilespmem:s8], [sflag:$0x2] =	stream.linear.gather [hbm4b:s21+s3], $0x2000, $0x38;
	[tilespmem:$0x1AE00] =	vst v63  }
0x2f7: {  	s22 =	rddreg [dreg:$0x16]  }
0x2f8: {  	[tilespmem:s9], [sflag:$0x2] =	stream.linear.gather [hbm4b:s22+s3], $0x2000, $0x38;
	[tilespmem:$0x1AE00] =	vst v63  }
0x2f9: {  	_ =	swait.ge [sflag:s10], $0x2000  }
0x2fa: {  	[sflag:s10] =	ssyncset.done $0x0  }
0x2fb: {  	[sflag:s10] =	ssyncadd.s32 $0xFFFFE000  }
0x2fc: {  	_ =	swait.ge [sflag:s10], $0x2000  }
0x2fd: {  	[sflag:s10] =	ssyncset.done $0x0  }
0x2fe: {  	[sflag:s10] =	ssyncadd.s32 $0xFFFFE000  }
0x2ff: {  	v52 =	vld.idx.msk [tilespmem:v32+s3+$0x0], $0xffff  }
0x300: {  	v53 =	vld.idx.msk [tilespmem:v32+s5+$0x0], $0xffff;
	_ =	sdelay $0x4  }
0x301: {  	v54 =	vsub.f32 v52, v53;
	v40 =	vadd.f32 v53, v52;
	_ =	sdelay $0x1  }
0x302: {  	v41 =	vsub.f32 v40, v54;
	_ =	sdelay $0x1  }
0x303: {  	v41 =	vmax.f32 v41, $9.999999970e-07  }
0x304: {  	(erf) = vrcp.f32 v41;
	_ =	sdelay $0x7  }
0x305: {  	v55 =	vsub.f32 $0.0e+00, v54  }
0x306: {  	v56 =	vpop (erf)  }
0x307: {  	v41 =	vmul.f32 v56, v55  }
0x308: {  	v57 =	vld [tilespmem:$0x1A180]  }
0x309: {  	v41 =	vmax.f32 v41, $0.0e+00  }
0x30a: {  	vm12 =	vle.f32 v40, $0.0e+00;
	vm13 =	vgt.f32 v54, $0.0e+00;
	v41 =	vmin.f32 v41, $1.000000000e+00  }
0x30b: {  	v58 =	vmin.f32 v40, $0.0e+00;
	v59 =	vmax.f32 v54, $0.0e+00;
	v41 =	vsel vm13, $0x0, v41  }
0x30c: {  	v60 =	vadd.f32 v58, v54;
	v61 =	vadd.f32 v59, v40;
	v41 =	vsel vm12, $0x3F800000, v41  }
0x30d: {  	v62 =	vsub.f32 v58, v54;
	v40 =	vsub.f32 v40, v59;
	vm0 =	vlt.f32 v57, v41  }
0x30e: {  	v63 =	vsel vm0, v60, v61  }
0x30f: {  	v40 =	vsel vm0, v62, v40;
	v42 =	vmul.f32 $5.000000000e-01, v63  }
0x310: {  	v40 =	vmul.f32 $5.000000000e-01, v40  }
0x311: {  	v45 =	vsel vm0, $0x0, v33;
	[tilespmem:v32+s3+$0x0] =	vst.idx.msk $0xffff, v42  }
0x312: {  	v47 =	vsel vm0, $0x8, v35;
	v46 =	vor.u32 v24, v45;
	[tilespmem:v32+s5+$0x0] =	vst.idx.msk $0xffff, v40  }
0x313: {  	v49 =	vsel vm0, $0x10, v34;
	v48 =	vor.u32 v24, v47;
	[tilespmem:$0x1A200] =	vst v46  }
0x314: {  	v51 =	vsel vm0, $0x18, v36;
	v50 =	vor.u32 v24, v49;
	[tilespmem:$0x1A500] =	vst v48  }
0x315: {  	v52 =	vor.u32 v24, v51;
	[tilespmem:$0x1A800] =	vst v50  }
0x316: {  	[tilespmem:$0x1AB00] =	vst v52  }
0x317: {  	v40 =	vld.idx.msk [tilespmem:v37+s3+$0x0], $0xffff  }
0x318: {  	v53 =	vld.idx.msk [tilespmem:v37+s5+$0x0], $0xffff;
	_ =	sdelay $0x4  }
0x319: {  	v54 =	vsub.f32 v40, v53;
	v40 =	vadd.f32 v53, v40;
	_ =	sdelay $0x1  }
0x31a: {  	v41 =	vsub.f32 v40, v54;
	_ =	sdelay $0x1  }
0x31b: {  	v41 =	vmax.f32 v41, $9.999999970e-07  }
0x31c: {  	(erf) = vrcp.f32 v41;
	_ =	sdelay $0x7  }
0x31d: {  	v55 =	vsub.f32 $0.0e+00, v54  }
0x31e: {  	v56 =	vpop (erf)  }
0x31f: {  	v41 =	vmul.f32 v56, v55  }
0x320: {  	v57 =	vld [tilespmem:$0x1A190]  }
0x321: {  	v41 =	vmax.f32 v41, $0.0e+00  }
0x322: {  	vm14 =	vle.f32 v40, $0.0e+00;
	vm15 =	vgt.f32 v54, $0.0e+00;
	v41 =	vmin.f32 v41, $1.000000000e+00  }
0x323: {  	v58 =	vmin.f32 v40, $0.0e+00;
	v59 =	vmax.f32 v54, $0.0e+00;
	v41 =	vsel vm15, $0x0, v41  }
0x324: {  	v60 =	vadd.f32 v58, v54;
	v61 =	vadd.f32 v59, v40;
	v41 =	vsel vm14, $0x3F800000, v41  }
0x325: {  	v62 =	vsub.f32 v58, v54;
	v40 =	vsub.f32 v40, v59;
	vm0 =	vlt.f32 v57, v41  }
0x326: {  	v63 =	vsel vm0, v60, v61  }
0x327: {  	v40 =	vsel vm0, v62, v40;
	v42 =	vmul.f32 $5.000000000e-01, v63  }
0x328: {  	v40 =	vmul.f32 $5.000000000e-01, v40  }
0x329: {  	v45 =	vsel vm0, $0x0, v33;
	[tilespmem:v37+s3+$0x0] =	vst.idx.msk $0xffff, v42  }
0x32a: {  	v47 =	vsel vm0, $0x8, v35;
	v46 =	vor.u32 v25, v45;
	[tilespmem:v37+s5+$0x0] =	vst.idx.msk $0xffff, v40  }
0x32b: {  	v49 =	vsel vm0, $0x10, v34;
	v48 =	vor.u32 v25, v47;
	[tilespmem:$0x1A210] =	vst v46  }
0x32c: {  	v51 =	vsel vm0, $0x18, v36;
	v50 =	vor.u32 v25, v49;
	[tilespmem:$0x1A510] =	vst v48  }
0x32d: {  	v52 =	vor.u32 v25, v51;
	[tilespmem:$0x1A810] =	vst v50  }
0x32e: {  	[tilespmem:$0x1AB10] =	vst v52  }
0x32f: {  	v40 =	vld.idx.msk [tilespmem:v38+s3+$0x0], $0xffff  }
0x330: {  	v53 =	vld.idx.msk [tilespmem:v38+s5+$0x0], $0xffff;
	_ =	sdelay $0x4  }
0x331: {  	v54 =	vsub.f32 v40, v53;
	v40 =	vadd.f32 v53, v40;
	_ =	sdelay $0x1  }
0x332: {  	v41 =	vsub.f32 v40, v54;
	_ =	sdelay $0x1  }
0x333: {  	v41 =	vmax.f32 v41, $9.999999970e-07  }
0x334: {  	(erf) = vrcp.f32 v41;
	_ =	sdelay $0x7  }
0x335: {  	v55 =	vsub.f32 $0.0e+00, v54  }
0x336: {  	v56 =	vpop (erf)  }
0x337: {  	v41 =	vmul.f32 v56, v55  }
0x338: {  	v57 =	vld [tilespmem:$0x1A1A0]  }
0x339: {  	v41 =	vmax.f32 v41, $0.0e+00  }
0x33a: {  	vm4 =	vle.f32 v40, $0.0e+00;
	vm5 =	vgt.f32 v54, $0.0e+00;
	v41 =	vmin.f32 v41, $1.000000000e+00  }
0x33b: {  	v58 =	vmin.f32 v40, $0.0e+00;
	v59 =	vmax.f32 v54, $0.0e+00;
	v41 =	vsel vm5, $0x0, v41  }
0x33c: {  	v60 =	vadd.f32 v58, v54;
	v61 =	vadd.f32 v59, v40;
	v41 =	vsel vm4, $0x3F800000, v41  }
0x33d: {  	v62 =	vsub.f32 v58, v54;
	v40 =	vsub.f32 v40, v59;
	vm0 =	vlt.f32 v57, v41  }
0x33e: {  	v63 =	vsel vm0, v60, v61  }
0x33f: {  	v40 =	vsel vm0, v62, v40;
	v42 =	vmul.f32 $5.000000000e-01, v63  }
0x340: {  	v40 =	vmul.f32 $5.000000000e-01, v40  }
0x341: {  	v45 =	vsel vm0, $0x0, v33;
	[tilespmem:v38+s3+$0x0] =	vst.idx.msk $0xffff, v42  }
0x342: {  	v47 =	vsel vm0, $0x8, v35;
	v46 =	vor.u32 v26, v45;
	[tilespmem:v38+s5+$0x0] =	vst.idx.msk $0xffff, v40  }
0x343: {  	v49 =	vsel vm0, $0x10, v34;
	v48 =	vor.u32 v26, v47;
	[tilespmem:$0x1A220] =	vst v46  }
0x344: {  	v51 =	vsel vm0, $0x18, v36;
	v50 =	vor.u32 v26, v49;
	[tilespmem:$0x1A520] =	vst v48  }
0x345: {  	v52 =	vor.u32 v26, v51;
	[tilespmem:$0x1A820] =	vst v50  }
0x346: {  	[tilespmem:$0x1AB20] =	vst v52  }
0x347: {  	v40 =	vld.idx.msk [tilespmem:v39+s3+$0x0], $0xffff  }
0x348: {  	v53 =	vld.idx.msk [tilespmem:v39+s5+$0x0], $0xffff;
	_ =	sdelay $0x4  }
0x349: {  	v54 =	vsub.f32 v40, v53;
	v40 =	vadd.f32 v53, v40;
	_ =	sdelay $0x1  }
0x34a: {  	v41 =	vsub.f32 v40, v54;
	_ =	sdelay $0x1  }
0x34b: {  	v41 =	vmax.f32 v41, $9.999999970e-07  }
0x34c: {  	(erf) = vrcp.f32 v41;
	_ =	sdelay $0x7  }
0x34d: {  	v55 =	vsub.f32 $0.0e+00, v54  }
0x34e: {  	v56 =	vpop (erf)  }
0x34f: {  	v41 =	vmul.f32 v56, v55  }
0x350: {  	v57 =	vld [tilespmem:$0x1A1B0]  }
0x351: {  	v41 =	vmax.f32 v41, $0.0e+00  }
0x352: {  	vm6 =	vle.f32 v40, $0.0e+00;
	vm7 =	vgt.f32 v54, $0.0e+00;
	v41 =	vmin.f32 v41, $1.000000000e+00  }
0x353: {  	v58 =	vmin.f32 v40, $0.0e+00;
	v59 =	vmax.f32 v54, $0.0e+00;
	v41 =	vsel vm7, $0x0, v41  }
0x354: {  	v60 =	vadd.f32 v58, v54;
	v61 =	vadd.f32 v59, v40;
	v41 =	vsel vm6, $0x3F800000, v41  }
0x355: {  	v62 =	vsub.f32 v58, v54;
	v40 =	vsub.f32 v40, v59;
	vm0 =	vlt.f32 v57, v41  }
0x356: {  	v63 =	vsel vm0, v60, v61  }
0x357: {  	v40 =	vsel vm0, v62, v40;
	v42 =	vmul.f32 $5.000000000e-01, v63  }
0x358: {  	v40 =	vmul.f32 $5.000000000e-01, v40  }
0x359: {  	v45 =	vsel vm0, $0x0, v33;
	[tilespmem:v39+s3+$0x0] =	vst.idx.msk $0xffff, v42  }
0x35a: {  	v47 =	vsel vm0, $0x8, v35;
	v46 =	vor.u32 v27, v45;
	[tilespmem:v39+s5+$0x0] =	vst.idx.msk $0xffff, v40  }
0x35b: {  	v49 =	vsel vm0, $0x10, v34;
	v48 =	vor.u32 v27, v47;
	[tilespmem:$0x1A230] =	vst v46  }
0x35c: {  	v51 =	vsel vm0, $0x18, v36;
	v50 =	vor.u32 v27, v49;
	[tilespmem:$0x1A530] =	vst v48  }
0x35d: {  	v52 =	vor.u32 v27, v51;
	[tilespmem:$0x1A830] =	vst v50  }
0x35e: {  	s22 =	simm.s32 $0x1A200;
	[tilespmem:$0x1AB30] =	vst v52  }
0x35f: {  	[hbm4b:s2+s11] =	stream.indirect.scatter [tilespmem:s3], [sflag:$0x7], $0x80, s22, s11, $0xb8;
	[tilespmem:$0x1AE00] =	vst v63  }
0x360: {  	s22 =	simm.s32 $0x1A500  }
0x361: {  	[hbm4b:s2+s11] =	stream.indirect.scatter [tilespmem:s5], [sflag:$0x7], $0x80, s22, s11, $0xb8;
	[tilespmem:$0x1AE00] =	vst v63  }
0x362: {  	s22 =	simm.s32 $0x1A800  }
0x363: {  	[hbm4b:s2+s11] =	stream.indirect.scatter [tilespmem:s6], [sflag:$0x7], $0x80, s22, s11, $0xb8;
	[tilespmem:$0x1AE00] =	vst v63  }
0x364: {  	s22 =	simm.s32 $0x1AB00  }
0x365: {  	[hbm4b:s2+s11] =	stream.indirect.scatter [tilespmem:s6], [sflag:$0x7], $0x80, s22, s11, $0xb8;
	[tilespmem:$0x1AE00] =	vst v63  }
0x366: {  	_ =	swait.ge [sflag:s18], $0x2000  }
0x367: {  	[sflag:s18] =	ssyncset.done $0x0  }
0x368: {  	[sflag:s18] =	ssyncadd.s32 $0xFFFFE000  }
0x369: {  	_ =	swait.ge [sflag:s18], $0x2000  }
0x36a: {  	[sflag:s18] =	ssyncset.done $0x0  }
0x36b: {  	[sflag:s18] =	ssyncadd.s32 $0xFFFFE000  }
0x36c: {  	v53 =	vld.idx.msk [tilespmem:v32+s8+$0x0], $0xffff  }
0x36d: {  	v54 =	vld.idx.msk [tilespmem:v32+s9+$0x0], $0xffff;
	_ =	sdelay $0x4  }
0x36e: {  	v55 =	vsub.f32 v53, v54;
	v40 =	vadd.f32 v54, v53;
	_ =	sdelay $0x1  }
0x36f: {  	v41 =	vsub.f32 v40, v55;
	_ =	sdelay $0x1  }
0x370: {  	v41 =	vmax.f32 v41, $9.999999970e-07  }
0x371: {  	(erf) = vrcp.f32 v41;
	_ =	sdelay $0x7  }
0x372: {  	v56 =	vsub.f32 $0.0e+00, v55  }
0x373: {  	v57 =	vpop (erf)  }
0x374: {  	v41 =	vmul.f32 v57, v56  }
0x375: {  	v58 =	vld [tilespmem:$0x1A1C0]  }
0x376: {  	v41 =	vmax.f32 v41, $0.0e+00  }
0x377: {  	vm8 =	vle.f32 v40, $0.0e+00;
	vm9 =	vgt.f32 v55, $0.0e+00;
	v41 =	vmin.f32 v41, $1.000000000e+00  }
0x378: {  	v59 =	vmin.f32 v40, $0.0e+00;
	v60 =	vmax.f32 v55, $0.0e+00;
	v41 =	vsel vm9, $0x0, v41  }
0x379: {  	v61 =	vadd.f32 v59, v55;
	v62 =	vadd.f32 v60, v40;
	v41 =	vsel vm8, $0x3F800000, v41  }
0x37a: {  	v63 =	vsub.f32 v59, v55;
	v40 =	vsub.f32 v40, v60;
	vm0 =	vlt.f32 v58, v41  }
0x37b: {  	v47 =	vsel vm0, v61, v62  }
0x37c: {  	v40 =	vsel vm0, v63, v40;
	v42 =	vmul.f32 $5.000000000e-01, v47  }
0x37d: {  	v40 =	vmul.f32 $5.000000000e-01, v40  }
0x37e: {  	v48 =	vsel vm0, $0x0, v33;
	[tilespmem:v32+s8+$0x0] =	vst.idx.msk $0xffff, v42  }
0x37f: {  	v50 =	vsel vm0, $0x8, v35;
	v49 =	vor.u32 v28, v48;
	[tilespmem:v32+s9+$0x0] =	vst.idx.msk $0xffff, v40  }
0x380: {  	v52 =	vsel vm0, $0x10, v34;
	v51 =	vor.u32 v28, v50;
	[tilespmem:$0x1A280] =	vst v49  }
0x381: {  	v54 =	vsel vm0, $0x18, v36;
	v53 =	vor.u32 v28, v52;
	[tilespmem:$0x1A580] =	vst v51  }
0x382: {  	v55 =	vor.u32 v28, v54;
	[tilespmem:$0x1A880] =	vst v53  }
0x383: {  	[tilespmem:$0x1AB80] =	vst v55  }
0x384: {  	v40 =	vld.idx.msk [tilespmem:v37+s8+$0x0], $0xffff  }
0x385: {  	v56 =	vld.idx.msk [tilespmem:v37+s9+$0x0], $0xffff;
	_ =	sdelay $0x4  }
0x386: {  	v57 =	vsub.f32 v40, v56;
	v40 =	vadd.f32 v56, v40;
	_ =	sdelay $0x1  }
0x387: {  	v41 =	vsub.f32 v40, v57;
	_ =	sdelay $0x1  }
0x388: {  	v41 =	vmax.f32 v41, $9.999999970e-07  }
0x389: {  	(erf) = vrcp.f32 v41;
	_ =	sdelay $0x7  }
0x38a: {  	v58 =	vsub.f32 $0.0e+00, v57  }
0x38b: {  	v59 =	vpop (erf)  }
0x38c: {  	v41 =	vmul.f32 v59, v58  }
0x38d: {  	v60 =	vld [tilespmem:$0x1A1D0]  }
0x38e: {  	v41 =	vmax.f32 v41, $0.0e+00  }
0x38f: {  	vm10 =	vle.f32 v40, $0.0e+00;
	vm11 =	vgt.f32 v57, $0.0e+00;
	v41 =	vmin.f32 v41, $1.000000000e+00  }
0x390: {  	v61 =	vmin.f32 v40, $0.0e+00;
	v62 =	vmax.f32 v57, $0.0e+00;
	v41 =	vsel vm11, $0x0, v41  }
0x391: {  	v63 =	vadd.f32 v61, v57;
	v48 =	vadd.f32 v62, v40;
	v41 =	vsel vm10, $0x3F800000, v41  }
0x392: {  	v49 =	vsub.f32 v61, v57;
	v40 =	vsub.f32 v40, v62;
	vm0 =	vlt.f32 v60, v41  }
0x393: {  	v50 =	vsel vm0, v63, v48  }
0x394: {  	v40 =	vsel vm0, v49, v40;
	v42 =	vmul.f32 $5.000000000e-01, v50  }
0x395: {  	v40 =	vmul.f32 $5.000000000e-01, v40  }
0x396: {  	v51 =	vsel vm0, $0x0, v33;
	[tilespmem:v37+s8+$0x0] =	vst.idx.msk $0xffff, v42  }
0x397: {  	v53 =	vsel vm0, $0x8, v35;
	v52 =	vor.u32 v29, v51;
	[tilespmem:v37+s9+$0x0] =	vst.idx.msk $0xffff, v40  }
0x398: {  	v55 =	vsel vm0, $0x10, v34;
	v54 =	vor.u32 v29, v53;
	[tilespmem:$0x1A290] =	vst v52  }
0x399: {  	v57 =	vsel vm0, $0x18, v36;
	v56 =	vor.u32 v29, v55;
	[tilespmem:$0x1A590] =	vst v54  }
0x39a: {  	v58 =	vor.u32 v29, v57;
	[tilespmem:$0x1A890] =	vst v56  }
0x39b: {  	[tilespmem:$0x1AB90] =	vst v58  }
0x39c: {  	v40 =	vld.idx.msk [tilespmem:v38+s8+$0x0], $0xffff  }
0x39d: {  	v59 =	vld.idx.msk [tilespmem:v38+s9+$0x0], $0xffff;
	_ =	sdelay $0x4  }
0x39e: {  	v60 =	vsub.f32 v40, v59;
	v40 =	vadd.f32 v59, v40;
	_ =	sdelay $0x1  }
0x39f: {  	v41 =	vsub.f32 v40, v60;
	_ =	sdelay $0x1  }
0x3a0: {  	v41 =	vmax.f32 v41, $9.999999970e-07  }
0x3a1: {  	(erf) = vrcp.f32 v41;
	_ =	sdelay $0x7  }
0x3a2: {  	v61 =	vsub.f32 $0.0e+00, v60  }
0x3a3: {  	v62 =	vpop (erf)  }
0x3a4: {  	v41 =	vmul.f32 v62, v61  }
0x3a5: {  	v63 =	vld [tilespmem:$0x1A1E0]  }
0x3a6: {  	v41 =	vmax.f32 v41, $0.0e+00  }
0x3a7: {  	vm12 =	vle.f32 v40, $0.0e+00;
	vm13 =	vgt.f32 v60, $0.0e+00;
	v41 =	vmin.f32 v41, $1.000000000e+00  }
0x3a8: {  	v48 =	vmin.f32 v40, $0.0e+00;
	v49 =	vmax.f32 v60, $0.0e+00;
	v41 =	vsel vm13, $0x0, v41  }
0x3a9: {  	v50 =	vadd.f32 v48, v60;
	v51 =	vadd.f32 v49, v40;
	v41 =	vsel vm12, $0x3F800000, v41  }
0x3aa: {  	v52 =	vsub.f32 v48, v60;
	v40 =	vsub.f32 v40, v49;
	vm0 =	vlt.f32 v63, v41  }
0x3ab: {  	v53 =	vsel vm0, v50, v51  }
0x3ac: {  	v40 =	vsel vm0, v52, v40;
	v42 =	vmul.f32 $5.000000000e-01, v53  }
0x3ad: {  	v40 =	vmul.f32 $5.000000000e-01, v40  }
0x3ae: {  	v54 =	vsel vm0, $0x0, v33;
	[tilespmem:v38+s8+$0x0] =	vst.idx.msk $0xffff, v42  }
0x3af: {  	v56 =	vsel vm0, $0x8, v35;
	v55 =	vor.u32 v30, v54;
	[tilespmem:v38+s9+$0x0] =	vst.idx.msk $0xffff, v40  }
0x3b0: {  	v58 =	vsel vm0, $0x10, v34;
	v57 =	vor.u32 v30, v56;
	[tilespmem:$0x1A2A0] =	vst v55  }
0x3b1: {  	v60 =	vsel vm0, $0x18, v36;
	v59 =	vor.u32 v30, v58;
	[tilespmem:$0x1A5A0] =	vst v57  }
0x3b2: {  	v61 =	vor.u32 v30, v60;
	[tilespmem:$0x1A8A0] =	vst v59  }
0x3b3: {  	[tilespmem:$0x1ABA0] =	vst v61  }
0x3b4: {  	v40 =	vld.idx.msk [tilespmem:v39+s8+$0x0], $0xffff  }
0x3b5: {  	v62 =	vld.idx.msk [tilespmem:v39+s9+$0x0], $0xffff;
	_ =	sdelay $0x4  }
0x3b6: {  	v63 =	vsub.f32 v40, v62;
	v40 =	vadd.f32 v62, v40;
	_ =	sdelay $0x1  }
0x3b7: {  	v41 =	vsub.f32 v40, v63;
	_ =	sdelay $0x1  }
0x3b8: {  	v41 =	vmax.f32 v41, $9.999999970e-07  }
0x3b9: {  	(erf) = vrcp.f32 v41;
	_ =	sdelay $0x7  }
0x3ba: {  	v47 =	vsub.f32 $0.0e+00, v63  }
0x3bb: {  	v48 =	vpop (erf)  }
0x3bc: {  	v41 =	vmul.f32 v48, v47  }
0x3bd: {  	v49 =	vld [tilespmem:$0x1A1F0]  }
0x3be: {  	v41 =	vmax.f32 v41, $0.0e+00  }
0x3bf: {  	vm14 =	vle.f32 v40, $0.0e+00;
	vm15 =	vgt.f32 v63, $0.0e+00;
	v41 =	vmin.f32 v41, $1.000000000e+00  }
0x3c0: {  	v50 =	vmin.f32 v40, $0.0e+00;
	v51 =	vmax.f32 v63, $0.0e+00;
	v41 =	vsel vm15, $0x0, v41  }
0x3c1: {  	v52 =	vadd.f32 v50, v63;
	v53 =	vadd.f32 v51, v40;
	v41 =	vsel vm14, $0x3F800000, v41  }
0x3c2: {  	v54 =	vsub.f32 v50, v63;
	v40 =	vsub.f32 v40, v51;
	vm0 =	vlt.f32 v49, v41  }
0x3c3: {  	v55 =	vsel vm0, v52, v53  }
0x3c4: {  	v40 =	vsel vm0, v54, v40;
	v42 =	vmul.f32 $5.000000000e-01, v55  }
0x3c5: {  	v40 =	vmul.f32 $5.000000000e-01, v40  }
0x3c6: {  	v56 =	vsel vm0, $0x0, v33;
	[tilespmem:v39+s8+$0x0] =	vst.idx.msk $0xffff, v42  }
0x3c7: {  	v58 =	vsel vm0, $0x8, v35;
	v57 =	vor.u32 v31, v56;
	[tilespmem:v39+s9+$0x0] =	vst.idx.msk $0xffff, v40  }
0x3c8: {  	v60 =	vsel vm0, $0x10, v34;
	v59 =	vor.u32 v31, v58;
	[tilespmem:$0x1A2B0] =	vst v57  }
0x3c9: {  	v62 =	vsel vm0, $0x18, v36;
	v61 =	vor.u32 v31, v60;
	[tilespmem:$0x1A5B0] =	vst v59  }
0x3ca: {  	v63 =	vor.u32 v31, v62;
	[tilespmem:$0x1A8B0] =	vst v61  }
0x3cb: {  	s22 =	simm.s32 $0x1A280;
	[tilespmem:$0x1ABB0] =	vst v63  }
0x3cc: {  	[hbm4b:s2+s11] =	stream.indirect.scatter [tilespmem:s8], [sflag:$0x8], $0x80, s22, s11, $0xb8;
	[tilespmem:$0x1AE00] =	vst v63  }
0x3cd: {  	s22 =	simm.s32 $0x1A580  }
0x3ce: {  	[hbm4b:s2+s11] =	stream.indirect.scatter [tilespmem:s9], [sflag:$0x8], $0x80, s22, s11, $0xb8;
	[tilespmem:$0x1AE00] =	vst v63  }
0x3cf: {  	s22 =	simm.s32 $0x1A880  }
0x3d0: {  	[hbm4b:s2+s11] =	stream.indirect.scatter [tilespmem:s6], [sflag:$0x8], $0x80, s22, s11, $0xb8;
	[tilespmem:$0x1AE00] =	vst v63  }
0x3d1: {  	s22 =	simm.s32 $0x1AB80  }
0x3d2: {  	[hbm4b:s2+s11] =	stream.indirect.scatter [tilespmem:s6], [sflag:$0x8], $0x80, s22, s11, $0xb8;
	[tilespmem:$0x1AE00] =	vst v63  }
0x3d3: {  	_ =	swait.ge [sflag:s14], $0x2000  }
0x3d4: {  	[sflag:s14] =	ssyncset.done $0x0  }
0x3d5: {  	[sflag:s14] =	ssyncadd.s32 $0xFFFFE000  }
0x3d6: {  	_ =	swait.ge [sflag:s14], $0x2000  }
0x3d7: {  	[sflag:s14] =	ssyncset.done $0x0  }
0x3d8: {  	[sflag:s14] =	ssyncadd.s32 $0xFFFFE000  }
0x3d9: {  	_ =	swait.ge [sflag:s14], $0x2000  }
0x3da: {  	[sflag:s14] =	ssyncset.done $0x0  }
0x3db: {  	[sflag:s14] =	ssyncadd.s32 $0xFFFFE000  }
0x3dc: {  	_ =	swait.ge [sflag:s14], $0x2000  }
0x3dd: {  	[sflag:s14] =	ssyncset.done $0x0  }
0x3de: {  	[sflag:s14] =	ssyncadd.s32 $0xFFFFE000  }
0x3df: {  	_ =	swait.ge [sflag:s15], $0x2000  }
0x3e0: {  	[sflag:s15] =	ssyncset.done $0x0  }
0x3e1: {  	[sflag:s15] =	ssyncadd.s32 $0xFFFFE000  }
0x3e2: {  	_ =	swait.ge [sflag:s15], $0x2000  }
0x3e3: {  	[sflag:s15] =	ssyncset.done $0x0  }
0x3e4: {  	[sflag:s15] =	ssyncadd.s32 $0xFFFFE000  }
0x3e5: {  	_ =	swait.ge [sflag:s15], $0x2000  }
0x3e6: {  	[sflag:s15] =	ssyncset.done $0x0  }
0x3e7: {  	[sflag:s15] =	ssyncadd.s32 $0xFFFFE000  }
0x3e8: {  	_ =	swait.ge [sflag:s15], $0x2000  }
0x3e9: {  	[sflag:s15] =	ssyncset.done $0x0  }
0x3ea: {  	[sflag:s15] =	ssyncadd.s32 $0xFFFFE000  }
0x3eb: {  	_ =	swait.ge [sflag:s19], $0x2000  }
0x3ec: {  	[sflag:s19] =	ssyncset.done $0x0  }
0x3ed: {  	[sflag:s19] =	ssyncadd.s32 $0xFFFFE000  }
0x3ee: {  	_ =	swait.ge [sflag:s19], $0x2000  }
0x3ef: {  	[sflag:s19] =	ssyncset.done $0x0  }
0x3f0: {  	[sflag:s19] =	ssyncadd.s32 $0xFFFFE000  }
0x3f1: {  	_ =	swait.ge [sflag:s19], $0x2000  }
0x3f2: {  	[sflag:s19] =	ssyncset.done $0x0  }
0x3f3: {  	[sflag:s19] =	ssyncadd.s32 $0xFFFFE000  }
0x3f4: {  	_ =	swait.ge [sflag:s19], $0x2000  }
0x3f5: {  	[sflag:s19] =	ssyncset.done $0x0  }
0x3f6: {  	[sflag:s19] =	ssyncadd.s32 $0xFFFFE000  }
0x3f7: {  	_ =	swait.ge [sflag:s20], $0x2000  }
0x3f8: {  	[sflag:s20] =	ssyncset.done $0x0  }
0x3f9: {  	[sflag:s20] =	ssyncadd.s32 $0xFFFFE000  }
0x3fa: {  	_ =	swait.ge [sflag:s20], $0x2000  }
0x3fb: {  	[sflag:s20] =	ssyncset.done $0x0  }
0x3fc: {  	[sflag:s20] =	ssyncadd.s32 $0xFFFFE000  }
0x3fd: {  	_ =	swait.ge [sflag:s20], $0x2000  }
0x3fe: {  	[sflag:s20] =	ssyncset.done $0x0  }
0x3ff: {  	[sflag:s20] =	ssyncadd.s32 $0xFFFFE000  }
0x400: {  	_ =	swait.ge [sflag:s20], $0x2000  }
0x401: {  	[sflag:s20] =	ssyncset.done $0x0  }
0x402: {  	[sflag:s20] =	ssyncadd.s32 $0xFFFFE000  }
0x403: {  	_ =	swait.ge [sflag:s1], $0x2000  }
0x404: {  	[sflag:s1] =	ssyncset.done $0x0  }
0x405: {  	[sflag:s1] =	ssyncadd.s32 $0xFFFFE000  }
0x406: {  	_ =	swait.ge [sflag:s1], $0x2000  }
0x407: {  	[sflag:s1] =	ssyncset.done $0x0  }
0x408: {  	[sflag:s1] =	ssyncadd.s32 $0xFFFFE000  }
0x409: {  	_ =	swait.ge [sflag:s1], $0x2000  }
0x40a: {  	[sflag:s1] =	ssyncset.done $0x0  }
0x40b: {  	[sflag:s1] =	ssyncadd.s32 $0xFFFFE000  }
0x40c: {  	_ =	swait.ge [sflag:s1], $0x2000  }
0x40d: {  	[sflag:s1] =	ssyncset.done $0x0  }
0x40e: {  	[sflag:s1] =	ssyncadd.s32 $0xFFFFE000  }
0x40f: {  	_ =	swait.ge [sflag:s13], $0x2000  }
0x410: {  	[sflag:s13] =	ssyncset.done $0x0  }
0x411: {  	[sflag:s13] =	ssyncadd.s32 $0xFFFFE000  }
0x412: {  	_ =	swait.ge [sflag:s13], $0x2000  }
0x413: {  	[sflag:s13] =	ssyncset.done $0x0  }
0x414: {  	[sflag:s13] =	ssyncadd.s32 $0xFFFFE000  }
0x415: {  	p0 =	sne.s32 s4, $0x1;
	_ =	swait.ge [sflag:s13], $0x2000  }
.Ltmp0:
0x416: {  	[sflag:s13] =	ssyncset.done $0x0;
	(pc) =	sbr.rel @p0 .LBB2_1-.Ltmp0, $4  }
0x417: {  	[sflag:s13] =	ssyncadd.s32 $0xFFFFE000  }
0x418: {  	_ =	swait.ge [sflag:s13], $0x2000  }
0x419: {  	[sflag:s13] =	ssyncset.done $0x0  }
0x41a: {  	s4 =	sadd.s32 $0xFFFFFFFF, s4;
	[sflag:s13] =	ssyncadd.s32 $0xFFFFE000  }
0x41b: {  	_ =	sfence.sel $0x180000  }
0x41c: {  	[bflag:$0x0] =	sbarrier.arrive $0xFFFF  }
0x41d: {  	_ =	strace $0x90000047  }
0x41e: {  	s0 =	stileid.u32;
	[bflag:$0x2] =	sbarrier.arrive $0xFFFF  }
0x41f: {  	p0 =	sne.s32 s0, $0x0;
	s0 =	rddreg [dreg:$0x4]  }
0x420: {  	s0 =	sadd.s32 @!p0 $0x100000, s0  }
0x421: {  	[sflag:s0] =	ssyncadd.tile.s32 @!p0 $0x1;
	_ =	shalt  }
.Lfunc_end2:
_tile_overlayer_lowered:
.L_overlay_start_2:
0x422: {  	(tag) =	ssettag $0x2  }
0x423: {  	s0 =	rddreg [dreg:$0x0];
	s2 =	stileid.u32  }
0x424: {  	s1 =	rddreg [dreg:$0x1];
	p0 =	sne.s32 s2, $0x0  }
0x425: {  	s3 =	rddreg [dreg:$0x2];
	[bflag:$0x3] =	sbarrier.arrive $0xFFFF;
	s2 =	simm.s32 @!p0 $0x1C0D  }
0x426: {  	[timem:s3], [sflag:s2] =	dma.local @!p0 [hbm:s0], s1  }
0x427: {  	s0 =	simm.s32 @!p0 $0xD  }
0x428: {  	_ =	swait.ge @!p0 [sflag:s0], s1  }
0x429: {  	s1 =	ssub.s32 @!p0 $0x0, s1;
	[sflag:s0] =	ssyncset.done @!p0 $0x0  }
0x42a: {  	[sflag:s0] =	ssyncadd.s32 @!p0 s1  }
0x42b: {  	[bflag:$0x3] =	sbarrier.arrive $0xFFFF  }
0x42c: {  	_ =	shalt  }

</sc_bundles>
